<compile_context>
chip_gen: v7x
topology: tpu7x:2x2x1
jax: 0.10.2.dev20260603
libtpu: 0.0.44.dev20260713+nightly
codegen_flags: <defaults>
</compile_context>

<pallas_src>
import functools

import jax
import jax.numpy as jnp
from jax import lax
from jax.experimental import pallas as pl
from jax.experimental.pallas import tpu as pltpu
from jax.experimental.pallas import tpu_sc as plsc

_BATCH = 16384
_SEQ = 50
_DIM = 64
_NC = 2
_NS = 16
_NW = _NC * _NS
_CHUNK = 128
_NBLK = _SEQ * (_BATCH // _CHUNK)
_PER_W = _NBLK // _NW
_NB = 4

_mesh = plsc.VectorSubcoreMesh(core_axis_name="c", subcore_axis_name="s")


@functools.partial(
    pl.kernel,
    out_type=jax.ShapeDtypeStruct((_SEQ, 8, _BATCH // _CHUNK, 8, _CHUNK),
                                  jnp.float32),
    mesh=_mesh,
    compiler_params=pltpu.CompilerParams(use_tc_tiling_on_sc=False,
                                         needs_layout_passes=False,
                                         disable_bounds_checks=True),
    scratch_types=[
        pltpu.VMEM((_PER_W, _CHUNK), jnp.int32),
        pltpu.VMEM((_NB, _CHUNK, _DIM), jnp.float32),
        pltpu.VMEM((_NB, 8, 8, _CHUNK), jnp.float32),
        [pltpu.SemaphoreType.DMA] * _NB,
        [pltpu.SemaphoreType.DMA] * _NB,
    ],
)
def _embedding_gather(idx_hbm, table_hbm, out_hbm, idx_v, rows_v, t_v,
                      sg, ss):
    wid = lax.axis_index("s") * _NC + lax.axis_index("c")
    base_blk = wid * _PER_W

    pltpu.sync_copy(idx_hbm.at[pl.ds(base_blk, _PER_W)], idx_v)

    for b in range(_NB):
        pltpu.async_copy(table_hbm.at[idx_v.at[b]], rows_v.at[b], sg[b])

    lane = lax.iota(jnp.int32, 16)
    row_vecs = [lane + (g16 * 16) for g16 in range(8)]

    def body(grp, carry):
        for b in range(_NB):
            j = grp * _NB + b
            g = base_blk + j
            s = g >> 7
            b1 = g & 127

            pltpu.make_async_copy(
                table_hbm.at[idx_v.at[b]], rows_v.at[b], sg[b]).wait()

            @pl.when(j >= _NB)
            def _():
                pltpu.make_async_copy(
                    t_v.at[b], out_hbm.at[0, :, 0], ss[b]).wait()

            rows_b = rows_v.at[b]
            t_b = t_v.at[b]

            @plsc.parallel_loop(0, _DIM, step=1, unroll=16)
            def _tr(ee, rows_b=rows_b, t_b=t_b):
                col = jnp.broadcast_to(ee.astype(jnp.int32), (16,))
                for g16 in range(8):
                    vec = plsc.load_gather(rows_b, [row_vecs[g16], col])
                    t_b[ee >> 3, ee & 7, pl.ds(g16 * 16, 16)] = vec

            pltpu.async_copy(t_v.at[b], out_hbm.at[s, :, b1], ss[b])

            @pl.when(j + _NB < _PER_W)
            def _():
                pltpu.async_copy(
                    table_hbm.at[idx_v.at[j + _NB]], rows_v.at[b], sg[b])

        return carry

    lax.fori_loop(0, _PER_W // _NB, body, 0, unroll=False)

    for b in range(_NB):
        pltpu.make_async_copy(t_v.at[b], out_hbm.at[0, :, 0], ss[b]).wait()


def kernel(input_, weight):
    idx = jnp.transpose(input_).reshape(_NBLK, _CHUNK).astype(jnp.int32)
    out6 = _embedding_gather(idx, weight)
    return jnp.transpose(out6, (2, 4, 0, 1, 3)).reshape(_BATCH, _SEQ, _DIM)

# --- scband reference (transcript-rebuilt; emitter-appended) ---
"""Pipeline reference for scband-tensor-parallel-embedding-77120432767733 (READ-ONLY COPY).

The authoritative reference and input builder live on the scoring server;
editing this copy changes nothing except your own understanding.
"""

import jax, jax.numpy as jnp
import numpy as np

NUM_EMBEDDINGS = 1000000
EMBEDDING_DIM = 64
BATCH = 16384
SEQ = 50


def setup_inputs(seed: int = 0) -> dict:
    key = jax.random.key(seed)
    k_idx, k_w = jax.random.split(key)
    input_ = jax.random.randint(k_idx, (BATCH, SEQ), 0, NUM_EMBEDDINGS, dtype=jnp.int64 if jax.config.jax_enable_x64 else jnp.int32)
    weight = jax.random.normal(k_w, (NUM_EMBEDDINGS, EMBEDDING_DIM), dtype=jnp.float32) * 0.02
    return {"input_": input_, "weight": weight}


def reference(input_, weight):
    # TensorParallelEmbedding.forward with world_size=1, process_group=None:
    # output_parallel = F.embedding(input_, weight)  (padding_idx=None)
    # gather_from_tensor_parallel_region is identity when process_group is None.
    output = jnp.take(weight, input_, axis=0)
    return output

if __name__ == "__main__":
    import jax
    _d = setup_inputs()
    print(jax.jit(kernel)(*tuple(_d.values())))

</pallas_src>

<mosaic_0001>
#map = affine_map<(d0, d1) -> (0, 0)>
#map1 = affine_map<(d0, d1) -> (0, 0, 0, 0, 0)>
module attributes {stable_mosaic.version = 14 : i64} {
  func.func @_embedding_gather(%arg0: i32, %arg1: i32, %arg2: memref<6400x128xi32, #tpu.memory_space<hbm>>, %arg3: memref<1000000x64xf32, #tpu.memory_space<hbm>>, %arg4: memref<50x8x128x8x128xf32, #tpu.memory_space<hbm>>, %arg5: memref<200x128xi32, #tpu.memory_space<vmem>>, %arg6: memref<4x128x64xf32, #tpu.memory_space<vmem>>, %arg7: memref<4x8x8x128xf32, #tpu.memory_space<vmem>>, %arg8: memref<!tpu.dma_semaphore, #tpu.memory_space<semaphore_mem>>, %arg9: memref<!tpu.dma_semaphore, #tpu.memory_space<semaphore_mem>>, %arg10: memref<!tpu.dma_semaphore, #tpu.memory_space<semaphore_mem>>, %arg11: memref<!tpu.dma_semaphore, #tpu.memory_space<semaphore_mem>>, %arg12: memref<!tpu.dma_semaphore, #tpu.memory_space<semaphore_mem>>, %arg13: memref<!tpu.dma_semaphore, #tpu.memory_space<semaphore_mem>>, %arg14: memref<!tpu.dma_semaphore, #tpu.memory_space<semaphore_mem>>, %arg15: memref<!tpu.dma_semaphore, #tpu.memory_space<semaphore_mem>>) attributes {dimension_semantics = [#tpu.dimension_semantics<core_parallel>, #tpu.dimension_semantics<subcore_parallel>], iteration_bounds = array<i64: 2, 16>, scalar_prefetch = 0 : i64, scratch_operands = 11 : i64, tpu.core_type = #tpu.core_type<sc_vector_subcore>, window_params = [{transform_indices = #map}, {transform_indices = #map}, {transform_indices = #map1}]} {
    %mul3A = arith.constant 2 : i32
    %mul3A_0 = arith.muli %arg1, %mul3A : i32
    %add3A = arith.addi %mul3A_0, %arg0 : i32
    %mul3A_1 = arith.constant 200 : i32
    %mul3A_2 = arith.muli %add3A, %mul3A_1 : i32
    "tpu.region"() ({
      %run_scoped3A = tpu.sem_alloc : memref<!tpu.dma_semaphore, #tpu.memory_space<semaphore_mem>>
      %dma_start3A_170 = arith.constant 0 : i32
      %dma_start3A_171 = tpu.memref_slice %arg2[%mul3A_2, %dma_start3A_170] : memref<6400x128xi32, #tpu.memory_space<hbm>> -> memref<200x128xi32, #tpu.memory_space<hbm>>
      %dma_start3A_172 = arith.constant 0 : i32
      %dma_start3A_173 = tpu.memref_slice %arg2[%mul3A_2, %dma_start3A_172] : memref<6400x128xi32, #tpu.memory_space<hbm>> -> memref<200x128xi32, #tpu.memory_space<hbm>>
      tpu.enqueue_dma source(%dma_start3A_173 : memref<200x128xi32, #tpu.memory_space<hbm>>) target(%arg5 : memref<200x128xi32, #tpu.memory_space<vmem>>) target_semaphore(%run_scoped3A : memref<!tpu.dma_semaphore, #tpu.memory_space<semaphore_mem>>)
      %dma_wait3A_174 = arith.constant 0 : i32
      %dma_wait3A_175 = tpu.memref_slice %arg2[%mul3A_2, %dma_wait3A_174] : memref<6400x128xi32, #tpu.memory_space<hbm>> -> memref<200x128xi32, #tpu.memory_space<hbm>>
      %dma_wait3A_176 = arith.constant 0 : i32
      %dma_wait3A_177 = tpu.memref_slice %arg2[%mul3A_2, %dma_wait3A_176] : memref<6400x128xi32, #tpu.memory_space<hbm>> -> memref<200x128xi32, #tpu.memory_space<hbm>>
      tpu.wait_dma2 semaphore(%run_scoped3A : memref<!tpu.dma_semaphore, #tpu.memory_space<semaphore_mem>>) src(%dma_wait3A_177 : memref<200x128xi32, #tpu.memory_space<hbm>>) dst(%arg5 : memref<200x128xi32, #tpu.memory_space<vmem>>)
      tpu.yield
    }) : () -> ()
    %dma_start3A = arith.constant 0 : i32
    %dma_start3A_3 = arith.constant 0 : i32
    %dma_start3A_4 = arith.constant 0 : i32
    %dma_start3A_5 = arith.constant 0 : i32
    %dma_start3A_6 = tpu.memref_slice %arg6[%dma_start3A_3, %dma_start3A_4, %dma_start3A_5] : memref<4x128x64xf32, #tpu.memory_space<vmem>> -> memref<1x128x64xf32, #tpu.memory_space<vmem>>
    %dma_start3A_7 = tpu.memref_squeeze %dma_start3A_6 : memref<1x128x64xf32, #tpu.memory_space<vmem>> -> memref<128x64xf32, #tpu.memory_space<vmem>>
    %dma_start3A_8 = arith.constant 0 : i32
    %dma_start3A_9 = tpu.memref_slice %arg5[%dma_start3A, %dma_start3A_8] : memref<200x128xi32, #tpu.memory_space<vmem>> -> memref<1x128xi32, #tpu.memory_space<vmem>>
    %dma_start3A_10 = tpu.memref_squeeze %dma_start3A_9 : memref<1x128xi32, #tpu.memory_space<vmem>> -> memref<128xi32, #tpu.memory_space<vmem>>
    %dma_start3A_11 = arith.constant 0 : i32
    %dma_start3A_12 = arith.constant 0 : i32
    %dma_start3A_13 = tpu.memref_slice %arg3[%dma_start3A_11, %dma_start3A_12] : memref<1000000x64xf32, #tpu.memory_space<hbm>> -> memref<1000000x64xf32, #tpu.memory_space<hbm>>
    tpu.enqueue_indirect_dma source(%dma_start3A_13 : memref<1000000x64xf32, #tpu.memory_space<hbm>>) target(%dma_start3A_7 : memref<128x64xf32, #tpu.memory_space<vmem>>) offsets(%dma_start3A_10 : memref<128xi32, #tpu.memory_space<vmem>>) semaphore(%arg8 : memref<!tpu.dma_semaphore, #tpu.memory_space<semaphore_mem>>)
    %dma_start3A_14 = arith.constant 1 : i32
    %dma_start3A_15 = arith.constant 1 : i32
    %dma_start3A_16 = arith.constant 0 : i32
    %dma_start3A_17 = arith.constant 0 : i32
    %dma_start3A_18 = tpu.memref_slice %arg6[%dma_start3A_15, %dma_start3A_16, %dma_start3A_17] : memref<4x128x64xf32, #tpu.memory_space<vmem>> -> memref<1x128x64xf32, #tpu.memory_space<vmem>>
    %dma_start3A_19 = tpu.memref_squeeze %dma_start3A_18 : memref<1x128x64xf32, #tpu.memory_space<vmem>> -> memref<128x64xf32, #tpu.memory_space<vmem>>
    %dma_start3A_20 = arith.constant 0 : i32
    %dma_start3A_21 = tpu.memref_slice %arg5[%dma_start3A_14, %dma_start3A_20] : memref<200x128xi32, #tpu.memory_space<vmem>> -> memref<1x128xi32, #tpu.memory_space<vmem>>
    %dma_start3A_22 = tpu.memref_squeeze %dma_start3A_21 : memref<1x128xi32, #tpu.memory_space<vmem>> -> memref<128xi32, #tpu.memory_space<vmem>>
    %dma_start3A_23 = arith.constant 0 : i32
    %dma_start3A_24 = arith.constant 0 : i32
    %dma_start3A_25 = tpu.memref_slice %arg3[%dma_start3A_23, %dma_start3A_24] : memref<1000000x64xf32, #tpu.memory_space<hbm>> -> memref<1000000x64xf32, #tpu.memory_space<hbm>>
    tpu.enqueue_indirect_dma source(%dma_start3A_25 : memref<1000000x64xf32, #tpu.memory_space<hbm>>) target(%dma_start3A_19 : memref<128x64xf32, #tpu.memory_space<vmem>>) offsets(%dma_start3A_22 : memref<128xi32, #tpu.memory_space<vmem>>) semaphore(%arg9 : memref<!tpu.dma_semaphore, #tpu.memory_space<semaphore_mem>>)
    %dma_start3A_26 = arith.constant 2 : i32
    %dma_start3A_27 = arith.constant 2 : i32
    %dma_start3A_28 = arith.constant 0 : i32
    %dma_start3A_29 = arith.constant 0 : i32
    %dma_start3A_30 = tpu.memref_slice %arg6[%dma_start3A_27, %dma_start3A_28, %dma_start3A_29] : memref<4x128x64xf32, #tpu.memory_space<vmem>> -> memref<1x128x64xf32, #tpu.memory_space<vmem>>
    %dma_start3A_31 = tpu.memref_squeeze %dma_start3A_30 : memref<1x128x64xf32, #tpu.memory_space<vmem>> -> memref<128x64xf32, #tpu.memory_space<vmem>>
    %dma_start3A_32 = arith.constant 0 : i32
    %dma_start3A_33 = tpu.memref_slice %arg5[%dma_start3A_26, %dma_start3A_32] : memref<200x128xi32, #tpu.memory_space<vmem>> -> memref<1x128xi32, #tpu.memory_space<vmem>>
    %dma_start3A_34 = tpu.memref_squeeze %dma_start3A_33 : memref<1x128xi32, #tpu.memory_space<vmem>> -> memref<128xi32, #tpu.memory_space<vmem>>
    %dma_start3A_35 = arith.constant 0 : i32
    %dma_start3A_36 = arith.constant 0 : i32
    %dma_start3A_37 = tpu.memref_slice %arg3[%dma_start3A_35, %dma_start3A_36] : memref<1000000x64xf32, #tpu.memory_space<hbm>> -> memref<1000000x64xf32, #tpu.memory_space<hbm>>
    tpu.enqueue_indirect_dma source(%dma_start3A_37 : memref<1000000x64xf32, #tpu.memory_space<hbm>>) target(%dma_start3A_31 : memref<128x64xf32, #tpu.memory_space<vmem>>) offsets(%dma_start3A_34 : memref<128xi32, #tpu.memory_space<vmem>>) semaphore(%arg10 : memref<!tpu.dma_semaphore, #tpu.memory_space<semaphore_mem>>)
    %dma_start3A_38 = arith.constant 3 : i32
    %dma_start3A_39 = arith.constant 3 : i32
    %dma_start3A_40 = arith.constant 0 : i32
    %dma_start3A_41 = arith.constant 0 : i32
    %dma_start3A_42 = tpu.memref_slice %arg6[%dma_start3A_39, %dma_start3A_40, %dma_start3A_41] : memref<4x128x64xf32, #tpu.memory_space<vmem>> -> memref<1x128x64xf32, #tpu.memory_space<vmem>>
    %dma_start3A_43 = tpu.memref_squeeze %dma_start3A_42 : memref<1x128x64xf32, #tpu.memory_space<vmem>> -> memref<128x64xf32, #tpu.memory_space<vmem>>
    %dma_start3A_44 = arith.constant 0 : i32
    %dma_start3A_45 = tpu.memref_slice %arg5[%dma_start3A_38, %dma_start3A_44] : memref<200x128xi32, #tpu.memory_space<vmem>> -> memref<1x128xi32, #tpu.memory_space<vmem>>
    %dma_start3A_46 = tpu.memref_squeeze %dma_start3A_45 : memref<1x128xi32, #tpu.memory_space<vmem>> -> memref<128xi32, #tpu.memory_space<vmem>>
    %dma_start3A_47 = arith.constant 0 : i32
    %dma_start3A_48 = arith.constant 0 : i32
    %dma_start3A_49 = tpu.memref_slice %arg3[%dma_start3A_47, %dma_start3A_48] : memref<1000000x64xf32, #tpu.memory_space<hbm>> -> memref<1000000x64xf32, #tpu.memory_space<hbm>>
    tpu.enqueue_indirect_dma source(%dma_start3A_49 : memref<1000000x64xf32, #tpu.memory_space<hbm>>) target(%dma_start3A_43 : memref<128x64xf32, #tpu.memory_space<vmem>>) offsets(%dma_start3A_46 : memref<128xi32, #tpu.memory_space<vmem>>) semaphore(%arg11 : memref<!tpu.dma_semaphore, #tpu.memory_space<semaphore_mem>>)
    %iota3A = tpu.iota {dimensions = array<i32: 0>} : vector<16xi32>
    %add3A_50 = arith.constant 0 : i32
    %add3A_51 = vector.broadcast %add3A_50 : i32 to vector<16xi32>
    %add3A_52 = arith.addi %iota3A, %add3A_51 : vector<16xi32>
    %add3A_53 = arith.constant 16 : i32
    %add3A_54 = vector.broadcast %add3A_53 : i32 to vector<16xi32>
    %add3A_55 = arith.addi %iota3A, %add3A_54 : vector<16xi32>
    %add3A_56 = arith.constant 32 : i32
    %add3A_57 = vector.broadcast %add3A_56 : i32 to vector<16xi32>
    %add3A_58 = arith.addi %iota3A, %add3A_57 : vector<16xi32>
    %add3A_59 = arith.constant 48 : i32
    %add3A_60 = vector.broadcast %add3A_59 : i32 to vector<16xi32>
    %add3A_61 = arith.addi %iota3A, %add3A_60 : vector<16xi32>
    %add3A_62 = arith.constant 64 : i32
    %add3A_63 = vector.broadcast %add3A_62 : i32 to vector<16xi32>
    %add3A_64 = arith.addi %iota3A, %add3A_63 : vector<16xi32>
    %add3A_65 = arith.constant 80 : i32
    %add3A_66 = vector.broadcast %add3A_65 : i32 to vector<16xi32>
    %add3A_67 = arith.addi %iota3A, %add3A_66 : vector<16xi32>
    %add3A_68 = arith.constant 96 : i32
    %add3A_69 = vector.broadcast %add3A_68 : i32 to vector<16xi32>
    %add3A_70 = arith.addi %iota3A, %add3A_69 : vector<16xi32>
    %add3A_71 = arith.constant 112 : i32
    %add3A_72 = vector.broadcast %add3A_71 : i32 to vector<16xi32>
    %add3A_73 = arith.addi %iota3A, %add3A_72 : vector<16xi32>
    %scan3A = arith.constant 0 : i32
    %scan3A_74 = arith.constant 0 : i32
    %scan3A_75 = arith.constant 50 : i32
    %scan3A_76 = arith.addi %scan3A_74, %scan3A_75 : i32
    %scan3A_77 = arith.constant 1 : i32
    scf.for %scan3A_170 = %scan3A_74 to %scan3A_76 step %scan3A_77  : i32 {
      %mul3A_171 = arith.constant 4 : i32
      %mul3A_172 = arith.muli %scan3A_170, %mul3A_171 : i32
      %add3A_173 = arith.constant 0 : i32
      %add3A_174 = arith.addi %mul3A_172, %add3A_173 : i32
      %add3A_175 = arith.addi %mul3A_2, %add3A_174 : i32
      %shift_right_arithmetic3A = arith.constant 7 : i32
      %shift_right_arithmetic3A_176 = arith.shrsi %add3A_175, %shift_right_arithmetic3A : i32
      %and3A = arith.constant 127 : i32
      %and3A_177 = arith.andi %add3A_175, %and3A : i32
      %dma_wait3A_178 = arith.constant 0 : i32
      %dma_wait3A_179 = arith.constant 0 : i32
      %dma_wait3A_180 = arith.constant 0 : i32
      %dma_wait3A_181 = arith.constant 0 : i32
      %dma_wait3A_182 = tpu.memref_slice %arg6[%dma_wait3A_179, %dma_wait3A_180, %dma_wait3A_181] : memref<4x128x64xf32, #tpu.memory_space<vmem>> -> memref<1x128x64xf32, #tpu.memory_space<vmem>>
      %dma_wait3A_183 = tpu.memref_squeeze %dma_wait3A_182 : memref<1x128x64xf32, #tpu.memory_space<vmem>> -> memref<128x64xf32, #tpu.memory_space<vmem>>
      %dma_wait3A_184 = arith.constant 0 : i32
      %dma_wait3A_185 = tpu.memref_slice %arg5[%dma_wait3A_178, %dma_wait3A_184] : memref<200x128xi32, #tpu.memory_space<vmem>> -> memref<1x128xi32, #tpu.memory_space<vmem>>
      %dma_wait3A_186 = tpu.memref_squeeze %dma_wait3A_185 : memref<1x128xi32, #tpu.memory_space<vmem>> -> memref<128xi32, #tpu.memory_space<vmem>>
      %dma_wait3A_187 = arith.constant 0 : i32
      %dma_wait3A_188 = arith.constant 0 : i32
      %dma_wait3A_189 = tpu.memref_slice %arg3[%dma_wait3A_187, %dma_wait3A_188] : memref<1000000x64xf32, #tpu.memory_space<hbm>> -> memref<1000000x64xf32, #tpu.memory_space<hbm>>
      tpu.wait_indirect_dma semaphore(%arg8 : memref<!tpu.dma_semaphore, #tpu.memory_space<semaphore_mem>>) src(%dma_wait3A_189 : memref<1000000x64xf32, #tpu.memory_space<hbm>>) dst(%dma_wait3A_183 : memref<128x64xf32, #tpu.memory_space<vmem>>)
      %ge3A = arith.constant 4 : i32
      %ge3A_190 = arith.cmpi sge, %add3A_174, %ge3A : i32
      %convert_element_type3A = arith.extui %ge3A_190 : i1 to i32
      %cond3A = arith.constant 0 : i32
      %cond3A_191 = arith.cmpi ne, %convert_element_type3A, %cond3A : i32
      scf.if %cond3A_191 {
        %dma_wait3A_400 = arith.constant 0 : i32
        %dma_wait3A_401 = arith.constant 0 : i32
        %dma_wait3A_402 = arith.constant 0 : i32
        %dma_wait3A_403 = arith.constant 0 : i32
        %dma_wait3A_404 = arith.constant 0 : i32
        %dma_wait3A_405 = arith.constant 0 : i32
        %dma_wait3A_406 = tpu.memref_slice %arg7[%dma_wait3A_400, %dma_wait3A_403, %dma_wait3A_404, %dma_wait3A_405] : memref<4x8x8x128xf32, #tpu.memory_space<vmem>> -> memref<1x8x8x128xf32, #tpu.memory_space<vmem>>
        %dma_wait3A_407 = tpu.memref_squeeze %dma_wait3A_406 : memref<1x8x8x128xf32, #tpu.memory_space<vmem>> -> memref<8x8x128xf32, #tpu.memory_space<vmem>>
        %dma_wait3A_408 = arith.constant 0 : i32
        %dma_wait3A_409 = arith.constant 0 : i32
        %dma_wait3A_410 = arith.constant 0 : i32
        %dma_wait3A_411 = tpu.memref_slice %arg4[%dma_wait3A_401, %dma_wait3A_408, %dma_wait3A_402, %dma_wait3A_409, %dma_wait3A_410] : memref<50x8x128x8x128xf32, #tpu.memory_space<hbm>> -> memref<1x8x1x8x128xf32, #tpu.memory_space<hbm>>
        %dma_wait3A_412 = tpu.memref_squeeze %dma_wait3A_411 : memref<1x8x1x8x128xf32, #tpu.memory_space<hbm>> -> memref<8x8x128xf32, #tpu.memory_space<hbm>>
        %dma_wait3A_413 = arith.constant 0 : i32
        %dma_wait3A_414 = arith.constant 0 : i32
        %dma_wait3A_415 = arith.constant 0 : i32
        %dma_wait3A_416 = tpu.memref_slice %arg4[%dma_wait3A_401, %dma_wait3A_413, %dma_wait3A_402, %dma_wait3A_414, %dma_wait3A_415] : memref<50x8x128x8x128xf32, #tpu.memory_space<hbm>> -> memref<1x8x1x8x128xf32, #tpu.memory_space<hbm>>
        %dma_wait3A_417 = tpu.memref_squeeze %dma_wait3A_416 : memref<1x8x1x8x128xf32, #tpu.memory_space<hbm>> -> memref<8x8x128xf32, #tpu.memory_space<hbm>>
        %dma_wait3A_418 = arith.constant 0 : i32
        %dma_wait3A_419 = arith.constant 0 : i32
        %dma_wait3A_420 = arith.constant 0 : i32
        %dma_wait3A_421 = tpu.memref_slice %arg7[%dma_wait3A_400, %dma_wait3A_418, %dma_wait3A_419, %dma_wait3A_420] : memref<4x8x8x128xf32, #tpu.memory_space<vmem>> -> memref<1x8x8x128xf32, #tpu.memory_space<vmem>>
        %dma_wait3A_422 = tpu.memref_squeeze %dma_wait3A_421 : memref<1x8x8x128xf32, #tpu.memory_space<vmem>> -> memref<8x8x128xf32, #tpu.memory_space<vmem>>
        tpu.wait_dma2 semaphore(%arg12 : memref<!tpu.dma_semaphore, #tpu.memory_space<semaphore_mem>>) src(%dma_wait3A_422 : memref<8x8x128xf32, #tpu.memory_space<vmem>>) dst(%dma_wait3A_417 : memref<8x8x128xf32, #tpu.memory_space<hbm>>)
      } else {
      }
      %parallel_loop3A = arith.constant 0 : i32
      %parallel_loop3A_192 = arith.constant 64 : i32
      %parallel_loop3A_193 = arith.constant 1 : i32
      %parallel_loop3A_194 = arith.constant 0 : i32
      %parallel_loop3A_195 = arith.constant 0 : i32
      scf.for %parallel_loop3A_400 = %parallel_loop3A to %parallel_loop3A_192 step %parallel_loop3A_193  : i32 {
        %parallel_loop3A_401 = vector.broadcast %parallel_loop3A_400 : i32 to vector<16xi32>
        %parallel_loop3A_402 = arith.constant 0 : i32
        %parallel_loop3A_403 = arith.constant 0 : i32
        %parallel_loop3A_404 = tpu.memref_slice %arg6[%parallel_loop3A_194, %parallel_loop3A_402, %parallel_loop3A_403] : memref<4x128x64xf32, #tpu.memory_space<vmem>> -> memref<1x128x64xf32, #tpu.memory_space<vmem>>
        %parallel_loop3A_405 = tpu.memref_squeeze %parallel_loop3A_404 : memref<1x128x64xf32, #tpu.memory_space<vmem>> -> memref<128x64xf32, #tpu.memory_space<vmem>>
        %parallel_loop3A_406 = tpu.vector_load_idx %parallel_loop3A_405[%add3A_52, %parallel_loop3A_401] : memref<128x64xf32, #tpu.memory_space<vmem>>[vector<16xi32>, vector<16xi32>], vector<16xf32>,
        %parallel_loop3A_407 = arith.constant 3 : i32
        %parallel_loop3A_408 = arith.shrsi %parallel_loop3A_400, %parallel_loop3A_407 : i32
        %parallel_loop3A_409 = arith.constant 7 : i32
        %parallel_loop3A_410 = arith.andi %parallel_loop3A_400, %parallel_loop3A_409 : i32
        %parallel_loop3A_411 = arith.constant 0 : i32
        %parallel_loop3A_412 = arith.constant 0 : i32
        %parallel_loop3A_413 = arith.constant 0 : i32
        %parallel_loop3A_414 = tpu.memref_slice %arg7[%parallel_loop3A_195, %parallel_loop3A_411, %parallel_loop3A_412, %parallel_loop3A_413] : memref<4x8x8x128xf32, #tpu.memory_space<vmem>> -> memref<1x8x8x128xf32, #tpu.memory_space<vmem>>
        %parallel_loop3A_415 = tpu.memref_squeeze %parallel_loop3A_414 : memref<1x8x8x128xf32, #tpu.memory_space<vmem>> -> memref<8x8x128xf32, #tpu.memory_space<vmem>>
        %parallel_loop3A_416 = arith.index_cast %parallel_loop3A_408 : i32 to index
        %parallel_loop3A_417 = arith.index_cast %parallel_loop3A_410 : i32 to index
        %parallel_loop3A_418 = arith.constant 0 : index
        %parallel_loop3A_419 = tpu.vector_load %parallel_loop3A_415[%parallel_loop3A_416, %parallel_loop3A_417, %parallel_loop3A_418] {strides = array<i32>} : memref<8x8x128xf32, #tpu.memory_space<vmem>>, vector<16xf32>,
        tpu.vector_store %parallel_loop3A_415[%parallel_loop3A_416, %parallel_loop3A_417, %parallel_loop3A_418], %parallel_loop3A_406 {strides = array<i32>} : memref<8x8x128xf32, #tpu.memory_space<vmem>>, vector<16xf32>,
        %parallel_loop3A_420 = arith.constant 0 : i32
        %parallel_loop3A_421 = arith.constant 0 : i32
        %parallel_loop3A_422 = tpu.memref_slice %arg6[%parallel_loop3A_194, %parallel_loop3A_420, %parallel_loop3A_421] : memref<4x128x64xf32, #tpu.memory_space<vmem>> -> memref<1x128x64xf32, #tpu.memory_space<vmem>>
        %parallel_loop3A_423 = tpu.memref_squeeze %parallel_loop3A_422 : memref<1x128x64xf32, #tpu.memory_space<vmem>> -> memref<128x64xf32, #tpu.memory_space<vmem>>
        %parallel_loop3A_424 = tpu.vector_load_idx %parallel_loop3A_423[%add3A_55, %parallel_loop3A_401] : memref<128x64xf32, #tpu.memory_space<vmem>>[vector<16xi32>, vector<16xi32>], vector<16xf32>,
        %parallel_loop3A_425 = arith.constant 3 : i32
        %parallel_loop3A_426 = arith.shrsi %parallel_loop3A_400, %parallel_loop3A_425 : i32
        %parallel_loop3A_427 = arith.constant 7 : i32
        %parallel_loop3A_428 = arith.andi %parallel_loop3A_400, %parallel_loop3A_427 : i32
        %parallel_loop3A_429 = arith.constant 0 : i32
        %parallel_loop3A_430 = arith.constant 0 : i32
        %parallel_loop3A_431 = arith.constant 0 : i32
        %parallel_loop3A_432 = tpu.memref_slice %arg7[%parallel_loop3A_195, %parallel_loop3A_429, %parallel_loop3A_430, %parallel_loop3A_431] : memref<4x8x8x128xf32, #tpu.memory_space<vmem>> -> memref<1x8x8x128xf32, #tpu.memory_space<vmem>>
        %parallel_loop3A_433 = tpu.memref_squeeze %parallel_loop3A_432 : memref<1x8x8x128xf32, #tpu.memory_space<vmem>> -> memref<8x8x128xf32, #tpu.memory_space<vmem>>
        %parallel_loop3A_434 = arith.index_cast %parallel_loop3A_426 : i32 to index
        %parallel_loop3A_435 = arith.index_cast %parallel_loop3A_428 : i32 to index
        %parallel_loop3A_436 = arith.constant 16 : index
        %parallel_loop3A_437 = tpu.vector_load %parallel_loop3A_433[%parallel_loop3A_434, %parallel_loop3A_435, %parallel_loop3A_436] {strides = array<i32>} : memref<8x8x128xf32, #tpu.memory_space<vmem>>, vector<16xf32>,
        tpu.vector_store %parallel_loop3A_433[%parallel_loop3A_434, %parallel_loop3A_435, %parallel_loop3A_436], %parallel_loop3A_424 {strides = array<i32>} : memref<8x8x128xf32, #tpu.memory_space<vmem>>, vector<16xf32>,
        %parallel_loop3A_438 = arith.constant 0 : i32
        %parallel_loop3A_439 = arith.constant 0 : i32
        %parallel_loop3A_440 = tpu.memref_slice %arg6[%parallel_loop3A_194, %parallel_loop3A_438, %parallel_loop3A_439] : memref<4x128x64xf32, #tpu.memory_space<vmem>> -> memref<1x128x64xf32, #tpu.memory_space<vmem>>
        %parallel_loop3A_441 = tpu.memref_squeeze %parallel_loop3A_440 : memref<1x128x64xf32, #tpu.memory_space<vmem>> -> memref<128x64xf32, #tpu.memory_space<vmem>>
        %parallel_loop3A_442 = tpu.vector_load_idx %parallel_loop3A_441[%add3A_58, %parallel_loop3A_401] : memref<128x64xf32, #tpu.memory_space<vmem>>[vector<16xi32>, vector<16xi32>], vector<16xf32>,
        %parallel_loop3A_443 = arith.constant 3 : i32
        %parallel_loop3A_444 = arith.shrsi %parallel_loop3A_400, %parallel_loop3A_443 : i32
        %parallel_loop3A_445 = arith.constant 7 : i32
        %parallel_loop3A_446 = arith.andi %parallel_loop3A_400, %parallel_loop3A_445 : i32
        %parallel_loop3A_447 = arith.constant 0 : i32
        %parallel_loop3A_448 = arith.constant 0 : i32
        %parallel_loop3A_449 = arith.constant 0 : i32
        %parallel_loop3A_450 = tpu.memref_slice %arg7[%parallel_loop3A_195, %parallel_loop3A_447, %parallel_loop3A_448, %parallel_loop3A_449] : memref<4x8x8x128xf32, #tpu.memory_space<vmem>> -> memref<1x8x8x128xf32, #tpu.memory_space<vmem>>
        %parallel_loop3A_451 = tpu.memref_squeeze %parallel_loop3A_450 : memref<1x8x8x128xf32, #tpu.memory_space<vmem>> -> memref<8x8x128xf32, #tpu.memory_space<vmem>>
        %parallel_loop3A_452 = arith.index_cast %parallel_loop3A_444 : i32 to index
        %parallel_loop3A_453 = arith.index_cast %parallel_loop3A_446 : i32 to index
        %parallel_loop3A_454 = arith.constant 32 : index
        %parallel_loop3A_455 = tpu.vector_load %parallel_loop3A_451[%parallel_loop3A_452, %parallel_loop3A_453, %parallel_loop3A_454] {strides = array<i32>} : memref<8x8x128xf32, #tpu.memory_space<vmem>>, vector<16xf32>,
        tpu.vector_store %parallel_loop3A_451[%parallel_loop3A_452, %parallel_loop3A_453, %parallel_loop3A_454], %parallel_loop3A_442 {strides = array<i32>} : memref<8x8x128xf32, #tpu.memory_space<vmem>>, vector<16xf32>,
        %parallel_loop3A_456 = arith.constant 0 : i32
        %parallel_loop3A_457 = arith.constant 0 : i32
        %parallel_loop3A_458 = tpu.memref_slice %arg6[%parallel_loop3A_194, %parallel_loop3A_456, %parallel_loop3A_457] : memref<4x128x64xf32, #tpu.memory_space<vmem>> -> memref<1x128x64xf32, #tpu.memory_space<vmem>>
        %parallel_loop3A_459 = tpu.memref_squeeze %parallel_loop3A_458 : memref<1x128x64xf32, #tpu.memory_space<vmem>> -> memref<128x64xf32, #tpu.memory_space<vmem>>
        %parallel_loop3A_460 = tpu.vector_load_idx %parallel_loop3A_459[%add3A_61, %parallel_loop3A_401] : memref<128x64xf32, #tpu.memory_space<vmem>>[vector<16xi32>, vector<16xi32>], vector<16xf32>,
        %parallel_loop3A_461 = arith.constant 3 : i32
        %parallel_loop3A_462 = arith.shrsi %parallel_loop3A_400, %parallel_loop3A_461 : i32
        %parallel_loop3A_463 = arith.constant 7 : i32
        %parallel_loop3A_464 = arith.andi %parallel_loop3A_400, %parallel_loop3A_463 : i32
        %parallel_loop3A_465 = arith.constant 0 : i32
        %parallel_loop3A_466 = arith.constant 0 : i32
        %parallel_loop3A_467 = arith.constant 0 : i32
        %parallel_loop3A_468 = tpu.memref_slice %arg7[%parallel_loop3A_195, %parallel_loop3A_465, %parallel_loop3A_466, %parallel_loop3A_467] : memref<4x8x8x128xf32, #tpu.memory_space<vmem>> -> memref<1x8x8x128xf32, #tpu.memory_space<vmem>>
        %parallel_loop3A_469 = tpu.memref_squeeze %parallel_loop3A_468 : memref<1x8x8x128xf32, #tpu.memory_space<vmem>> -> memref<8x8x128xf32, #tpu.memory_space<vmem>>
        %parallel_loop3A_470 = arith.index_cast %parallel_loop3A_462 : i32 to index
        %parallel_loop3A_471 = arith.index_cast %parallel_loop3A_464 : i32 to index
        %parallel_loop3A_472 = arith.constant 48 : index
        %parallel_loop3A_473 = tpu.vector_load %parallel_loop3A_469[%parallel_loop3A_470, %parallel_loop3A_471, %parallel_loop3A_472] {strides = array<i32>} : memref<8x8x128xf32, #tpu.memory_space<vmem>>, vector<16xf32>,
        tpu.vector_store %parallel_loop3A_469[%parallel_loop3A_470, %parallel_loop3A_471, %parallel_loop3A_472], %parallel_loop3A_460 {strides = array<i32>} : memref<8x8x128xf32, #tpu.memory_space<vmem>>, vector<16xf32>,
        %parallel_loop3A_474 = arith.constant 0 : i32
        %parallel_loop3A_475 = arith.constant 0 : i32
        %parallel_loop3A_476 = tpu.memref_slice %arg6[%parallel_loop3A_194, %parallel_loop3A_474, %parallel_loop3A_475] : memref<4x128x64xf32, #tpu.memory_space<vmem>> -> memref<1x128x64xf32, #tpu.memory_space<vmem>>
        %parallel_loop3A_477 = tpu.memref_squeeze %parallel_loop3A_476 : memref<1x128x64xf32, #tpu.memory_space<vmem>> -> memref<128x64xf32, #tpu.memory_space<vmem>>
        %parallel_loop3A_478 = tpu.vector_load_idx %parallel_loop3A_477[%add3A_64, %parallel_loop3A_401] : memref<128x64xf32, #tpu.memory_space<vmem>>[vector<16xi32>, vector<16xi32>], vector<16xf32>,
        %parallel_loop3A_479 = arith.constant 3 : i32
        %parallel_loop3A_480 = arith.shrsi %parallel_loop3A_400, %parallel_loop3A_479 : i32
        %parallel_loop3A_481 = arith.constant 7 : i32
        %parallel_loop3A_482 = arith.andi %parallel_loop3A_400, %parallel_loop3A_481 : i32
        %parallel_loop3A_483 = arith.constant 0 : i32
        %parallel_loop3A_484 = arith.constant 0 : i32
        %parallel_loop3A_485 = arith.constant 0 : i32
        %parallel_loop3A_486 = tpu.memref_slice %arg7[%parallel_loop3A_195, %parallel_loop3A_483, %parallel_loop3A_484, %parallel_loop3A_485] : memref<4x8x8x128xf32, #tpu.memory_space<vmem>> -> memref<1x8x8x128xf32, #tpu.memory_space<vmem>>
        %parallel_loop3A_487 = tpu.memref_squeeze %parallel_loop3A_486 : memref<1x8x8x128xf32, #tpu.memory_space<vmem>> -> memref<8x8x128xf32, #tpu.memory_space<vmem>>
        %parallel_loop3A_488 = arith.index_cast %parallel_loop3A_480 : i32 to index
        %parallel_loop3A_489 = arith.index_cast %parallel_loop3A_482 : i32 to index
        %parallel_loop3A_490 = arith.constant 64 : index
        %parallel_loop3A_491 = tpu.vector_load %parallel_loop3A_487[%parallel_loop3A_488, %parallel_loop3A_489, %parallel_loop3A_490] {strides = array<i32>} : memref<8x8x128xf32, #tpu.memory_space<vmem>>, vector<16xf32>,
        tpu.vector_store %parallel_loop3A_487[%parallel_loop3A_488, %parallel_loop3A_489, %parallel_loop3A_490], %parallel_loop3A_478 {strides = array<i32>} : memref<8x8x128xf32, #tpu.memory_space<vmem>>, vector<16xf32>,
        %parallel_loop3A_492 = arith.constant 0 : i32
        %parallel_loop3A_493 = arith.constant 0 : i32
        %parallel_loop3A_494 = tpu.memref_slice %arg6[%parallel_loop3A_194, %parallel_loop3A_492, %parallel_loop3A_493] : memref<4x128x64xf32, #tpu.memory_space<vmem>> -> memref<1x128x64xf32, #tpu.memory_space<vmem>>
        %parallel_loop3A_495 = tpu.memref_squeeze %parallel_loop3A_494 : memref<1x128x64xf32, #tpu.memory_space<vmem>> -> memref<128x64xf32, #tpu.memory_space<vmem>>
        %parallel_loop3A_496 = tpu.vector_load_idx %parallel_loop3A_495[%add3A_67, %parallel_loop3A_401] : memref<128x64xf32, #tpu.memory_space<vmem>>[vector<16xi32>, vector<16xi32>], vector<16xf32>,
        %parallel_loop3A_497 = arith.constant 3 : i32
        %parallel_loop3A_498 = arith.shrsi %parallel_loop3A_400, %parallel_loop3A_497 : i32
        %parallel_loop3A_499 = arith.constant 7 : i32
        %parallel_loop3A_500 = arith.andi %parallel_loop3A_400, %parallel_loop3A_499 : i32
        %parallel_loop3A_501 = arith.constant 0 : i32
        %parallel_loop3A_502 = arith.constant 0 : i32
        %parallel_loop3A_503 = arith.constant 0 : i32
        %parallel_loop3A_504 = tpu.memref_slice %arg7[%parallel_loop3A_195, %parallel_loop3A_501, %parallel_loop3A_502, %parallel_loop3A_503] : memref<4x8x8x128xf32, #tpu.memory_space<vmem>> -> memref<1x8x8x128xf32, #tpu.memory_space<vmem>>
        %parallel_loop3A_505 = tpu.memref_squeeze %parallel_loop3A_504 : memref<1x8x8x128xf32, #tpu.memory_space<vmem>> -> memref<8x8x128xf32, #tpu.memory_space<vmem>>
        %parallel_loop3A_506 = arith.index_cast %parallel_loop3A_498 : i32 to index
        %parallel_loop3A_507 = arith.index_cast %parallel_loop3A_500 : i32 to index
        %parallel_loop3A_508 = arith.constant 80 : index
        %parallel_loop3A_509 = tpu.vector_load %parallel_loop3A_505[%parallel_loop3A_506, %parallel_loop3A_507, %parallel_loop3A_508] {strides = array<i32>} : memref<8x8x128xf32, #tpu.memory_space<vmem>>, vector<16xf32>,
        tpu.vector_store %parallel_loop3A_505[%parallel_loop3A_506, %parallel_loop3A_507, %parallel_loop3A_508], %parallel_loop3A_496 {strides = array<i32>} : memref<8x8x128xf32, #tpu.memory_space<vmem>>, vector<16xf32>,
        %parallel_loop3A_510 = arith.constant 0 : i32
        %parallel_loop3A_511 = arith.constant 0 : i32
        %parallel_loop3A_512 = tpu.memref_slice %arg6[%parallel_loop3A_194, %parallel_loop3A_510, %parallel_loop3A_511] : memref<4x128x64xf32, #tpu.memory_space<vmem>> -> memref<1x128x64xf32, #tpu.memory_space<vmem>>
        %parallel_loop3A_513 = tpu.memref_squeeze %parallel_loop3A_512 : memref<1x128x64xf32, #tpu.memory_space<vmem>> -> memref<128x64xf32, #tpu.memory_space<vmem>>
        %parallel_loop3A_514 = tpu.vector_load_idx %parallel_loop3A_513[%add3A_70, %parallel_loop3A_401] : memref<128x64xf32, #tpu.memory_space<vmem>>[vector<16xi32>, vector<16xi32>], vector<16xf32>,
        %parallel_loop3A_515 = arith.constant 3 : i32
        %parallel_loop3A_516 = arith.shrsi %parallel_loop3A_400, %parallel_loop3A_515 : i32
        %parallel_loop3A_517 = arith.constant 7 : i32
        %parallel_loop3A_518 = arith.andi %parallel_loop3A_400, %parallel_loop3A_517 : i32
        %parallel_loop3A_519 = arith.constant 0 : i32
        %parallel_loop3A_520 = arith.constant 0 : i32
        %parallel_loop3A_521 = arith.constant 0 : i32
        %parallel_loop3A_522 = tpu.memref_slice %arg7[%parallel_loop3A_195, %parallel_loop3A_519, %parallel_loop3A_520, %parallel_loop3A_521] : memref<4x8x8x128xf32, #tpu.memory_space<vmem>> -> memref<1x8x8x128xf32, #tpu.memory_space<vmem>>
        %parallel_loop3A_523 = tpu.memref_squeeze %parallel_loop3A_522 : memref<1x8x8x128xf32, #tpu.memory_space<vmem>> -> memref<8x8x128xf32, #tpu.memory_space<vmem>>
        %parallel_loop3A_524 = arith.index_cast %parallel_loop3A_516 : i32 to index
        %parallel_loop3A_525 = arith.index_cast %parallel_loop3A_518 : i32 to index
        %parallel_loop3A_526 = arith.constant 96 : index
        %parallel_loop3A_527 = tpu.vector_load %parallel_loop3A_523[%parallel_loop3A_524, %parallel_loop3A_525, %parallel_loop3A_526] {strides = array<i32>} : memref<8x8x128xf32, #tpu.memory_space<vmem>>, vector<16xf32>,
        tpu.vector_store %parallel_loop3A_523[%parallel_loop3A_524, %parallel_loop3A_525, %parallel_loop3A_526], %parallel_loop3A_514 {strides = array<i32>} : memref<8x8x128xf32, #tpu.memory_space<vmem>>, vector<16xf32>,
        %parallel_loop3A_528 = arith.constant 0 : i32
        %parallel_loop3A_529 = arith.constant 0 : i32
        %parallel_loop3A_530 = tpu.memref_slice %arg6[%parallel_loop3A_194, %parallel_loop3A_528, %parallel_loop3A_529] : memref<4x128x64xf32, #tpu.memory_space<vmem>> -> memref<1x128x64xf32, #tpu.memory_space<vmem>>
        %parallel_loop3A_531 = tpu.memref_squeeze %parallel_loop3A_530 : memref<1x128x64xf32, #tpu.memory_space<vmem>> -> memref<128x64xf32, #tpu.memory_space<vmem>>
        %parallel_loop3A_532 = tpu.vector_load_idx %parallel_loop3A_531[%add3A_73, %parallel_loop3A_401] : memref<128x64xf32, #tpu.memory_space<vmem>>[vector<16xi32>, vector<16xi32>], vector<16xf32>,
        %parallel_loop3A_533 = arith.constant 3 : i32
        %parallel_loop3A_534 = arith.shrsi %parallel_loop3A_400, %parallel_loop3A_533 : i32
        %parallel_loop3A_535 = arith.constant 7 : i32
        %parallel_loop3A_536 = arith.andi %parallel_loop3A_400, %parallel_loop3A_535 : i32
        %parallel_loop3A_537 = arith.constant 0 : i32
        %parallel_loop3A_538 = arith.constant 0 : i32
        %parallel_loop3A_539 = arith.constant 0 : i32
        %parallel_loop3A_540 = tpu.memref_slice %arg7[%parallel_loop3A_195, %parallel_loop3A_537, %parallel_loop3A_538, %parallel_loop3A_539] : memref<4x8x8x128xf32, #tpu.memory_space<vmem>> -> memref<1x8x8x128xf32, #tpu.memory_space<vmem>>
        %parallel_loop3A_541 = tpu.memref_squeeze %parallel_loop3A_540 : memref<1x8x8x128xf32, #tpu.memory_space<vmem>> -> memref<8x8x128xf32, #tpu.memory_space<vmem>>
        %parallel_loop3A_542 = arith.index_cast %parallel_loop3A_534 : i32 to index
        %parallel_loop3A_543 = arith.index_cast %parallel_loop3A_536 : i32 to index
        %parallel_loop3A_544 = arith.constant 112 : index
        %parallel_loop3A_545 = tpu.vector_load %parallel_loop3A_541[%parallel_loop3A_542, %parallel_loop3A_543, %parallel_loop3A_544] {strides = array<i32>} : memref<8x8x128xf32, #tpu.memory_space<vmem>>, vector<16xf32>,
        tpu.vector_store %parallel_loop3A_541[%parallel_loop3A_542, %parallel_loop3A_543, %parallel_loop3A_544], %parallel_loop3A_532 {strides = array<i32>} : memref<8x8x128xf32, #tpu.memory_space<vmem>>, vector<16xf32>,
      } {sc.loop_unroll_factor = 16 : i64, sc.parallel_access}
      %dma_start3A_196 = arith.constant 0 : i32
      %dma_start3A_197 = arith.constant 0 : i32
      %dma_start3A_198 = arith.constant 0 : i32
      %dma_start3A_199 = arith.constant 0 : i32
      %dma_start3A_200 = tpu.memref_slice %arg7[%dma_start3A_196, %dma_start3A_197, %dma_start3A_198, %dma_start3A_199] : memref<4x8x8x128xf32, #tpu.memory_space<vmem>> -> memref<1x8x8x128xf32, #tpu.memory_space<vmem>>
      %dma_start3A_201 = tpu.memref_squeeze %dma_start3A_200 : memref<1x8x8x128xf32, #tpu.memory_space<vmem>> -> memref<8x8x128xf32, #tpu.memory_space<vmem>>
      %dma_start3A_202 = arith.constant 0 : i32
      %dma_start3A_203 = arith.constant 0 : i32
      %dma_start3A_204 = arith.constant 0 : i32
      %dma_start3A_205 = tpu.memref_slice %arg4[%shift_right_arithmetic3A_176, %dma_start3A_202, %and3A_177, %dma_start3A_203, %dma_start3A_204] : memref<50x8x128x8x128xf32, #tpu.memory_space<hbm>> -> memref<1x8x1x8x128xf32, #tpu.memory_space<hbm>>
      %dma_start3A_206 = tpu.memref_squeeze %dma_start3A_205 : memref<1x8x1x8x128xf32, #tpu.memory_space<hbm>> -> memref<8x8x128xf32, #tpu.memory_space<hbm>>
      %dma_start3A_207 = arith.constant 0 : i32
      %dma_start3A_208 = arith.constant 0 : i32
      %dma_start3A_209 = arith.constant 0 : i32
      %dma_start3A_210 = tpu.memref_slice %arg4[%shift_right_arithmetic3A_176, %dma_start3A_207, %and3A_177, %dma_start3A_208, %dma_start3A_209] : memref<50x8x128x8x128xf32, #tpu.memory_space<hbm>> -> memref<1x8x1x8x128xf32, #tpu.memory_space<hbm>>
      %dma_start3A_211 = tpu.memref_squeeze %dma_start3A_210 : memref<1x8x1x8x128xf32, #tpu.memory_space<hbm>> -> memref<8x8x128xf32, #tpu.memory_space<hbm>>
      %dma_start3A_212 = arith.constant 0 : i32
      %dma_start3A_213 = arith.constant 0 : i32
      %dma_start3A_214 = arith.constant 0 : i32
      %dma_start3A_215 = tpu.memref_slice %arg7[%dma_start3A_196, %dma_start3A_212, %dma_start3A_213, %dma_start3A_214] : memref<4x8x8x128xf32, #tpu.memory_space<vmem>> -> memref<1x8x8x128xf32, #tpu.memory_space<vmem>>
      %dma_start3A_216 = tpu.memref_squeeze %dma_start3A_215 : memref<1x8x8x128xf32, #tpu.memory_space<vmem>> -> memref<8x8x128xf32, #tpu.memory_space<vmem>>
      tpu.enqueue_dma source(%dma_start3A_216 : memref<8x8x128xf32, #tpu.memory_space<vmem>>) target(%dma_start3A_211 : memref<8x8x128xf32, #tpu.memory_space<hbm>>) target_semaphore(%arg12 : memref<!tpu.dma_semaphore, #tpu.memory_space<semaphore_mem>>)
      %add3A_217 = arith.constant 4 : i32
      %add3A_218 = arith.addi %add3A_174, %add3A_217 : i32
      %lt3A = arith.constant 200 : i32
      %lt3A_219 = arith.cmpi slt, %add3A_218, %lt3A : i32
      %convert_element_type3A_220 = arith.extui %lt3A_219 : i1 to i32
      %cond3A_221 = arith.constant 0 : i32
      %cond3A_222 = arith.cmpi ne, %convert_element_type3A_220, %cond3A_221 : i32
      scf.if %cond3A_222 {
        %add3A_400 = arith.constant 4 : i32
        %add3A_401 = arith.addi %add3A_174, %add3A_400 : i32
        %dma_start3A_402 = arith.constant 0 : i32
        %dma_start3A_403 = arith.constant 0 : i32
        %dma_start3A_404 = arith.constant 0 : i32
        %dma_start3A_405 = tpu.memref_slice %arg6[%dma_start3A_402, %dma_start3A_403, %dma_start3A_404] : memref<4x128x64xf32, #tpu.memory_space<vmem>> -> memref<1x128x64xf32, #tpu.memory_space<vmem>>
        %dma_start3A_406 = tpu.memref_squeeze %dma_start3A_405 : memref<1x128x64xf32, #tpu.memory_space<vmem>> -> memref<128x64xf32, #tpu.memory_space<vmem>>
        %dma_start3A_407 = arith.constant 0 : i32
        %dma_start3A_408 = tpu.memref_slice %arg5[%add3A_401, %dma_start3A_407] : memref<200x128xi32, #tpu.memory_space<vmem>> -> memref<1x128xi32, #tpu.memory_space<vmem>>
        %dma_start3A_409 = tpu.memref_squeeze %dma_start3A_408 : memref<1x128xi32, #tpu.memory_space<vmem>> -> memref<128xi32, #tpu.memory_space<vmem>>
        %dma_start3A_410 = arith.constant 0 : i32
        %dma_start3A_411 = arith.constant 0 : i32
        %dma_start3A_412 = tpu.memref_slice %arg3[%dma_start3A_410, %dma_start3A_411] : memref<1000000x64xf32, #tpu.memory_space<hbm>> -> memref<1000000x64xf32, #tpu.memory_space<hbm>>
        tpu.enqueue_indirect_dma source(%dma_start3A_412 : memref<1000000x64xf32, #tpu.memory_space<hbm>>) target(%dma_start3A_406 : memref<128x64xf32, #tpu.memory_space<vmem>>) offsets(%dma_start3A_409 : memref<128xi32, #tpu.memory_space<vmem>>) semaphore(%arg8 : memref<!tpu.dma_semaphore, #tpu.memory_space<semaphore_mem>>)
      } else {
      }
      %mul3A_223 = arith.constant 4 : i32
      %mul3A_224 = arith.muli %scan3A_170, %mul3A_223 : i32
      %add3A_225 = arith.constant 1 : i32
      %add3A_226 = arith.addi %mul3A_224, %add3A_225 : i32
      %add3A_227 = arith.addi %mul3A_2, %add3A_226 : i32
      %shift_right_arithmetic3A_228 = arith.constant 7 : i32
      %shift_right_arithmetic3A_229 = arith.shrsi %add3A_227, %shift_right_arithmetic3A_228 : i32
      %and3A_230 = arith.constant 127 : i32
      %and3A_231 = arith.andi %add3A_227, %and3A_230 : i32
      %dma_wait3A_232 = arith.constant 1 : i32
      %dma_wait3A_233 = arith.constant 1 : i32
      %dma_wait3A_234 = arith.constant 0 : i32
      %dma_wait3A_235 = arith.constant 0 : i32
      %dma_wait3A_236 = tpu.memref_slice %arg6[%dma_wait3A_233, %dma_wait3A_234, %dma_wait3A_235] : memref<4x128x64xf32, #tpu.memory_space<vmem>> -> memref<1x128x64xf32, #tpu.memory_space<vmem>>
      %dma_wait3A_237 = tpu.memref_squeeze %dma_wait3A_236 : memref<1x128x64xf32, #tpu.memory_space<vmem>> -> memref<128x64xf32, #tpu.memory_space<vmem>>
      %dma_wait3A_238 = arith.constant 0 : i32
      %dma_wait3A_239 = tpu.memref_slice %arg5[%dma_wait3A_232, %dma_wait3A_238] : memref<200x128xi32, #tpu.memory_space<vmem>> -> memref<1x128xi32, #tpu.memory_space<vmem>>
      %dma_wait3A_240 = tpu.memref_squeeze %dma_wait3A_239 : memref<1x128xi32, #tpu.memory_space<vmem>> -> memref<128xi32, #tpu.memory_space<vmem>>
      %dma_wait3A_241 = arith.constant 0 : i32
      %dma_wait3A_242 = arith.constant 0 : i32
      %dma_wait3A_243 = tpu.memref_slice %arg3[%dma_wait3A_241, %dma_wait3A_242] : memref<1000000x64xf32, #tpu.memory_space<hbm>> -> memref<1000000x64xf32, #tpu.memory_space<hbm>>
      tpu.wait_indirect_dma semaphore(%arg9 : memref<!tpu.dma_semaphore, #tpu.memory_space<semaphore_mem>>) src(%dma_wait3A_243 : memref<1000000x64xf32, #tpu.memory_space<hbm>>) dst(%dma_wait3A_237 : memref<128x64xf32, #tpu.memory_space<vmem>>)
      %ge3A_244 = arith.constant 4 : i32
      %ge3A_245 = arith.cmpi sge, %add3A_226, %ge3A_244 : i32
      %convert_element_type3A_246 = arith.extui %ge3A_245 : i1 to i32
      %cond3A_247 = arith.constant 0 : i32
      %cond3A_248 = arith.cmpi ne, %convert_element_type3A_246, %cond3A_247 : i32
      scf.if %cond3A_248 {
        %dma_wait3A_400 = arith.constant 1 : i32
        %dma_wait3A_401 = arith.constant 0 : i32
        %dma_wait3A_402 = arith.constant 0 : i32
        %dma_wait3A_403 = arith.constant 0 : i32
        %dma_wait3A_404 = arith.constant 0 : i32
        %dma_wait3A_405 = arith.constant 0 : i32
        %dma_wait3A_406 = tpu.memref_slice %arg7[%dma_wait3A_400, %dma_wait3A_403, %dma_wait3A_404, %dma_wait3A_405] : memref<4x8x8x128xf32, #tpu.memory_space<vmem>> -> memref<1x8x8x128xf32, #tpu.memory_space<vmem>>
        %dma_wait3A_407 = tpu.memref_squeeze %dma_wait3A_406 : memref<1x8x8x128xf32, #tpu.memory_space<vmem>> -> memref<8x8x128xf32, #tpu.memory_space<vmem>>
        %dma_wait3A_408 = arith.constant 0 : i32
        %dma_wait3A_409 = arith.constant 0 : i32
        %dma_wait3A_410 = arith.constant 0 : i32
        %dma_wait3A_411 = tpu.memref_slice %arg4[%dma_wait3A_401, %dma_wait3A_408, %dma_wait3A_402, %dma_wait3A_409, %dma_wait3A_410] : memref<50x8x128x8x128xf32, #tpu.memory_space<hbm>> -> memref<1x8x1x8x128xf32, #tpu.memory_space<hbm>>
        %dma_wait3A_412 = tpu.memref_squeeze %dma_wait3A_411 : memref<1x8x1x8x128xf32, #tpu.memory_space<hbm>> -> memref<8x8x128xf32, #tpu.memory_space<hbm>>
        %dma_wait3A_413 = arith.constant 0 : i32
        %dma_wait3A_414 = arith.constant 0 : i32
        %dma_wait3A_415 = arith.constant 0 : i32
        %dma_wait3A_416 = tpu.memref_slice %arg4[%dma_wait3A_401, %dma_wait3A_413, %dma_wait3A_402, %dma_wait3A_414, %dma_wait3A_415] : memref<50x8x128x8x128xf32, #tpu.memory_space<hbm>> -> memref<1x8x1x8x128xf32, #tpu.memory_space<hbm>>
        %dma_wait3A_417 = tpu.memref_squeeze %dma_wait3A_416 : memref<1x8x1x8x128xf32, #tpu.memory_space<hbm>> -> memref<8x8x128xf32, #tpu.memory_space<hbm>>
        %dma_wait3A_418 = arith.constant 0 : i32
        %dma_wait3A_419 = arith.constant 0 : i32
        %dma_wait3A_420 = arith.constant 0 : i32
        %dma_wait3A_421 = tpu.memref_slice %arg7[%dma_wait3A_400, %dma_wait3A_418, %dma_wait3A_419, %dma_wait3A_420] : memref<4x8x8x128xf32, #tpu.memory_space<vmem>> -> memref<1x8x8x128xf32, #tpu.memory_space<vmem>>
        %dma_wait3A_422 = tpu.memref_squeeze %dma_wait3A_421 : memref<1x8x8x128xf32, #tpu.memory_space<vmem>> -> memref<8x8x128xf32, #tpu.memory_space<vmem>>
        tpu.wait_dma2 semaphore(%arg13 : memref<!tpu.dma_semaphore, #tpu.memory_space<semaphore_mem>>) src(%dma_wait3A_422 : memref<8x8x128xf32, #tpu.memory_space<vmem>>) dst(%dma_wait3A_417 : memref<8x8x128xf32, #tpu.memory_space<hbm>>)
      } else {
      }
      %parallel_loop3A_249 = arith.constant 0 : i32
      %parallel_loop3A_250 = arith.constant 64 : i32
      %parallel_loop3A_251 = arith.constant 1 : i32
      %parallel_loop3A_252 = arith.constant 1 : i32
      %parallel_loop3A_253 = arith.constant 1 : i32
      scf.for %parallel_loop3A_400 = %parallel_loop3A_249 to %parallel_loop3A_250 step %parallel_loop3A_251  : i32 {
        %parallel_loop3A_401 = vector.broadcast %parallel_loop3A_400 : i32 to vector<16xi32>
        %parallel_loop3A_402 = arith.constant 0 : i32
        %parallel_loop3A_403 = arith.constant 0 : i32
        %parallel_loop3A_404 = tpu.memref_slice %arg6[%parallel_loop3A_252, %parallel_loop3A_402, %parallel_loop3A_403] : memref<4x128x64xf32, #tpu.memory_space<vmem>> -> memref<1x128x64xf32, #tpu.memory_space<vmem>>
        %parallel_loop3A_405 = tpu.memref_squeeze %parallel_loop3A_404 : memref<1x128x64xf32, #tpu.memory_space<vmem>> -> memref<128x64xf32, #tpu.memory_space<vmem>>
        %parallel_loop3A_406 = tpu.vector_load_idx %parallel_loop3A_405[%add3A_52, %parallel_loop3A_401] : memref<128x64xf32, #tpu.memory_space<vmem>>[vector<16xi32>, vector<16xi32>], vector<16xf32>,
        %parallel_loop3A_407 = arith.constant 3 : i32
        %parallel_loop3A_408 = arith.shrsi %parallel_loop3A_400, %parallel_loop3A_407 : i32
        %parallel_loop3A_409 = arith.constant 7 : i32
        %parallel_loop3A_410 = arith.andi %parallel_loop3A_400, %parallel_loop3A_409 : i32
        %parallel_loop3A_411 = arith.constant 0 : i32
        %parallel_loop3A_412 = arith.constant 0 : i32
        %parallel_loop3A_413 = arith.constant 0 : i32
        %parallel_loop3A_414 = tpu.memref_slice %arg7[%parallel_loop3A_253, %parallel_loop3A_411, %parallel_loop3A_412, %parallel_loop3A_413] : memref<4x8x8x128xf32, #tpu.memory_space<vmem>> -> memref<1x8x8x128xf32, #tpu.memory_space<vmem>>
        %parallel_loop3A_415 = tpu.memref_squeeze %parallel_loop3A_414 : memref<1x8x8x128xf32, #tpu.memory_space<vmem>> -> memref<8x8x128xf32, #tpu.memory_space<vmem>>
        %parallel_loop3A_416 = arith.index_cast %parallel_loop3A_408 : i32 to index
        %parallel_loop3A_417 = arith.index_cast %parallel_loop3A_410 : i32 to index
        %parallel_loop3A_418 = arith.constant 0 : index
        %parallel_loop3A_419 = tpu.vector_load %parallel_loop3A_415[%parallel_loop3A_416, %parallel_loop3A_417, %parallel_loop3A_418] {strides = array<i32>} : memref<8x8x128xf32, #tpu.memory_space<vmem>>, vector<16xf32>,
        tpu.vector_store %parallel_loop3A_415[%parallel_loop3A_416, %parallel_loop3A_417, %parallel_loop3A_418], %parallel_loop3A_406 {strides = array<i32>} : memref<8x8x128xf32, #tpu.memory_space<vmem>>, vector<16xf32>,
        %parallel_loop3A_420 = arith.constant 0 : i32
        %parallel_loop3A_421 = arith.constant 0 : i32
        %parallel_loop3A_422 = tpu.memref_slice %arg6[%parallel_loop3A_252, %parallel_loop3A_420, %parallel_loop3A_421] : memref<4x128x64xf32, #tpu.memory_space<vmem>> -> memref<1x128x64xf32, #tpu.memory_space<vmem>>
        %parallel_loop3A_423 = tpu.memref_squeeze %parallel_loop3A_422 : memref<1x128x64xf32, #tpu.memory_space<vmem>> -> memref<128x64xf32, #tpu.memory_space<vmem>>
        %parallel_loop3A_424 = tpu.vector_load_idx %parallel_loop3A_423[%add3A_55, %parallel_loop3A_401] : memref<128x64xf32, #tpu.memory_space<vmem>>[vector<16xi32>, vector<16xi32>], vector<16xf32>,
        %parallel_loop3A_425 = arith.constant 3 : i32
        %parallel_loop3A_426 = arith.shrsi %parallel_loop3A_400, %parallel_loop3A_425 : i32
        %parallel_loop3A_427 = arith.constant 7 : i32
        %parallel_loop3A_428 = arith.andi %parallel_loop3A_400, %parallel_loop3A_427 : i32
        %parallel_loop3A_429 = arith.constant 0 : i32
        %parallel_loop3A_430 = arith.constant 0 : i32
        %parallel_loop3A_431 = arith.constant 0 : i32
        %parallel_loop3A_432 = tpu.memref_slice %arg7[%parallel_loop3A_253, %parallel_loop3A_429, %parallel_loop3A_430, %parallel_loop3A_431] : memref<4x8x8x128xf32, #tpu.memory_space<vmem>> -> memref<1x8x8x128xf32, #tpu.memory_space<vmem>>
        %parallel_loop3A_433 = tpu.memref_squeeze %parallel_loop3A_432 : memref<1x8x8x128xf32, #tpu.memory_space<vmem>> -> memref<8x8x128xf32, #tpu.memory_space<vmem>>
        %parallel_loop3A_434 = arith.index_cast %parallel_loop3A_426 : i32 to index
        %parallel_loop3A_435 = arith.index_cast %parallel_loop3A_428 : i32 to index
        %parallel_loop3A_436 = arith.constant 16 : index
        %parallel_loop3A_437 = tpu.vector_load %parallel_loop3A_433[%parallel_loop3A_434, %parallel_loop3A_435, %parallel_loop3A_436] {strides = array<i32>} : memref<8x8x128xf32, #tpu.memory_space<vmem>>, vector<16xf32>,
        tpu.vector_store %parallel_loop3A_433[%parallel_loop3A_434, %parallel_loop3A_435, %parallel_loop3A_436], %parallel_loop3A_424 {strides = array<i32>} : memref<8x8x128xf32, #tpu.memory_space<vmem>>, vector<16xf32>,
        %parallel_loop3A_438 = arith.constant 0 : i32
        %parallel_loop3A_439 = arith.constant 0 : i32
        %parallel_loop3A_440 = tpu.memref_slice %arg6[%parallel_loop3A_252, %parallel_loop3A_438, %parallel_loop3A_439] : memref<4x128x64xf32, #tpu.memory_space<vmem>> -> memref<1x128x64xf32, #tpu.memory_space<vmem>>
        %parallel_loop3A_441 = tpu.memref_squeeze %parallel_loop3A_440 : memref<1x128x64xf32, #tpu.memory_space<vmem>> -> memref<128x64xf32, #tpu.memory_space<vmem>>
        %parallel_loop3A_442 = tpu.vector_load_idx %parallel_loop3A_441[%add3A_58, %parallel_loop3A_401] : memref<128x64xf32, #tpu.memory_space<vmem>>[vector<16xi32>, vector<16xi32>], vector<16xf32>,
        %parallel_loop3A_443 = arith.constant 3 : i32
        %parallel_loop3A_444 = arith.shrsi %parallel_loop3A_400, %parallel_loop3A_443 : i32
        %parallel_loop3A_445 = arith.constant 7 : i32
        %parallel_loop3A_446 = arith.andi %parallel_loop3A_400, %parallel_loop3A_445 : i32
        %parallel_loop3A_447 = arith.constant 0 : i32
        %parallel_loop3A_448 = arith.constant 0 : i32
        %parallel_loop3A_449 = arith.constant 0 : i32
        %parallel_loop3A_450 = tpu.memref_slice %arg7[%parallel_loop3A_253, %parallel_loop3A_447, %parallel_loop3A_448, %parallel_loop3A_449] : memref<4x8x8x128xf32, #tpu.memory_space<vmem>> -> memref<1x8x8x128xf32, #tpu.memory_space<vmem>>
        %parallel_loop3A_451 = tpu.memref_squeeze %parallel_loop3A_450 : memref<1x8x8x128xf32, #tpu.memory_space<vmem>> -> memref<8x8x128xf32, #tpu.memory_space<vmem>>
        %parallel_loop3A_452 = arith.index_cast %parallel_loop3A_444 : i32 to index
        %parallel_loop3A_453 = arith.index_cast %parallel_loop3A_446 : i32 to index
        %parallel_loop3A_454 = arith.constant 32 : index
        %parallel_loop3A_455 = tpu.vector_load %parallel_loop3A_451[%parallel_loop3A_452, %parallel_loop3A_453, %parallel_loop3A_454] {strides = array<i32>} : memref<8x8x128xf32, #tpu.memory_space<vmem>>, vector<16xf32>,
        tpu.vector_store %parallel_loop3A_451[%parallel_loop3A_452, %parallel_loop3A_453, %parallel_loop3A_454], %parallel_loop3A_442 {strides = array<i32>} : memref<8x8x128xf32, #tpu.memory_space<vmem>>, vector<16xf32>,
        %parallel_loop3A_456 = arith.constant 0 : i32
        %parallel_loop3A_457 = arith.constant 0 : i32
        %parallel_loop3A_458 = tpu.memref_slice %arg6[%parallel_loop3A_252, %parallel_loop3A_456, %parallel_loop3A_457] : memref<4x128x64xf32, #tpu.memory_space<vmem>> -> memref<1x128x64xf32, #tpu.memory_space<vmem>>
        %parallel_loop3A_459 = tpu.memref_squeeze %parallel_loop3A_458 : memref<1x128x64xf32, #tpu.memory_space<vmem>> -> memref<128x64xf32, #tpu.memory_space<vmem>>
        %parallel_loop3A_460 = tpu.vector_load_idx %parallel_loop3A_459[%add3A_61, %parallel_loop3A_401] : memref<128x64xf32, #tpu.memory_space<vmem>>[vector<16xi32>, vector<16xi32>], vector<16xf32>,
        %parallel_loop3A_461 = arith.constant 3 : i32
        %parallel_loop3A_462 = arith.shrsi %parallel_loop3A_400, %parallel_loop3A_461 : i32
        %parallel_loop3A_463 = arith.constant 7 : i32
        %parallel_loop3A_464 = arith.andi %parallel_loop3A_400, %parallel_loop3A_463 : i32
        %parallel_loop3A_465 = arith.constant 0 : i32
        %parallel_loop3A_466 = arith.constant 0 : i32
        %parallel_loop3A_467 = arith.constant 0 : i32
        %parallel_loop3A_468 = tpu.memref_slice %arg7[%parallel_loop3A_253, %parallel_loop3A_465, %parallel_loop3A_466, %parallel_loop3A_467] : memref<4x8x8x128xf32, #tpu.memory_space<vmem>> -> memref<1x8x8x128xf32, #tpu.memory_space<vmem>>
        %parallel_loop3A_469 = tpu.memref_squeeze %parallel_loop3A_468 : memref<1x8x8x128xf32, #tpu.memory_space<vmem>> -> memref<8x8x128xf32, #tpu.memory_space<vmem>>
        %parallel_loop3A_470 = arith.index_cast %parallel_loop3A_462 : i32 to index
        %parallel_loop3A_471 = arith.index_cast %parallel_loop3A_464 : i32 to index
        %parallel_loop3A_472 = arith.constant 48 : index
        %parallel_loop3A_473 = tpu.vector_load %parallel_loop3A_469[%parallel_loop3A_470, %parallel_loop3A_471, %parallel_loop3A_472] {strides = array<i32>} : memref<8x8x128xf32, #tpu.memory_space<vmem>>, vector<16xf32>,
        tpu.vector_store %parallel_loop3A_469[%parallel_loop3A_470, %parallel_loop3A_471, %parallel_loop3A_472], %parallel_loop3A_460 {strides = array<i32>} : memref<8x8x128xf32, #tpu.memory_space<vmem>>, vector<16xf32>,
        %parallel_loop3A_474 = arith.constant 0 : i32
        %parallel_loop3A_475 = arith.constant 0 : i32
        %parallel_loop3A_476 = tpu.memref_slice %arg6[%parallel_loop3A_252, %parallel_loop3A_474, %parallel_loop3A_475] : memref<4x128x64xf32, #tpu.memory_space<vmem>> -> memref<1x128x64xf32, #tpu.memory_space<vmem>>
        %parallel_loop3A_477 = tpu.memref_squeeze %parallel_loop3A_476 : memref<1x128x64xf32, #tpu.memory_space<vmem>> -> memref<128x64xf32, #tpu.memory_space<vmem>>
        %parallel_loop3A_478 = tpu.vector_load_idx %parallel_loop3A_477[%add3A_64, %parallel_loop3A_401] : memref<128x64xf32, #tpu.memory_space<vmem>>[vector<16xi32>, vector<16xi32>], vector<16xf32>,
        %parallel_loop3A_479 = arith.constant 3 : i32
        %parallel_loop3A_480 = arith.shrsi %parallel_loop3A_400, %parallel_loop3A_479 : i32
        %parallel_loop3A_481 = arith.constant 7 : i32
        %parallel_loop3A_482 = arith.andi %parallel_loop3A_400, %parallel_loop3A_481 : i32
        %parallel_loop3A_483 = arith.constant 0 : i32
        %parallel_loop3A_484 = arith.constant 0 : i32
        %parallel_loop3A_485 = arith.constant 0 : i32
        %parallel_loop3A_486 = tpu.memref_slice %arg7[%parallel_loop3A_253, %parallel_loop3A_483, %parallel_loop3A_484, %parallel_loop3A_485] : memref<4x8x8x128xf32, #tpu.memory_space<vmem>> -> memref<1x8x8x128xf32, #tpu.memory_space<vmem>>
        %parallel_loop3A_487 = tpu.memref_squeeze %parallel_loop3A_486 : memref<1x8x8x128xf32, #tpu.memory_space<vmem>> -> memref<8x8x128xf32, #tpu.memory_space<vmem>>
        %parallel_loop3A_488 = arith.index_cast %parallel_loop3A_480 : i32 to index
        %parallel_loop3A_489 = arith.index_cast %parallel_loop3A_482 : i32 to index
        %parallel_loop3A_490 = arith.constant 64 : index
        %parallel_loop3A_491 = tpu.vector_load %parallel_loop3A_487[%parallel_loop3A_488, %parallel_loop3A_489, %parallel_loop3A_490] {strides = array<i32>} : memref<8x8x128xf32, #tpu.memory_space<vmem>>, vector<16xf32>,
        tpu.vector_store %parallel_loop3A_487[%parallel_loop3A_488, %parallel_loop3A_489, %parallel_loop3A_490], %parallel_loop3A_478 {strides = array<i32>} : memref<8x8x128xf32, #tpu.memory_space<vmem>>, vector<16xf32>,
        %parallel_loop3A_492 = arith.constant 0 : i32
        %parallel_loop3A_493 = arith.constant 0 : i32
        %parallel_loop3A_494 = tpu.memref_slice %arg6[%parallel_loop3A_252, %parallel_loop3A_492, %parallel_loop3A_493] : memref<4x128x64xf32, #tpu.memory_space<vmem>> -> memref<1x128x64xf32, #tpu.memory_space<vmem>>
        %parallel_loop3A_495 = tpu.memref_squeeze %parallel_loop3A_494 : memref<1x128x64xf32, #tpu.memory_space<vmem>> -> memref<128x64xf32, #tpu.memory_space<vmem>>
        %parallel_loop3A_496 = tpu.vector_load_idx %parallel_loop3A_495[%add3A_67, %parallel_loop3A_401] : memref<128x64xf32, #tpu.memory_space<vmem>>[vector<16xi32>, vector<16xi32>], vector<16xf32>,
        %parallel_loop3A_497 = arith.constant 3 : i32
        %parallel_loop3A_498 = arith.shrsi %parallel_loop3A_400, %parallel_loop3A_497 : i32
        %parallel_loop3A_499 = arith.constant 7 : i32
        %parallel_loop3A_500 = arith.andi %parallel_loop3A_400, %parallel_loop3A_499 : i32
        %parallel_loop3A_501 = arith.constant 0 : i32
        %parallel_loop3A_502 = arith.constant 0 : i32
        %parallel_loop3A_503 = arith.constant 0 : i32
        %parallel_loop3A_504 = tpu.memref_slice %arg7[%parallel_loop3A_253, %parallel_loop3A_501, %parallel_loop3A_502, %parallel_loop3A_503] : memref<4x8x8x128xf32, #tpu.memory_space<vmem>> -> memref<1x8x8x128xf32, #tpu.memory_space<vmem>>
        %parallel_loop3A_505 = tpu.memref_squeeze %parallel_loop3A_504 : memref<1x8x8x128xf32, #tpu.memory_space<vmem>> -> memref<8x8x128xf32, #tpu.memory_space<vmem>>
        %parallel_loop3A_506 = arith.index_cast %parallel_loop3A_498 : i32 to index
        %parallel_loop3A_507 = arith.index_cast %parallel_loop3A_500 : i32 to index
        %parallel_loop3A_508 = arith.constant 80 : index
        %parallel_loop3A_509 = tpu.vector_load %parallel_loop3A_505[%parallel_loop3A_506, %parallel_loop3A_507, %parallel_loop3A_508] {strides = array<i32>} : memref<8x8x128xf32, #tpu.memory_space<vmem>>, vector<16xf32>,
        tpu.vector_store %parallel_loop3A_505[%parallel_loop3A_506, %parallel_loop3A_507, %parallel_loop3A_508], %parallel_loop3A_496 {strides = array<i32>} : memref<8x8x128xf32, #tpu.memory_space<vmem>>, vector<16xf32>,
        %parallel_loop3A_510 = arith.constant 0 : i32
        %parallel_loop3A_511 = arith.constant 0 : i32
        %parallel_loop3A_512 = tpu.memref_slice %arg6[%parallel_loop3A_252, %parallel_loop3A_510, %parallel_loop3A_511] : memref<4x128x64xf32, #tpu.memory_space<vmem>> -> memref<1x128x64xf32, #tpu.memory_space<vmem>>
        %parallel_loop3A_513 = tpu.memref_squeeze %parallel_loop3A_512 : memref<1x128x64xf32, #tpu.memory_space<vmem>> -> memref<128x64xf32, #tpu.memory_space<vmem>>
        %parallel_loop3A_514 = tpu.vector_load_idx %parallel_loop3A_513[%add3A_70, %parallel_loop3A_401] : memref<128x64xf32, #tpu.memory_space<vmem>>[vector<16xi32>, vector<16xi32>], vector<16xf32>,
        %parallel_loop3A_515 = arith.constant 3 : i32
        %parallel_loop3A_516 = arith.shrsi %parallel_loop3A_400, %parallel_loop3A_515 : i32
        %parallel_loop3A_517 = arith.constant 7 : i32
        %parallel_loop3A_518 = arith.andi %parallel_loop3A_400, %parallel_loop3A_517 : i32
        %parallel_loop3A_519 = arith.constant 0 : i32
        %parallel_loop3A_520 = arith.constant 0 : i32
        %parallel_loop3A_521 = arith.constant 0 : i32
        %parallel_loop3A_522 = tpu.memref_slice %arg7[%parallel_loop3A_253, %parallel_loop3A_519, %parallel_loop3A_520, %parallel_loop3A_521] : memref<4x8x8x128xf32, #tpu.memory_space<vmem>> -> memref<1x8x8x128xf32, #tpu.memory_space<vmem>>
        %parallel_loop3A_523 = tpu.memref_squeeze %parallel_loop3A_522 : memref<1x8x8x128xf32, #tpu.memory_space<vmem>> -> memref<8x8x128xf32, #tpu.memory_space<vmem>>
        %parallel_loop3A_524 = arith.index_cast %parallel_loop3A_516 : i32 to index
        %parallel_loop3A_525 = arith.index_cast %parallel_loop3A_518 : i32 to index
        %parallel_loop3A_526 = arith.constant 96 : index
        %parallel_loop3A_527 = tpu.vector_load %parallel_loop3A_523[%parallel_loop3A_524, %parallel_loop3A_525, %parallel_loop3A_526] {strides = array<i32>} : memref<8x8x128xf32, #tpu.memory_space<vmem>>, vector<16xf32>,
        tpu.vector_store %parallel_loop3A_523[%parallel_loop3A_524, %parallel_loop3A_525, %parallel_loop3A_526], %parallel_loop3A_514 {strides = array<i32>} : memref<8x8x128xf32, #tpu.memory_space<vmem>>, vector<16xf32>,
        %parallel_loop3A_528 = arith.constant 0 : i32
        %parallel_loop3A_529 = arith.constant 0 : i32
        %parallel_loop3A_530 = tpu.memref_slice %arg6[%parallel_loop3A_252, %parallel_loop3A_528, %parallel_loop3A_529] : memref<4x128x64xf32, #tpu.memory_space<vmem>> -> memref<1x128x64xf32, #tpu.memory_space<vmem>>
        %parallel_loop3A_531 = tpu.memref_squeeze %parallel_loop3A_530 : memref<1x128x64xf32, #tpu.memory_space<vmem>> -> memref<128x64xf32, #tpu.memory_space<vmem>>
        %parallel_loop3A_532 = tpu.vector_load_idx %parallel_loop3A_531[%add3A_73, %parallel_loop3A_401] : memref<128x64xf32, #tpu.memory_space<vmem>>[vector<16xi32>, vector<16xi32>], vector<16xf32>,
        %parallel_loop3A_533 = arith.constant 3 : i32
        %parallel_loop3A_534 = arith.shrsi %parallel_loop3A_400, %parallel_loop3A_533 : i32
        %parallel_loop3A_535 = arith.constant 7 : i32
        %parallel_loop3A_536 = arith.andi %parallel_loop3A_400, %parallel_loop3A_535 : i32
        %parallel_loop3A_537 = arith.constant 0 : i32
        %parallel_loop3A_538 = arith.constant 0 : i32
        %parallel_loop3A_539 = arith.constant 0 : i32
        %parallel_loop3A_540 = tpu.memref_slice %arg7[%parallel_loop3A_253, %parallel_loop3A_537, %parallel_loop3A_538, %parallel_loop3A_539] : memref<4x8x8x128xf32, #tpu.memory_space<vmem>> -> memref<1x8x8x128xf32, #tpu.memory_space<vmem>>
        %parallel_loop3A_541 = tpu.memref_squeeze %parallel_loop3A_540 : memref<1x8x8x128xf32, #tpu.memory_space<vmem>> -> memref<8x8x128xf32, #tpu.memory_space<vmem>>
        %parallel_loop3A_542 = arith.index_cast %parallel_loop3A_534 : i32 to index
        %parallel_loop3A_543 = arith.index_cast %parallel_loop3A_536 : i32 to index
        %parallel_loop3A_544 = arith.constant 112 : index
        %parallel_loop3A_545 = tpu.vector_load %parallel_loop3A_541[%parallel_loop3A_542, %parallel_loop3A_543, %parallel_loop3A_544] {strides = array<i32>} : memref<8x8x128xf32, #tpu.memory_space<vmem>>, vector<16xf32>,
        tpu.vector_store %parallel_loop3A_541[%parallel_loop3A_542, %parallel_loop3A_543, %parallel_loop3A_544], %parallel_loop3A_532 {strides = array<i32>} : memref<8x8x128xf32, #tpu.memory_space<vmem>>, vector<16xf32>,
      } {sc.loop_unroll_factor = 16 : i64, sc.parallel_access}
      %dma_start3A_254 = arith.constant 1 : i32
      %dma_start3A_255 = arith.constant 0 : i32
      %dma_start3A_256 = arith.constant 0 : i32
      %dma_start3A_257 = arith.constant 0 : i32
      %dma_start3A_258 = tpu.memref_slice %arg7[%dma_start3A_254, %dma_start3A_255, %dma_start3A_256, %dma_start3A_257] : memref<4x8x8x128xf32, #tpu.memory_space<vmem>> -> memref<1x8x8x128xf32, #tpu.memory_space<vmem>>
      %dma_start3A_259 = tpu.memref_squeeze %dma_start3A_258 : memref<1x8x8x128xf32, #tpu.memory_space<vmem>> -> memref<8x8x128xf32, #tpu.memory_space<vmem>>
      %dma_start3A_260 = arith.constant 0 : i32
      %dma_start3A_261 = arith.constant 0 : i32
      %dma_start3A_262 = arith.constant 0 : i32
      %dma_start3A_263 = tpu.memref_slice %arg4[%shift_right_arithmetic3A_229, %dma_start3A_260, %and3A_231, %dma_start3A_261, %dma_start3A_262] : memref<50x8x128x8x128xf32, #tpu.memory_space<hbm>> -> memref<1x8x1x8x128xf32, #tpu.memory_space<hbm>>
      %dma_start3A_264 = tpu.memref_squeeze %dma_start3A_263 : memref<1x8x1x8x128xf32, #tpu.memory_space<hbm>> -> memref<8x8x128xf32, #tpu.memory_space<hbm>>
      %dma_start3A_265 = arith.constant 0 : i32
      %dma_start3A_266 = arith.constant 0 : i32
      %dma_start3A_267 = arith.constant 0 : i32
      %dma_start3A_268 = tpu.memref_slice %arg4[%shift_right_arithmetic3A_229, %dma_start3A_265, %and3A_231, %dma_start3A_266, %dma_start3A_267] : memref<50x8x128x8x128xf32, #tpu.memory_space<hbm>> -> memref<1x8x1x8x128xf32, #tpu.memory_space<hbm>>
      %dma_start3A_269 = tpu.memref_squeeze %dma_start3A_268 : memref<1x8x1x8x128xf32, #tpu.memory_space<hbm>> -> memref<8x8x128xf32, #tpu.memory_space<hbm>>
      %dma_start3A_270 = arith.constant 0 : i32
      %dma_start3A_271 = arith.constant 0 : i32
      %dma_start3A_272 = arith.constant 0 : i32
      %dma_start3A_273 = tpu.memref_slice %arg7[%dma_start3A_254, %dma_start3A_270, %dma_start3A_271, %dma_start3A_272] : memref<4x8x8x128xf32, #tpu.memory_space<vmem>> -> memref<1x8x8x128xf32, #tpu.memory_space<vmem>>
      %dma_start3A_274 = tpu.memref_squeeze %dma_start3A_273 : memref<1x8x8x128xf32, #tpu.memory_space<vmem>> -> memref<8x8x128xf32, #tpu.memory_space<vmem>>
      tpu.enqueue_dma source(%dma_start3A_274 : memref<8x8x128xf32, #tpu.memory_space<vmem>>) target(%dma_start3A_269 : memref<8x8x128xf32, #tpu.memory_space<hbm>>) target_semaphore(%arg13 : memref<!tpu.dma_semaphore, #tpu.memory_space<semaphore_mem>>)
      %add3A_275 = arith.constant 4 : i32
      %add3A_276 = arith.addi %add3A_226, %add3A_275 : i32
      %lt3A_277 = arith.constant 200 : i32
      %lt3A_278 = arith.cmpi slt, %add3A_276, %lt3A_277 : i32
      %convert_element_type3A_279 = arith.extui %lt3A_278 : i1 to i32
      %cond3A_280 = arith.constant 0 : i32
      %cond3A_281 = arith.cmpi ne, %convert_element_type3A_279, %cond3A_280 : i32
      scf.if %cond3A_281 {
        %add3A_400 = arith.constant 4 : i32
        %add3A_401 = arith.addi %add3A_226, %add3A_400 : i32
        %dma_start3A_402 = arith.constant 1 : i32
        %dma_start3A_403 = arith.constant 0 : i32
        %dma_start3A_404 = arith.constant 0 : i32
        %dma_start3A_405 = tpu.memref_slice %arg6[%dma_start3A_402, %dma_start3A_403, %dma_start3A_404] : memref<4x128x64xf32, #tpu.memory_space<vmem>> -> memref<1x128x64xf32, #tpu.memory_space<vmem>>
        %dma_start3A_406 = tpu.memref_squeeze %dma_start3A_405 : memref<1x128x64xf32, #tpu.memory_space<vmem>> -> memref<128x64xf32, #tpu.memory_space<vmem>>
        %dma_start3A_407 = arith.constant 0 : i32
        %dma_start3A_408 = tpu.memref_slice %arg5[%add3A_401, %dma_start3A_407] : memref<200x128xi32, #tpu.memory_space<vmem>> -> memref<1x128xi32, #tpu.memory_space<vmem>>
        %dma_start3A_409 = tpu.memref_squeeze %dma_start3A_408 : memref<1x128xi32, #tpu.memory_space<vmem>> -> memref<128xi32, #tpu.memory_space<vmem>>
        %dma_start3A_410 = arith.constant 0 : i32
        %dma_start3A_411 = arith.constant 0 : i32
        %dma_start3A_412 = tpu.memref_slice %arg3[%dma_start3A_410, %dma_start3A_411] : memref<1000000x64xf32, #tpu.memory_space<hbm>> -> memref<1000000x64xf32, #tpu.memory_space<hbm>>
        tpu.enqueue_indirect_dma source(%dma_start3A_412 : memref<1000000x64xf32, #tpu.memory_space<hbm>>) target(%dma_start3A_406 : memref<128x64xf32, #tpu.memory_space<vmem>>) offsets(%dma_start3A_409 : memref<128xi32, #tpu.memory_space<vmem>>) semaphore(%arg9 : memref<!tpu.dma_semaphore, #tpu.memory_space<semaphore_mem>>)
      } else {
      }
      %mul3A_282 = arith.constant 4 : i32
      %mul3A_283 = arith.muli %scan3A_170, %mul3A_282 : i32
      %add3A_284 = arith.constant 2 : i32
      %add3A_285 = arith.addi %mul3A_283, %add3A_284 : i32
      %add3A_286 = arith.addi %mul3A_2, %add3A_285 : i32
      %shift_right_arithmetic3A_287 = arith.constant 7 : i32
      %shift_right_arithmetic3A_288 = arith.shrsi %add3A_286, %shift_right_arithmetic3A_287 : i32
      %and3A_289 = arith.constant 127 : i32
      %and3A_290 = arith.andi %add3A_286, %and3A_289 : i32
      %dma_wait3A_291 = arith.constant 2 : i32
      %dma_wait3A_292 = arith.constant 2 : i32
      %dma_wait3A_293 = arith.constant 0 : i32
      %dma_wait3A_294 = arith.constant 0 : i32
      %dma_wait3A_295 = tpu.memref_slice %arg6[%dma_wait3A_292, %dma_wait3A_293, %dma_wait3A_294] : memref<4x128x64xf32, #tpu.memory_space<vmem>> -> memref<1x128x64xf32, #tpu.memory_space<vmem>>
      %dma_wait3A_296 = tpu.memref_squeeze %dma_wait3A_295 : memref<1x128x64xf32, #tpu.memory_space<vmem>> -> memref<128x64xf32, #tpu.memory_space<vmem>>
      %dma_wait3A_297 = arith.constant 0 : i32
      %dma_wait3A_298 = tpu.memref_slice %arg5[%dma_wait3A_291, %dma_wait3A_297] : memref<200x128xi32, #tpu.memory_space<vmem>> -> memref<1x128xi32, #tpu.memory_space<vmem>>
      %dma_wait3A_299 = tpu.memref_squeeze %dma_wait3A_298 : memref<1x128xi32, #tpu.memory_space<vmem>> -> memref<128xi32, #tpu.memory_space<vmem>>
      %dma_wait3A_300 = arith.constant 0 : i32
      %dma_wait3A_301 = arith.constant 0 : i32
      %dma_wait3A_302 = tpu.memref_slice %arg3[%dma_wait3A_300, %dma_wait3A_301] : memref<1000000x64xf32, #tpu.memory_space<hbm>> -> memref<1000000x64xf32, #tpu.memory_space<hbm>>
      tpu.wait_indirect_dma semaphore(%arg10 : memref<!tpu.dma_semaphore, #tpu.memory_space<semaphore_mem>>) src(%dma_wait3A_302 : memref<1000000x64xf32, #tpu.memory_space<hbm>>) dst(%dma_wait3A_296 : memref<128x64xf32, #tpu.memory_space<vmem>>)
      %ge3A_303 = arith.constant 4 : i32
      %ge3A_304 = arith.cmpi sge, %add3A_285, %ge3A_303 : i32
      %convert_element_type3A_305 = arith.extui %ge3A_304 : i1 to i32
      %cond3A_306 = arith.constant 0 : i32
      %cond3A_307 = arith.cmpi ne, %convert_element_type3A_305, %cond3A_306 : i32
      scf.if %cond3A_307 {
        %dma_wait3A_400 = arith.constant 2 : i32
        %dma_wait3A_401 = arith.constant 0 : i32
        %dma_wait3A_402 = arith.constant 0 : i32
        %dma_wait3A_403 = arith.constant 0 : i32
        %dma_wait3A_404 = arith.constant 0 : i32
        %dma_wait3A_405 = arith.constant 0 : i32
        %dma_wait3A_406 = tpu.memref_slice %arg7[%dma_wait3A_400, %dma_wait3A_403, %dma_wait3A_404, %dma_wait3A_405] : memref<4x8x8x128xf32, #tpu.memory_space<vmem>> -> memref<1x8x8x128xf32, #tpu.memory_space<vmem>>
        %dma_wait3A_407 = tpu.memref_squeeze %dma_wait3A_406 : memref<1x8x8x128xf32, #tpu.memory_space<vmem>> -> memref<8x8x128xf32, #tpu.memory_space<vmem>>
        %dma_wait3A_408 = arith.constant 0 : i32
        %dma_wait3A_409 = arith.constant 0 : i32
        %dma_wait3A_410 = arith.constant 0 : i32
        %dma_wait3A_411 = tpu.memref_slice %arg4[%dma_wait3A_401, %dma_wait3A_408, %dma_wait3A_402, %dma_wait3A_409, %dma_wait3A_410] : memref<50x8x128x8x128xf32, #tpu.memory_space<hbm>> -> memref<1x8x1x8x128xf32, #tpu.memory_space<hbm>>
        %dma_wait3A_412 = tpu.memref_squeeze %dma_wait3A_411 : memref<1x8x1x8x128xf32, #tpu.memory_space<hbm>> -> memref<8x8x128xf32, #tpu.memory_space<hbm>>
        %dma_wait3A_413 = arith.constant 0 : i32
        %dma_wait3A_414 = arith.constant 0 : i32
        %dma_wait3A_415 = arith.constant 0 : i32
        %dma_wait3A_416 = tpu.memref_slice %arg4[%dma_wait3A_401, %dma_wait3A_413, %dma_wait3A_402, %dma_wait3A_414, %dma_wait3A_415] : memref<50x8x128x8x128xf32, #tpu.memory_space<hbm>> -> memref<1x8x1x8x128xf32, #tpu.memory_space<hbm>>
        %dma_wait3A_417 = tpu.memref_squeeze %dma_wait3A_416 : memref<1x8x1x8x128xf32, #tpu.memory_space<hbm>> -> memref<8x8x128xf32, #tpu.memory_space<hbm>>
        %dma_wait3A_418 = arith.constant 0 : i32
        %dma_wait3A_419 = arith.constant 0 : i32
        %dma_wait3A_420 = arith.constant 0 : i32
        %dma_wait3A_421 = tpu.memref_slice %arg7[%dma_wait3A_400, %dma_wait3A_418, %dma_wait3A_419, %dma_wait3A_420] : memref<4x8x8x128xf32, #tpu.memory_space<vmem>> -> memref<1x8x8x128xf32, #tpu.memory_space<vmem>>
        %dma_wait3A_422 = tpu.memref_squeeze %dma_wait3A_421 : memref<1x8x8x128xf32, #tpu.memory_space<vmem>> -> memref<8x8x128xf32, #tpu.memory_space<vmem>>
        tpu.wait_dma2 semaphore(%arg14 : memref<!tpu.dma_semaphore, #tpu.memory_space<semaphore_mem>>) src(%dma_wait3A_422 : memref<8x8x128xf32, #tpu.memory_space<vmem>>) dst(%dma_wait3A_417 : memref<8x8x128xf32, #tpu.memory_space<hbm>>)
      } else {
      }
      %parallel_loop3A_308 = arith.constant 0 : i32
      %parallel_loop3A_309 = arith.constant 64 : i32
      %parallel_loop3A_310 = arith.constant 1 : i32
      %parallel_loop3A_311 = arith.constant 2 : i32
      %parallel_loop3A_312 = arith.constant 2 : i32
      scf.for %parallel_loop3A_400 = %parallel_loop3A_308 to %parallel_loop3A_309 step %parallel_loop3A_310  : i32 {
        %parallel_loop3A_401 = vector.broadcast %parallel_loop3A_400 : i32 to vector<16xi32>
        %parallel_loop3A_402 = arith.constant 0 : i32
        %parallel_loop3A_403 = arith.constant 0 : i32
        %parallel_loop3A_404 = tpu.memref_slice %arg6[%parallel_loop3A_311, %parallel_loop3A_402, %parallel_loop3A_403] : memref<4x128x64xf32, #tpu.memory_space<vmem>> -> memref<1x128x64xf32, #tpu.memory_space<vmem>>
        %parallel_loop3A_405 = tpu.memref_squeeze %parallel_loop3A_404 : memref<1x128x64xf32, #tpu.memory_space<vmem>> -> memref<128x64xf32, #tpu.memory_space<vmem>>
        %parallel_loop3A_406 = tpu.vector_load_idx %parallel_loop3A_405[%add3A_52, %parallel_loop3A_401] : memref<128x64xf32, #tpu.memory_space<vmem>>[vector<16xi32>, vector<16xi32>], vector<16xf32>,
        %parallel_loop3A_407 = arith.constant 3 : i32
        %parallel_loop3A_408 = arith.shrsi %parallel_loop3A_400, %parallel_loop3A_407 : i32
        %parallel_loop3A_409 = arith.constant 7 : i32
        %parallel_loop3A_410 = arith.andi %parallel_loop3A_400, %parallel_loop3A_409 : i32
        %parallel_loop3A_411 = arith.constant 0 : i32
        %parallel_loop3A_412 = arith.constant 0 : i32
        %parallel_loop3A_413 = arith.constant 0 : i32
        %parallel_loop3A_414 = tpu.memref_slice %arg7[%parallel_loop3A_312, %parallel_loop3A_411, %parallel_loop3A_412, %parallel_loop3A_413] : memref<4x8x8x128xf32, #tpu.memory_space<vmem>> -> memref<1x8x8x128xf32, #tpu.memory_space<vmem>>
        %parallel_loop3A_415 = tpu.memref_squeeze %parallel_loop3A_414 : memref<1x8x8x128xf32, #tpu.memory_space<vmem>> -> memref<8x8x128xf32, #tpu.memory_space<vmem>>
        %parallel_loop3A_416 = arith.index_cast %parallel_loop3A_408 : i32 to index
        %parallel_loop3A_417 = arith.index_cast %parallel_loop3A_410 : i32 to index
        %parallel_loop3A_418 = arith.constant 0 : index
        %parallel_loop3A_419 = tpu.vector_load %parallel_loop3A_415[%parallel_loop3A_416, %parallel_loop3A_417, %parallel_loop3A_418] {strides = array<i32>} : memref<8x8x128xf32, #tpu.memory_space<vmem>>, vector<16xf32>,
        tpu.vector_store %parallel_loop3A_415[%parallel_loop3A_416, %parallel_loop3A_417, %parallel_loop3A_418], %parallel_loop3A_406 {strides = array<i32>} : memref<8x8x128xf32, #tpu.memory_space<vmem>>, vector<16xf32>,
        %parallel_loop3A_420 = arith.constant 0 : i32
        %parallel_loop3A_421 = arith.constant 0 : i32
        %parallel_loop3A_422 = tpu.memref_slice %arg6[%parallel_loop3A_311, %parallel_loop3A_420, %parallel_loop3A_421] : memref<4x128x64xf32, #tpu.memory_space<vmem>> -> memref<1x128x64xf32, #tpu.memory_space<vmem>>
        %parallel_loop3A_423 = tpu.memref_squeeze %parallel_loop3A_422 : memref<1x128x64xf32, #tpu.memory_space<vmem>> -> memref<128x64xf32, #tpu.memory_space<vmem>>
        %parallel_loop3A_424 = tpu.vector_load_idx %parallel_loop3A_423[%add3A_55, %parallel_loop3A_401] : memref<128x64xf32, #tpu.memory_space<vmem>>[vector<16xi32>, vector<16xi32>], vector<16xf32>,
        %parallel_loop3A_425 = arith.constant 3 : i32
        %parallel_loop3A_426 = arith.shrsi %parallel_loop3A_400, %parallel_loop3A_425 : i32
        %parallel_loop3A_427 = arith.constant 7 : i32
        %parallel_loop3A_428 = arith.andi %parallel_loop3A_400, %parallel_loop3A_427 : i32
        %parallel_loop3A_429 = arith.constant 0 : i32
        %parallel_loop3A_430 = arith.constant 0 : i32
        %parallel_loop3A_431 = arith.constant 0 : i32
        %parallel_loop3A_432 = tpu.memref_slice %arg7[%parallel_loop3A_312, %parallel_loop3A_429, %parallel_loop3A_430, %parallel_loop3A_431] : memref<4x8x8x128xf32, #tpu.memory_space<vmem>> -> memref<1x8x8x128xf32, #tpu.memory_space<vmem>>
        %parallel_loop3A_433 = tpu.memref_squeeze %parallel_loop3A_432 : memref<1x8x8x128xf32, #tpu.memory_space<vmem>> -> memref<8x8x128xf32, #tpu.memory_space<vmem>>
        %parallel_loop3A_434 = arith.index_cast %parallel_loop3A_426 : i32 to index
        %parallel_loop3A_435 = arith.index_cast %parallel_loop3A_428 : i32 to index
        %parallel_loop3A_436 = arith.constant 16 : index
        %parallel_loop3A_437 = tpu.vector_load %parallel_loop3A_433[%parallel_loop3A_434, %parallel_loop3A_435, %parallel_loop3A_436] {strides = array<i32>} : memref<8x8x128xf32, #tpu.memory_space<vmem>>, vector<16xf32>,
        tpu.vector_store %parallel_loop3A_433[%parallel_loop3A_434, %parallel_loop3A_435, %parallel_loop3A_436], %parallel_loop3A_424 {strides = array<i32>} : memref<8x8x128xf32, #tpu.memory_space<vmem>>, vector<16xf32>,
        %parallel_loop3A_438 = arith.constant 0 : i32
        %parallel_loop3A_439 = arith.constant 0 : i32
        %parallel_loop3A_440 = tpu.memref_slice %arg6[%parallel_loop3A_311, %parallel_loop3A_438, %parallel_loop3A_439] : memref<4x128x64xf32, #tpu.memory_space<vmem>> -> memref<1x128x64xf32, #tpu.memory_space<vmem>>
        %parallel_loop3A_441 = tpu.memref_squeeze %parallel_loop3A_440 : memref<1x128x64xf32, #tpu.memory_space<vmem>> -> memref<128x64xf32, #tpu.memory_space<vmem>>
        %parallel_loop3A_442 = tpu.vector_load_idx %parallel_loop3A_441[%add3A_58, %parallel_loop3A_401] : memref<128x64xf32, #tpu.memory_space<vmem>>[vector<16xi32>, vector<16xi32>], vector<16xf32>,
        %parallel_loop3A_443 = arith.constant 3 : i32
        %parallel_loop3A_444 = arith.shrsi %parallel_loop3A_400, %parallel_loop3A_443 : i32
        %parallel_loop3A_445 = arith.constant 7 : i32
        %parallel_loop3A_446 = arith.andi %parallel_loop3A_400, %parallel_loop3A_445 : i32
        %parallel_loop3A_447 = arith.constant 0 : i32
        %parallel_loop3A_448 = arith.constant 0 : i32
        %parallel_loop3A_449 = arith.constant 0 : i32
        %parallel_loop3A_450 = tpu.memref_slice %arg7[%parallel_loop3A_312, %parallel_loop3A_447, %parallel_loop3A_448, %parallel_loop3A_449] : memref<4x8x8x128xf32, #tpu.memory_space<vmem>> -> memref<1x8x8x128xf32, #tpu.memory_space<vmem>>
        %parallel_loop3A_451 = tpu.memref_squeeze %parallel_loop3A_450 : memref<1x8x8x128xf32, #tpu.memory_space<vmem>> -> memref<8x8x128xf32, #tpu.memory_space<vmem>>
        %parallel_loop3A_452 = arith.index_cast %parallel_loop3A_444 : i32 to index
        %parallel_loop3A_453 = arith.index_cast %parallel_loop3A_446 : i32 to index
        %parallel_loop3A_454 = arith.constant 32 : index
        %parallel_loop3A_455 = tpu.vector_load %parallel_loop3A_451[%parallel_loop3A_452, %parallel_loop3A_453, %parallel_loop3A_454] {strides = array<i32>} : memref<8x8x128xf32, #tpu.memory_space<vmem>>, vector<16xf32>,
        tpu.vector_store %parallel_loop3A_451[%parallel_loop3A_452, %parallel_loop3A_453, %parallel_loop3A_454], %parallel_loop3A_442 {strides = array<i32>} : memref<8x8x128xf32, #tpu.memory_space<vmem>>, vector<16xf32>,
        %parallel_loop3A_456 = arith.constant 0 : i32
        %parallel_loop3A_457 = arith.constant 0 : i32
        %parallel_loop3A_458 = tpu.memref_slice %arg6[%parallel_loop3A_311, %parallel_loop3A_456, %parallel_loop3A_457] : memref<4x128x64xf32, #tpu.memory_space<vmem>> -> memref<1x128x64xf32, #tpu.memory_space<vmem>>
        %parallel_loop3A_459 = tpu.memref_squeeze %parallel_loop3A_458 : memref<1x128x64xf32, #tpu.memory_space<vmem>> -> memref<128x64xf32, #tpu.memory_space<vmem>>
        %parallel_loop3A_460 = tpu.vector_load_idx %parallel_loop3A_459[%add3A_61, %parallel_loop3A_401] : memref<128x64xf32, #tpu.memory_space<vmem>>[vector<16xi32>, vector<16xi32>], vector<16xf32>,
        %parallel_loop3A_461 = arith.constant 3 : i32
        %parallel_loop3A_462 = arith.shrsi %parallel_loop3A_400, %parallel_loop3A_461 : i32
        %parallel_loop3A_463 = arith.constant 7 : i32
        %parallel_loop3A_464 = arith.andi %parallel_loop3A_400, %parallel_loop3A_463 : i32
        %parallel_loop3A_465 = arith.constant 0 : i32
        %parallel_loop3A_466 = arith.constant 0 : i32
        %parallel_loop3A_467 = arith.constant 0 : i32
        %parallel_loop3A_468 = tpu.memref_slice %arg7[%parallel_loop3A_312, %parallel_loop3A_465, %parallel_loop3A_466, %parallel_loop3A_467] : memref<4x8x8x128xf32, #tpu.memory_space<vmem>> -> memref<1x8x8x128xf32, #tpu.memory_space<vmem>>
        %parallel_loop3A_469 = tpu.memref_squeeze %parallel_loop3A_468 : memref<1x8x8x128xf32, #tpu.memory_space<vmem>> -> memref<8x8x128xf32, #tpu.memory_space<vmem>>
        %parallel_loop3A_470 = arith.index_cast %parallel_loop3A_462 : i32 to index
        %parallel_loop3A_471 = arith.index_cast %parallel_loop3A_464 : i32 to index
        %parallel_loop3A_472 = arith.constant 48 : index
        %parallel_loop3A_473 = tpu.vector_load %parallel_loop3A_469[%parallel_loop3A_470, %parallel_loop3A_471, %parallel_loop3A_472] {strides = array<i32>} : memref<8x8x128xf32, #tpu.memory_space<vmem>>, vector<16xf32>,
        tpu.vector_store %parallel_loop3A_469[%parallel_loop3A_470, %parallel_loop3A_471, %parallel_loop3A_472], %parallel_loop3A_460 {strides = array<i32>} : memref<8x8x128xf32, #tpu.memory_space<vmem>>, vector<16xf32>,
        %parallel_loop3A_474 = arith.constant 0 : i32
        %parallel_loop3A_475 = arith.constant 0 : i32
        %parallel_loop3A_476 = tpu.memref_slice %arg6[%parallel_loop3A_311, %parallel_loop3A_474, %parallel_loop3A_475] : memref<4x128x64xf32, #tpu.memory_space<vmem>> -> memref<1x128x64xf32, #tpu.memory_space<vmem>>
        %parallel_loop3A_477 = tpu.memref_squeeze %parallel_loop3A_476 : memref<1x128x64xf32, #tpu.memory_space<vmem>> -> memref<128x64xf32, #tpu.memory_space<vmem>>
        %parallel_loop3A_478 = tpu.vector_load_idx %parallel_loop3A_477[%add3A_64, %parallel_loop3A_401] : memref<128x64xf32, #tpu.memory_space<vmem>>[vector<16xi32>, vector<16xi32>], vector<16xf32>,
        %parallel_loop3A_479 = arith.constant 3 : i32
        %parallel_loop3A_480 = arith.shrsi %parallel_loop3A_400, %parallel_loop3A_479 : i32
        %parallel_loop3A_481 = arith.constant 7 : i32
        %parallel_loop3A_482 = arith.andi %parallel_loop3A_400, %parallel_loop3A_481 : i32
        %parallel_loop3A_483 = arith.constant 0 : i32
        %parallel_loop3A_484 = arith.constant 0 : i32
        %parallel_loop3A_485 = arith.constant 0 : i32
        %parallel_loop3A_486 = tpu.memref_slice %arg7[%parallel_loop3A_312, %parallel_loop3A_483, %parallel_loop3A_484, %parallel_loop3A_485] : memref<4x8x8x128xf32, #tpu.memory_space<vmem>> -> memref<1x8x8x128xf32, #tpu.memory_space<vmem>>
        %parallel_loop3A_487 = tpu.memref_squeeze %parallel_loop3A_486 : memref<1x8x8x128xf32, #tpu.memory_space<vmem>> -> memref<8x8x128xf32, #tpu.memory_space<vmem>>
        %parallel_loop3A_488 = arith.index_cast %parallel_loop3A_480 : i32 to index
        %parallel_loop3A_489 = arith.index_cast %parallel_loop3A_482 : i32 to index
        %parallel_loop3A_490 = arith.constant 64 : index
        %parallel_loop3A_491 = tpu.vector_load %parallel_loop3A_487[%parallel_loop3A_488, %parallel_loop3A_489, %parallel_loop3A_490] {strides = array<i32>} : memref<8x8x128xf32, #tpu.memory_space<vmem>>, vector<16xf32>,
        tpu.vector_store %parallel_loop3A_487[%parallel_loop3A_488, %parallel_loop3A_489, %parallel_loop3A_490], %parallel_loop3A_478 {strides = array<i32>} : memref<8x8x128xf32, #tpu.memory_space<vmem>>, vector<16xf32>,
        %parallel_loop3A_492 = arith.constant 0 : i32
        %parallel_loop3A_493 = arith.constant 0 : i32
        %parallel_loop3A_494 = tpu.memref_slice %arg6[%parallel_loop3A_311, %parallel_loop3A_492, %parallel_loop3A_493] : memref<4x128x64xf32, #tpu.memory_space<vmem>> -> memref<1x128x64xf32, #tpu.memory_space<vmem>>
        %parallel_loop3A_495 = tpu.memref_squeeze %parallel_loop3A_494 : memref<1x128x64xf32, #tpu.memory_space<vmem>> -> memref<128x64xf32, #tpu.memory_space<vmem>>
        %parallel_loop3A_496 = tpu.vector_load_idx %parallel_loop3A_495[%add3A_67, %parallel_loop3A_401] : memref<128x64xf32, #tpu.memory_space<vmem>>[vector<16xi32>, vector<16xi32>], vector<16xf32>,
        %parallel_loop3A_497 = arith.constant 3 : i32
        %parallel_loop3A_498 = arith.shrsi %parallel_loop3A_400, %parallel_loop3A_497 : i32
        %parallel_loop3A_499 = arith.constant 7 : i32
        %parallel_loop3A_500 = arith.andi %parallel_loop3A_400, %parallel_loop3A_499 : i32
        %parallel_loop3A_501 = arith.constant 0 : i32
        %parallel_loop3A_502 = arith.constant 0 : i32
        %parallel_loop3A_503 = arith.constant 0 : i32
        %parallel_loop3A_504 = tpu.memref_slice %arg7[%parallel_loop3A_312, %parallel_loop3A_501, %parallel_loop3A_502, %parallel_loop3A_503] : memref<4x8x8x128xf32, #tpu.memory_space<vmem>> -> memref<1x8x8x128xf32, #tpu.memory_space<vmem>>
        %parallel_loop3A_505 = tpu.memref_squeeze %parallel_loop3A_504 : memref<1x8x8x128xf32, #tpu.memory_space<vmem>> -> memref<8x8x128xf32, #tpu.memory_space<vmem>>
        %parallel_loop3A_506 = arith.index_cast %parallel_loop3A_498 : i32 to index
        %parallel_loop3A_507 = arith.index_cast %parallel_loop3A_500 : i32 to index
        %parallel_loop3A_508 = arith.constant 80 : index
        %parallel_loop3A_509 = tpu.vector_load %parallel_loop3A_505[%parallel_loop3A_506, %parallel_loop3A_507, %parallel_loop3A_508] {strides = array<i32>} : memref<8x8x128xf32, #tpu.memory_space<vmem>>, vector<16xf32>,
        tpu.vector_store %parallel_loop3A_505[%parallel_loop3A_506, %parallel_loop3A_507, %parallel_loop3A_508], %parallel_loop3A_496 {strides = array<i32>} : memref<8x8x128xf32, #tpu.memory_space<vmem>>, vector<16xf32>,
        %parallel_loop3A_510 = arith.constant 0 : i32
        %parallel_loop3A_511 = arith.constant 0 : i32
        %parallel_loop3A_512 = tpu.memref_slice %arg6[%parallel_loop3A_311, %parallel_loop3A_510, %parallel_loop3A_511] : memref<4x128x64xf32, #tpu.memory_space<vmem>> -> memref<1x128x64xf32, #tpu.memory_space<vmem>>
        %parallel_loop3A_513 = tpu.memref_squeeze %parallel_loop3A_512 : memref<1x128x64xf32, #tpu.memory_space<vmem>> -> memref<128x64xf32, #tpu.memory_space<vmem>>
        %parallel_loop3A_514 = tpu.vector_load_idx %parallel_loop3A_513[%add3A_70, %parallel_loop3A_401] : memref<128x64xf32, #tpu.memory_space<vmem>>[vector<16xi32>, vector<16xi32>], vector<16xf32>,
        %parallel_loop3A_515 = arith.constant 3 : i32
        %parallel_loop3A_516 = arith.shrsi %parallel_loop3A_400, %parallel_loop3A_515 : i32
        %parallel_loop3A_517 = arith.constant 7 : i32
        %parallel_loop3A_518 = arith.andi %parallel_loop3A_400, %parallel_loop3A_517 : i32
        %parallel_loop3A_519 = arith.constant 0 : i32
        %parallel_loop3A_520 = arith.constant 0 : i32
        %parallel_loop3A_521 = arith.constant 0 : i32
        %parallel_loop3A_522 = tpu.memref_slice %arg7[%parallel_loop3A_312, %parallel_loop3A_519, %parallel_loop3A_520, %parallel_loop3A_521] : memref<4x8x8x128xf32, #tpu.memory_space<vmem>> -> memref<1x8x8x128xf32, #tpu.memory_space<vmem>>
        %parallel_loop3A_523 = tpu.memref_squeeze %parallel_loop3A_522 : memref<1x8x8x128xf32, #tpu.memory_space<vmem>> -> memref<8x8x128xf32, #tpu.memory_space<vmem>>
        %parallel_loop3A_524 = arith.index_cast %parallel_loop3A_516 : i32 to index
        %parallel_loop3A_525 = arith.index_cast %parallel_loop3A_518 : i32 to index
        %parallel_loop3A_526 = arith.constant 96 : index
        %parallel_loop3A_527 = tpu.vector_load %parallel_loop3A_523[%parallel_loop3A_524, %parallel_loop3A_525, %parallel_loop3A_526] {strides = array<i32>} : memref<8x8x128xf32, #tpu.memory_space<vmem>>, vector<16xf32>,
        tpu.vector_store %parallel_loop3A_523[%parallel_loop3A_524, %parallel_loop3A_525, %parallel_loop3A_526], %parallel_loop3A_514 {strides = array<i32>} : memref<8x8x128xf32, #tpu.memory_space<vmem>>, vector<16xf32>,
        %parallel_loop3A_528 = arith.constant 0 : i32
        %parallel_loop3A_529 = arith.constant 0 : i32
        %parallel_loop3A_530 = tpu.memref_slice %arg6[%parallel_loop3A_311, %parallel_loop3A_528, %parallel_loop3A_529] : memref<4x128x64xf32, #tpu.memory_space<vmem>> -> memref<1x128x64xf32, #tpu.memory_space<vmem>>
        %parallel_loop3A_531 = tpu.memref_squeeze %parallel_loop3A_530 : memref<1x128x64xf32, #tpu.memory_space<vmem>> -> memref<128x64xf32, #tpu.memory_space<vmem>>
        %parallel_loop3A_532 = tpu.vector_load_idx %parallel_loop3A_531[%add3A_73, %parallel_loop3A_401] : memref<128x64xf32, #tpu.memory_space<vmem>>[vector<16xi32>, vector<16xi32>], vector<16xf32>,
        %parallel_loop3A_533 = arith.constant 3 : i32
        %parallel_loop3A_534 = arith.shrsi %parallel_loop3A_400, %parallel_loop3A_533 : i32
        %parallel_loop3A_535 = arith.constant 7 : i32
        %parallel_loop3A_536 = arith.andi %parallel_loop3A_400, %parallel_loop3A_535 : i32
        %parallel_loop3A_537 = arith.constant 0 : i32
        %parallel_loop3A_538 = arith.constant 0 : i32
        %parallel_loop3A_539 = arith.constant 0 : i32
        %parallel_loop3A_540 = tpu.memref_slice %arg7[%parallel_loop3A_312, %parallel_loop3A_537, %parallel_loop3A_538, %parallel_loop3A_539] : memref<4x8x8x128xf32, #tpu.memory_space<vmem>> -> memref<1x8x8x128xf32, #tpu.memory_space<vmem>>
        %parallel_loop3A_541 = tpu.memref_squeeze %parallel_loop3A_540 : memref<1x8x8x128xf32, #tpu.memory_space<vmem>> -> memref<8x8x128xf32, #tpu.memory_space<vmem>>
        %parallel_loop3A_542 = arith.index_cast %parallel_loop3A_534 : i32 to index
        %parallel_loop3A_543 = arith.index_cast %parallel_loop3A_536 : i32 to index
        %parallel_loop3A_544 = arith.constant 112 : index
        %parallel_loop3A_545 = tpu.vector_load %parallel_loop3A_541[%parallel_loop3A_542, %parallel_loop3A_543, %parallel_loop3A_544] {strides = array<i32>} : memref<8x8x128xf32, #tpu.memory_space<vmem>>, vector<16xf32>,
        tpu.vector_store %parallel_loop3A_541[%parallel_loop3A_542, %parallel_loop3A_543, %parallel_loop3A_544], %parallel_loop3A_532 {strides = array<i32>} : memref<8x8x128xf32, #tpu.memory_space<vmem>>, vector<16xf32>,
      } {sc.loop_unroll_factor = 16 : i64, sc.parallel_access}
      %dma_start3A_313 = arith.constant 2 : i32
      %dma_start3A_314 = arith.constant 0 : i32
      %dma_start3A_315 = arith.constant 0 : i32
      %dma_start3A_316 = arith.constant 0 : i32
      %dma_start3A_317 = tpu.memref_slice %arg7[%dma_start3A_313, %dma_start3A_314, %dma_start3A_315, %dma_start3A_316] : memref<4x8x8x128xf32, #tpu.memory_space<vmem>> -> memref<1x8x8x128xf32, #tpu.memory_space<vmem>>
      %dma_start3A_318 = tpu.memref_squeeze %dma_start3A_317 : memref<1x8x8x128xf32, #tpu.memory_space<vmem>> -> memref<8x8x128xf32, #tpu.memory_space<vmem>>
      %dma_start3A_319 = arith.constant 0 : i32
      %dma_start3A_320 = arith.constant 0 : i32
      %dma_start3A_321 = arith.constant 0 : i32
      %dma_start3A_322 = tpu.memref_slice %arg4[%shift_right_arithmetic3A_288, %dma_start3A_319, %and3A_290, %dma_start3A_320, %dma_start3A_321] : memref<50x8x128x8x128xf32, #tpu.memory_space<hbm>> -> memref<1x8x1x8x128xf32, #tpu.memory_space<hbm>>
      %dma_start3A_323 = tpu.memref_squeeze %dma_start3A_322 : memref<1x8x1x8x128xf32, #tpu.memory_space<hbm>> -> memref<8x8x128xf32, #tpu.memory_space<hbm>>
      %dma_start3A_324 = arith.constant 0 : i32
      %dma_start3A_325 = arith.constant 0 : i32
      %dma_start3A_326 = arith.constant 0 : i32
      %dma_start3A_327 = tpu.memref_slice %arg4[%shift_right_arithmetic3A_288, %dma_start3A_324, %and3A_290, %dma_start3A_325, %dma_start3A_326] : memref<50x8x128x8x128xf32, #tpu.memory_space<hbm>> -> memref<1x8x1x8x128xf32, #tpu.memory_space<hbm>>
      %dma_start3A_328 = tpu.memref_squeeze %dma_start3A_327 : memref<1x8x1x8x128xf32, #tpu.memory_space<hbm>> -> memref<8x8x128xf32, #tpu.memory_space<hbm>>
      %dma_start3A_329 = arith.constant 0 : i32
      %dma_start3A_330 = arith.constant 0 : i32
      %dma_start3A_331 = arith.constant 0 : i32
      %dma_start3A_332 = tpu.memref_slice %arg7[%dma_start3A_313, %dma_start3A_329, %dma_start3A_330, %dma_start3A_331] : memref<4x8x8x128xf32, #tpu.memory_space<vmem>> -> memref<1x8x8x128xf32, #tpu.memory_space<vmem>>
      %dma_start3A_333 = tpu.memref_squeeze %dma_start3A_332 : memref<1x8x8x128xf32, #tpu.memory_space<vmem>> -> memref<8x8x128xf32, #tpu.memory_space<vmem>>
      tpu.enqueue_dma source(%dma_start3A_333 : memref<8x8x128xf32, #tpu.memory_space<vmem>>) target(%dma_start3A_328 : memref<8x8x128xf32, #tpu.memory_space<hbm>>) target_semaphore(%arg14 : memref<!tpu.dma_semaphore, #tpu.memory_space<semaphore_mem>>)
      %add3A_334 = arith.constant 4 : i32
      %add3A_335 = arith.addi %add3A_285, %add3A_334 : i32
      %lt3A_336 = arith.constant 200 : i32
      %lt3A_337 = arith.cmpi slt, %add3A_335, %lt3A_336 : i32
      %convert_element_type3A_338 = arith.extui %lt3A_337 : i1 to i32
      %cond3A_339 = arith.constant 0 : i32
      %cond3A_340 = arith.cmpi ne, %convert_element_type3A_338, %cond3A_339 : i32
      scf.if %cond3A_340 {
        %add3A_400 = arith.constant 4 : i32
        %add3A_401 = arith.addi %add3A_285, %add3A_400 : i32
        %dma_start3A_402 = arith.constant 2 : i32
        %dma_start3A_403 = arith.constant 0 : i32
        %dma_start3A_404 = arith.constant 0 : i32
        %dma_start3A_405 = tpu.memref_slice %arg6[%dma_start3A_402, %dma_start3A_403, %dma_start3A_404] : memref<4x128x64xf32, #tpu.memory_space<vmem>> -> memref<1x128x64xf32, #tpu.memory_space<vmem>>
        %dma_start3A_406 = tpu.memref_squeeze %dma_start3A_405 : memref<1x128x64xf32, #tpu.memory_space<vmem>> -> memref<128x64xf32, #tpu.memory_space<vmem>>
        %dma_start3A_407 = arith.constant 0 : i32
        %dma_start3A_408 = tpu.memref_slice %arg5[%add3A_401, %dma_start3A_407] : memref<200x128xi32, #tpu.memory_space<vmem>> -> memref<1x128xi32, #tpu.memory_space<vmem>>
        %dma_start3A_409 = tpu.memref_squeeze %dma_start3A_408 : memref<1x128xi32, #tpu.memory_space<vmem>> -> memref<128xi32, #tpu.memory_space<vmem>>
        %dma_start3A_410 = arith.constant 0 : i32
        %dma_start3A_411 = arith.constant 0 : i32
        %dma_start3A_412 = tpu.memref_slice %arg3[%dma_start3A_410, %dma_start3A_411] : memref<1000000x64xf32, #tpu.memory_space<hbm>> -> memref<1000000x64xf32, #tpu.memory_space<hbm>>
        tpu.enqueue_indirect_dma source(%dma_start3A_412 : memref<1000000x64xf32, #tpu.memory_space<hbm>>) target(%dma_start3A_406 : memref<128x64xf32, #tpu.memory_space<vmem>>) offsets(%dma_start3A_409 : memref<128xi32, #tpu.memory_space<vmem>>) semaphore(%arg10 : memref<!tpu.dma_semaphore, #tpu.memory_space<semaphore_mem>>)
      } else {
      }
      %mul3A_341 = arith.constant 4 : i32
      %mul3A_342 = arith.muli %scan3A_170, %mul3A_341 : i32
      %add3A_343 = arith.constant 3 : i32
      %add3A_344 = arith.addi %mul3A_342, %add3A_343 : i32
      %add3A_345 = arith.addi %mul3A_2, %add3A_344 : i32
      %shift_right_arithmetic3A_346 = arith.constant 7 : i32
      %shift_right_arithmetic3A_347 = arith.shrsi %add3A_345, %shift_right_arithmetic3A_346 : i32
      %and3A_348 = arith.constant 127 : i32
      %and3A_349 = arith.andi %add3A_345, %and3A_348 : i32
      %dma_wait3A_350 = arith.constant 3 : i32
      %dma_wait3A_351 = arith.constant 3 : i32
      %dma_wait3A_352 = arith.constant 0 : i32
      %dma_wait3A_353 = arith.constant 0 : i32
      %dma_wait3A_354 = tpu.memref_slice %arg6[%dma_wait3A_351, %dma_wait3A_352, %dma_wait3A_353] : memref<4x128x64xf32, #tpu.memory_space<vmem>> -> memref<1x128x64xf32, #tpu.memory_space<vmem>>
      %dma_wait3A_355 = tpu.memref_squeeze %dma_wait3A_354 : memref<1x128x64xf32, #tpu.memory_space<vmem>> -> memref<128x64xf32, #tpu.memory_space<vmem>>
      %dma_wait3A_356 = arith.constant 0 : i32
      %dma_wait3A_357 = tpu.memref_slice %arg5[%dma_wait3A_350, %dma_wait3A_356] : memref<200x128xi32, #tpu.memory_space<vmem>> -> memref<1x128xi32, #tpu.memory_space<vmem>>
      %dma_wait3A_358 = tpu.memref_squeeze %dma_wait3A_357 : memref<1x128xi32, #tpu.memory_space<vmem>> -> memref<128xi32, #tpu.memory_space<vmem>>
      %dma_wait3A_359 = arith.constant 0 : i32
      %dma_wait3A_360 = arith.constant 0 : i32
      %dma_wait3A_361 = tpu.memref_slice %arg3[%dma_wait3A_359, %dma_wait3A_360] : memref<1000000x64xf32, #tpu.memory_space<hbm>> -> memref<1000000x64xf32, #tpu.memory_space<hbm>>
      tpu.wait_indirect_dma semaphore(%arg11 : memref<!tpu.dma_semaphore, #tpu.memory_space<semaphore_mem>>) src(%dma_wait3A_361 : memref<1000000x64xf32, #tpu.memory_space<hbm>>) dst(%dma_wait3A_355 : memref<128x64xf32, #tpu.memory_space<vmem>>)
      %ge3A_362 = arith.constant 4 : i32
      %ge3A_363 = arith.cmpi sge, %add3A_344, %ge3A_362 : i32
      %convert_element_type3A_364 = arith.extui %ge3A_363 : i1 to i32
      %cond3A_365 = arith.constant 0 : i32
      %cond3A_366 = arith.cmpi ne, %convert_element_type3A_364, %cond3A_365 : i32
      scf.if %cond3A_366 {
        %dma_wait3A_400 = arith.constant 3 : i32
        %dma_wait3A_401 = arith.constant 0 : i32
        %dma_wait3A_402 = arith.constant 0 : i32
        %dma_wait3A_403 = arith.constant 0 : i32
        %dma_wait3A_404 = arith.constant 0 : i32
        %dma_wait3A_405 = arith.constant 0 : i32
        %dma_wait3A_406 = tpu.memref_slice %arg7[%dma_wait3A_400, %dma_wait3A_403, %dma_wait3A_404, %dma_wait3A_405] : memref<4x8x8x128xf32, #tpu.memory_space<vmem>> -> memref<1x8x8x128xf32, #tpu.memory_space<vmem>>
        %dma_wait3A_407 = tpu.memref_squeeze %dma_wait3A_406 : memref<1x8x8x128xf32, #tpu.memory_space<vmem>> -> memref<8x8x128xf32, #tpu.memory_space<vmem>>
        %dma_wait3A_408 = arith.constant 0 : i32
        %dma_wait3A_409 = arith.constant 0 : i32
        %dma_wait3A_410 = arith.constant 0 : i32
        %dma_wait3A_411 = tpu.memref_slice %arg4[%dma_wait3A_401, %dma_wait3A_408, %dma_wait3A_402, %dma_wait3A_409, %dma_wait3A_410] : memref<50x8x128x8x128xf32, #tpu.memory_space<hbm>> -> memref<1x8x1x8x128xf32, #tpu.memory_space<hbm>>
        %dma_wait3A_412 = tpu.memref_squeeze %dma_wait3A_411 : memref<1x8x1x8x128xf32, #tpu.memory_space<hbm>> -> memref<8x8x128xf32, #tpu.memory_space<hbm>>
        %dma_wait3A_413 = arith.constant 0 : i32
        %dma_wait3A_414 = arith.constant 0 : i32
        %dma_wait3A_415 = arith.constant 0 : i32
        %dma_wait3A_416 = tpu.memref_slice %arg4[%dma_wait3A_401, %dma_wait3A_413, %dma_wait3A_402, %dma_wait3A_414, %dma_wait3A_415] : memref<50x8x128x8x128xf32, #tpu.memory_space<hbm>> -> memref<1x8x1x8x128xf32, #tpu.memory_space<hbm>>
        %dma_wait3A_417 = tpu.memref_squeeze %dma_wait3A_416 : memref<1x8x1x8x128xf32, #tpu.memory_space<hbm>> -> memref<8x8x128xf32, #tpu.memory_space<hbm>>
        %dma_wait3A_418 = arith.constant 0 : i32
        %dma_wait3A_419 = arith.constant 0 : i32
        %dma_wait3A_420 = arith.constant 0 : i32
        %dma_wait3A_421 = tpu.memref_slice %arg7[%dma_wait3A_400, %dma_wait3A_418, %dma_wait3A_419, %dma_wait3A_420] : memref<4x8x8x128xf32, #tpu.memory_space<vmem>> -> memref<1x8x8x128xf32, #tpu.memory_space<vmem>>
        %dma_wait3A_422 = tpu.memref_squeeze %dma_wait3A_421 : memref<1x8x8x128xf32, #tpu.memory_space<vmem>> -> memref<8x8x128xf32, #tpu.memory_space<vmem>>
        tpu.wait_dma2 semaphore(%arg15 : memref<!tpu.dma_semaphore, #tpu.memory_space<semaphore_mem>>) src(%dma_wait3A_422 : memref<8x8x128xf32, #tpu.memory_space<vmem>>) dst(%dma_wait3A_417 : memref<8x8x128xf32, #tpu.memory_space<hbm>>)
      } else {
      }
      %parallel_loop3A_367 = arith.constant 0 : i32
      %parallel_loop3A_368 = arith.constant 64 : i32
      %parallel_loop3A_369 = arith.constant 1 : i32
      %parallel_loop3A_370 = arith.constant 3 : i32
      %parallel_loop3A_371 = arith.constant 3 : i32
      scf.for %parallel_loop3A_400 = %parallel_loop3A_367 to %parallel_loop3A_368 step %parallel_loop3A_369  : i32 {
        %parallel_loop3A_401 = vector.broadcast %parallel_loop3A_400 : i32 to vector<16xi32>
        %parallel_loop3A_402 = arith.constant 0 : i32
        %parallel_loop3A_403 = arith.constant 0 : i32
        %parallel_loop3A_404 = tpu.memref_slice %arg6[%parallel_loop3A_370, %parallel_loop3A_402, %parallel_loop3A_403] : memref<4x128x64xf32, #tpu.memory_space<vmem>> -> memref<1x128x64xf32, #tpu.memory_space<vmem>>
        %parallel_loop3A_405 = tpu.memref_squeeze %parallel_loop3A_404 : memref<1x128x64xf32, #tpu.memory_space<vmem>> -> memref<128x64xf32, #tpu.memory_space<vmem>>
        %parallel_loop3A_406 = tpu.vector_load_idx %parallel_loop3A_405[%add3A_52, %parallel_loop3A_401] : memref<128x64xf32, #tpu.memory_space<vmem>>[vector<16xi32>, vector<16xi32>], vector<16xf32>,
        %parallel_loop3A_407 = arith.constant 3 : i32
        %parallel_loop3A_408 = arith.shrsi %parallel_loop3A_400, %parallel_loop3A_407 : i32
        %parallel_loop3A_409 = arith.constant 7 : i32
        %parallel_loop3A_410 = arith.andi %parallel_loop3A_400, %parallel_loop3A_409 : i32
        %parallel_loop3A_411 = arith.constant 0 : i32
        %parallel_loop3A_412 = arith.constant 0 : i32
        %parallel_loop3A_413 = arith.constant 0 : i32
        %parallel_loop3A_414 = tpu.memref_slice %arg7[%parallel_loop3A_371, %parallel_loop3A_411, %parallel_loop3A_412, %parallel_loop3A_413] : memref<4x8x8x128xf32, #tpu.memory_space<vmem>> -> memref<1x8x8x128xf32, #tpu.memory_space<vmem>>
        %parallel_loop3A_415 = tpu.memref_squeeze %parallel_loop3A_414 : memref<1x8x8x128xf32, #tpu.memory_space<vmem>> -> memref<8x8x128xf32, #tpu.memory_space<vmem>>
        %parallel_loop3A_416 = arith.index_cast %parallel_loop3A_408 : i32 to index
        %parallel_loop3A_417 = arith.index_cast %parallel_loop3A_410 : i32 to index
        %parallel_loop3A_418 = arith.constant 0 : index
        %parallel_loop3A_419 = tpu.vector_load %parallel_loop3A_415[%parallel_loop3A_416, %parallel_loop3A_417, %parallel_loop3A_418] {strides = array<i32>} : memref<8x8x128xf32, #tpu.memory_space<vmem>>, vector<16xf32>,
        tpu.vector_store %parallel_loop3A_415[%parallel_loop3A_416, %parallel_loop3A_417, %parallel_loop3A_418], %parallel_loop3A_406 {strides = array<i32>} : memref<8x8x128xf32, #tpu.memory_space<vmem>>, vector<16xf32>,
        %parallel_loop3A_420 = arith.constant 0 : i32
        %parallel_loop3A_421 = arith.constant 0 : i32
        %parallel_loop3A_422 = tpu.memref_slice %arg6[%parallel_loop3A_370, %parallel_loop3A_420, %parallel_loop3A_421] : memref<4x128x64xf32, #tpu.memory_space<vmem>> -> memref<1x128x64xf32, #tpu.memory_space<vmem>>
        %parallel_loop3A_423 = tpu.memref_squeeze %parallel_loop3A_422 : memref<1x128x64xf32, #tpu.memory_space<vmem>> -> memref<128x64xf32, #tpu.memory_space<vmem>>
        %parallel_loop3A_424 = tpu.vector_load_idx %parallel_loop3A_423[%add3A_55, %parallel_loop3A_401] : memref<128x64xf32, #tpu.memory_space<vmem>>[vector<16xi32>, vector<16xi32>], vector<16xf32>,
        %parallel_loop3A_425 = arith.constant 3 : i32
        %parallel_loop3A_426 = arith.shrsi %parallel_loop3A_400, %parallel_loop3A_425 : i32
        %parallel_loop3A_427 = arith.constant 7 : i32
        %parallel_loop3A_428 = arith.andi %parallel_loop3A_400, %parallel_loop3A_427 : i32
        %parallel_loop3A_429 = arith.constant 0 : i32
        %parallel_loop3A_430 = arith.constant 0 : i32
        %parallel_loop3A_431 = arith.constant 0 : i32
        %parallel_loop3A_432 = tpu.memref_slice %arg7[%parallel_loop3A_371, %parallel_loop3A_429, %parallel_loop3A_430, %parallel_loop3A_431] : memref<4x8x8x128xf32, #tpu.memory_space<vmem>> -> memref<1x8x8x128xf32, #tpu.memory_space<vmem>>
        %parallel_loop3A_433 = tpu.memref_squeeze %parallel_loop3A_432 : memref<1x8x8x128xf32, #tpu.memory_space<vmem>> -> memref<8x8x128xf32, #tpu.memory_space<vmem>>
        %parallel_loop3A_434 = arith.index_cast %parallel_loop3A_426 : i32 to index
        %parallel_loop3A_435 = arith.index_cast %parallel_loop3A_428 : i32 to index
        %parallel_loop3A_436 = arith.constant 16 : index
        %parallel_loop3A_437 = tpu.vector_load %parallel_loop3A_433[%parallel_loop3A_434, %parallel_loop3A_435, %parallel_loop3A_436] {strides = array<i32>} : memref<8x8x128xf32, #tpu.memory_space<vmem>>, vector<16xf32>,
        tpu.vector_store %parallel_loop3A_433[%parallel_loop3A_434, %parallel_loop3A_435, %parallel_loop3A_436], %parallel_loop3A_424 {strides = array<i32>} : memref<8x8x128xf32, #tpu.memory_space<vmem>>, vector<16xf32>,
        %parallel_loop3A_438 = arith.constant 0 : i32
        %parallel_loop3A_439 = arith.constant 0 : i32
        %parallel_loop3A_440 = tpu.memref_slice %arg6[%parallel_loop3A_370, %parallel_loop3A_438, %parallel_loop3A_439] : memref<4x128x64xf32, #tpu.memory_space<vmem>> -> memref<1x128x64xf32, #tpu.memory_space<vmem>>
        %parallel_loop3A_441 = tpu.memref_squeeze %parallel_loop3A_440 : memref<1x128x64xf32, #tpu.memory_space<vmem>> -> memref<128x64xf32, #tpu.memory_space<vmem>>
        %parallel_loop3A_442 = tpu.vector_load_idx %parallel_loop3A_441[%add3A_58, %parallel_loop3A_401] : memref<128x64xf32, #tpu.memory_space<vmem>>[vector<16xi32>, vector<16xi32>], vector<16xf32>,
        %parallel_loop3A_443 = arith.constant 3 : i32
        %parallel_loop3A_444 = arith.shrsi %parallel_loop3A_400, %parallel_loop3A_443 : i32
        %parallel_loop3A_445 = arith.constant 7 : i32
        %parallel_loop3A_446 = arith.andi %parallel_loop3A_400, %parallel_loop3A_445 : i32
        %parallel_loop3A_447 = arith.constant 0 : i32
        %parallel_loop3A_448 = arith.constant 0 : i32
        %parallel_loop3A_449 = arith.constant 0 : i32
        %parallel_loop3A_450 = tpu.memref_slice %arg7[%parallel_loop3A_371, %parallel_loop3A_447, %parallel_loop3A_448, %parallel_loop3A_449] : memref<4x8x8x128xf32, #tpu.memory_space<vmem>> -> memref<1x8x8x128xf32, #tpu.memory_space<vmem>>
        %parallel_loop3A_451 = tpu.memref_squeeze %parallel_loop3A_450 : memref<1x8x8x128xf32, #tpu.memory_space<vmem>> -> memref<8x8x128xf32, #tpu.memory_space<vmem>>
        %parallel_loop3A_452 = arith.index_cast %parallel_loop3A_444 : i32 to index
        %parallel_loop3A_453 = arith.index_cast %parallel_loop3A_446 : i32 to index
        %parallel_loop3A_454 = arith.constant 32 : index
        %parallel_loop3A_455 = tpu.vector_load %parallel_loop3A_451[%parallel_loop3A_452, %parallel_loop3A_453, %parallel_loop3A_454] {strides = array<i32>} : memref<8x8x128xf32, #tpu.memory_space<vmem>>, vector<16xf32>,
        tpu.vector_store %parallel_loop3A_451[%parallel_loop3A_452, %parallel_loop3A_453, %parallel_loop3A_454], %parallel_loop3A_442 {strides = array<i32>} : memref<8x8x128xf32, #tpu.memory_space<vmem>>, vector<16xf32>,
        %parallel_loop3A_456 = arith.constant 0 : i32
        %parallel_loop3A_457 = arith.constant 0 : i32
        %parallel_loop3A_458 = tpu.memref_slice %arg6[%parallel_loop3A_370, %parallel_loop3A_456, %parallel_loop3A_457] : memref<4x128x64xf32, #tpu.memory_space<vmem>> -> memref<1x128x64xf32, #tpu.memory_space<vmem>>
        %parallel_loop3A_459 = tpu.memref_squeeze %parallel_loop3A_458 : memref<1x128x64xf32, #tpu.memory_space<vmem>> -> memref<128x64xf32, #tpu.memory_space<vmem>>
        %parallel_loop3A_460 = tpu.vector_load_idx %parallel_loop3A_459[%add3A_61, %parallel_loop3A_401] : memref<128x64xf32, #tpu.memory_space<vmem>>[vector<16xi32>, vector<16xi32>], vector<16xf32>,
        %parallel_loop3A_461 = arith.constant 3 : i32
        %parallel_loop3A_462 = arith.shrsi %parallel_loop3A_400, %parallel_loop3A_461 : i32
        %parallel_loop3A_463 = arith.constant 7 : i32
        %parallel_loop3A_464 = arith.andi %parallel_loop3A_400, %parallel_loop3A_463 : i32
        %parallel_loop3A_465 = arith.constant 0 : i32
        %parallel_loop3A_466 = arith.constant 0 : i32
        %parallel_loop3A_467 = arith.constant 0 : i32
        %parallel_loop3A_468 = tpu.memref_slice %arg7[%parallel_loop3A_371, %parallel_loop3A_465, %parallel_loop3A_466, %parallel_loop3A_467] : memref<4x8x8x128xf32, #tpu.memory_space<vmem>> -> memref<1x8x8x128xf32, #tpu.memory_space<vmem>>
        %parallel_loop3A_469 = tpu.memref_squeeze %parallel_loop3A_468 : memref<1x8x8x128xf32, #tpu.memory_space<vmem>> -> memref<8x8x128xf32, #tpu.memory_space<vmem>>
        %parallel_loop3A_470 = arith.index_cast %parallel_loop3A_462 : i32 to index
        %parallel_loop3A_471 = arith.index_cast %parallel_loop3A_464 : i32 to index
        %parallel_loop3A_472 = arith.constant 48 : index
        %parallel_loop3A_473 = tpu.vector_load %parallel_loop3A_469[%parallel_loop3A_470, %parallel_loop3A_471, %parallel_loop3A_472] {strides = array<i32>} : memref<8x8x128xf32, #tpu.memory_space<vmem>>, vector<16xf32>,
        tpu.vector_store %parallel_loop3A_469[%parallel_loop3A_470, %parallel_loop3A_471, %parallel_loop3A_472], %parallel_loop3A_460 {strides = array<i32>} : memref<8x8x128xf32, #tpu.memory_space<vmem>>, vector<16xf32>,
        %parallel_loop3A_474 = arith.constant 0 : i32
        %parallel_loop3A_475 = arith.constant 0 : i32
        %parallel_loop3A_476 = tpu.memref_slice %arg6[%parallel_loop3A_370, %parallel_loop3A_474, %parallel_loop3A_475] : memref<4x128x64xf32, #tpu.memory_space<vmem>> -> memref<1x128x64xf32, #tpu.memory_space<vmem>>
        %parallel_loop3A_477 = tpu.memref_squeeze %parallel_loop3A_476 : memref<1x128x64xf32, #tpu.memory_space<vmem>> -> memref<128x64xf32, #tpu.memory_space<vmem>>
        %parallel_loop3A_478 = tpu.vector_load_idx %parallel_loop3A_477[%add3A_64, %parallel_loop3A_401] : memref<128x64xf32, #tpu.memory_space<vmem>>[vector<16xi32>, vector<16xi32>], vector<16xf32>,
        %parallel_loop3A_479 = arith.constant 3 : i32
        %parallel_loop3A_480 = arith.shrsi %parallel_loop3A_400, %parallel_loop3A_479 : i32
        %parallel_loop3A_481 = arith.constant 7 : i32
        %parallel_loop3A_482 = arith.andi %parallel_loop3A_400, %parallel_loop3A_481 : i32
        %parallel_loop3A_483 = arith.constant 0 : i32
        %parallel_loop3A_484 = arith.constant 0 : i32
        %parallel_loop3A_485 = arith.constant 0 : i32
        %parallel_loop3A_486 = tpu.memref_slice %arg7[%parallel_loop3A_371, %parallel_loop3A_483, %parallel_loop3A_484, %parallel_loop3A_485] : memref<4x8x8x128xf32, #tpu.memory_space<vmem>> -> memref<1x8x8x128xf32, #tpu.memory_space<vmem>>
        %parallel_loop3A_487 = tpu.memref_squeeze %parallel_loop3A_486 : memref<1x8x8x128xf32, #tpu.memory_space<vmem>> -> memref<8x8x128xf32, #tpu.memory_space<vmem>>
        %parallel_loop3A_488 = arith.index_cast %parallel_loop3A_480 : i32 to index
        %parallel_loop3A_489 = arith.index_cast %parallel_loop3A_482 : i32 to index
        %parallel_loop3A_490 = arith.constant 64 : index
        %parallel_loop3A_491 = tpu.vector_load %parallel_loop3A_487[%parallel_loop3A_488, %parallel_loop3A_489, %parallel_loop3A_490] {strides = array<i32>} : memref<8x8x128xf32, #tpu.memory_space<vmem>>, vector<16xf32>,
        tpu.vector_store %parallel_loop3A_487[%parallel_loop3A_488, %parallel_loop3A_489, %parallel_loop3A_490], %parallel_loop3A_478 {strides = array<i32>} : memref<8x8x128xf32, #tpu.memory_space<vmem>>, vector<16xf32>,
        %parallel_loop3A_492 = arith.constant 0 : i32
        %parallel_loop3A_493 = arith.constant 0 : i32
        %parallel_loop3A_494 = tpu.memref_slice %arg6[%parallel_loop3A_370, %parallel_loop3A_492, %parallel_loop3A_493] : memref<4x128x64xf32, #tpu.memory_space<vmem>> -> memref<1x128x64xf32, #tpu.memory_space<vmem>>
        %parallel_loop3A_495 = tpu.memref_squeeze %parallel_loop3A_494 : memref<1x128x64xf32, #tpu.memory_space<vmem>> -> memref<128x64xf32, #tpu.memory_space<vmem>>
        %parallel_loop3A_496 = tpu.vector_load_idx %parallel_loop3A_495[%add3A_67, %parallel_loop3A_401] : memref<128x64xf32, #tpu.memory_space<vmem>>[vector<16xi32>, vector<16xi32>], vector<16xf32>,
        %parallel_loop3A_497 = arith.constant 3 : i32
        %parallel_loop3A_498 = arith.shrsi %parallel_loop3A_400, %parallel_loop3A_497 : i32
        %parallel_loop3A_499 = arith.constant 7 : i32
        %parallel_loop3A_500 = arith.andi %parallel_loop3A_400, %parallel_loop3A_499 : i32
        %parallel_loop3A_501 = arith.constant 0 : i32
        %parallel_loop3A_502 = arith.constant 0 : i32
        %parallel_loop3A_503 = arith.constant 0 : i32
        %parallel_loop3A_504 = tpu.memref_slice %arg7[%parallel_loop3A_371, %parallel_loop3A_501, %parallel_loop3A_502, %parallel_loop3A_503] : memref<4x8x8x128xf32, #tpu.memory_space<vmem>> -> memref<1x8x8x128xf32, #tpu.memory_space<vmem>>
        %parallel_loop3A_505 = tpu.memref_squeeze %parallel_loop3A_504 : memref<1x8x8x128xf32, #tpu.memory_space<vmem>> -> memref<8x8x128xf32, #tpu.memory_space<vmem>>
        %parallel_loop3A_506 = arith.index_cast %parallel_loop3A_498 : i32 to index
        %parallel_loop3A_507 = arith.index_cast %parallel_loop3A_500 : i32 to index
        %parallel_loop3A_508 = arith.constant 80 : index
        %parallel_loop3A_509 = tpu.vector_load %parallel_loop3A_505[%parallel_loop3A_506, %parallel_loop3A_507, %parallel_loop3A_508] {strides = array<i32>} : memref<8x8x128xf32, #tpu.memory_space<vmem>>, vector<16xf32>,
        tpu.vector_store %parallel_loop3A_505[%parallel_loop3A_506, %parallel_loop3A_507, %parallel_loop3A_508], %parallel_loop3A_496 {strides = array<i32>} : memref<8x8x128xf32, #tpu.memory_space<vmem>>, vector<16xf32>,
        %parallel_loop3A_510 = arith.constant 0 : i32
        %parallel_loop3A_511 = arith.constant 0 : i32
        %parallel_loop3A_512 = tpu.memref_slice %arg6[%parallel_loop3A_370, %parallel_loop3A_510, %parallel_loop3A_511] : memref<4x128x64xf32, #tpu.memory_space<vmem>> -> memref<1x128x64xf32, #tpu.memory_space<vmem>>
        %parallel_loop3A_513 = tpu.memref_squeeze %parallel_loop3A_512 : memref<1x128x64xf32, #tpu.memory_space<vmem>> -> memref<128x64xf32, #tpu.memory_space<vmem>>
        %parallel_loop3A_514 = tpu.vector_load_idx %parallel_loop3A_513[%add3A_70, %parallel_loop3A_401] : memref<128x64xf32, #tpu.memory_space<vmem>>[vector<16xi32>, vector<16xi32>], vector<16xf32>,
        %parallel_loop3A_515 = arith.constant 3 : i32
        %parallel_loop3A_516 = arith.shrsi %parallel_loop3A_400, %parallel_loop3A_515 : i32
        %parallel_loop3A_517 = arith.constant 7 : i32
        %parallel_loop3A_518 = arith.andi %parallel_loop3A_400, %parallel_loop3A_517 : i32
        %parallel_loop3A_519 = arith.constant 0 : i32
        %parallel_loop3A_520 = arith.constant 0 : i32
        %parallel_loop3A_521 = arith.constant 0 : i32
        %parallel_loop3A_522 = tpu.memref_slice %arg7[%parallel_loop3A_371, %parallel_loop3A_519, %parallel_loop3A_520, %parallel_loop3A_521] : memref<4x8x8x128xf32, #tpu.memory_space<vmem>> -> memref<1x8x8x128xf32, #tpu.memory_space<vmem>>
        %parallel_loop3A_523 = tpu.memref_squeeze %parallel_loop3A_522 : memref<1x8x8x128xf32, #tpu.memory_space<vmem>> -> memref<8x8x128xf32, #tpu.memory_space<vmem>>
        %parallel_loop3A_524 = arith.index_cast %parallel_loop3A_516 : i32 to index
        %parallel_loop3A_525 = arith.index_cast %parallel_loop3A_518 : i32 to index
        %parallel_loop3A_526 = arith.constant 96 : index
        %parallel_loop3A_527 = tpu.vector_load %parallel_loop3A_523[%parallel_loop3A_524, %parallel_loop3A_525, %parallel_loop3A_526] {strides = array<i32>} : memref<8x8x128xf32, #tpu.memory_space<vmem>>, vector<16xf32>,
        tpu.vector_store %parallel_loop3A_523[%parallel_loop3A_524, %parallel_loop3A_525, %parallel_loop3A_526], %parallel_loop3A_514 {strides = array<i32>} : memref<8x8x128xf32, #tpu.memory_space<vmem>>, vector<16xf32>,
        %parallel_loop3A_528 = arith.constant 0 : i32
        %parallel_loop3A_529 = arith.constant 0 : i32
        %parallel_loop3A_530 = tpu.memref_slice %arg6[%parallel_loop3A_370, %parallel_loop3A_528, %parallel_loop3A_529] : memref<4x128x64xf32, #tpu.memory_space<vmem>> -> memref<1x128x64xf32, #tpu.memory_space<vmem>>
        %parallel_loop3A_531 = tpu.memref_squeeze %parallel_loop3A_530 : memref<1x128x64xf32, #tpu.memory_space<vmem>> -> memref<128x64xf32, #tpu.memory_space<vmem>>
        %parallel_loop3A_532 = tpu.vector_load_idx %parallel_loop3A_531[%add3A_73, %parallel_loop3A_401] : memref<128x64xf32, #tpu.memory_space<vmem>>[vector<16xi32>, vector<16xi32>], vector<16xf32>,
        %parallel_loop3A_533 = arith.constant 3 : i32
        %parallel_loop3A_534 = arith.shrsi %parallel_loop3A_400, %parallel_loop3A_533 : i32
        %parallel_loop3A_535 = arith.constant 7 : i32
        %parallel_loop3A_536 = arith.andi %parallel_loop3A_400, %parallel_loop3A_535 : i32
        %parallel_loop3A_537 = arith.constant 0 : i32
        %parallel_loop3A_538 = arith.constant 0 : i32
        %parallel_loop3A_539 = arith.constant 0 : i32
        %parallel_loop3A_540 = tpu.memref_slice %arg7[%parallel_loop3A_371, %parallel_loop3A_537, %parallel_loop3A_538, %parallel_loop3A_539] : memref<4x8x8x128xf32, #tpu.memory_space<vmem>> -> memref<1x8x8x128xf32, #tpu.memory_space<vmem>>
        %parallel_loop3A_541 = tpu.memref_squeeze %parallel_loop3A_540 : memref<1x8x8x128xf32, #tpu.memory_space<vmem>> -> memref<8x8x128xf32, #tpu.memory_space<vmem>>
        %parallel_loop3A_542 = arith.index_cast %parallel_loop3A_534 : i32 to index
        %parallel_loop3A_543 = arith.index_cast %parallel_loop3A_536 : i32 to index
        %parallel_loop3A_544 = arith.constant 112 : index
        %parallel_loop3A_545 = tpu.vector_load %parallel_loop3A_541[%parallel_loop3A_542, %parallel_loop3A_543, %parallel_loop3A_544] {strides = array<i32>} : memref<8x8x128xf32, #tpu.memory_space<vmem>>, vector<16xf32>,
        tpu.vector_store %parallel_loop3A_541[%parallel_loop3A_542, %parallel_loop3A_543, %parallel_loop3A_544], %parallel_loop3A_532 {strides = array<i32>} : memref<8x8x128xf32, #tpu.memory_space<vmem>>, vector<16xf32>,
      } {sc.loop_unroll_factor = 16 : i64, sc.parallel_access}
      %dma_start3A_372 = arith.constant 3 : i32
      %dma_start3A_373 = arith.constant 0 : i32
      %dma_start3A_374 = arith.constant 0 : i32
      %dma_start3A_375 = arith.constant 0 : i32
      %dma_start3A_376 = tpu.memref_slice %arg7[%dma_start3A_372, %dma_start3A_373, %dma_start3A_374, %dma_start3A_375] : memref<4x8x8x128xf32, #tpu.memory_space<vmem>> -> memref<1x8x8x128xf32, #tpu.memory_space<vmem>>
      %dma_start3A_377 = tpu.memref_squeeze %dma_start3A_376 : memref<1x8x8x128xf32, #tpu.memory_space<vmem>> -> memref<8x8x128xf32, #tpu.memory_space<vmem>>
      %dma_start3A_378 = arith.constant 0 : i32
      %dma_start3A_379 = arith.constant 0 : i32
      %dma_start3A_380 = arith.constant 0 : i32
      %dma_start3A_381 = tpu.memref_slice %arg4[%shift_right_arithmetic3A_347, %dma_start3A_378, %and3A_349, %dma_start3A_379, %dma_start3A_380] : memref<50x8x128x8x128xf32, #tpu.memory_space<hbm>> -> memref<1x8x1x8x128xf32, #tpu.memory_space<hbm>>
      %dma_start3A_382 = tpu.memref_squeeze %dma_start3A_381 : memref<1x8x1x8x128xf32, #tpu.memory_space<hbm>> -> memref<8x8x128xf32, #tpu.memory_space<hbm>>
      %dma_start3A_383 = arith.constant 0 : i32
      %dma_start3A_384 = arith.constant 0 : i32
      %dma_start3A_385 = arith.constant 0 : i32
      %dma_start3A_386 = tpu.memref_slice %arg4[%shift_right_arithmetic3A_347, %dma_start3A_383, %and3A_349, %dma_start3A_384, %dma_start3A_385] : memref<50x8x128x8x128xf32, #tpu.memory_space<hbm>> -> memref<1x8x1x8x128xf32, #tpu.memory_space<hbm>>
      %dma_start3A_387 = tpu.memref_squeeze %dma_start3A_386 : memref<1x8x1x8x128xf32, #tpu.memory_space<hbm>> -> memref<8x8x128xf32, #tpu.memory_space<hbm>>
      %dma_start3A_388 = arith.constant 0 : i32
      %dma_start3A_389 = arith.constant 0 : i32
      %dma_start3A_390 = arith.constant 0 : i32
      %dma_start3A_391 = tpu.memref_slice %arg7[%dma_start3A_372, %dma_start3A_388, %dma_start3A_389, %dma_start3A_390] : memref<4x8x8x128xf32, #tpu.memory_space<vmem>> -> memref<1x8x8x128xf32, #tpu.memory_space<vmem>>
      %dma_start3A_392 = tpu.memref_squeeze %dma_start3A_391 : memref<1x8x8x128xf32, #tpu.memory_space<vmem>> -> memref<8x8x128xf32, #tpu.memory_space<vmem>>
      tpu.enqueue_dma source(%dma_start3A_392 : memref<8x8x128xf32, #tpu.memory_space<vmem>>) target(%dma_start3A_387 : memref<8x8x128xf32, #tpu.memory_space<hbm>>) target_semaphore(%arg15 : memref<!tpu.dma_semaphore, #tpu.memory_space<semaphore_mem>>)
      %add3A_393 = arith.constant 4 : i32
      %add3A_394 = arith.addi %add3A_344, %add3A_393 : i32
      %lt3A_395 = arith.constant 200 : i32
      %lt3A_396 = arith.cmpi slt, %add3A_394, %lt3A_395 : i32
      %convert_element_type3A_397 = arith.extui %lt3A_396 : i1 to i32
      %cond3A_398 = arith.constant 0 : i32
      %cond3A_399 = arith.cmpi ne, %convert_element_type3A_397, %cond3A_398 : i32
      scf.if %cond3A_399 {
        %add3A_400 = arith.constant 4 : i32
        %add3A_401 = arith.addi %add3A_344, %add3A_400 : i32
        %dma_start3A_402 = arith.constant 3 : i32
        %dma_start3A_403 = arith.constant 0 : i32
        %dma_start3A_404 = arith.constant 0 : i32
        %dma_start3A_405 = tpu.memref_slice %arg6[%dma_start3A_402, %dma_start3A_403, %dma_start3A_404] : memref<4x128x64xf32, #tpu.memory_space<vmem>> -> memref<1x128x64xf32, #tpu.memory_space<vmem>>
        %dma_start3A_406 = tpu.memref_squeeze %dma_start3A_405 : memref<1x128x64xf32, #tpu.memory_space<vmem>> -> memref<128x64xf32, #tpu.memory_space<vmem>>
        %dma_start3A_407 = arith.constant 0 : i32
        %dma_start3A_408 = tpu.memref_slice %arg5[%add3A_401, %dma_start3A_407] : memref<200x128xi32, #tpu.memory_space<vmem>> -> memref<1x128xi32, #tpu.memory_space<vmem>>
        %dma_start3A_409 = tpu.memref_squeeze %dma_start3A_408 : memref<1x128xi32, #tpu.memory_space<vmem>> -> memref<128xi32, #tpu.memory_space<vmem>>
        %dma_start3A_410 = arith.constant 0 : i32
        %dma_start3A_411 = arith.constant 0 : i32
        %dma_start3A_412 = tpu.memref_slice %arg3[%dma_start3A_410, %dma_start3A_411] : memref<1000000x64xf32, #tpu.memory_space<hbm>> -> memref<1000000x64xf32, #tpu.memory_space<hbm>>
        tpu.enqueue_indirect_dma source(%dma_start3A_412 : memref<1000000x64xf32, #tpu.memory_space<hbm>>) target(%dma_start3A_406 : memref<128x64xf32, #tpu.memory_space<vmem>>) offsets(%dma_start3A_409 : memref<128xi32, #tpu.memory_space<vmem>>) semaphore(%arg11 : memref<!tpu.dma_semaphore, #tpu.memory_space<semaphore_mem>>)
      } else {
      }
    }
    %scan3A_78 = arith.constant 50 : i32
    %dma_wait3A = arith.constant 0 : i32
    %dma_wait3A_79 = arith.constant 0 : i32
    %dma_wait3A_80 = arith.constant 0 : i32
    %dma_wait3A_81 = arith.constant 0 : i32
    %dma_wait3A_82 = arith.constant 0 : i32
    %dma_wait3A_83 = arith.constant 0 : i32
    %dma_wait3A_84 = tpu.memref_slice %arg7[%dma_wait3A, %dma_wait3A_81, %dma_wait3A_82, %dma_wait3A_83] : memref<4x8x8x128xf32, #tpu.memory_space<vmem>> -> memref<1x8x8x128xf32, #tpu.memory_space<vmem>>
    %dma_wait3A_85 = tpu.memref_squeeze %dma_wait3A_84 : memref<1x8x8x128xf32, #tpu.memory_space<vmem>> -> memref<8x8x128xf32, #tpu.memory_space<vmem>>
    %dma_wait3A_86 = arith.constant 0 : i32
    %dma_wait3A_87 = arith.constant 0 : i32
    %dma_wait3A_88 = arith.constant 0 : i32
    %dma_wait3A_89 = tpu.memref_slice %arg4[%dma_wait3A_79, %dma_wait3A_86, %dma_wait3A_80, %dma_wait3A_87, %dma_wait3A_88] : memref<50x8x128x8x128xf32, #tpu.memory_space<hbm>> -> memref<1x8x1x8x128xf32, #tpu.memory_space<hbm>>
    %dma_wait3A_90 = tpu.memref_squeeze %dma_wait3A_89 : memref<1x8x1x8x128xf32, #tpu.memory_space<hbm>> -> memref<8x8x128xf32, #tpu.memory_space<hbm>>
    %dma_wait3A_91 = arith.constant 0 : i32
    %dma_wait3A_92 = arith.constant 0 : i32
    %dma_wait3A_93 = arith.constant 0 : i32
    %dma_wait3A_94 = tpu.memref_slice %arg4[%dma_wait3A_79, %dma_wait3A_91, %dma_wait3A_80, %dma_wait3A_92, %dma_wait3A_93] : memref<50x8x128x8x128xf32, #tpu.memory_space<hbm>> -> memref<1x8x1x8x128xf32, #tpu.memory_space<hbm>>
    %dma_wait3A_95 = tpu.memref_squeeze %dma_wait3A_94 : memref<1x8x1x8x128xf32, #tpu.memory_space<hbm>> -> memref<8x8x128xf32, #tpu.memory_space<hbm>>
    %dma_wait3A_96 = arith.constant 0 : i32
    %dma_wait3A_97 = arith.constant 0 : i32
    %dma_wait3A_98 = arith.constant 0 : i32
    %dma_wait3A_99 = tpu.memref_slice %arg7[%dma_wait3A, %dma_wait3A_96, %dma_wait3A_97, %dma_wait3A_98] : memref<4x8x8x128xf32, #tpu.memory_space<vmem>> -> memref<1x8x8x128xf32, #tpu.memory_space<vmem>>
    %dma_wait3A_100 = tpu.memref_squeeze %dma_wait3A_99 : memref<1x8x8x128xf32, #tpu.memory_space<vmem>> -> memref<8x8x128xf32, #tpu.memory_space<vmem>>
    tpu.wait_dma2 semaphore(%arg12 : memref<!tpu.dma_semaphore, #tpu.memory_space<semaphore_mem>>) src(%dma_wait3A_100 : memref<8x8x128xf32, #tpu.memory_space<vmem>>) dst(%dma_wait3A_95 : memref<8x8x128xf32, #tpu.memory_space<hbm>>)
    %dma_wait3A_101 = arith.constant 1 : i32
    %dma_wait3A_102 = arith.constant 0 : i32
    %dma_wait3A_103 = arith.constant 0 : i32
    %dma_wait3A_104 = arith.constant 0 : i32
    %dma_wait3A_105 = arith.constant 0 : i32
    %dma_wait3A_106 = arith.constant 0 : i32
    %dma_wait3A_107 = tpu.memref_slice %arg7[%dma_wait3A_101, %dma_wait3A_104, %dma_wait3A_105, %dma_wait3A_106] : memref<4x8x8x128xf32, #tpu.memory_space<vmem>> -> memref<1x8x8x128xf32, #tpu.memory_space<vmem>>
    %dma_wait3A_108 = tpu.memref_squeeze %dma_wait3A_107 : memref<1x8x8x128xf32, #tpu.memory_space<vmem>> -> memref<8x8x128xf32, #tpu.memory_space<vmem>>
    %dma_wait3A_109 = arith.constant 0 : i32
    %dma_wait3A_110 = arith.constant 0 : i32
    %dma_wait3A_111 = arith.constant 0 : i32
    %dma_wait3A_112 = tpu.memref_slice %arg4[%dma_wait3A_102, %dma_wait3A_109, %dma_wait3A_103, %dma_wait3A_110, %dma_wait3A_111] : memref<50x8x128x8x128xf32, #tpu.memory_space<hbm>> -> memref<1x8x1x8x128xf32, #tpu.memory_space<hbm>>
    %dma_wait3A_113 = tpu.memref_squeeze %dma_wait3A_112 : memref<1x8x1x8x128xf32, #tpu.memory_space<hbm>> -> memref<8x8x128xf32, #tpu.memory_space<hbm>>
    %dma_wait3A_114 = arith.constant 0 : i32
    %dma_wait3A_115 = arith.constant 0 : i32
    %dma_wait3A_116 = arith.constant 0 : i32
    %dma_wait3A_117 = tpu.memref_slice %arg4[%dma_wait3A_102, %dma_wait3A_114, %dma_wait3A_103, %dma_wait3A_115, %dma_wait3A_116] : memref<50x8x128x8x128xf32, #tpu.memory_space<hbm>> -> memref<1x8x1x8x128xf32, #tpu.memory_space<hbm>>
    %dma_wait3A_118 = tpu.memref_squeeze %dma_wait3A_117 : memref<1x8x1x8x128xf32, #tpu.memory_space<hbm>> -> memref<8x8x128xf32, #tpu.memory_space<hbm>>
    %dma_wait3A_119 = arith.constant 0 : i32
    %dma_wait3A_120 = arith.constant 0 : i32
    %dma_wait3A_121 = arith.constant 0 : i32
    %dma_wait3A_122 = tpu.memref_slice %arg7[%dma_wait3A_101, %dma_wait3A_119, %dma_wait3A_120, %dma_wait3A_121] : memref<4x8x8x128xf32, #tpu.memory_space<vmem>> -> memref<1x8x8x128xf32, #tpu.memory_space<vmem>>
    %dma_wait3A_123 = tpu.memref_squeeze %dma_wait3A_122 : memref<1x8x8x128xf32, #tpu.memory_space<vmem>> -> memref<8x8x128xf32, #tpu.memory_space<vmem>>
    tpu.wait_dma2 semaphore(%arg13 : memref<!tpu.dma_semaphore, #tpu.memory_space<semaphore_mem>>) src(%dma_wait3A_123 : memref<8x8x128xf32, #tpu.memory_space<vmem>>) dst(%dma_wait3A_118 : memref<8x8x128xf32, #tpu.memory_space<hbm>>)
    %dma_wait3A_124 = arith.constant 2 : i32
    %dma_wait3A_125 = arith.constant 0 : i32
    %dma_wait3A_126 = arith.constant 0 : i32
    %dma_wait3A_127 = arith.constant 0 : i32
    %dma_wait3A_128 = arith.constant 0 : i32
    %dma_wait3A_129 = arith.constant 0 : i32
    %dma_wait3A_130 = tpu.memref_slice %arg7[%dma_wait3A_124, %dma_wait3A_127, %dma_wait3A_128, %dma_wait3A_129] : memref<4x8x8x128xf32, #tpu.memory_space<vmem>> -> memref<1x8x8x128xf32, #tpu.memory_space<vmem>>
    %dma_wait3A_131 = tpu.memref_squeeze %dma_wait3A_130 : memref<1x8x8x128xf32, #tpu.memory_space<vmem>> -> memref<8x8x128xf32, #tpu.memory_space<vmem>>
    %dma_wait3A_132 = arith.constant 0 : i32
    %dma_wait3A_133 = arith.constant 0 : i32
    %dma_wait3A_134 = arith.constant 0 : i32
    %dma_wait3A_135 = tpu.memref_slice %arg4[%dma_wait3A_125, %dma_wait3A_132, %dma_wait3A_126, %dma_wait3A_133, %dma_wait3A_134] : memref<50x8x128x8x128xf32, #tpu.memory_space<hbm>> -> memref<1x8x1x8x128xf32, #tpu.memory_space<hbm>>
    %dma_wait3A_136 = tpu.memref_squeeze %dma_wait3A_135 : memref<1x8x1x8x128xf32, #tpu.memory_space<hbm>> -> memref<8x8x128xf32, #tpu.memory_space<hbm>>
    %dma_wait3A_137 = arith.constant 0 : i32
    %dma_wait3A_138 = arith.constant 0 : i32
    %dma_wait3A_139 = arith.constant 0 : i32
    %dma_wait3A_140 = tpu.memref_slice %arg4[%dma_wait3A_125, %dma_wait3A_137, %dma_wait3A_126, %dma_wait3A_138, %dma_wait3A_139] : memref<50x8x128x8x128xf32, #tpu.memory_space<hbm>> -> memref<1x8x1x8x128xf32, #tpu.memory_space<hbm>>
    %dma_wait3A_141 = tpu.memref_squeeze %dma_wait3A_140 : memref<1x8x1x8x128xf32, #tpu.memory_space<hbm>> -> memref<8x8x128xf32, #tpu.memory_space<hbm>>
    %dma_wait3A_142 = arith.constant 0 : i32
    %dma_wait3A_143 = arith.constant 0 : i32
    %dma_wait3A_144 = arith.constant 0 : i32
    %dma_wait3A_145 = tpu.memref_slice %arg7[%dma_wait3A_124, %dma_wait3A_142, %dma_wait3A_143, %dma_wait3A_144] : memref<4x8x8x128xf32, #tpu.memory_space<vmem>> -> memref<1x8x8x128xf32, #tpu.memory_space<vmem>>
    %dma_wait3A_146 = tpu.memref_squeeze %dma_wait3A_145 : memref<1x8x8x128xf32, #tpu.memory_space<vmem>> -> memref<8x8x128xf32, #tpu.memory_space<vmem>>
    tpu.wait_dma2 semaphore(%arg14 : memref<!tpu.dma_semaphore, #tpu.memory_space<semaphore_mem>>) src(%dma_wait3A_146 : memref<8x8x128xf32, #tpu.memory_space<vmem>>) dst(%dma_wait3A_141 : memref<8x8x128xf32, #tpu.memory_space<hbm>>)
    %dma_wait3A_147 = arith.constant 3 : i32
    %dma_wait3A_148 = arith.constant 0 : i32
    %dma_wait3A_149 = arith.constant 0 : i32
    %dma_wait3A_150 = arith.constant 0 : i32
    %dma_wait3A_151 = arith.constant 0 : i32
    %dma_wait3A_152 = arith.constant 0 : i32
    %dma_wait3A_153 = tpu.memref_slice %arg7[%dma_wait3A_147, %dma_wait3A_150, %dma_wait3A_151, %dma_wait3A_152] : memref<4x8x8x128xf32, #tpu.memory_space<vmem>> -> memref<1x8x8x128xf32, #tpu.memory_space<vmem>>
    %dma_wait3A_154 = tpu.memref_squeeze %dma_wait3A_153 : memref<1x8x8x128xf32, #tpu.memory_space<vmem>> -> memref<8x8x128xf32, #tpu.memory_space<vmem>>
    %dma_wait3A_155 = arith.constant 0 : i32
    %dma_wait3A_156 = arith.constant 0 : i32
    %dma_wait3A_157 = arith.constant 0 : i32
    %dma_wait3A_158 = tpu.memref_slice %arg4[%dma_wait3A_148, %dma_wait3A_155, %dma_wait3A_149, %dma_wait3A_156, %dma_wait3A_157] : memref<50x8x128x8x128xf32, #tpu.memory_space<hbm>> -> memref<1x8x1x8x128xf32, #tpu.memory_space<hbm>>
    %dma_wait3A_159 = tpu.memref_squeeze %dma_wait3A_158 : memref<1x8x1x8x128xf32, #tpu.memory_space<hbm>> -> memref<8x8x128xf32, #tpu.memory_space<hbm>>
    %dma_wait3A_160 = arith.constant 0 : i32
    %dma_wait3A_161 = arith.constant 0 : i32
    %dma_wait3A_162 = arith.constant 0 : i32
    %dma_wait3A_163 = tpu.memref_slice %arg4[%dma_wait3A_148, %dma_wait3A_160, %dma_wait3A_149, %dma_wait3A_161, %dma_wait3A_162] : memref<50x8x128x8x128xf32, #tpu.memory_space<hbm>> -> memref<1x8x1x8x128xf32, #tpu.memory_space<hbm>>
    %dma_wait3A_164 = tpu.memref_squeeze %dma_wait3A_163 : memref<1x8x1x8x128xf32, #tpu.memory_space<hbm>> -> memref<8x8x128xf32, #tpu.memory_space<hbm>>
    %dma_wait3A_165 = arith.constant 0 : i32
    %dma_wait3A_166 = arith.constant 0 : i32
    %dma_wait3A_167 = arith.constant 0 : i32
    %dma_wait3A_168 = tpu.memref_slice %arg7[%dma_wait3A_147, %dma_wait3A_165, %dma_wait3A_166, %dma_wait3A_167] : memref<4x8x8x128xf32, #tpu.memory_space<vmem>> -> memref<1x8x8x128xf32, #tpu.memory_space<vmem>>
    %dma_wait3A_169 = tpu.memref_squeeze %dma_wait3A_168 : memref<1x8x8x128xf32, #tpu.memory_space<vmem>> -> memref<8x8x128xf32, #tpu.memory_space<vmem>>
    tpu.wait_dma2 semaphore(%arg15 : memref<!tpu.dma_semaphore, #tpu.memory_space<semaphore_mem>>) src(%dma_wait3A_169 : memref<8x8x128xf32, #tpu.memory_space<vmem>>) dst(%dma_wait3A_164 : memref<8x8x128xf32, #tpu.memory_space<hbm>>)
    return
  }
}

</mosaic_0001>

<sc_bundles>
// kernel: kernel.3.cloned.1.call-start
scs
__scs_entry_jumppad:
0x0: {  	(pc) =	sbr.rel $0x88, $3  }
0x1: {  	(tag) =	ssettag $0x0;
	lr =	simm.s32 $0x1  }
0x2: {  	[smem:$0x3F9F] =	sst lr;
	_ =	strace $0xD0000000  }
0x3: {  	_ = 	snop  }
0x4: {  	_ = 	snop  }
0x5: {  	_ = 	snop  }
0x6: {  	_ = 	snop  }
0x7: {  	_ = 	snop  }
__scs_overlays_trampoline_lowered:
0x8: {  	[smem:$0x3FAE] =	sst s0  }
0x9: {  	[smem:$0x3FAF] =	sst s1  }
0xa: {  	[smem:$0x3FB0] =	sst s2  }
0xb: {  	[smem:$0x3FB1] =	sst s3  }
0xc: {  	[smem:$0x3FB2] =	sst s4  }
0xd: {  	[smem:$0x3FB3] =	sst s5  }
0xe: {  	[smem:$0x3FB4] =	sst s6  }
0xf: {  	[smem:$0x3FB5] =	sst s7  }
0x10: {  	[smem:$0x3FB6] =	sst s8  }
0x11: {  	[smem:$0x3FB7] =	sst s9;
	s0 =	simm.s32 @!p0 $0x0  }
0x12: {  	s1 =	sld [smem:$0x3F9D];
	s0 =	simm.s32 @p0 $0x1  }
0x13: {  	[smem:$0x3FB8] =	sst s0;
	s0 =	simm.s32 @!p1 $0x0  }
0x14: {  	s2 =	sld [smem:$0x3F9C];
	s0 =	simm.s32 @p1 $0x1  }
0x15: {  	[smem:$0x3FB9] =	sst s0;
	s0 =	simm.s32 @!p2 $0x0  }
0x16: {  	s3 =	sld [smem:$0x3FDB];
	s0 =	simm.s32 @p2 $0x1  }
0x17: {  	s4 =	simm.s32 $0x1BF5;
	[smem:$0x3FBB] =	sst s0  }
0x18: {  	s0 =	sld [smem:$0x3F9E];
	_ =	swait.ge [sflag:s4], $0x0  }
0x19: {  	s7 =	sld [smem:$0x3F9F]  }
0x1a: {  	s8 =	sadd.s32 $0xFFFFE003, lr  }
0x1b: {  	s9 =	sadd.s32 $0xFFFFFEF7, lr;
	s5 =	simm.s32 $0xFFFFFFFF;
	p2 =	slt.u32 s8, $0xFFFFF086  }
0x1c: {  	p1 =	slt.u32 s9, $0xF7A;
	s5 =	simm.s32 @!p2 $0x0  }
0x1d: {  	s5 =	simm.s32 @p1 $0x1;
	p0 =	seq.s32 s7, s2  }
0x1e: {  	s7 =	smul.u32 @!p0 $0xF7A, s2;
	p2 =	seq.s32 @!p0 s5, $0x0  }
0x1f: {  	s9 =	smul.u32 $0xF7A, s1;
	s8 =	simm.s32 @!p0 $0x1BF5;
	p2 =	por !p2, p0  }
0x20: {  	[sflag:s8] =	ssyncset.s32 @!p0 $0xFFFFF086;
	s6 =	sadd.s32 @!p0 s3, s7;
	s7 =	simm.s32 @!p0 $0x108  }
0x21: {  	s3 =	sadd.s32 s3, s9;
	s6 =	sadd.s32 @!p0 $0x88, s6;
	s7 =	simm.s32 @p2 $0x1082  }
0x22: {  	[simem:s7], [sflag:s8] =	dma.local @!p0 [hbm:s6], $0xF7A  }
0x23: {  	s9 =	sor.u32 $0xD0000000, s2;
	s6 =	simm.s32 $0x108;
	_ =	swait.ge @!p0 [sflag:s8], $0x0  }
0x24: {  	s3 =	sadd.s32 $0x88, s3;
	s6 =	simm.s32 @!p1 $0x1082;
	[sflag:s4] =	ssyncset.s32 $0xFFFFF086  }
0x25: {  	[simem:s6], [sflag:s4] =	dma.local [hbm:s3], $0xF7A  }
0x26: {  	[smem:$0x3F9F] =	sst s1;
	(tag) =	ssettag s2;
	_ =	strace s9  }
0x27: {  	s1 =	sld [smem:$0x3FAF]  }
0x28: {  	s2 =	sld [smem:$0x3FB0]  }
0x29: {  	s4 =	sld [smem:$0x3FB2]  }
0x2a: {  	p0 =	seq.s32 s5, $0x0;
	s5 =	sld [smem:$0x3FB3]  }
0x2b: {  	s6 =	sld [smem:$0x3FB4]  }
0x2c: {  	s7 =	sld [smem:$0x3FB5]  }
0x2d: {  	s3 =	simm.s32 $0x108;
	s8 =	sld [smem:$0x3FB6]  }
0x2e: {  	s3 =	simm.s32 @!p0 $0x1082;
	s9 =	sld [smem:$0x3FB7]  }
0x2f: {  	lr =	sadd.s32 s0, s3;
	s0 =	sld [smem:$0x3FAE]  }
0x30: {  	s3 =	sld [smem:$0x3FB1]  }
0x31: {  	[smem:$0x3FBA] =	sst s10  }
0x32: {  	s10 =	sld [smem:$0x3FB8];
	_ =	sdelay $0x3  }
0x33: {  	p0 =	seq.s32 s10, $0x1;
	s10 =	sld [smem:$0x3FBA];
	_ =	sdelay $0x3  }
0x34: {  	[smem:$0x3FBA] =	sst s10  }
0x35: {  	s10 =	sld [smem:$0x3FB9];
	_ =	sdelay $0x3  }
0x36: {  	p1 =	seq.s32 s10, $0x1;
	s10 =	sld [smem:$0x3FBA];
	_ =	sdelay $0x3  }
0x37: {  	[smem:$0x3FBA] =	sst s10  }
0x38: {  	s10 =	sld [smem:$0x3FBB]  }
0x39: {  	_ = 	snop;
	(pc) =	sbr.ind lr, $3  }
0x3a: {  	_ = 	snop  }
0x3b: {  	_ = 	snop  }
0x3c: {  	p2 =	seq.s32 s10, $0x1;
	s10 =	sld [smem:$0x3FBA]  }
0x3d: {  	_ =	shalt  }
0x3e: {  	_ =	shalt  }
0x3f: {  	_ =	shalt  }
0x40: {  	_ =	shalt  }
0x41: {  	_ =	shalt  }
0x42: {  	_ =	shalt  }
0x43: {  	_ =	shalt  }
0x44: {  	_ =	shalt  }
0x45: {  	_ =	shalt  }
0x46: {  	_ =	shalt  }
0x47: {  	_ =	shalt  }
0x48: {  	_ =	shalt  }
0x49: {  	_ =	shalt  }
0x4a: {  	_ =	shalt  }
0x4b: {  	_ =	shalt  }
0x4c: {  	_ =	shalt  }
0x4d: {  	_ =	shalt  }
0x4e: {  	_ =	shalt  }
0x4f: {  	_ =	shalt  }
0x50: {  	_ =	shalt  }
0x51: {  	_ =	shalt  }
0x52: {  	_ =	shalt  }
0x53: {  	_ =	shalt  }
0x54: {  	_ =	shalt  }
0x55: {  	_ =	shalt  }
0x56: {  	_ =	shalt  }
0x57: {  	_ =	shalt  }
0x58: {  	_ =	shalt  }
0x59: {  	_ =	shalt  }
0x5a: {  	_ =	shalt  }
0x5b: {  	_ =	shalt  }
0x5c: {  	_ =	shalt  }
0x5d: {  	_ =	shalt  }
0x5e: {  	_ =	shalt  }
0x5f: {  	_ =	shalt  }
0x60: {  	_ =	shalt  }
0x61: {  	_ =	shalt  }
0x62: {  	_ =	shalt  }
0x63: {  	_ =	shalt  }
0x64: {  	_ =	shalt  }
0x65: {  	_ =	shalt  }
0x66: {  	_ =	shalt  }
0x67: {  	_ =	shalt  }
0x68: {  	_ =	shalt  }
0x69: {  	_ =	shalt  }
0x6a: {  	_ =	shalt  }
0x6b: {  	_ =	shalt  }
0x6c: {  	_ =	shalt  }
0x6d: {  	_ =	shalt  }
0x6e: {  	_ =	shalt  }
0x6f: {  	_ =	shalt  }
0x70: {  	_ =	shalt  }
0x71: {  	_ =	shalt  }
0x72: {  	_ =	shalt  }
0x73: {  	_ =	shalt  }
0x74: {  	_ =	shalt  }
0x75: {  	_ =	shalt  }
0x76: {  	_ =	shalt  }
0x77: {  	_ =	shalt  }
0x78: {  	_ =	shalt  }
0x79: {  	_ =	shalt  }
0x7a: {  	_ =	shalt  }
0x7b: {  	_ =	shalt  }
0x7c: {  	_ =	shalt  }
0x7d: {  	_ =	shalt  }
0x7e: {  	_ =	shalt  }
0x7f: {  	_ =	shalt  }
0x80: {  	_ =	shalt  }
0x81: {  	_ =	shalt  }
0x82: {  	_ =	shalt  }
0x83: {  	_ =	shalt  }
0x84: {  	_ =	shalt  }
0x85: {  	_ =	shalt  }
0x86: {  	_ =	shalt  }
0x87: {  	_ =	shalt  }
.Lfunc_end0:
.L_simem_size_0:
called_computation_lowered:
.L_overlay_start_0:
0x88: {  	s2 =	sld [smem:$0x3FD9]  }
0x89: {  	s3 =	sld [smem:$0x3FFE];
	_ =	sdelay $0x1  }
0x8a: {  	s1 =	srdreg.scid  }
0x8b: {  	s0 =	sand.u32 $0x1, s1  }
0x8c: {  	s17 =	sshll.u32 s0, $0xA;
	s2 =	sadd.s32 s3, s2  }
0x8d: {  	s2 =	sadd.s32 s2, s17  }
0x8e: {  	[smem:$0x3FC6] =	sst s2  }
0x8f: {  	_ = 	snop  }
0x90: {  	s2 =	sld [smem:$0x3FD0];
	(tm) =	ssettm $0x1  }
0x91: {  	s18 =	sld [smem:$0x3FFB];
	_ =	sdelay $0x3  }
0x92: {  	_ =	strace s18  }
0x93: {  	s3 =	sld [smem:$0x3FFC];
	_ =	sdelay $0x3  }
0x94: {  	_ =	strace s3  }
0x95: {  	s3 =	sld [smem:$0x3FFD];
	_ =	sdelay $0x3  }
0x96: {  	_ =	strace s3  }
0x97: {  	_ =	strace $0x8FFFFFFF  }
0x98: {  	s19 =	sld [smem:$0x3FDB];
	_ =	sdelay $0x1  }
0x99: {  	s4 =	simm.s32 $_scs_section_size  }
0x9a: {  	s5 =	simm.s32 $_size__tile_overlayer_lowered;
	s6 =	simm.s32 $_tile_overlayer_lowered  }
0x9b: {  	s22 =	simm.s32 $0x1BFF;
	s21 =	sshll.u32 s6, $0x1;
	s3 =	sadd.s32 s4, s19  }
0x9c: {  	s7 =	simm.s32 $0x0;
	s20 =	sshll.u32 s5, $0x1;
	s5 =	sadd.s32 s21, s3  }
0x9d: {  	[timem:s7], [sflag:s22] =	dma.local [hbm:s5], s20  }
0x9e: {  	_ =	swait.ge [sflag:s22], s20  }
0x9f: {  	s4 =	ssub.s32 $0x0, s20;
	[sflag:s22] =	ssyncset.done $0x0  }
0xa0: {  	[sflag:s22] =	ssyncadd.s32 s4;
	_ =	sdelay $0x1  }
0xa1: {  	s23 =	simm.s32 $0x1B8B  }
0xa2: {  	_ =	swait.ge [sflag:s23], $0x1  }
0xa3: {  	[sflag:s23] =	ssyncset.done $0x0  }
0xa4: {  	s25 =	simm.s32 $0x1B8E;
	s24 =	sld [smem:$0x3FFE];
	[sflag:s23] =	ssyncadd.s32 $0xFFFFFFFF  }
0xa5: {  	s26 =	simm.s32 $execute0_lowered;
	[smem:$0x3FD2] =	sst s25  }
0xa6: {  	s5 =	sshll.u32 s26, $0x1;
	_ =	strace $0x80000046;
	[dreg:$0x1] =	wrdreg $0xFFFFFFFF  }
0xa7: {  	s28 =	simm.s32 $_size_execute0_lowered;
	s3 =	sadd.s32 s3, s5;
	[dreg:$0x0] =	wrdreg $0x0  }
0xa8: {  	s5 =	sshll.u32 s28, $0x1;
	[dreg:$0x2] =	wrdreg s3  }
0xa9: {  	[dreg:$0x3] =	wrdreg s5  }
0xaa: {  	[dreg:$0x4] =	wrdreg $0xC0  }
0xab: {  	_ =	task [dreg:s7], $0x5FFFF  }
0xac: {  	[dreg:$0x1] =	wrdreg $0xFFFFFFFF  }
0xad: {  	[dreg:$0x0] =	wrdreg $0x60  }
0xae: {  	[dreg:$0x2] =	wrdreg s24  }
0xaf: {  	[dreg:$0x3] =	wrdreg s2  }
0xb0: {  	[dreg:$0x4] =	wrdreg $0x9  }
0xb1: {  	_ =	task.clear_ibuf [dreg:s7], $0x5FFFF;
	_ =	strace $0x90000046  }
0xb2: {  	s29 =	simm.s32 $0x9;
	_ =	strace $0x80000048  }
0xb3: {  	_ =	swait.ge [sflag:s29], $0x1  }
0xb4: {  	[sflag:s29] =	ssyncadd.s32 $0xFFFFFFFF  }
0xb5: {  	_ =	strace $0x90000048  }
0xb6: {  	_ =	sfence  }
0xb7: {  	s30 =	sld [smem:$0x0];
	_ =	sdelay $0x2  }
0xb8: {  	s31 =	sshll.u32 s1, $0xD;
	s1 =	sshrl.u32 s1, $0x2  }
0xb9: {  	s3 =	sand.u32 $0x4000, s31;
	s1 =	sadd.s32 s1, s30  }
0xba: {  	s0 =	sor.u32 s3, s0;
	s1 =	sshll.u32 s1, $0x11  }
0xbb: {  	s0 =	sor.u32 s1, s0  }
0xbc: {  	s0 =	sadd.s32 $0x8F2B, s0  }
0xbd: {  	[sflag:s0] =	ssyncadd.remote.s32 $0x1  }
0xbe: {  	_ =	sfence.sel $0xFFFF  }
0xbf: {  	[dreg:$0x0] =	wrdreg $0xFFFFFFFF;
	(pc) =	sbr.abs _section_cstart, $3  }
0xc0: {  	[dreg:$0x1] =	wrdreg $0xFFFFFFFF  }
0xc1: {  	_ =	task.clear_ibuf [dreg:s7], $0x2FFFF;
	_ =	strace $0x9FFFFFFF  }
0xc2: {  	(tm) =	ssettm $0x7FFFFFFF  }
0xc3: {  	_ =	shalt  }
tec
execute0_lowered:
.L_overlay_start_1:
0x0: {  	(tag) =	ssettag $0x1  }
0x1: {  	v0 =	vlaneseq.u32  }
0x2: {  	v22 =	vmul.u32 $0x40, v0  }
0x3: {  	vm0 =	vcmask $0x300;
	v0 =	vimm.s32 $0x0  }
0x4: {  	v39 =	vsel vm0, $0x3, v0;
	v0 =	vor.u32 $0x1000, v22  }
0x5: {  	[tilespmem:$0x1FC10] =	vst v0;
	v0 =	vor.u32 $0x1400, v22  }
0x6: {  	[tilespmem:$0x1FC20] =	vst v0;
	v0 =	vor.u32 $0x1800, v22  }
0x7: {  	[tilespmem:$0x1FC30] =	vst v0;
	v0 =	vor.u32 $0x1C00, v22  }
0x8: {  	[tilespmem:$0x1FC40] =	vst v0;
	v0 =	vor.u32 $0xC01, v22  }
0x9: {  	[tilespmem:$0x1FC50] =	vst v0;
	v0 =	vor.u32 $0x1001, v22  }
0xa: {  	[tilespmem:$0x1FC60] =	vst v0;
	v0 =	vor.u32 $0x1401, v22  }
0xb: {  	[tilespmem:$0x1FC70] =	vst v0;
	v0 =	vor.u32 $0x1801, v22  }
0xc: {  	[tilespmem:$0x1FC80] =	vst v0;
	v0 =	vor.u32 $0x1C01, v22  }
0xd: {  	[tilespmem:$0x1FC90] =	vst v0;
	v0 =	vor.u32 $0x2, v22  }
0xe: {  	[tilespmem:$0x1FCA0] =	vst v0;
	v0 =	vor.u32 $0x402, v22  }
0xf: {  	[tilespmem:$0x1FCB0] =	vst v0;
	v0 =	vor.u32 $0x1002, v22  }
0x10: {  	[tilespmem:$0x1FCC0] =	vst v0;
	v0 =	vor.u32 $0x3, v22  }
0x11: {  	[tilespmem:$0x1FCD0] =	vst v0;
	v0 =	vor.u32 $0x403, v22  }
0x12: {  	[tilespmem:$0x1FCE0] =	vst v0;
	v0 =	vor.u32 $0x803, v22  }
0x13: {  	s0 =	rddreg [dreg:$0x0];
	s4 =	simm.s32 $0x0;
	[tilespmem:$0x1FCF0] =	vst v0;
	v0 =	vor.u32 $0x1403, v22  }
0x14: {  	[smem:$0x7FF] =	sst s4;
	[tilespmem:$0x1FD00] =	vst v0;
	v0 =	vor.u32 $0x804, v22  }
0x15: {  	s2 =	rddreg [dreg:$0x1];
	_ =	strace $0x80000047;
	[tilespmem:$0x1FD10] =	vst v0  }
0x16: {  	v2 =	vor.u32 $0x1C04, v22;
	[tilespmem:$0x1FD20] =	vst v22  }
0x17: {  	v63 =	vor.u32 $0x405, v22;
	[tilespmem:$0x1FD40] =	vst v2  }
0x18: {  	v29 =	vor.u32 $0x805, v22;
	[tilespmem:$0x1FD50] =	vst v63  }
0x19: {  	v28 =	vor.u32 $0xC05, v22;
	[tilespmem:$0x1FD60] =	vst v29  }
0x1a: {  	v6 =	vor.u32 $0x1005, v22;
	[tilespmem:$0x1FD70] =	vst v28  }
0x1b: {  	v32 =	vor.u32 $0x1405, v22;
	[tilespmem:$0x1FD80] =	vst v6  }
0x1c: {  	v8 =	vor.u32 $0x1805, v22;
	[tilespmem:$0x1FD90] =	vst v32  }
0x1d: {  	v9 =	vor.u32 $0x1C05, v22;
	[tilespmem:$0x1FDA0] =	vst v8  }
0x1e: {  	v61 =	vor.u32 $0x406, v22;
	[tilespmem:$0x1FDB0] =	vst v9  }
0x1f: {  	v11 =	vor.u32 $0x806, v22;
	[tilespmem:$0x1FDC0] =	vst v61  }
0x20: {  	v12 =	vor.u32 $0xC06, v22;
	[tilespmem:$0x1FDD0] =	vst v11  }
0x21: {  	v13 =	vor.u32 $0x1006, v22;
	[tilespmem:$0x1FDE0] =	vst v12  }
0x22: {  	v14 =	vor.u32 $0x1406, v22;
	[tilespmem:$0x1FDF0] =	vst v13  }
0x23: {  	v15 =	vor.u32 $0x1806, v22;
	[tilespmem:$0x1FE00] =	vst v14  }
0x24: {  	v16 =	vor.u32 $0x1C06, v22;
	[tilespmem:$0x1FE10] =	vst v15  }
0x25: {  	v17 =	vor.u32 $0x407, v22;
	[tilespmem:$0x1FE20] =	vst v16  }
0x26: {  	v18 =	vor.u32 $0x807, v22;
	[tilespmem:$0x1FE30] =	vst v17  }
0x27: {  	v62 =	vor.u32 $0xC07, v22;
	[tilespmem:$0x1FE40] =	vst v18  }
0x28: {  	v20 =	vor.u32 $0x1007, v22;
	[tilespmem:$0x1FE50] =	vst v62  }
0x29: {  	v21 =	vor.u32 $0x1407, v22;
	[tilespmem:$0x1FE60] =	vst v20  }
0x2a: {  	v25 =	vor.u32 $0x6, v22;
	[tilespmem:$0x1FE70] =	vst v21  }
0x2b: {  	v23 =	vor.u32 $0x7, v22;
	[tilespmem:$0x1FE90] =	vst v25  }
0x2c: {  	v27 =	vor.u32 $0x5, v22;
	[tilespmem:$0x1FEA0] =	vst v23  }
0x2d: {  	v26 =	vor.u32 $0x4, v22;
	[tilespmem:$0x1FEB0] =	vst v27  }
0x2e: {  	v49 =	vor.u32 $0x1004, v22;
	[tilespmem:$0x1FEC0] =	vst v26  }
0x2f: {  	v57 =	vor.u32 $0x1404, v22;
	[tilespmem:$0x1FED0] =	vst v49  }
0x30: {  	v46 =	vor.u32 $0x1C03, v22;
	[tilespmem:$0x1FEE0] =	vst v57  }
0x31: {  	v50 =	vor.u32 $0x1803, v22;
	[tilespmem:$0x1FEF0] =	vst v46  }
0x32: {  	v33 =	vor.u32 $0x404, v22;
	[tilespmem:$0x1FF00] =	vst v50  }
0x33: {  	v60 =	vor.u32 $0xC04, v22;
	[tilespmem:$0x1FF10] =	vst v33  }
0x34: {  	[tilespmem:$0x1FF20] =	vst v60  }
0x35: {  	v1 =	vor.u32 $0x400, v22;
	[tilespmem:$0x1FF30] =	vst v39  }
0x36: {  	v30 =	vor.u32 $0x401, v22;
	[tilespmem:$0x1FF40] =	vst v1  }
0x37: {  	s1 =	srdreg.scid;
	v48 =	vor.u32 $0x1003, v22;
	[tilespmem:$0x1FF50] =	vst v30  }
0x38: {  	s3 =	stileid.u32;
	s9 =	simm.s32 $0x80;
	s10 =	simm.s32 $0x6400;
	v47 =	vor.u32 $0xC03, v22;
	[tilespmem:$0x1FF60] =	vst v48  }
0x39: {  	s11 =	simm.s32 $0x8400;
	s13 =	simm.s32 $0xA400;
	s15 =	simm.s32 $0xC400;
	v54 =	vor.u32 $0x802, v22;
	[tilespmem:$0x1FF70] =	vst v47  }
0x3a: {  	s16 =	simm.s32 $0x1;
	s17 =	simm.s32 $0x400;
	s18 =	simm.s32 $0x20000;
	v42 =	vor.u32 $0xC02, v22;
	[tilespmem:$0x1FF80] =	vst v54  }
0x3b: {  	s19 =	simm.s32 $0xE400;
	s20 =	simm.s32 $0x2;
	s21 =	simm.s32 $0x10400;
	v44 =	vor.u32 $0x1, v22;
	[tilespmem:$0x1FF90] =	vst v42  }
0x3c: {  	s22 =	simm.s32 $0x3;
	s1 =	sand.u32 $0x1, s1;
	s3 =	sshll.u32 s3, $0x1;
	v31 =	vor.u32 $0xC00, v22;
	[tilespmem:$0x1FFA0] =	vst v44  }
0x3d: {  	s23 =	simm.s32 $0x12400;
	s28 =	simm.s32 $0x6;
	s3 =	sor.u32 s1, s3;
	v41 =	vor.u32 $0x801, v22;
	[tilespmem:$0x1FFB0] =	vst v31  }
0x3e: {  	s29 =	simm.s32 $0x7;
	s30 =	simm.s32 $0x8;
	v56 =	vor.u32 $0x1402, v22;
	s24 =	smul.u32 $0xC80, s3;
	[tilespmem:$0x1FFC0] =	vst v41  }
.Ltmp0:
0x3f: {  	s31 =	simm.s32 $0x0;
	s1 =	ssub.s32 $0x2, s1;
	v58 =	vor.u32 $0x1802, v22;
	[tilespmem:$0x1FFD0] =	vst v56;
	(pc) =	sbr.rel .LBB2_1-.Ltmp0, $4  }
0x40: {  	s4 =	sadd.s32 $0xF42A00, s0;
	v40 =	vor.u32 $0x800, v22;
	s25 =	sshrl.u32 s1, $0x1;
	s6 =	sadd.s32 s24, s0;
	[tilespmem:$0x1FFE0] =	vst v58  }
0x41: {  	s5 =	smul.u32 $0xC8, s3;
	s0 =	ssub.s32 s1, s25;
	s26 =	sadd.s32 $0x600, s6;
	v0 =	vor.u32 $0x1804, v22;
	[tilespmem:$0x1FFF0] =	vst v40  }
0x42: {  	v36 =	vor.u32 $0x1C02, v22;
	s24 =	simm.s32 $0x4;
	s0 =	smax.u32 s0, $0x1;
	[dreg:$0x3] =	wrdreg s26;
	v22 =	vor.u32 $0x1807, v22;
	[tilespmem:$0x1FD30] =	vst v0  }
0x43: {  	s25 =	simm.s32 $0x14400;
	[dreg:$0x4] =	wrdreg s0;
	s26 =	simm.s32 $0x5;
	[tilespmem:$0x1FE80] =	vst v22  }
.LBB2_12:
0x44: {  	_ =	swait.ge [sflag:s26], $0x2000  }
0x45: {  	[sflag:s26] =	ssyncset.done $0x0  }
0x46: {  	[sflag:s26] =	ssyncadd.s32 $0xFFFFE000  }
0x47: {  	_ =	swait.ge [sflag:s28], $0x2000  }
0x48: {  	[sflag:s28] =	ssyncset.done $0x0  }
0x49: {  	[sflag:s28] =	ssyncadd.s32 $0xFFFFE000  }
0x4a: {  	_ =	swait.ge [sflag:s29], $0x2000  }
0x4b: {  	[sflag:s29] =	ssyncset.done $0x0  }
0x4c: {  	[sflag:s29] =	ssyncadd.s32 $0xFFFFE000  }
0x4d: {  	_ =	swait.ge [sflag:s30], $0x2000  }
0x4e: {  	s31 =	sadd.s32 $0x1, s31;
	s0 =	rddreg [dreg:$0x4]  }
0x4f: {  	p0 =	sne.s32 s31, s0  }
.Ltmp1:
0x50: {  	_ = 	snop;
	(pc) =	sbr.rel @!p0 .LBB2_13-.Ltmp1, $4  }
0x51: {  	_ = 	snop  }
0x52: {  	v1 =	vld [tilespmem:$0x1FF40]  }
0x53: {  	[sflag:s30] =	ssyncset.done $0x0;
	v39 =	vld [tilespmem:$0x1FF30]  }
0x54: {  	v31 =	vmov v34;
	v41 =	vmov v45;
	v54 =	vmov v52;
	v30 =	vld [tilespmem:$0x1FF50];
	[sflag:s30] =	ssyncadd.s32 $0xFFFFE000  }
.LBB2_1:
0x55: {  	s0 =	simm.s32 $0x0;
	s1 =	rddreg [dreg:$0x3];
	s8 =	simm.s32 $0x9  }
0x56: {  	[tilespmem:s0], [sflag:$0x9] =	stream.linear.gather [hbm4b:s1+s0], $0x6400, $0x38;
	[tilespmem:$0x16400] =	vst v63  }
0x57: {  	_ =	swait.ge [sflag:s8], $0x6400  }
0x58: {  	[sflag:s8] =	ssyncset.done $0x0  }
0x59: {  	[sflag:s8] =	ssyncadd.s32 $0xFFFF9C00  }
0x5a: {  	[tilespmem:s10], [sflag:$0x1] =	stream.indirect.gather [hbm4b:s4+s9], $0x40, s0, s9, $0xb8;
	[tilespmem:$0x16400] =	vst v63  }
0x5b: {  	_ = 	snop  }
0x5c: {  	[tilespmem:s11], [sflag:$0x2] =	stream.indirect.gather [hbm4b:s4+s9], $0x40, s9, s9, $0xb8;
	[tilespmem:$0x16400] =	vst v63  }
0x5d: {  	s12 =	simm.s32 $0x100  }
0x5e: {  	[tilespmem:s13], [sflag:$0x3] =	stream.indirect.gather [hbm4b:s4+s9], $0x40, s12, s9, $0xb8;
	[tilespmem:$0x16400] =	vst v63  }
0x5f: {  	s14 =	simm.s32 $0x180;
	s1 =	simm.s32 $0x0  }
0x60: {  	[tilespmem:s15], [sflag:$0x4] =	stream.indirect.gather [hbm4b:s4+s9], $0x40, s14, s9, $0xb8;
	[tilespmem:$0x16400] =	vst v63  }
.LBB2_2:
0x61: {  	s0 =	simm.s32 $0x0;
	_ =	swait.ge [sflag:s16], $0x2000;
	s12 =	simm.s32 $0x8  }
0x62: {  	s14 =	simm.s32 $0x9;
	p0 =	seq.s32 s1, $0x0;
	[sflag:s16] =	ssyncset.done $0x0  }
0x63: {  	s6 =	simm.s32 $0xB;
	v0 =	vmov s0;
	s0 =	simm.s32 @!p0 $0x5;
	[sflag:s16] =	ssyncadd.s32 $0xFFFFE000  }
0x64: {  	s7 =	simm.s32 $0xC;
	v35 =	vld [tilespmem:$0x1FD20];
	v2 =	vmov s12;
	v3 =	vmov s14;
	v5 =	vmov s6;
	s12 =	simm.s32 $0xE;
	_ =	swait.ge @!p0 [sflag:s0], $0x2000  }
0x65: {  	v6 =	vmov s7;
	v0 =	vshrl.u32 v0, $0x3;
	v8 =	vmov s12;
	v52 =	vld [tilespmem:$0x1FCA0]  }
0x66: {  	s14 =	simm.s32 $0xF;
	v2 =	vshrl.u32 v2, $0x3;
	v3 =	vshrl.u32 v3, $0x3;
	v0 =	vshll.u32 v0, v39  }
0x67: {  	v11 =	vshrl.u32 v5, $0x3;
	v5 =	vmov s14;
	v12 =	vbroadcast v0, $0x0  }
0x68: {  	v14 =	vshrl.u32 v6, $0x3;
	v2 =	vshll.u32 v2, v39;
	v6 =	vshrl.u32 v5, $0x3  }
0x69: {  	v3 =	vshll.u32 v3, v39;
	v59 =	vbroadcast v2, $0x0;
	v9 =	vor.u32 v44, v12  }
0x6a: {  	v61 =	vld [tilespmem:$0x1FCD0];
	v2 =	vshll.u32 v6, v39;
	v21 =	vbroadcast v3, $0x0;
	v10 =	vor.u32 v52, v12  }
0x6b: {  	v16 =	vshrl.u32 v8, $0x3;
	v6 =	vld [tilespmem:$0x1FE30];
	v2 =	vbroadcast v2, $0x0;
	v8 =	vor.u32 v27, v12  }
0x6c: {  	[sflag:s0] =	ssyncset.done @!p0 $0x0;
	v53 =	vld [tilespmem:$0x1FCB0];
	v22 =	vor.u32 v44, v21  }
0x6d: {  	s3 =	simm.s32 $0xA;
	v46 =	vld [tilespmem:$0x1FCE0];
	[sflag:s0] =	ssyncadd.s32 @!p0 $0xFFFFE000;
	v20 =	vor.u32 v23, v2  }
0x6e: {  	s8 =	simm.s32 $0xD;
	v4 =	vmov s3;
	v17 =	vld.idx.msk [tilespmem:v9+s10+$0x0], $0xffff;
	v9 =	vor.u32 v25, v12  }
0x6f: {  	v7 =	vmov s8;
	v4 =	vshrl.u32 v4, $0x3;
	v18 =	vld.idx.msk [tilespmem:v10+s10+$0x0], $0xffff;
	v10 =	vor.u32 v23, v12  }
0x70: {  	v15 =	vshrl.u32 v7, $0x3;
	v3 =	vshll.u32 v4, v39;
	v19 =	vor.u32 v35, v59;
	v37 =	vld.idx.msk [tilespmem:v8+s10+$0x0], $0xffff  }
0x71: {  	v55 =	vbroadcast v3, $0x0;
	v3 =	vshll.u32 v11, v39;
	v0 =	vor.u32 v35, v12;
	v22 =	vld.idx.msk [tilespmem:v22+s10+$0x0], $0xffff  }
0x72: {  	v7 =	vor.u32 v26, v12;
	v8 =	vbroadcast v3, $0x0;
	v3 =	vshll.u32 v14, v39;
	v20 =	vld.idx.msk [tilespmem:v20+s10+$0x0], $0xffff  }
0x73: {  	v23 =	vor.u32 v52, v55;
	v14 =	vld.idx.msk [tilespmem:v9+s10+$0x0], $0xffff;
	v9 =	vbroadcast v3, $0x0  }
0x74: {  	v24 =	vor.u32 v61, v8;
	v3 =	vshll.u32 v15, v39;
	v15 =	vld.idx.msk [tilespmem:v10+s10+$0x0], $0xffff  }
0x75: {  	v10 =	vbroadcast v3, $0x0;
	v3 =	vshll.u32 v16, v39;
	v16 =	vld.idx.msk [tilespmem:v19+s10+$0x0], $0xffff;
	v19 =	vor.u32 v26, v9  }
0x76: {  	v32 =	vld.idx.msk [tilespmem:v0+s10+$0x0], $0xffff;
	v26 =	vor.u32 v6, v2  }
0x77: {  	v4 =	vld.idx.msk [tilespmem:v7+s10+$0x0], $0xffff  }
0x78: {  	s12 =	simm.s32 $0xE800;
	v23 =	vld.idx.msk [tilespmem:v23+s10+$0x0], $0xffff;
	v11 =	vbroadcast v3, $0x0;
	v3 =	vor.u32 v27, v10  }
0x79: {  	[tilespmem:s12+$0x80] =	vst v22;
	v24 =	vld.idx.msk [tilespmem:v24+s10+$0x0], $0xffff  }
0x7a: {  	[tilespmem:s12+$0x380] =	vst v20;
	v25 =	vor.u32 v25, v11;
	v19 =	vld.idx.msk [tilespmem:v19+s10+$0x0], $0xffff  }
0x7b: {  	[tilespmem:s12+$0x0] =	vst v16;
	v20 =	vld.idx.msk [tilespmem:v26+s10+$0x0], $0xffff  }
0x7c: {  	v27 =	vor.u32 v1, v59;
	v34 =	vld [tilespmem:$0x1FD50]  }
0x7d: {  	v28 =	vor.u32 v30, v21;
	[tilespmem:s12+$0x100] =	vst v23;
	v3 =	vld.idx.msk [tilespmem:v3+s10+$0x0], $0xffff  }
0x7e: {  	v29 =	vor.u32 v53, v55;
	v7 =	vld [tilespmem:$0x1FE40]  }
0x7f: {  	v13 =	vor.u32 v61, v12;
	[tilespmem:s12+$0x180] =	vst v24;
	v25 =	vld.idx.msk [tilespmem:v25+s10+$0x0], $0xffff  }
0x80: {  	v0 =	vor.u32 v46, v8;
	v43 =	vld [tilespmem:$0x1FDC0];
	[tilespmem:s12+$0xFFFFFC00] =	vst v32  }
0x81: {  	v26 =	vld.idx.msk [tilespmem:v27+s10+$0x0], $0xffff;
	[tilespmem:s12+$0xFFFFFC80] =	vst v17  }
0x82: {  	v16 =	vor.u32 v33, v9;
	v27 =	vld.idx.msk [tilespmem:v28+s10+$0x0], $0xffff;
	[tilespmem:s12+$0x200] =	vst v19  }
0x83: {  	v28 =	vld.idx.msk [tilespmem:v29+s10+$0x0], $0xffff;
	v29 =	vor.u32 v1, v12;
	[tilespmem:s12+$0x390] =	vst v20  }
0x84: {  	v13 =	vld.idx.msk [tilespmem:v13+s10+$0x0], $0xffff;
	v23 =	vor.u32 v7, v2;
	[tilespmem:s12+$0x280] =	vst v3  }
0x85: {  	v5 =	vld.idx.msk [tilespmem:v0+s10+$0x0], $0xffff;
	v19 =	vor.u32 v30, v12;
	[tilespmem:s12+$0x300] =	vst v25  }
0x86: {  	v20 =	vor.u32 v46, v12;
	v51 =	vld [tilespmem:$0x1FE50]  }
0x87: {  	v22 =	vor.u32 v34, v10;
	v16 =	vld.idx.msk [tilespmem:v16+s10+$0x0], $0xffff  }
0x88: {  	v3 =	vor.u32 v53, v12;
	v29 =	vld.idx.msk [tilespmem:v29+s10+$0x0], $0xffff;
	[tilespmem:s12+$0xFFFFFD00] =	vst v18  }
0x89: {  	v24 =	vor.u32 v43, v11;
	[tilespmem:s12+$0xFFFFFD80] =	vst v13;
	v23 =	vld.idx.msk [tilespmem:v23+s10+$0x0], $0xffff  }
0x8a: {  	[tilespmem:s12+$0xFFFFFE00] =	vst v4;
	v19 =	vld.idx.msk [tilespmem:v19+s10+$0x0], $0xffff  }
0x8b: {  	[tilespmem:s12+$0xFFFFFE80] =	vst v37;
	v20 =	vld.idx.msk [tilespmem:v20+s10+$0x0], $0xffff;
	v17 =	vor.u32 v51, v2  }
0x8c: {  	[tilespmem:s12+$0xFFFFFF00] =	vst v14;
	v22 =	vld.idx.msk [tilespmem:v22+s10+$0x0], $0xffff  }
0x8d: {  	[tilespmem:s12+$0xFFFFFF80] =	vst v15;
	v3 =	vld.idx.msk [tilespmem:v3+s10+$0x0], $0xffff  }
0x8e: {  	v24 =	vld.idx.msk [tilespmem:v24+s10+$0x0], $0xffff;
	[tilespmem:s12+$0x3A0] =	vst v23  }
0x8f: {  	v18 =	vor.u32 v34, v12;
	v34 =	vld [tilespmem:$0x1FE60]  }
0x90: {  	v25 =	vor.u32 v33, v12;
	[tilespmem:s12+$0x10] =	vst v26;
	v17 =	vld.idx.msk [tilespmem:v17+s10+$0x0], $0xffff  }
0x91: {  	v62 =	vld [tilespmem:$0x1FCF0];
	[tilespmem:s12+$0x90] =	vst v27  }
0x92: {  	v13 =	vor.u32 v43, v12;
	v32 =	vld [tilespmem:$0x1FD10];
	[tilespmem:s12+$0x110] =	vst v28  }
0x93: {  	v45 =	vmov v30;
	v30 =	vld [tilespmem:$0x1FD60]  }
0x94: {  	v4 =	vor.u32 v6, v12;
	v63 =	vld [tilespmem:$0x1FDD0];
	[tilespmem:s12+$0x190] =	vst v5  }
0x95: {  	v0 =	vor.u32 v40, v59;
	v25 =	vld.idx.msk [tilespmem:v25+s10+$0x0], $0xffff;
	[tilespmem:s12+$0x210] =	vst v16  }
0x96: {  	v18 =	vld.idx.msk [tilespmem:v18+s10+$0x0], $0xffff;
	[tilespmem:s12+$0x290] =	vst v22;
	v15 =	vor.u32 v34, v2  }
0x97: {  	v14 =	vor.u32 v54, v55;
	v13 =	vld.idx.msk [tilespmem:v13+s10+$0x0], $0xffff;
	[tilespmem:s12+$0x3B0] =	vst v17  }
0x98: {  	v23 =	vor.u32 v41, v21;
	v37 =	vld [tilespmem:$0x1FE70]  }
0x99: {  	v4 =	vld.idx.msk [tilespmem:v4+s10+$0x0], $0xffff;
	v27 =	vor.u32 v32, v9  }
0x9a: {  	v6 =	vld.idx.msk [tilespmem:v0+s10+$0x0], $0xffff;
	[tilespmem:s12+$0x310] =	vst v24;
	v0 =	vor.u32 v63, v11  }
0x9b: {  	v26 =	vor.u32 v62, v8;
	[tilespmem:s12+$0xFFFFFC10] =	vst v29;
	v5 =	vld.idx.msk [tilespmem:v15+s10+$0x0], $0xffff  }
0x9c: {  	v14 =	vld.idx.msk [tilespmem:v14+s10+$0x0], $0xffff;
	[tilespmem:s12+$0xFFFFFC90] =	vst v19  }
0x9d: {  	v23 =	vld.idx.msk [tilespmem:v23+s10+$0x0], $0xffff;
	[tilespmem:s12+$0xFFFFFD10] =	vst v3;
	v22 =	vor.u32 v37, v2  }
0x9e: {  	[tilespmem:s12+$0xFFFFFD90] =	vst v20;
	v16 =	vld.idx.msk [tilespmem:v27+s10+$0x0], $0xffff;
	v27 =	vor.u32 v54, v12  }
0x9f: {  	[tilespmem:s12+$0xFFFFFE10] =	vst v25;
	v29 =	vld.idx.msk [tilespmem:v0+s10+$0x0], $0xffff;
	v0 =	vor.u32 v32, v12  }
0xa0: {  	v3 =	vor.u32 v63, v12;
	v26 =	vld.idx.msk [tilespmem:v26+s10+$0x0], $0xffff;
	[tilespmem:s12+$0x3C0] =	vst v5  }
0xa1: {  	v17 =	vor.u32 v40, v12;
	v28 =	vor.u32 v30, v10;
	v19 =	vor.u32 v30, v12;
	v30 =	vld [tilespmem:$0x1FE80]  }
0xa2: {  	v24 =	vor.u32 v62, v12;
	v5 =	vld.idx.msk [tilespmem:v22+s10+$0x0], $0xffff  }
0xa3: {  	v22 =	vld.idx.msk [tilespmem:v27+s10+$0x0], $0xffff  }
0xa4: {  	v15 =	vor.u32 v41, v12;
	[tilespmem:s12+$0xFFFFFF10] =	vst v13;
	v27 =	vld.idx.msk [tilespmem:v0+s10+$0x0], $0xffff  }
0xa5: {  	v0 =	vld.idx.msk [tilespmem:v3+s10+$0x0], $0xffff  }
0xa6: {  	v17 =	vld.idx.msk [tilespmem:v17+s10+$0x0], $0xffff  }
0xa7: {  	v24 =	vld.idx.msk [tilespmem:v24+s10+$0x0], $0xffff  }
0xa8: {  	v28 =	vld.idx.msk [tilespmem:v28+s10+$0x0], $0xffff  }
0xa9: {  	v15 =	vld.idx.msk [tilespmem:v15+s10+$0x0], $0xffff;
	[tilespmem:s12+$0xFFFFFE90] =	vst v18  }
0xaa: {  	v19 =	vld.idx.msk [tilespmem:v19+s10+$0x0], $0xffff;
	[tilespmem:$0x1FBE0] =	vst v0  }
0xab: {  	v43 =	vld [tilespmem:$0x1FC50];
	[tilespmem:s12+$0xFFFFFF90] =	vst v4  }
0xac: {  	[tilespmem:s12+$0x3D0] =	vst v5  }
0xad: {  	[tilespmem:s12+$0x20] =	vst v6  }
0xae: {  	[tilespmem:s12+$0xA0] =	vst v23  }
0xaf: {  	v0 =	vld [tilespmem:$0x1FD70];
	[tilespmem:s12+$0x120] =	vst v14  }
0xb0: {  	v25 =	vor.u32 v30, v2;
	[tilespmem:s12+$0x1A0] =	vst v26  }
0xb1: {  	v20 =	vor.u32 v7, v12;
	v3 =	vor.u32 v42, v55;
	v7 =	vld [tilespmem:$0x1FDE0];
	_ =	sdelay $0x2  }
0xb2: {  	v18 =	vor.u32 v31, v59  }
0xb3: {  	s6 =	simm.s32 $0x10;
	v38 =	vor.u32 $0x1C07, v35;
	v13 =	vor.u32 v43, v21;
	v6 =	vld.idx.msk [tilespmem:v25+s10+$0x0], $0xffff  }
0xb4: {  	v14 =	vor.u32 v38, v2;
	v2 =	vmov s6;
	v25 =	vld.idx.msk [tilespmem:v3+s10+$0x0], $0xffff;
	v3 =	vor.u32 v7, v11  }
0xb5: {  	v5 =	vor.u32 v60, v9;
	v2 =	vshrl.u32 v2, $0x3  }
0xb6: {  	v4 =	vld.idx.msk [tilespmem:v20+s10+$0x0], $0xffff;
	v20 =	vor.u32 v47, v8;
	v2 =	vshll.u32 v2, v39  }
0xb7: {  	v18 =	vld.idx.msk [tilespmem:v18+s10+$0x0], $0xffff;
	[tilespmem:s12+$0x220] =	vst v16;
	v16 =	vor.u32 v31, v12;
	v2 =	vbroadcast v2, $0x0  }
0xb8: {  	[tilespmem:s12+$0x320] =	vst v29;
	v13 =	vld.idx.msk [tilespmem:v13+s10+$0x0], $0xffff  }
0xb9: {  	[tilespmem:s12+$0x2A0] =	vst v28;
	v29 =	vld.idx.msk [tilespmem:v3+s10+$0x0], $0xffff;
	v3 =	vor.u32 v35, v2  }
0xba: {  	v26 =	vor.u32 v43, v12;
	[tilespmem:s12+$0xFFFFFC20] =	vst v17;
	v5 =	vld.idx.msk [tilespmem:v5+s10+$0x0], $0xffff  }
0xbb: {  	v28 =	vor.u32 v47, v12;
	[tilespmem:s12+$0xFFFFFCA0] =	vst v15;
	v20 =	vld.idx.msk [tilespmem:v20+s10+$0x0], $0xffff  }
0xbc: {  	v17 =	vor.u32 v60, v12;
	[tilespmem:s12+$0x3E0] =	vst v6;
	v15 =	vld.idx.msk [tilespmem:v16+s10+$0x0], $0xffff  }
0xbd: {  	v23 =	vor.u32 v0, v10;
	v14 =	vld.idx.msk [tilespmem:v14+s10+$0x0], $0xffff  }
0xbe: {  	[tilespmem:s12+$0xFFFFFD20] =	vst v22;
	v22 =	vor.u32 v0, v12;
	v6 =	vor.u32 v42, v12;
	v0 =	vld.idx.msk [tilespmem:v3+s10+$0x0], $0xffff  }
0xbf: {  	[tilespmem:s12+$0xFFFFFDA0] =	vst v24;
	v16 =	vld.idx.msk [tilespmem:v26+s10+$0x0], $0xffff  }
0xc0: {  	[tilespmem:s12+$0xFFFFFE20] =	vst v27;
	v26 =	vld.idx.msk [tilespmem:v28+s10+$0x0], $0xffff  }
0xc1: {  	v17 =	vld.idx.msk [tilespmem:v17+s10+$0x0], $0xffff  }
0xc2: {  	v23 =	vld.idx.msk [tilespmem:v23+s10+$0x0], $0xffff;
	[tilespmem:s12+$0x3F0] =	vst v14  }
0xc3: {  	v6 =	vld.idx.msk [tilespmem:v6+s10+$0x0], $0xffff;
	[tilespmem:$0x1FBD0] =	vst v0  }
0xc4: {  	v32 =	vld [tilespmem:$0x1FC10];
	[tilespmem:s12+$0xFFFFFEA0] =	vst v19  }
0xc5: {  	v0 =	vld [tilespmem:$0x1FBE0];
	_ =	sdelay $0x4  }
0xc6: {  	v63 =	vmov v47;
	v47 =	vld [tilespmem:$0x1FC60];
	[tilespmem:s12+$0xFFFFFF20] =	vst v0  }
0xc7: {  	v27 =	vor.u32 v51, v12;
	v51 =	vld [tilespmem:$0x1FCC0];
	[tilespmem:s12+$0xFFFFFFA0] =	vst v4  }
0xc8: {  	[tilespmem:s12+$0x30] =	vst v18  }
0xc9: {  	[tilespmem:s12+$0xB0] =	vst v13  }
0xca: {  	v0 =	vld [tilespmem:$0x1FD80];
	[tilespmem:s12+$0x130] =	vst v25  }
0xcb: {  	v3 =	vld [tilespmem:$0x1FDF0];
	[tilespmem:s12+$0x1B0] =	vst v20  }
0xcc: {  	v24 =	vor.u32 v7, v12;
	[tilespmem:s12+$0x230] =	vst v5  }
0xcd: {  	[tilespmem:s12+$0x2B0] =	vst v23  }
0xce: {  	v14 =	vor.u32 v32, v59;
	[tilespmem:s12+$0x330] =	vst v29  }
0xcf: {  	[tilespmem:s12+$0xFFFFFC30] =	vst v15  }
0xd0: {  	v22 =	vld.idx.msk [tilespmem:v22+s10+$0x0], $0xffff;
	v19 =	vor.u32 v47, v21;
	[tilespmem:s12+$0xFFFFFCB0] =	vst v16  }
0xd1: {  	v24 =	vld.idx.msk [tilespmem:v24+s10+$0x0], $0xffff;
	[tilespmem:s12+$0xFFFFFD30] =	vst v6  }
0xd2: {  	v4 =	vor.u32 v48, v8;
	v27 =	vld.idx.msk [tilespmem:v27+s10+$0x0], $0xffff;
	[tilespmem:s12+$0xFFFFFDB0] =	vst v26  }
0xd3: {  	v18 =	vor.u32 v49, v9;
	v14 =	vld.idx.msk [tilespmem:v14+s10+$0x0], $0xffff;
	[tilespmem:s12+$0xFFFFFE30] =	vst v17  }
0xd4: {  	v42 =	vmov v41;
	v20 =	vor.u32 v32, v12;
	v41 =	vld [tilespmem:$0x1FC20]  }
0xd5: {  	v5 =	vor.u32 v47, v12;
	[tilespmem:s12+$0xFFFFFEB0] =	vst v22;
	v19 =	vld.idx.msk [tilespmem:v19+s10+$0x0], $0xffff  }
0xd6: {  	v29 =	vor.u32 v48, v12;
	v48 =	vld [tilespmem:$0x1FC70]  }
0xd7: {  	v28 =	vor.u32 v51, v55;
	v4 =	vld.idx.msk [tilespmem:v4+s10+$0x0], $0xffff  }
0xd8: {  	v15 =	vor.u32 v49, v12;
	v18 =	vld.idx.msk [tilespmem:v18+s10+$0x0], $0xffff  }
0xd9: {  	v20 =	vld.idx.msk [tilespmem:v20+s10+$0x0], $0xffff  }
0xda: {  	v13 =	vor.u32 v0, v10;
	v5 =	vld.idx.msk [tilespmem:v5+s10+$0x0], $0xffff  }
0xdb: {  	v23 =	vor.u32 v51, v12;
	v29 =	vld.idx.msk [tilespmem:v29+s10+$0x0], $0xffff  }
0xdc: {  	[tilespmem:s12+$0xFFFFFF30] =	vst v24;
	v28 =	vld.idx.msk [tilespmem:v28+s10+$0x0], $0xffff  }
0xdd: {  	[tilespmem:s12+$0xFFFFFFB0] =	vst v27;
	v15 =	vld.idx.msk [tilespmem:v15+s10+$0x0], $0xffff  }
0xde: {  	v26 =	vor.u32 v34, v12;
	v7 =	vld [tilespmem:$0x1FD00]  }
0xdf: {  	v16 =	vor.u32 v0, v12;
	[tilespmem:s12+$0x40] =	vst v14;
	v13 =	vld.idx.msk [tilespmem:v13+s10+$0x0], $0xffff  }
0xe0: {  	v25 =	vor.u32 v3, v11;
	[tilespmem:s12+$0xC0] =	vst v19;
	v23 =	vld.idx.msk [tilespmem:v23+s10+$0x0], $0xffff  }
0xe1: {  	v6 =	vor.u32 v3, v12;
	v0 =	vld [tilespmem:$0x1FD90];
	[tilespmem:s12+$0x140] =	vst v28  }
0xe2: {  	v17 =	vor.u32 v41, v59;
	v3 =	vld [tilespmem:$0x1FE00];
	[tilespmem:s12+$0x1C0] =	vst v4  }
0xe3: {  	v26 =	vld.idx.msk [tilespmem:v26+s10+$0x0], $0xffff;
	v22 =	vor.u32 v48, v21;
	[tilespmem:s12+$0x240] =	vst v18  }
0xe4: {  	v24 =	vor.u32 v56, v55;
	v16 =	vld.idx.msk [tilespmem:v16+s10+$0x0], $0xffff;
	[tilespmem:s12+$0x2C0] =	vst v13  }
0xe5: {  	v25 =	vld.idx.msk [tilespmem:v25+s10+$0x0], $0xffff;
	v27 =	vor.u32 v7, v8;
	[tilespmem:s12+$0xFFFFFC40] =	vst v20  }
0xe6: {  	v6 =	vld.idx.msk [tilespmem:v6+s10+$0x0], $0xffff;
	[tilespmem:s12+$0xFFFFFCC0] =	vst v5  }
0xe7: {  	v17 =	vld.idx.msk [tilespmem:v17+s10+$0x0], $0xffff;
	[tilespmem:s12+$0xFFFFFD40] =	vst v23  }
0xe8: {  	v14 =	vor.u32 v57, v9;
	v22 =	vld.idx.msk [tilespmem:v22+s10+$0x0], $0xffff;
	[tilespmem:s12+$0xFFFFFDC0] =	vst v29  }
0xe9: {  	v19 =	vor.u32 v0, v10;
	v24 =	vld.idx.msk [tilespmem:v24+s10+$0x0], $0xffff;
	[tilespmem:s12+$0xFFFFFE40] =	vst v15  }
0xea: {  	v27 =	vld.idx.msk [tilespmem:v27+s10+$0x0], $0xffff;
	[tilespmem:s12+$0x340] =	vst v25  }
0xeb: {  	v4 =	vor.u32 v41, v12;
	v29 =	vor.u32 v37, v12;
	v37 =	vld [tilespmem:$0x1FC30];
	[tilespmem:s12+$0xFFFFFEC0] =	vst v16  }
0xec: {  	v18 =	vor.u32 v48, v12;
	v49 =	vld [tilespmem:$0x1FC80];
	[tilespmem:s12+$0xFFFFFF40] =	vst v6  }
0xed: {  	v13 =	vor.u32 v56, v12;
	v14 =	vld.idx.msk [tilespmem:v14+s10+$0x0], $0xffff;
	[tilespmem:s12+$0xFFFFFFC0] =	vst v26  }
0xee: {  	v20 =	vor.u32 v57, v12;
	[tilespmem:s12+$0x50] =	vst v17;
	v19 =	vld.idx.msk [tilespmem:v19+s10+$0x0], $0xffff  }
0xef: {  	v5 =	vor.u32 v0, v12;
	v0 =	vld [tilespmem:$0x1FD30]  }
0xf0: {  	v4 =	vld.idx.msk [tilespmem:v4+s10+$0x0], $0xffff  }
0xf1: {  	v18 =	vld.idx.msk [tilespmem:v18+s10+$0x0], $0xffff  }
0xf2: {  	v25 =	vor.u32 v7, v12;
	v13 =	vld.idx.msk [tilespmem:v13+s10+$0x0], $0xffff  }
0xf3: {  	v20 =	vld.idx.msk [tilespmem:v20+s10+$0x0], $0xffff  }
0xf4: {  	v6 =	vor.u32 v58, v55;
	v5 =	vld.idx.msk [tilespmem:v5+s10+$0x0], $0xffff  }
0xf5: {  	v26 =	vor.u32 v50, v8;
	[tilespmem:s12+$0xD0] =	vst v22;
	v29 =	vld.idx.msk [tilespmem:v29+s10+$0x0], $0xffff  }
0xf6: {  	v28 =	vor.u32 v3, v11;
	v23 =	vor.u32 v3, v12;
	v3 =	vld [tilespmem:$0x1FDA0]  }
0xf7: {  	[tilespmem:s12+$0x150] =	vst v24;
	v25 =	vld.idx.msk [tilespmem:v25+s10+$0x0], $0xffff  }
0xf8: {  	v41 =	vmov v31;
	v31 =	vld [tilespmem:$0x1FE10];
	v15 =	vor.u32 v37, v59  }
0xf9: {  	[tilespmem:s12+$0x1D0] =	vst v27;
	v24 =	vor.u32 v37, v12;
	v6 =	vld.idx.msk [tilespmem:v6+s10+$0x0], $0xffff  }
0xfa: {  	v27 =	vor.u32 v50, v12;
	v26 =	vld.idx.msk [tilespmem:v26+s10+$0x0], $0xffff  }
0xfb: {  	[tilespmem:s12+$0x250] =	vst v14;
	v16 =	vor.u32 v49, v21;
	v28 =	vld.idx.msk [tilespmem:v28+s10+$0x0], $0xffff  }
0xfc: {  	v14 =	vor.u32 v49, v12;
	[tilespmem:s12+$0x2D0] =	vst v19;
	v23 =	vld.idx.msk [tilespmem:v23+s10+$0x0], $0xffff  }
0xfd: {  	v17 =	vor.u32 v0, v9;
	[tilespmem:s12+$0xFFFFFC50] =	vst v4;
	v7 =	vld.idx.msk [tilespmem:v15+s10+$0x0], $0xffff  }
0xfe: {  	v19 =	vor.u32 v58, v12;
	[tilespmem:s12+$0xFFFFFDD0] =	vst v25;
	v24 =	vld.idx.msk [tilespmem:v24+s10+$0x0], $0xffff  }
0xff: {  	v4 =	vor.u32 v0, v12;
	v22 =	vor.u32 v31, v11;
	v0 =	vld.idx.msk [tilespmem:v27+s10+$0x0], $0xffff  }
0x100: {  	[tilespmem:s12+$0xFFFFFCD0] =	vst v18;
	v15 =	vor.u32 v3, v10;
	v16 =	vld.idx.msk [tilespmem:v16+s10+$0x0], $0xffff  }
0x101: {  	v14 =	vld.idx.msk [tilespmem:v14+s10+$0x0], $0xffff  }
0x102: {  	[tilespmem:s12+$0xFFFFFD50] =	vst v13;
	v17 =	vld.idx.msk [tilespmem:v17+s10+$0x0], $0xffff  }
0x103: {  	v13 =	vor.u32 v31, v12;
	v31 =	vld.idx.msk [tilespmem:v19+s10+$0x0], $0xffff;
	[tilespmem:s12+$0x350] =	vst v28  }
0x104: {  	v22 =	vld.idx.msk [tilespmem:v22+s10+$0x0], $0xffff  }
0x105: {  	[tilespmem:s12+$0xFFFFFE50] =	vst v20;
	v28 =	vld.idx.msk [tilespmem:v15+s10+$0x0], $0xffff  }
0x106: {  	[tilespmem:$0x1FC00] =	vst v0;
	v0 =	vld [tilespmem:$0x1FC40]  }
0x107: {  	[tilespmem:s12+$0xFFFFFED0] =	vst v5  }
0x108: {  	v15 =	vor.u32 v3, v12;
	v50 =	vld [tilespmem:$0x1FC90];
	[tilespmem:s12+$0xFFFFFF50] =	vst v23  }
0x109: {  	v19 =	vor.u32 v30, v12;
	[tilespmem:s12+$0xFFFFFFD0] =	vst v29  }
0x10a: {  	v18 =	vld [tilespmem:$0x1FEF0];
	[tilespmem:s12+$0x60] =	vst v7  }
0x10b: {  	v25 =	vor.u32 v0, v59;
	v59 =	vmov v36;
	v36 =	vmov v0;
	v0 =	vld [tilespmem:$0x1FD40];
	[tilespmem:s12+$0xE0] =	vst v16  }
0x10c: {  	v3 =	vld [tilespmem:$0x1FDB0]  }
0x10d: {  	v5 =	vor.u32 v50, v21;
	v21 =	vld.idx.msk [tilespmem:v15+s10+$0x0], $0xffff  }
0x10e: {  	[tilespmem:s12+$0x160] =	vst v6;
	v15 =	vld.idx.msk [tilespmem:v19+s10+$0x0], $0xffff  }
0x10f: {  	v19 =	vld [tilespmem:$0x1FE20]  }
0x110: {  	v23 =	vor.u32 v59, v55  }
0x111: {  	v34 =	vld.idx.msk [tilespmem:v4+s10+$0x0], $0xffff;
	v8 =	vor.u32 v18, v8  }
0x112: {  	v30 =	vld.idx.msk [tilespmem:v13+s10+$0x0], $0xffff;
	v7 =	vor.u32 v0, v9  }
0x113: {  	v4 =	vld.idx.msk [tilespmem:v25+s10+$0x0], $0xffff;
	v9 =	vor.u32 v3, v10  }
0x114: {  	[tilespmem:s12+$0x1E0] =	vst v26;
	v13 =	vld.idx.msk [tilespmem:v5+s10+$0x0], $0xffff;
	v10 =	vor.u32 v19, v11  }
0x115: {  	[tilespmem:s12+$0x260] =	vst v17;
	v11 =	vor.u32 v36, v12;
	v5 =	vld.idx.msk [tilespmem:v23+s10+$0x0], $0xffff  }
0x116: {  	[tilespmem:s12+$0x2E0] =	vst v28;
	v6 =	vld.idx.msk [tilespmem:v8+s10+$0x0], $0xffff  }
0x117: {  	[tilespmem:s12+$0x360] =	vst v22;
	v7 =	vld.idx.msk [tilespmem:v7+s10+$0x0], $0xffff  }
0x118: {  	[tilespmem:s12+$0xFFFFFC60] =	vst v24;
	v8 =	vld.idx.msk [tilespmem:v9+s10+$0x0], $0xffff  }
0x119: {  	v16 =	vor.u32 v50, v12;
	[tilespmem:s12+$0xFFFFFCE0] =	vst v14;
	v9 =	vld.idx.msk [tilespmem:v10+s10+$0x0], $0xffff  }
0x11a: {  	v17 =	vor.u32 v59, v12;
	v10 =	vld.idx.msk [tilespmem:v11+s10+$0x0], $0xffff;
	[tilespmem:$0x1FBF0] =	vst v38  }
0x11b: {  	s7 =	simm.s32 $0x18;
	v28 =	vor.u32 v0, v12;
	[tilespmem:s12+$0xFFFFFD60] =	vst v31  }
0x11c: {  	s6 =	simm.s32 $0x1B;
	v29 =	vmov s7;
	s7 =	simm.s32 $0x1C;
	v3 =	vor.u32 v3, v12;
	v0 =	vld [tilespmem:$0x1FC00]  }
0x11d: {  	s14 =	simm.s32 $0x1A;
	v20 =	vmov s7;
	v22 =	vmov s6;
	v26 =	vor.u32 v18, v12  }
0x11e: {  	s8 =	simm.s32 $0x19;
	v29 =	vshrl.u32 v29, $0x3;
	v18 =	vmov s14;
	v22 =	vshrl.u32 v22, $0x3;
	v14 =	vld.idx.msk [tilespmem:v16+s10+$0x0], $0xffff  }
0x11f: {  	v25 =	vor.u32 v44, v2;
	v23 =	vmov s8;
	s8 =	simm.s32 $0x1D;
	v27 =	vor.u32 v19, v12;
	v16 =	vld.idx.msk [tilespmem:v17+s10+$0x0], $0xffff;
	[tilespmem:s12+$0xFFFFFE60] =	vst v34  }
0x120: {  	v19 =	vmov s8;
	v24 =	vshrl.u32 v23, $0x3;
	v23 =	vshrl.u32 v18, $0x3;
	[tilespmem:s12+$0xFFFFFEE0] =	vst v21;
	v18 =	vld.idx.msk [tilespmem:v28+s10+$0x0], $0xffff  }
0x121: {  	s0 =	sshll.u32 s1, $0x2;
	s14 =	simm.s32 $0x1E;
	v11 =	vor.u32 v38, v12;
	v38 =	vmovc v40;
	v21 =	vshrl.u32 v20, $0x3;
	v20 =	vshrl.u32 v19, $0x3;
	v19 =	vld.idx.msk [tilespmem:v3+s10+$0x0], $0xffff;
	[tilespmem:s12+$0xFFFFFDE0] =	vst v0  }
0x122: {  	s3 =	simm.s32 $0x20;
	s6 =	simm.s32 $0x1F;
	v40 =	vmovc v32;
	v12 =	vmov s14;
	s14 =	sadd.s32 s5, s0;
	[tilespmem:s12+$0xFFFFFF60] =	vst v30;
	v28 =	vor.u32 v61, v2;
	v17 =	vld.idx.msk [tilespmem:v26+s10+$0x0], $0xffff;
	v26 =	vor.u32 v52, v2  }
.LBB2_3:
0x123: {  	v57 =	vmov v59;
	v59 =	vmov v51;
	v51 =	vld [tilespmem:$0x1FEC0]  }
0x124: {  	v27 =	vld.idx.msk [tilespmem:v27+s10+$0x0], $0xffff  }
0x125: {  	v55 =	vmov v43;
	v43 =	vld [tilespmem:$0x1FEB0]  }
0x126: {  	v3 =	vld [tilespmem:$0x1FE90]  }
0x127: {  	v31 =	vshrl.u32 v12, $0x3;
	v12 =	vmov s6;
	v0 =	vld [tilespmem:$0x1FEA0]  }
0x128: {  	[tilespmem:s12+$0xFFFFFFE0] =	vst v15;
	v25 =	vld.idx.msk [tilespmem:v25+s10+$0x0], $0xffff;
	v12 =	vshrl.u32 v12, $0x3  }
0x129: {  	v28 =	vld.idx.msk [tilespmem:v28+s10+$0x0], $0xffff;
	v29 =	vshll.u32 v29, v39;
	[tilespmem:s12+$0x70] =	vst v4;
	v12 =	vshll.u32 v12, v39  }
0x12a: {  	v34 =	vld [tilespmem:$0x1FD50];
	[tilespmem:s12+$0xF0] =	vst v13;
	v23 =	vshll.u32 v23, v39;
	v21 =	vshll.u32 v21, v39;
	v20 =	vshll.u32 v20, v39  }
0x12b: {  	v11 =	vld.idx.msk [tilespmem:v11+s10+$0x0], $0xffff;
	[tilespmem:s12+$0x1F0] =	vst v6;
	v30 =	vor.u32 v51, v2;
	v15 =	vor.u32 v43, v2;
	v12 =	vbroadcast v12, $0x0  }
0x12c: {  	v13 =	vld.idx.msk [tilespmem:v26+s10+$0x0], $0xffff;
	[tilespmem:s12+$0x370] =	vst v9;
	v32 =	vor.u32 v3, v2;
	v26 =	vor.u32 v0, v2;
	v9 =	vbroadcast v20, $0x0  }
0x12d: {  	[tilespmem:s12+$0x2F0] =	vst v8;
	v6 =	vbroadcast v23, $0x0;
	v8 =	vbroadcast v21, $0x0;
	v23 =	vor.u32 v0, v12;
	v0 =	vld [tilespmem:$0x1FE40]  }
0x12e: {  	[tilespmem:s12+$0xFFFFFCF0] =	vst v14;
	v4 =	vbroadcast v29, $0x0;
	v14 =	vor.u32 v43, v9;
	v43 =	vld [tilespmem:$0x1FDC0]  }
0x12f: {  	v24 =	vshll.u32 v24, v39;
	v20 =	vshll.u32 v31, v39;
	v31 =	vor.u32 v51, v8;
	v51 =	vld [tilespmem:$0x1FE50]  }
0x130: {  	[tilespmem:s12+$0x170] =	vst v5;
	v5 =	vbroadcast v24, $0x0;
	v29 =	vor.u32 v35, v4;
	v24 =	vld.idx.msk [tilespmem:v30+s10+$0x0], $0xffff  }
0x131: {  	v22 =	vshll.u32 v22, v39;
	[tilespmem:s12+$0x270] =	vst v7;
	v15 =	vld.idx.msk [tilespmem:v15+s10+$0x0], $0xffff  }
0x132: {  	[tilespmem:s12+$0xFFFFFC70] =	vst v10;
	v7 =	vbroadcast v22, $0x0;
	v52 =	vor.u32 v52, v6;
	v22 =	vld.idx.msk [tilespmem:v32+s10+$0x0], $0xffff  }
0x133: {  	[tilespmem:s12+$0xFFFFFD70] =	vst v16;
	v21 =	vld.idx.msk [tilespmem:v26+s10+$0x0], $0xffff  }
0x134: {  	[tilespmem:s12+$0xFFFFFDF0] =	vst v17;
	v32 =	vld [tilespmem:$0x1FE30]  }
0x135: {  	[tilespmem:s12+$0xFFFFFE70] =	vst v18;
	v29 =	vld.idx.msk [tilespmem:v29+s10+$0x0], $0xffff  }
0x136: {  	v10 =	vbroadcast v20, $0x0;
	v30 =	vor.u32 v44, v5;
	[tilespmem:s12+$0xFFFFFEF0] =	vst v19;
	v20 =	vld.idx.msk [tilespmem:v23+s10+$0x0], $0xffff  }
0x137: {  	v26 =	vor.u32 v61, v7;
	[tilespmem:s12+$0xFFFFFF70] =	vst v27;
	v17 =	vld.idx.msk [tilespmem:v52+s10+$0x0], $0xffff  }
0x138: {  	[tilespmem:s12+$0xFFFFFFF0] =	vst v11;
	s12 =	sadd.s32 $0x800, s12;
	v31 =	vld.idx.msk [tilespmem:v31+s10+$0x0], $0xffff  }
0x139: {  	[tilespmem:s12+$0xFFFFFD00] =	vst v13;
	v13 =	vor.u32 v34, v2;
	v14 =	vld.idx.msk [tilespmem:v14+s10+$0x0], $0xffff  }
0x13a: {  	v23 =	vor.u32 v3, v10;
	v52 =	vmov v61;
	v61 =	vld [tilespmem:$0x1FD10]  }
0x13b: {  	v3 =	vor.u32 v33, v2;
	v16 =	vld.idx.msk [tilespmem:v30+s10+$0x0], $0xffff  }
0x13c: {  	v18 =	vor.u32 v1, v4;
	v26 =	vld.idx.msk [tilespmem:v26+s10+$0x0], $0xffff;
	[tilespmem:s12+$0xFFFFFE00] =	vst v24  }
0x13d: {  	v27 =	vor.u32 v53, v6;
	v30 =	vor.u32 v32, v12;
	v24 =	vor.u32 v32, v2;
	[tilespmem:s12+$0xFFFFFE80] =	vst v15;
	v32 =	vld [tilespmem:$0x1FDD0]  }
0x13e: {  	v13 =	vld.idx.msk [tilespmem:v13+s10+$0x0], $0xffff  }
0x13f: {  	[tilespmem:s12+$0xFFFFFD80] =	vst v28;
	v23 =	vld.idx.msk [tilespmem:v23+s10+$0x0], $0xffff  }
0x140: {  	[tilespmem:s12+$0x0] =	vst v29;
	v3 =	vld.idx.msk [tilespmem:v3+s10+$0x0], $0xffff  }
0x141: {  	[tilespmem:s12+$0x100] =	vst v17;
	v18 =	vld.idx.msk [tilespmem:v18+s10+$0x0], $0xffff  }
0x142: {  	[tilespmem:s12+$0x380] =	vst v20;
	v27 =	vld.idx.msk [tilespmem:v27+s10+$0x0], $0xffff  }
0x143: {  	v19 =	vor.u32 v45, v5;
	[tilespmem:s12+$0xFFFFFF00] =	vst v22;
	v29 =	vld.idx.msk [tilespmem:v30+s10+$0x0], $0xffff  }
0x144: {  	v11 =	vor.u32 v46, v7;
	[tilespmem:s12+$0xFFFFFF80] =	vst v21;
	v30 =	vor.u32 v1, v2;
	v1 =	vld [tilespmem:$0x1FBD0]  }
0x145: {  	v20 =	vor.u32 v33, v8;
	[tilespmem:s12+$0x80] =	vst v16;
	v16 =	vor.u32 v34, v9;
	v34 =	vld [tilespmem:$0x1FE60]  }
0x146: {  	[tilespmem:s12+$0x280] =	vst v14;
	v14 =	vor.u32 v53, v2;
	v24 =	vld.idx.msk [tilespmem:v24+s10+$0x0], $0xffff  }
0x147: {  	v28 =	vor.u32 v43, v2;
	v22 =	vor.u32 v54, v6;
	[tilespmem:s12+$0x180] =	vst v26;
	v26 =	vor.u32 v43, v10;
	v43 =	vld [tilespmem:$0x1FD60]  }
0x148: {  	v19 =	vld.idx.msk [tilespmem:v19+s10+$0x0], $0xffff  }
0x149: {  	[tilespmem:s12+$0x200] =	vst v31;
	v11 =	vld.idx.msk [tilespmem:v11+s10+$0x0], $0xffff  }
0x14a: {  	[tilespmem:s12+$0xFFFFFE90] =	vst v13;
	v20 =	vld.idx.msk [tilespmem:v20+s10+$0x0], $0xffff  }
0x14b: {  	v17 =	vor.u32 v0, v12;
	v14 =	vld.idx.msk [tilespmem:v14+s10+$0x0], $0xffff;
	[tilespmem:s12+$0x110] =	vst v27  }
0x14c: {  	[tilespmem:s12+$0x300] =	vst v23;
	v22 =	vld.idx.msk [tilespmem:v22+s10+$0x0], $0xffff  }
0x14d: {  	v31 =	vor.u32 v45, v2;
	[tilespmem:s12+$0x10] =	vst v18;
	v16 =	vld.idx.msk [tilespmem:v16+s10+$0x0], $0xffff  }
0x14e: {  	v15 =	vor.u32 v42, v5;
	[tilespmem:s12+$0x390] =	vst v29;
	v23 =	vld.idx.msk [tilespmem:v26+s10+$0x0], $0xffff  }
0x14f: {  	v13 =	vor.u32 v41, v4;
	v18 =	vor.u32 v62, v7;
	[tilespmem:s12+$0xFFFFFC00] =	vst v1;
	v1 =	vmov v41;
	v41 =	vld [tilespmem:$0x1FF90]  }
0x150: {  	[tilespmem:s12+$0xFFFFFC80] =	vst v25;
	v29 =	vor.u32 v46, v2;
	v17 =	vld.idx.msk [tilespmem:v17+s10+$0x0], $0xffff  }
0x151: {  	v26 =	vld.idx.msk [tilespmem:v30+s10+$0x0], $0xffff;
	[tilespmem:s12+$0x90] =	vst v19;
	v19 =	vor.u32 v61, v8  }
0x152: {  	v27 =	vor.u32 v43, v9;
	[tilespmem:s12+$0xFFFFFF90] =	vst v24;
	v30 =	vld.idx.msk [tilespmem:v31+s10+$0x0], $0xffff  }
0x153: {  	[tilespmem:s12+$0x190] =	vst v11;
	v15 =	vld.idx.msk [tilespmem:v15+s10+$0x0], $0xffff  }
0x154: {  	v25 =	vor.u32 v51, v12;
	[tilespmem:s12+$0x210] =	vst v20;
	v18 =	vld.idx.msk [tilespmem:v18+s10+$0x0], $0xffff  }
0x155: {  	v29 =	vld.idx.msk [tilespmem:v29+s10+$0x0], $0xffff;
	[tilespmem:s12+$0x290] =	vst v16  }
0x156: {  	v31 =	vor.u32 v38, v4;
	[tilespmem:s12+$0x310] =	vst v23;
	v19 =	vld.idx.msk [tilespmem:v19+s10+$0x0], $0xffff  }
0x157: {  	v24 =	vor.u32 v41, v6;
	[tilespmem:s12+$0x3A0] =	vst v17;
	v27 =	vld.idx.msk [tilespmem:v27+s10+$0x0], $0xffff  }
0x158: {  	v23 =	vor.u32 v62, v2;
	[tilespmem:s12+$0xFFFFFC90] =	vst v30;
	v30 =	vor.u32 v61, v2;
	v61 =	vld [tilespmem:$0x1FDE0]  }
0x159: {  	v17 =	vld.idx.msk [tilespmem:v25+s10+$0x0], $0xffff  }
0x15a: {  	v25 =	vld.idx.msk [tilespmem:v28+s10+$0x0], $0xffff  }
0x15b: {  	[tilespmem:s12+$0x120] =	vst v22;
	v28 =	vld.idx.msk [tilespmem:v31+s10+$0x0], $0xffff;
	v31 =	vor.u32 v32, v10  }
0x15c: {  	[tilespmem:s12+$0xFFFFFD90] =	vst v29;
	v24 =	vld.idx.msk [tilespmem:v24+s10+$0x0], $0xffff  }
0x15d: {  	[tilespmem:s12+$0xFFFFFE10] =	vst v3;
	v23 =	vld.idx.msk [tilespmem:v23+s10+$0x0], $0xffff  }
0x15e: {  	v21 =	vor.u32 v34, v12;
	v29 =	vld.idx.msk [tilespmem:v30+s10+$0x0], $0xffff  }
0x15f: {  	[tilespmem:s12+$0x2A0] =	vst v27;
	v27 =	vor.u32 v41, v2;
	v41 =	vld [tilespmem:$0x1FF60]  }
0x160: {  	[tilespmem:s12+$0xFFFFFC10] =	vst v26;
	v26 =	vld.idx.msk [tilespmem:v31+s10+$0x0], $0xffff  }
0x161: {  	[tilespmem:s12+$0x3B0] =	vst v17;
	v31 =	vor.u32 v43, v2;
	v43 =	vld [tilespmem:$0x1FD70]  }
0x162: {  	v17 =	vor.u32 v38, v2;
	[tilespmem:s12+$0x20] =	vst v28;
	v28 =	vld [tilespmem:$0x1FBF0]  }
0x163: {  	v44 =	vmov v46;
	v46 =	vmov v42;
	[tilespmem:s12+$0xFFFFFF10] =	vst v25;
	v11 =	vld.idx.msk [tilespmem:v21+s10+$0x0], $0xffff  }
0x164: {  	v25 =	vor.u32 v55, v5;
	v21 =	vor.u32 v42, v2;
	v42 =	vmovc v36;
	v36 =	vmovc v40;
	v40 =	vmov v37;
	v37 =	vld [tilespmem:$0x1FE70]  }
0x165: {  	[tilespmem:s12+$0x1A0] =	vst v18;
	v13 =	vld.idx.msk [tilespmem:v13+s10+$0x0], $0xffff  }
0x166: {  	v18 =	vor.u32 v61, v10;
	[tilespmem:s12+$0xFFFFFE20] =	vst v29;
	v29 =	vor.u32 v51, v2;
	v51 =	vld [tilespmem:$0x1FED0]  }
0x167: {  	[tilespmem:s12+$0xA0] =	vst v15;
	v17 =	vld.idx.msk [tilespmem:v17+s10+$0x0], $0xffff;
	v15 =	vor.u32 v43, v9  }
0x168: {  	[tilespmem:s12+$0xFFFFFDA0] =	vst v23;
	v23 =	vor.u32 v61, v2;
	v61 =	vor.u32 v36, v4;
	v30 =	vld.idx.msk [tilespmem:v31+s10+$0x0], $0xffff  }
0x169: {  	v25 =	vld.idx.msk [tilespmem:v25+s10+$0x0], $0xffff  }
0x16a: {  	[tilespmem:s12+$0x320] =	vst v26;
	v16 =	vor.u32 v37, v12;
	v21 =	vld.idx.msk [tilespmem:v21+s10+$0x0], $0xffff  }
0x16b: {  	v20 =	vor.u32 v54, v2;
	[tilespmem:s12+$0x3C0] =	vst v11;
	v18 =	vld.idx.msk [tilespmem:v18+s10+$0x0], $0xffff  }
0x16c: {  	[tilespmem:s12+$0x30] =	vst v13;
	v15 =	vld.idx.msk [tilespmem:v15+s10+$0x0], $0xffff  }
0x16d: {  	v11 =	vor.u32 v32, v2;
	[tilespmem:s12+$0xFFFFFEA0] =	vst v30;
	v30 =	vld.idx.msk [tilespmem:v61+s10+$0x0], $0xffff  }
0x16e: {  	v32 =	vor.u32 v63, v7;
	v61 =	vld [tilespmem:$0x1FDF0]  }
0x16f: {  	[tilespmem:s12+$0xFFFFFD10] =	vst v14;
	v14 =	vld.idx.msk [tilespmem:v16+s10+$0x0], $0xffff  }
0x170: {  	[tilespmem:s12+$0x220] =	vst v19;
	v19 =	vor.u32 v55, v2;
	v16 =	vld.idx.msk [tilespmem:v20+s10+$0x0], $0xffff  }
0x171: {  	[tilespmem:s12+$0xFFFFFC20] =	vst v17;
	v17 =	vor.u32 v60, v2;
	v20 =	vor.u32 v0, v2;
	v0 =	vld [tilespmem:$0x1FE80]  }
0x172: {  	v22 =	vor.u32 v28, v12;
	v31 =	vld.idx.msk [tilespmem:v11+s10+$0x0], $0xffff  }
0x173: {  	v11 =	vor.u32 v28, v2;
	v28 =	vor.u32 v1, v2;
	v32 =	vld.idx.msk [tilespmem:v32+s10+$0x0], $0xffff;
	[tilespmem:s12+$0xFFFFFCA0] =	vst v21  }
0x174: {  	v13 =	vor.u32 v51, v8;
	[tilespmem:s12+$0x330] =	vst v18;
	v18 =	vor.u32 v51, v2;
	v51 =	vld [tilespmem:$0x1FC20]  }
0x175: {  	v19 =	vld.idx.msk [tilespmem:v19+s10+$0x0], $0xffff  }
0x176: {  	v17 =	vld.idx.msk [tilespmem:v17+s10+$0x0], $0xffff  }
0x177: {  	[tilespmem:s12+$0x130] =	vst v24;
	v24 =	vor.u32 v61, v10;
	v20 =	vld.idx.msk [tilespmem:v20+s10+$0x0], $0xffff  }
0x178: {  	[tilespmem:s12+$0x3D0] =	vst v14;
	v28 =	vld.idx.msk [tilespmem:v28+s10+$0x0], $0xffff  }
0x179: {  	v3 =	vor.u32 v0, v12;
	v14 =	vor.u32 v60, v8;
	[tilespmem:s12+$0xFFFFFD20] =	vst v16;
	v60 =	vld [tilespmem:$0x1FD80]  }
0x17a: {  	[tilespmem:s12+$0xFFFFFF20] =	vst v31;
	v21 =	vld.idx.msk [tilespmem:v27+s10+$0x0], $0xffff  }
0x17b: {  	v16 =	vor.u32 v43, v2;
	v23 =	vld.idx.msk [tilespmem:v23+s10+$0x0], $0xffff  }
0x17c: {  	[tilespmem:s12+$0x1B0] =	vst v32;
	v24 =	vld.idx.msk [tilespmem:v24+s10+$0x0], $0xffff  }
0x17d: {  	v32 =	vor.u32 v51, v2;
	[tilespmem:s12+$0xFFFFFE30] =	vst v17;
	v17 =	vor.u32 v51, v4;
	v51 =	vld [tilespmem:$0x1FD30]  }
0x17e: {  	v3 =	vld.idx.msk [tilespmem:v3+s10+$0x0], $0xffff  }
0x17f: {  	v14 =	vld.idx.msk [tilespmem:v14+s10+$0x0], $0xffff  }
0x180: {  	[tilespmem:s12+$0xB0] =	vst v25;
	v16 =	vld.idx.msk [tilespmem:v16+s10+$0x0], $0xffff  }
0x181: {  	[tilespmem:s12+$0xFFFFFCB0] =	vst v19;
	v18 =	vld.idx.msk [tilespmem:v18+s10+$0x0], $0xffff  }
0x182: {  	[tilespmem:s12+$0xFFFFFFA0] =	vst v20;
	v20 =	vor.u32 v41, v7;
	v25 =	vor.u32 v60, v9;
	v19 =	vor.u32 v60, v2;
	v60 =	vld [tilespmem:$0x1FEE0]  }
0x183: {  	[tilespmem:s12+$0x2B0] =	vst v15;
	v15 =	vor.u32 v41, v2;
	v41 =	vld [tilespmem:$0x1FE00]  }
0x184: {  	[tilespmem:s12+$0x40] =	vst v30;
	v29 =	vld.idx.msk [tilespmem:v29+s10+$0x0], $0xffff  }
0x185: {  	[tilespmem:s12+$0xFFFFFD30] =	vst v21;
	v21 =	vor.u32 v61, v2;
	v61 =	vld [tilespmem:$0x1FD90]  }
0x186: {  	v17 =	vld.idx.msk [tilespmem:v17+s10+$0x0], $0xffff  }
0x187: {  	v12 =	vmov s3;
	[tilespmem:s12+$0xFFFFFF30] =	vst v23;
	v20 =	vld.idx.msk [tilespmem:v20+s10+$0x0], $0xffff  }
0x188: {  	v12 =	vshrl.u32 v12, $0x3;
	[tilespmem:s12+$0x340] =	vst v24;
	v25 =	vld.idx.msk [tilespmem:v25+s10+$0x0], $0xffff  }
0x189: {  	[tilespmem:s12+$0x3E0] =	vst v3;
	v3 =	vor.u32 v63, v2;
	v30 =	vor.u32 v60, v8;
	v24 =	vor.u32 v60, v2;
	v60 =	vld [tilespmem:$0x1FE10]  }
0x18a: {  	v12 =	vshll.u32 v12, v39;
	[tilespmem:s12+$0x230] =	vst v14;
	v14 =	vor.u32 v59, v2;
	v22 =	vld.idx.msk [tilespmem:v22+s10+$0x0], $0xffff  }
0x18b: {  	v12 =	vbroadcast v12, $0x0;
	[tilespmem:s12+$0xFFFFFEB0] =	vst v16;
	v13 =	vld.idx.msk [tilespmem:v13+s10+$0x0], $0xffff  }
0x18c: {  	[tilespmem:s12+$0xFFFFFE40] =	vst v18;
	v18 =	vor.u32 v40, v4;
	v19 =	vld.idx.msk [tilespmem:v19+s10+$0x0], $0xffff  }
0x18d: {  	v26 =	vor.u32 v35, v12;
	v21 =	vld.idx.msk [tilespmem:v21+s10+$0x0], $0xffff  }
0x18e: {  	v27 =	vld.idx.msk [tilespmem:v3+s10+$0x0], $0xffff  }
0x18f: {  	v31 =	vor.u32 v36, v2;
	v14 =	vld.idx.msk [tilespmem:v14+s10+$0x0], $0xffff  }
0x190: {  	v43 =	vor.u32 v47, v2;
	[tilespmem:s12+$0x50] =	vst v17;
	v24 =	vld.idx.msk [tilespmem:v24+s10+$0x0], $0xffff  }
0x191: {  	v18 =	vld.idx.msk [tilespmem:v18+s10+$0x0], $0xffff  }
0x192: {  	[tilespmem:s12+$0x3F0] =	vst v22;
	v22 =	vld.idx.msk [tilespmem:v26+s10+$0x0], $0xffff  }
0x193: {  	v39 =	vmov v59;
	v26 =	vor.u32 v59, v6;
	[tilespmem:s12+$0xFFFFFC30] =	vst v28;
	v59 =	vld [tilespmem:$0x1FD00]  }
0x194: {  	[tilespmem:s12+$0xFFFFFFB0] =	vst v29;
	v28 =	vld.idx.msk [tilespmem:v31+s10+$0x0], $0xffff  }
0x195: {  	[tilespmem:s12+$0x240] =	vst v13;
	v31 =	vld.idx.msk [tilespmem:v43+s10+$0x0], $0xffff  }
0x196: {  	[tilespmem:s12+$0x1C0] =	vst v20;
	v13 =	vor.u32 v56, v2;
	v30 =	vld.idx.msk [tilespmem:v30+s10+$0x0], $0xffff  }
0x197: {  	[tilespmem:s12+$0x2C0] =	vst v25;
	v43 =	vld [tilespmem:$0x1FF00]  }
0x198: {  	v4 =	vor.u32 v42, v4;
	[tilespmem:s12+$0xFFFFFE50] =	vst v24;
	v24 =	vld [tilespmem:$0x1FDB0]  }
0x199: {  	[tilespmem:s12+$0xFFFFFDB0] =	vst v27;
	v26 =	vld.idx.msk [tilespmem:v26+s10+$0x0], $0xffff  }
0x19a: {  	v20 =	vor.u32 v48, v2;
	[tilespmem:s12+$0xFFFFFD40] =	vst v14;
	v15 =	vld.idx.msk [tilespmem:v15+s10+$0x0], $0xffff  }
0x19b: {  	v17 =	vor.u32 v51, v8;
	[tilespmem:s12+$0x60] =	vst v18;
	v13 =	vld.idx.msk [tilespmem:v13+s10+$0x0], $0xffff  }
0x19c: {  	v27 =	vor.u32 v34, v2;
	[tilespmem:$0x1FBD0] =	vst v22;
	v29 =	vor.u32 v59, v7;
	v25 =	vor.u32 v59, v2;
	v59 =	vld [tilespmem:$0x1FDA0]  }
0x19d: {  	v14 =	vor.u32 v41, v2;
	v4 =	vld.idx.msk [tilespmem:v4+s10+$0x0], $0xffff;
	[tilespmem:s12+$0xFFFFFC40] =	vst v28  }
0x19e: {  	v22 =	vor.u32 v47, v5;
	[tilespmem:s12+$0xFFFFFCC0] =	vst v31;
	v28 =	vld.idx.msk [tilespmem:v32+s10+$0x0], $0xffff  }
0x19f: {  	[tilespmem:s12+$0x250] =	vst v30;
	v20 =	vld.idx.msk [tilespmem:v20+s10+$0x0], $0xffff  }
0x1a0: {  	v17 =	vld.idx.msk [tilespmem:v17+s10+$0x0], $0xffff  }
0x1a1: {  	[tilespmem:s12+$0xFFFFFF40] =	vst v21;
	v27 =	vld.idx.msk [tilespmem:v27+s10+$0x0], $0xffff  }
0x1a2: {  	v23 =	vor.u32 v56, v6;
	v14 =	vld.idx.msk [tilespmem:v14+s10+$0x0], $0xffff  }
0x1a3: {  	v22 =	vld.idx.msk [tilespmem:v22+s10+$0x0], $0xffff  }
0x1a4: {  	v31 =	vor.u32 v61, v2;
	v29 =	vld.idx.msk [tilespmem:v29+s10+$0x0], $0xffff  }
0x1a5: {  	v30 =	vor.u32 v58, v2;
	[tilespmem:s12+$0xFFFFFDC0] =	vst v15;
	v15 =	vor.u32 v37, v2;
	v37 =	vld [tilespmem:$0x1FEF0]  }
0x1a6: {  	[tilespmem:s12+$0x140] =	vst v26;
	v26 =	vor.u32 v41, v10;
	v41 =	vmov v1;
	v1 =	vld [tilespmem:$0x1FF40]  }
0x1a7: {  	v23 =	vld.idx.msk [tilespmem:v23+s10+$0x0], $0xffff  }
0x1a8: {  	v16 =	vor.u32 v48, v5;
	[tilespmem:s12+$0xFFFFFEC0] =	vst v19;
	v25 =	vld.idx.msk [tilespmem:v25+s10+$0x0], $0xffff  }
0x1a9: {  	[tilespmem:s12+$0xFFFFFD50] =	vst v13;
	v13 =	vor.u32 v60, v2;
	v31 =	vld.idx.msk [tilespmem:v31+s10+$0x0], $0xffff  }
0x1aa: {  	v30 =	vld.idx.msk [tilespmem:v30+s10+$0x0], $0xffff;
	[tilespmem:s12+$0xFFFFFCD0] =	vst v20  }
0x1ab: {  	[tilespmem:s12+$0xFFFFFFC0] =	vst v27;
	v26 =	vld.idx.msk [tilespmem:v26+s10+$0x0], $0xffff  }
0x1ac: {  	v21 =	vor.u32 v58, v6;
	[tilespmem:s12+$0xC0] =	vst v22;
	v15 =	vld.idx.msk [tilespmem:v15+s10+$0x0], $0xffff  }
0x1ad: {  	v20 =	vor.u32 v59, v2;
	[tilespmem:s12+$0xFFFFFF50] =	vst v14;
	v16 =	vld.idx.msk [tilespmem:v16+s10+$0x0], $0xffff  }
0x1ae: {  	v27 =	vor.u32 v43, v7;
	[tilespmem:s12+$0xFFFFFED0] =	vst v31;
	v31 =	vld.idx.msk [tilespmem:v13+s10+$0x0], $0xffff  }
0x1af: {  	v22 =	vor.u32 v61, v9;
	[tilespmem:s12+$0xFFFFFDD0] =	vst v25;
	v25 =	vor.u32 v0, v2;
	v0 =	vld [tilespmem:$0x1FD40]  }
0x1b0: {  	v61 =	vor.u32 v40, v2;
	[tilespmem:s12+$0x150] =	vst v23;
	v23 =	vor.u32 v60, v10;
	v60 =	vmov v52;
	v52 =	vld [tilespmem:$0x1FCA0]  }
0x1b1: {  	[tilespmem:s12+$0x1D0] =	vst v29;
	v29 =	vor.u32 v49, v2;
	v21 =	vld.idx.msk [tilespmem:v21+s10+$0x0], $0xffff  }
0x1b2: {  	v20 =	vld.idx.msk [tilespmem:v20+s10+$0x0], $0xffff  }
0x1b3: {  	v27 =	vld.idx.msk [tilespmem:v27+s10+$0x0], $0xffff  }
0x1b4: {  	[tilespmem:s12+$0xFFFFFC50] =	vst v28;
	v22 =	vld.idx.msk [tilespmem:v22+s10+$0x0], $0xffff  }
0x1b5: {  	v19 =	vor.u32 v49, v5;
	v28 =	vld.idx.msk [tilespmem:v61+s10+$0x0], $0xffff  }
0x1b6: {  	v29 =	vld.idx.msk [tilespmem:v29+s10+$0x0], $0xffff  }
0x1b7: {  	[tilespmem:s12+$0x350] =	vst v26;
	v61 =	vmov v44;
	v44 =	vld [tilespmem:$0x1FFA0]  }
0x1b8: {  	v26 =	vor.u32 v51, v2;
	[tilespmem:s12+$0xFFFFFFD0] =	vst v15;
	v23 =	vld.idx.msk [tilespmem:v23+s10+$0x0], $0xffff  }
0x1b9: {  	[tilespmem:s12+$0xD0] =	vst v16;
	v16 =	vor.u32 v59, v9;
	v15 =	vld.idx.msk [tilespmem:v25+s10+$0x0], $0xffff  }
0x1ba: {  	v19 =	vld.idx.msk [tilespmem:v19+s10+$0x0], $0xffff  }
0x1bb: {  	v6 =	vor.u32 v57, v6;
	v5 =	vor.u32 v50, v5;
	[tilespmem:s12+$0x260] =	vst v17;
	v25 =	vld [tilespmem:$0x1FE20]  }
0x1bc: {  	s7 =	sadd.s32 $0x8, s3;
	v17 =	vor.u32 v57, v2;
	v59 =	vmovc v57;
	v57 =	vmov v56;
	v56 =	vmov v39;
	v39 =	vld [tilespmem:$0x1FF30];
	[tilespmem:s12+$0x160] =	vst v21  }
0x1bd: {  	s8 =	sadd.s32 $0x9, s3;
	v3 =	vmovc v33;
	v33 =	vor.u32 v24, v2;
	v7 =	vor.u32 v37, v7;
	v21 =	vmov s7;
	s7 =	sadd.s32 $0xA, s3;
	[tilespmem:s12+$0x2D0] =	vst v22;
	v26 =	vld.idx.msk [tilespmem:v26+s10+$0x0], $0xffff  }
0x1be: {  	v8 =	vor.u32 v0, v8;
	v38 =	vmov s7;
	v16 =	vld.idx.msk [tilespmem:v16+s10+$0x0], $0xffff;
	[tilespmem:s12+$0x360] =	vst v23;
	v23 =	vmov s8  }
0x1bf: {  	v9 =	vor.u32 v24, v9;
	[tilespmem:s12+$0xE0] =	vst v19;
	v24 =	vshrl.u32 v23, $0x3;
	v23 =	vshrl.u32 v38, $0x3;
	v38 =	vld [tilespmem:$0x1FFF0]  }
0x1c0: {  	v22 =	vor.u32 v43, v2;
	v13 =	vld.idx.msk [tilespmem:v5+s10+$0x0], $0xffff  }
0x1c1: {  	[tilespmem:s12+$0x1E0] =	vst v27;
	v5 =	vld.idx.msk [tilespmem:v6+s10+$0x0], $0xffff  }
0x1c2: {  	s8 =	sadd.s32 $0xC, s3;
	v6 =	vld.idx.msk [tilespmem:v7+s10+$0x0], $0xffff  }
0x1c3: {  	[tilespmem:s12+$0xFFFFFD60] =	vst v30;
	v10 =	vor.u32 v25, v10;
	v35 =	vmov s8;
	v7 =	vld.idx.msk [tilespmem:v8+s10+$0x0], $0xffff  }
0x1c4: {  	v14 =	vor.u32 v42, v2;
	[tilespmem:s12+$0xFFFFFCE0] =	vst v29;
	v29 =	vshrl.u32 v21, $0x3;
	v21 =	vshrl.u32 v35, $0x3;
	v35 =	vld [tilespmem:$0x1FD20]  }
0x1c5: {  	v18 =	vor.u32 v50, v2;
	[tilespmem:s12+$0xFFFFFC60] =	vst v28;
	v22 =	vld.idx.msk [tilespmem:v22+s10+$0x0], $0xffff  }
0x1c6: {  	v28 =	vor.u32 v0, v2;
	[tilespmem:s12+$0x2E0] =	vst v16;
	v16 =	vld.idx.msk [tilespmem:v17+s10+$0x0], $0xffff  }
0x1c7: {  	v8 =	vld.idx.msk [tilespmem:v9+s10+$0x0], $0xffff  }
0x1c8: {  	v19 =	vor.u32 v37, v2;
	v9 =	vld.idx.msk [tilespmem:v10+s10+$0x0], $0xffff  }
0x1c9: {  	p1 =	slt.u32 s3, $0x30;
	s7 =	sadd.s32 $0xB, s3;
	v43 =	vmov v42;
	v42 =	vmov v40;
	v10 =	vld.idx.msk [tilespmem:v14+s10+$0x0], $0xffff  }
.Ltmp2:
0x1ca: {  	v51 =	vmov s7;
	s7 =	sadd.s32 $0xD, s3;
	[tilespmem:s12+$0xFFFFFE60] =	vst v26;
	v14 =	vld.idx.msk [tilespmem:v18+s10+$0x0], $0xffff;
	(pc) =	sbr.rel @p1 .LBB2_3-.Ltmp2, $4  }
0x1cb: {  	[tilespmem:s12+$0xFFFFFF60] =	vst v31;
	v30 =	vmov s7;
	v40 =	vmovc v36;
	v27 =	vor.u32 v25, v2;
	v2 =	vmov v12;
	v18 =	vld.idx.msk [tilespmem:v28+s10+$0x0], $0xffff  }
0x1cc: {  	s8 =	sadd.s32 $0xE, s3;
	v37 =	vmovc v42;
	v42 =	vmovc v46;
	v46 =	vmov v61;
	v61 =	vmov v60;
	v28 =	vor.u32 v60, v2;
	v60 =	vld [tilespmem:$0x1FF20];
	[tilespmem:s12+$0xFFFFFDE0] =	vst v22  }
0x1cd: {  	[tilespmem:s12+$0xFFFFFEE0] =	vst v20;
	v36 =	vmovc v43;
	v20 =	vshrl.u32 v30, $0x3;
	v12 =	vmov s8;
	v25 =	vor.u32 v44, v2;
	v43 =	vmovc v55;
	v17 =	vld.idx.msk [tilespmem:v19+s10+$0x0], $0xffff  }
0x1ce: {  	s6 =	sadd.s32 $0xF, s3;
	s3 =	sadd.s32 $0x10, s3;
	v26 =	vor.u32 v52, v2;
	v22 =	vshrl.u32 v51, $0x3;
	v51 =	vmovc v56;
	v56 =	vmovc v57;
	v19 =	vld.idx.msk [tilespmem:v33+s10+$0x0], $0xffff;
	v33 =	vmov v3  }
0x1cf: {  	v3 =	vld [tilespmem:$0x1FEC0];
	[tilespmem:s12+$0xFFFFFFE0] =	vst v15  }
0x1d0: {  	v55 =	vld [tilespmem:$0x1FEB0];
	[tilespmem:s12+$0x70] =	vst v4  }
0x1d1: {  	[tilespmem:s12+$0xF0] =	vst v13  }
0x1d2: {  	v34 =	vld [tilespmem:$0x1FE90];
	[tilespmem:s12+$0x170] =	vst v5  }
0x1d3: {  	v29 =	vshll.u32 v29, v39;
	v0 =	vld [tilespmem:$0x1FEA0];
	[tilespmem:s12+$0x1F0] =	vst v6  }
0x1d4: {  	v4 =	vbroadcast v29, $0x0;
	[tilespmem:s12+$0x270] =	vst v7  }
0x1d5: {  	[tilespmem:s12+$0x2F0] =	vst v8  }
0x1d6: {  	v31 =	vld.idx.msk [tilespmem:v11+s10+$0x0], $0xffff;
	v11 =	vmov s6;
	v32 =	vor.u32 v35, v4;
	[tilespmem:s12+$0x370] =	vst v9  }
0x1d7: {  	v11 =	vshrl.u32 v11, $0x3;
	[tilespmem:s12+$0xFFFFFC70] =	vst v10  }
0x1d8: {  	v5 =	vshll.u32 v11, v39;
	[tilespmem:s12+$0xFFFFFCF0] =	vst v14;
	v29 =	vor.u32 v0, v2  }
0x1d9: {  	[tilespmem:s12+$0xFFFFFD70] =	vst v16;
	v11 =	vbroadcast v5, $0x0;
	v5 =	vshll.u32 v24, v39  }
0x1da: {  	v27 =	vld.idx.msk [tilespmem:v27+s10+$0x0], $0xffff;
	v6 =	vshll.u32 v23, v39;
	v7 =	vshll.u32 v22, v39;
	[tilespmem:s12+$0xFFFFFDF0] =	vst v17;
	v5 =	vbroadcast v5, $0x0  }
0x1db: {  	v8 =	vshll.u32 v21, v39;
	[tilespmem:s12+$0xFFFFFE70] =	vst v18;
	v6 =	vbroadcast v6, $0x0;
	v23 =	vor.u32 v0, v11;
	v21 =	vld.idx.msk [tilespmem:v32+s10+$0x0], $0xffff  }
0x1dc: {  	v7 =	vbroadcast v7, $0x0;
	v24 =	vor.u32 v44, v5;
	v32 =	vld [tilespmem:$0x1FE30]  }
0x1dd: {  	v9 =	vshll.u32 v20, v39;
	v8 =	vbroadcast v8, $0x0;
	v22 =	vld.idx.msk [tilespmem:v29+s10+$0x0], $0xffff;
	v29 =	vor.u32 v52, v6  }
0x1de: {  	v10 =	vshrl.u32 v12, $0x3;
	v9 =	vbroadcast v9, $0x0;
	v12 =	vor.u32 v61, v7  }
0x1df: {  	v10 =	vshll.u32 v10, v39;
	v14 =	vor.u32 v3, v8  }
0x1e0: {  	v10 =	vbroadcast v10, $0x0;
	v17 =	vor.u32 v55, v9;
	v16 =	vld.idx.msk [tilespmem:v23+s10+$0x0], $0xffff  }
0x1e1: {  	[tilespmem:s12+$0xFFFFFEF0] =	vst v19;
	v18 =	vld.idx.msk [tilespmem:v24+s10+$0x0], $0xffff;
	v20 =	vor.u32 v32, v11  }
0x1e2: {  	v19 =	vor.u32 v34, v10;
	[tilespmem:s12+$0xFFFFFF70] =	vst v27;
	v23 =	vld.idx.msk [tilespmem:v29+s10+$0x0], $0xffff  }
0x1e3: {  	s3 =	sadd.s32 $0x800, s12;
	[tilespmem:s12+$0xFFFFFFF0] =	vst v31;
	v12 =	vld.idx.msk [tilespmem:v12+s10+$0x0], $0xffff  }
0x1e4: {  	v14 =	vld.idx.msk [tilespmem:v14+s10+$0x0], $0xffff;
	[tilespmem:s3+$0x0] =	vst v21  }
0x1e5: {  	[tilespmem:s3+$0x380] =	vst v16;
	v16 =	vld.idx.msk [tilespmem:v17+s10+$0x0], $0xffff  }
0x1e6: {  	[tilespmem:s3+$0x80] =	vst v18;
	v17 =	vld.idx.msk [tilespmem:v20+s10+$0x0], $0xffff  }
0x1e7: {  	v18 =	vld.idx.msk [tilespmem:v19+s10+$0x0], $0xffff;
	[tilespmem:s3+$0x100] =	vst v23  }
0x1e8: {  	v24 =	vld [tilespmem:$0x1FE40];
	[tilespmem:s3+$0x180] =	vst v12  }
0x1e9: {  	[tilespmem:s3+$0x200] =	vst v14  }
0x1ea: {  	[tilespmem:s3+$0x280] =	vst v16  }
0x1eb: {  	v30 =	vor.u32 v3, v2;
	[tilespmem:s3+$0x390] =	vst v17  }
0x1ec: {  	v25 =	vld.idx.msk [tilespmem:v25+s10+$0x0], $0xffff;
	[tilespmem:s3+$0x300] =	vst v18  }
0x1ed: {  	v0 =	vld [tilespmem:$0x1FBD0]  }
0x1ee: {  	v26 =	vld.idx.msk [tilespmem:v26+s10+$0x0], $0xffff  }
0x1ef: {  	v28 =	vld.idx.msk [tilespmem:v28+s10+$0x0], $0xffff  }
0x1f0: {  	v15 =	vor.u32 v55, v2;
	v30 =	vld.idx.msk [tilespmem:v30+s10+$0x0], $0xffff  }
0x1f1: {  	[tilespmem:s3+$0xFFFFFC80] =	vst v25  }
0x1f2: {  	v19 =	vor.u32 v24, v11;
	[tilespmem:s3+$0xFFFFFC00] =	vst v0  }
0x1f3: {  	v13 =	vor.u32 v34, v2;
	v55 =	vld [tilespmem:$0x1FE50];
	[tilespmem:s3+$0xFFFFFD00] =	vst v26  }
0x1f4: {  	v3 =	vor.u32 v53, v6;
	[tilespmem:s3+$0xFFFFFD80] =	vst v28  }
0x1f5: {  	v15 =	vld.idx.msk [tilespmem:v15+s10+$0x0], $0xffff;
	v12 =	vor.u32 v1, v4;
	[tilespmem:s3+$0xFFFFFE00] =	vst v30  }
0x1f6: {  	v23 =	vmov v44;
	v14 =	vor.u32 v45, v5;
	v44 =	vld [tilespmem:$0x1FD50]  }
0x1f7: {  	v16 =	vld.idx.msk [tilespmem:v19+s10+$0x0], $0xffff;
	v19 =	vor.u32 v33, v8  }
0x1f8: {  	v13 =	vld.idx.msk [tilespmem:v13+s10+$0x0], $0xffff  }
0x1f9: {  	v18 =	vor.u32 v46, v7;
	v3 =	vld.idx.msk [tilespmem:v3+s10+$0x0], $0xffff  }
0x1fa: {  	v12 =	vld.idx.msk [tilespmem:v12+s10+$0x0], $0xffff;
	v17 =	vor.u32 v55, v11  }
0x1fb: {  	v14 =	vld.idx.msk [tilespmem:v14+s10+$0x0], $0xffff  }
0x1fc: {  	v20 =	vor.u32 v44, v9;
	[tilespmem:s3+$0x3A0] =	vst v16;
	v19 =	vld.idx.msk [tilespmem:v19+s10+$0x0], $0xffff  }
0x1fd: {  	v34 =	vld [tilespmem:$0x1FDC0];
	[tilespmem:s3+$0xFFFFFE80] =	vst v15  }
0x1fe: {  	[tilespmem:s3+$0xFFFFFF00] =	vst v13;
	v13 =	vld.idx.msk [tilespmem:v18+s10+$0x0], $0xffff  }
0x1ff: {  	[tilespmem:s3+$0xFFFFFF80] =	vst v22;
	v17 =	vld.idx.msk [tilespmem:v17+s10+$0x0], $0xffff  }
0x200: {  	v15 =	vor.u32 v1, v2;
	v57 =	vld [tilespmem:$0x1FE60];
	[tilespmem:s3+$0x10] =	vst v12  }
0x201: {  	v18 =	vor.u32 v45, v2;
	[tilespmem:s3+$0x90] =	vst v14;
	v20 =	vld.idx.msk [tilespmem:v20+s10+$0x0], $0xffff  }
0x202: {  	[tilespmem:s3+$0x110] =	vst v3  }
0x203: {  	v12 =	vor.u32 v53, v2;
	[tilespmem:s3+$0x210] =	vst v19  }
0x204: {  	v16 =	vor.u32 v34, v10;
	[tilespmem:s3+$0x190] =	vst v13  }
0x205: {  	v0 =	vmov v52;
	v52 =	vmov v46;
	v15 =	vld.idx.msk [tilespmem:v15+s10+$0x0], $0xffff;
	v21 =	vor.u32 v57, v11;
	[tilespmem:s3+$0x3B0] =	vst v17  }
0x206: {  	v14 =	vor.u32 v52, v2;
	v17 =	vld.idx.msk [tilespmem:v18+s10+$0x0], $0xffff;
	[tilespmem:s3+$0x290] =	vst v20  }
0x207: {  	v3 =	vor.u32 v33, v2;
	v25 =	vld [tilespmem:$0x1FE70]  }
0x208: {  	v19 =	vor.u32 v32, v2;
	v12 =	vld.idx.msk [tilespmem:v12+s10+$0x0], $0xffff  }
0x209: {  	v18 =	vor.u32 v44, v2;
	v16 =	vld.idx.msk [tilespmem:v16+s10+$0x0], $0xffff  }
0x20a: {  	v13 =	vor.u32 v34, v2;
	v21 =	vld.idx.msk [tilespmem:v21+s10+$0x0], $0xffff  }
0x20b: {  	v14 =	vld.idx.msk [tilespmem:v14+s10+$0x0], $0xffff;
	[tilespmem:s3+$0xFFFFFC10] =	vst v15  }
0x20c: {  	v3 =	vld.idx.msk [tilespmem:v3+s10+$0x0], $0xffff;
	[tilespmem:s3+$0xFFFFFC90] =	vst v17;
	v20 =	vor.u32 v25, v11  }
0x20d: {  	v19 =	vld.idx.msk [tilespmem:v19+s10+$0x0], $0xffff;
	[tilespmem:s3+$0xFFFFFD10] =	vst v12  }
0x20e: {  	v18 =	vld.idx.msk [tilespmem:v18+s10+$0x0], $0xffff;
	[tilespmem:s3+$0x310] =	vst v16  }
0x20f: {  	v13 =	vld.idx.msk [tilespmem:v13+s10+$0x0], $0xffff;
	[tilespmem:s3+$0x3C0] =	vst v21  }
0x210: {  	v26 =	vld [tilespmem:$0x1FD10]  }
0x211: {  	v17 =	vor.u32 v54, v6;
	v20 =	vld.idx.msk [tilespmem:v20+s10+$0x0], $0xffff;
	[tilespmem:s3+$0xFFFFFD90] =	vst v14  }
0x212: {  	v29 =	vmovc v45;
	v45 =	vmov v42;
	v15 =	vor.u32 v42, v5;
	v16 =	vor.u32 v38, v4;
	v42 =	vld [tilespmem:$0x1FD60];
	[tilespmem:s3+$0xFFFFFE10] =	vst v3  }
0x213: {  	v27 =	vld [tilespmem:$0x1FE80];
	[tilespmem:s3+$0xFFFFFE90] =	vst v18  }
0x214: {  	v21 =	vor.u32 v62, v7;
	v31 =	vld [tilespmem:$0x1FDD0]  }
0x215: {  	[tilespmem:s3+$0xFFFFFF10] =	vst v13;
	v13 =	vor.u32 v38, v2  }
0x216: {  	v17 =	vld.idx.msk [tilespmem:v17+s10+$0x0], $0xffff;
	v12 =	vor.u32 v26, v8  }
0x217: {  	v14 =	vld.idx.msk [tilespmem:v16+s10+$0x0], $0xffff;
	v16 =	vor.u32 v42, v9  }
0x218: {  	v3 =	vld.idx.msk [tilespmem:v15+s10+$0x0], $0xffff;
	v15 =	vor.u32 v27, v11  }
0x219: {  	v21 =	vld.idx.msk [tilespmem:v21+s10+$0x0], $0xffff;
	v18 =	vor.u32 v31, v10  }
0x21a: {  	[tilespmem:s3+$0xFFFFFF90] =	vst v19;
	v13 =	vld.idx.msk [tilespmem:v13+s10+$0x0], $0xffff  }
0x21b: {  	v19 =	vor.u32 v45, v2;
	[tilespmem:s3+$0x3D0] =	vst v20;
	v12 =	vld.idx.msk [tilespmem:v12+s10+$0x0], $0xffff  }
0x21c: {  	v20 =	vor.u32 v54, v2;
	[tilespmem:s3+$0x120] =	vst v17;
	v16 =	vld.idx.msk [tilespmem:v16+s10+$0x0], $0xffff  }
0x21d: {  	[tilespmem:s3+$0x20] =	vst v14;
	v14 =	vor.u32 v62, v2;
	v15 =	vld.idx.msk [tilespmem:v15+s10+$0x0], $0xffff  }
0x21e: {  	[tilespmem:s3+$0xA0] =	vst v3;
	v3 =	vld.idx.msk [tilespmem:v18+s10+$0x0], $0xffff;
	v18 =	vor.u32 v26, v2  }
0x21f: {  	v26 =	vld [tilespmem:$0x1FBF0];
	[tilespmem:s3+$0x1A0] =	vst v21  }
0x220: {  	v17 =	vld.idx.msk [tilespmem:v19+s10+$0x0], $0xffff;
	[tilespmem:s3+$0xFFFFFC20] =	vst v13  }
0x221: {  	v19 =	vor.u32 v42, v2;
	v20 =	vld.idx.msk [tilespmem:v20+s10+$0x0], $0xffff;
	[tilespmem:s3+$0x220] =	vst v12  }
0x222: {  	v14 =	vld.idx.msk [tilespmem:v14+s10+$0x0], $0xffff;
	v12 =	vor.u32 v31, v2;
	[tilespmem:s3+$0x2A0] =	vst v16  }
0x223: {  	[tilespmem:s3+$0x3E0] =	vst v15;
	v15 =	vld.idx.msk [tilespmem:v18+s10+$0x0], $0xffff  }
0x224: {  	[tilespmem:s3+$0x320] =	vst v3  }
0x225: {  	v16 =	vor.u32 v24, v2;
	v11 =	vor.u32 v26, v11;
	v24 =	vld [tilespmem:$0x1FF90];
	[tilespmem:s3+$0xFFFFFCA0] =	vst v17  }
0x226: {  	v13 =	vld.idx.msk [tilespmem:v19+s10+$0x0], $0xffff;
	[tilespmem:s3+$0xFFFFFD20] =	vst v20  }
0x227: {  	v18 =	vor.u32 v41, v4;
	v12 =	vld.idx.msk [tilespmem:v12+s10+$0x0], $0xffff;
	[tilespmem:s3+$0xFFFFFDA0] =	vst v14  }
0x228: {  	v3 =	vor.u32 v43, v5;
	v21 =	vld [tilespmem:$0x1FD70];
	[tilespmem:s3+$0xFFFFFE20] =	vst v15  }
0x229: {  	v17 =	vor.u32 v63, v7;
	v1 =	vld [tilespmem:$0x1FDE0]  }
0x22a: {  	v11 =	vld.idx.msk [tilespmem:v11+s10+$0x0], $0xffff;
	v19 =	vor.u32 v24, v6  }
0x22b: {  	v16 =	vld.idx.msk [tilespmem:v16+s10+$0x0], $0xffff  }
0x22c: {  	v20 =	vor.u32 v60, v8;
	v14 =	vld.idx.msk [tilespmem:v18+s10+$0x0], $0xffff  }
0x22d: {  	v3 =	vld.idx.msk [tilespmem:v3+s10+$0x0], $0xffff;
	v18 =	vor.u32 v21, v9  }
0x22e: {  	[tilespmem:s3+$0xFFFFFEA0] =	vst v13;
	v13 =	vld.idx.msk [tilespmem:v17+s10+$0x0], $0xffff;
	v15 =	vor.u32 v1, v10  }
0x22f: {  	[tilespmem:s3+$0x3F0] =	vst v11;
	v11 =	vld.idx.msk [tilespmem:v19+s10+$0x0], $0xffff;
	v19 =	vor.u32 v41, v2  }
0x230: {  	v17 =	vor.u32 v43, v2;
	[tilespmem:s3+$0xFFFFFF20] =	vst v12  }
0x231: {  	v12 =	vld.idx.msk [tilespmem:v20+s10+$0x0], $0xffff;
	v20 =	vor.u32 v24, v2;
	[tilespmem:s3+$0xFFFFFFA0] =	vst v16  }
0x232: {  	[tilespmem:s3+$0x30] =	vst v14;
	v14 =	vor.u32 v60, v2;
	v16 =	vld.idx.msk [tilespmem:v18+s10+$0x0], $0xffff  }
0x233: {  	[tilespmem:s3+$0xB0] =	vst v3;
	v18 =	vor.u32 v63, v2;
	v15 =	vld.idx.msk [tilespmem:v15+s10+$0x0], $0xffff  }
0x234: {  	[tilespmem:s3+$0x1B0] =	vst v13;
	v3 =	vld.idx.msk [tilespmem:v19+s10+$0x0], $0xffff;
	v19 =	vor.u32 v21, v2  }
0x235: {  	[tilespmem:s3+$0x130] =	vst v11;
	v11 =	vld.idx.msk [tilespmem:v17+s10+$0x0], $0xffff  }
0x236: {  	v13 =	vld.idx.msk [tilespmem:v20+s10+$0x0], $0xffff;
	[tilespmem:s3+$0x230] =	vst v12  }
0x237: {  	v14 =	vld.idx.msk [tilespmem:v14+s10+$0x0], $0xffff;
	[tilespmem:s3+$0x2B0] =	vst v16  }
0x238: {  	v12 =	vld.idx.msk [tilespmem:v18+s10+$0x0], $0xffff;
	v16 =	vor.u32 v47, v5;
	[tilespmem:s3+$0x330] =	vst v15  }
0x239: {  	v15 =	vld.idx.msk [tilespmem:v19+s10+$0x0], $0xffff;
	[tilespmem:s3+$0xFFFFFC30] =	vst v3  }
0x23a: {  	v17 =	vor.u32 v1, v2;
	v45 =	vld [tilespmem:$0x1FF60];
	[tilespmem:s3+$0xFFFFFCB0] =	vst v11  }
0x23b: {  	v20 =	vor.u32 v55, v2;
	v38 =	vld [tilespmem:$0x1FED0];
	[tilespmem:s3+$0xFFFFFD30] =	vst v13  }
0x23c: {  	v18 =	vor.u32 v40, v4;
	v21 =	vld [tilespmem:$0x1FD80]  }
0x23d: {  	v19 =	vor.u32 v51, v6;
	[tilespmem:s3+$0xFFFFFDB0] =	vst v12;
	v12 =	vld.idx.msk [tilespmem:v16+s10+$0x0], $0xffff  }
0x23e: {  	v1 =	vld [tilespmem:$0x1FDF0];
	[tilespmem:s3+$0xFFFFFE30] =	vst v14;
	v14 =	vor.u32 v40, v2  }
0x23f: {  	v3 =	vld.idx.msk [tilespmem:v17+s10+$0x0], $0xffff;
	v17 =	vor.u32 v45, v7  }
0x240: {  	v11 =	vld.idx.msk [tilespmem:v20+s10+$0x0], $0xffff;
	v20 =	vor.u32 v38, v8  }
0x241: {  	v13 =	vld.idx.msk [tilespmem:v18+s10+$0x0], $0xffff;
	v18 =	vor.u32 v21, v9  }
0x242: {  	v19 =	vld.idx.msk [tilespmem:v19+s10+$0x0], $0xffff;
	[tilespmem:s3+$0xFFFFFEB0] =	vst v15;
	v15 =	vor.u32 v47, v2  }
0x243: {  	[tilespmem:s3+$0xC0] =	vst v12;
	v16 =	vor.u32 v1, v10;
	v12 =	vld.idx.msk [tilespmem:v14+s10+$0x0], $0xffff  }
0x244: {  	[tilespmem:s3+$0xFFFFFF30] =	vst v3;
	v3 =	vor.u32 v51, v2;
	v17 =	vld.idx.msk [tilespmem:v17+s10+$0x0], $0xffff  }
0x245: {  	[tilespmem:s3+$0xFFFFFFB0] =	vst v11;
	v11 =	vor.u32 v45, v2;
	v20 =	vld.idx.msk [tilespmem:v20+s10+$0x0], $0xffff  }
0x246: {  	v18 =	vld.idx.msk [tilespmem:v18+s10+$0x0], $0xffff  }
0x247: {  	[tilespmem:s3+$0x40] =	vst v13;
	v13 =	vor.u32 v38, v2;
	v15 =	vld.idx.msk [tilespmem:v15+s10+$0x0], $0xffff  }
0x248: {  	v14 =	vor.u32 v21, v2;
	[tilespmem:s3+$0x140] =	vst v19;
	v16 =	vld.idx.msk [tilespmem:v16+s10+$0x0], $0xffff  }
0x249: {  	v3 =	vld.idx.msk [tilespmem:v3+s10+$0x0], $0xffff;
	[tilespmem:s3+$0x1C0] =	vst v17  }
0x24a: {  	v11 =	vld.idx.msk [tilespmem:v11+s10+$0x0], $0xffff;
	[tilespmem:s3+$0x240] =	vst v20  }
0x24b: {  	v30 =	vmov v53;
	v53 =	vmov v54;
	v54 =	vld [tilespmem:$0x1FC20];
	[tilespmem:s3+$0x2C0] =	vst v18  }
0x24c: {  	v13 =	vld.idx.msk [tilespmem:v13+s10+$0x0], $0xffff;
	v18 =	vor.u32 v48, v5;
	[tilespmem:s3+$0xFFFFFC40] =	vst v12  }
0x24d: {  	v14 =	vld.idx.msk [tilespmem:v14+s10+$0x0], $0xffff;
	[tilespmem:s3+$0x340] =	vst v16  }
0x24e: {  	v19 =	vor.u32 v1, v2;
	v24 =	vld [tilespmem:$0x1FD00];
	[tilespmem:s3+$0xFFFFFCC0] =	vst v15  }
0x24f: {  	v17 =	vor.u32 v57, v2;
	v43 =	vld [tilespmem:$0x1FEE0];
	[tilespmem:s3+$0xFFFFFD40] =	vst v3  }
0x250: {  	v16 =	vor.u32 v56, v6;
	v21 =	vld [tilespmem:$0x1FD90]  }
0x251: {  	[tilespmem:s3+$0xFFFFFDC0] =	vst v11;
	v20 =	vor.u32 v54, v4;
	v11 =	vld.idx.msk [tilespmem:v18+s10+$0x0], $0xffff  }
0x252: {  	v1 =	vld [tilespmem:$0x1FE00];
	[tilespmem:s3+$0xFFFFFE40] =	vst v13;
	v13 =	vor.u32 v54, v2  }
0x253: {  	v12 =	vld.idx.msk [tilespmem:v19+s10+$0x0], $0xffff;
	[tilespmem:s3+$0xFFFFFEC0] =	vst v14;
	v14 =	vor.u32 v48, v2  }
0x254: {  	v15 =	vld.idx.msk [tilespmem:v17+s10+$0x0], $0xffff;
	v19 =	vor.u32 v24, v7  }
0x255: {  	v16 =	vld.idx.msk [tilespmem:v16+s10+$0x0], $0xffff;
	v17 =	vor.u32 v43, v8  }
0x256: {  	v3 =	vld.idx.msk [tilespmem:v20+s10+$0x0], $0xffff;
	v20 =	vor.u32 v21, v9  }
0x257: {  	v18 =	vor.u32 v1, v10;
	[tilespmem:s3+$0xD0] =	vst v11;
	v11 =	vld.idx.msk [tilespmem:v13+s10+$0x0], $0xffff  }
0x258: {  	[tilespmem:s3+$0xFFFFFF40] =	vst v12;
	v12 =	vor.u32 v56, v2;
	v14 =	vld.idx.msk [tilespmem:v14+s10+$0x0], $0xffff  }
0x259: {  	[tilespmem:s3+$0xFFFFFFC0] =	vst v15;
	v15 =	vor.u32 v24, v2;
	v19 =	vld.idx.msk [tilespmem:v19+s10+$0x0], $0xffff  }
0x25a: {  	v13 =	vor.u32 v21, v2;
	v17 =	vld.idx.msk [tilespmem:v17+s10+$0x0], $0xffff  }
0x25b: {  	[tilespmem:s3+$0x150] =	vst v16;
	v16 =	vor.u32 v1, v2;
	v20 =	vld.idx.msk [tilespmem:v20+s10+$0x0], $0xffff  }
0x25c: {  	[tilespmem:s3+$0x50] =	vst v3;
	v3 =	vor.u32 v43, v2;
	v18 =	vld.idx.msk [tilespmem:v18+s10+$0x0], $0xffff  }
0x25d: {  	v12 =	vld.idx.msk [tilespmem:v12+s10+$0x0], $0xffff;
	[tilespmem:s3+$0xFFFFFC50] =	vst v11  }
0x25e: {  	v15 =	vld.idx.msk [tilespmem:v15+s10+$0x0], $0xffff;
	[tilespmem:s3+$0x1D0] =	vst v19  }
0x25f: {  	v13 =	vld.idx.msk [tilespmem:v13+s10+$0x0], $0xffff;
	[tilespmem:s3+$0x250] =	vst v17  }
0x260: {  	v11 =	vld.idx.msk [tilespmem:v16+s10+$0x0], $0xffff;
	[tilespmem:s3+$0x2D0] =	vst v20  }
0x261: {  	v17 =	vor.u32 v37, v4;
	v3 =	vld.idx.msk [tilespmem:v3+s10+$0x0], $0xffff;
	[tilespmem:s3+$0x350] =	vst v18  }
0x262: {  	v19 =	vor.u32 v25, v2;
	v1 =	vld [tilespmem:$0x1FF00];
	[tilespmem:s3+$0xFFFFFCD0] =	vst v14  }
0x263: {  	v20 =	vor.u32 v49, v5;
	v41 =	vld [tilespmem:$0x1FD30];
	[tilespmem:s3+$0xFFFFFD50] =	vst v12  }
0x264: {  	v18 =	vor.u32 v58, v6;
	v24 =	vld [tilespmem:$0x1FDA0];
	[tilespmem:s3+$0xFFFFFDD0] =	vst v15  }
0x265: {  	v21 =	vld [tilespmem:$0x1FE10];
	[tilespmem:s3+$0xFFFFFED0] =	vst v13;
	v13 =	vor.u32 v49, v2  }
0x266: {  	v12 =	vld.idx.msk [tilespmem:v17+s10+$0x0], $0xffff;
	[tilespmem:s3+$0xFFFFFF50] =	vst v11;
	v11 =	vor.u32 v58, v2  }
0x267: {  	v4 =	vor.u32 v36, v4;
	v14 =	vld.idx.msk [tilespmem:v19+s10+$0x0], $0xffff  }
0x268: {  	v15 =	vld.idx.msk [tilespmem:v20+s10+$0x0], $0xffff;
	[tilespmem:s3+$0xFFFFFE50] =	vst v3;
	v3 =	vor.u32 v37, v2  }
0x269: {  	v18 =	vld.idx.msk [tilespmem:v18+s10+$0x0], $0xffff;
	v16 =	vor.u32 v1, v7  }
0x26a: {  	v19 =	vor.u32 v41, v8;
	v13 =	vld.idx.msk [tilespmem:v13+s10+$0x0], $0xffff  }
0x26b: {  	v17 =	vor.u32 v24, v9;
	[tilespmem:s3+$0x60] =	vst v12;
	v11 =	vld.idx.msk [tilespmem:v11+s10+$0x0], $0xffff  }
0x26c: {  	v20 =	vor.u32 v21, v10;
	v4 =	vld.idx.msk [tilespmem:v4+s10+$0x0], $0xffff  }
0x26d: {  	v5 =	vor.u32 v50, v5;
	v3 =	vld.idx.msk [tilespmem:v3+s10+$0x0], $0xffff  }
0x26e: {  	v6 =	vor.u32 v59, v6;
	v16 =	vld.idx.msk [tilespmem:v16+s10+$0x0], $0xffff  }
0x26f: {  	[tilespmem:s3+$0xFFFFFFD0] =	vst v14;
	v14 =	vor.u32 v1, v2;
	v19 =	vld.idx.msk [tilespmem:v19+s10+$0x0], $0xffff  }
0x270: {  	v12 =	vor.u32 v41, v2;
	[tilespmem:s3+$0xE0] =	vst v15;
	v17 =	vld.idx.msk [tilespmem:v17+s10+$0x0], $0xffff  }
0x271: {  	[tilespmem:s3+$0x160] =	vst v18;
	v18 =	vor.u32 v21, v2;
	v20 =	vld.idx.msk [tilespmem:v20+s10+$0x0], $0xffff  }
0x272: {  	v5 =	vld.idx.msk [tilespmem:v5+s10+$0x0], $0xffff;
	[tilespmem:s3+$0xFFFFFC60] =	vst v3  }
0x273: {  	v6 =	vld.idx.msk [tilespmem:v6+s10+$0x0], $0xffff;
	[tilespmem:s3+$0x1E0] =	vst v16  }
0x274: {  	v14 =	vld.idx.msk [tilespmem:v14+s10+$0x0], $0xffff;
	[tilespmem:s3+$0x260] =	vst v19  }
0x275: {  	v12 =	vld.idx.msk [tilespmem:v12+s10+$0x0], $0xffff;
	[tilespmem:s3+$0x2E0] =	vst v17  }
0x276: {  	v15 =	vor.u32 v24, v2;
	v3 =	vld.idx.msk [tilespmem:v18+s10+$0x0], $0xffff;
	[tilespmem:s3+$0x360] =	vst v20  }
0x277: {  	v57 =	vmov v51;
	v16 =	vor.u32 v27, v2;
	v51 =	vld [tilespmem:$0x1FEF0];
	[tilespmem:s3+$0xFFFFFCE0] =	vst v13  }
0x278: {  	v55 =	vld [tilespmem:$0x1FD40];
	[tilespmem:s3+$0xFFFFFD60] =	vst v11  }
0x279: {  	v11 =	vor.u32 v36, v2;
	v58 =	vld [tilespmem:$0x1FDB0];
	[tilespmem:s3+$0xFFFFFDE0] =	vst v14  }
0x27a: {  	v1 =	vld [tilespmem:$0x1FE20];
	[tilespmem:s3+$0xFFFFFE60] =	vst v12;
	v12 =	vor.u32 v50, v2  }
0x27b: {  	v15 =	vld.idx.msk [tilespmem:v15+s10+$0x0], $0xffff;
	[tilespmem:s3+$0xFFFFFF60] =	vst v3;
	v3 =	vor.u32 v59, v2  }
0x27c: {  	v13 =	vld.idx.msk [tilespmem:v16+s10+$0x0], $0xffff;
	v7 =	vor.u32 v51, v7  }
0x27d: {  	[tilespmem:s3+$0x70] =	vst v4;
	v8 =	vor.u32 v55, v8  }
0x27e: {  	[tilespmem:s3+$0xF0] =	vst v5;
	v4 =	vor.u32 v55, v2;
	v5 =	vld.idx.msk [tilespmem:v11+s10+$0x0], $0xffff  }
0x27f: {  	[tilespmem:s3+$0x170] =	vst v6;
	v9 =	vor.u32 v58, v9;
	v6 =	vld.idx.msk [tilespmem:v12+s10+$0x0], $0xffff  }
0x280: {  	[tilespmem:s3+$0xFFFFFEE0] =	vst v15;
	v10 =	vor.u32 v1, v10;
	v3 =	vld.idx.msk [tilespmem:v3+s10+$0x0], $0xffff  }
0x281: {  	[tilespmem:s3+$0xFFFFFFE0] =	vst v13;
	v12 =	vor.u32 v1, v2;
	v7 =	vld.idx.msk [tilespmem:v7+s10+$0x0], $0xffff  }
0x282: {  	v13 =	vor.u32 v51, v2;
	v11 =	vor.u32 v58, v2;
	v2 =	vor.u32 v26, v2;
	v8 =	vld.idx.msk [tilespmem:v8+s10+$0x0], $0xffff  }
0x283: {  	v4 =	vld.idx.msk [tilespmem:v4+s10+$0x0], $0xffff;
	[tilespmem:s3+$0xFFFFFC70] =	vst v5  }
0x284: {  	v9 =	vld.idx.msk [tilespmem:v9+s10+$0x0], $0xffff;
	[tilespmem:s3+$0xFFFFFCF0] =	vst v6  }
0x285: {  	v10 =	vld.idx.msk [tilespmem:v10+s10+$0x0], $0xffff;
	[tilespmem:s3+$0xFFFFFD70] =	vst v3  }
0x286: {  	v5 =	vld.idx.msk [tilespmem:v12+s10+$0x0], $0xffff;
	[tilespmem:s3+$0x1F0] =	vst v7  }
0x287: {  	v2 =	vld.idx.msk [tilespmem:v2+s10+$0x0], $0xffff;
	[tilespmem:s3+$0x270] =	vst v8  }
0x288: {  	v7 =	vld.idx.msk [tilespmem:v13+s10+$0x0], $0xffff;
	[tilespmem:s3+$0xFFFFFE70] =	vst v4  }
0x289: {  	v8 =	vld.idx.msk [tilespmem:v11+s10+$0x0], $0xffff;
	[tilespmem:s3+$0x2F0] =	vst v9  }
0x28a: {  	[tilespmem:s3+$0x370] =	vst v10  }
0x28b: {  	s8 =	sshll.u32 s14, $0x7;
	[tilespmem:s3+$0xFFFFFF70] =	vst v5  }
0x28c: {  	s7 =	sshll.u32 s14, $0xA;
	s6 =	sand.u32 $0x3E00, s8;
	[tilespmem:s3+$0xFFFFFFF0] =	vst v2  }
0x28d: {  	p1 =	seq.s32 s1, $0x31;
	s7 =	sand.u32 $0xFFE0000, s7;
	s6 =	sadd.s32 s2, s6;
	[tilespmem:s3+$0xFFFFFDF0] =	vst v7  }
0x28e: {  	s14 =	simm.s32 $0x0;
	s12 =	sadd.s32 s7, s6;
	s6 =	sshll.u32 @!p1 s1, $0x9;
	[tilespmem:s3+$0xFFFFFEF0] =	vst v8  }
0x28f: {  	[hbm4b:s12+s17] =	stream.strided.scatter [tilespmem:s19], [sflag:$0x5], $0x2000, s18, s17, $0x38;
	[tilespmem:$0x16400] =	vst v63  }
0x290: {  	v2 =	vmov s14;
	s12 =	sand.u32 @!p1 $0x3FFFFE00, s6  }
0x291: {  	s7 =	simm.s32 @!p1 $0x6400;
	v2 =	vshrl.u32 v2, $0x3;
	s6 =	simm.s32 @!p1 $0x80;
	s3 =	sadd.s32 @!p1 $0x200, s12  }
0x292: {  	v2 =	vshll.u32 v2, v39;
	[tilespmem:s7], [sflag:$0x1] =	stream.indirect.gather @!p1 [hbm4b:s4+s6], $0x40, s3, s6, $0xb8;
	[tilespmem:$0x16400] =	vst v63  }
0x293: {  	s8 =	simm.s32 $0xA;
	v11 =	vbroadcast v2, $0x0;
	_ =	swait.ge [sflag:s20], $0x2000  }
0x294: {  	s14 =	simm.s32 $0xB;
	v5 =	vmov s8;
	s7 =	simm.s32 $0x9;
	[sflag:s20] =	ssyncset.done $0x0  }
0x295: {  	v6 =	vmov s14;
	s14 =	simm.s32 $0xE;
	v2 =	vor.u32 v35, v11;
	s3 =	simm.s32 @!p0 $0x6;
	v4 =	vmov s7;
	[sflag:s20] =	ssyncadd.s32 $0xFFFFE000  }
0x296: {  	v13 =	vshrl.u32 v5, $0x3;
	v9 =	vmov s14;
	v4 =	vshrl.u32 v4, $0x3;
	_ =	swait.ge @!p0 [sflag:s3], $0x2000  }
0x297: {  	v14 =	vshrl.u32 v6, $0x3;
	v10 =	vor.u32 v23, v11;
	s6 =	simm.s32 $0x8;
	v4 =	vshll.u32 v4, v39;
	v1 =	vld [tilespmem:$0x1FEB0]  }
0x298: {  	v28 =	vmovc v32;
	v46 =	vmovc v26;
	v6 =	vor.u32 v61, v11;
	v3 =	vmov s6;
	s7 =	simm.s32 $0xF;
	v32 =	vbroadcast v4, $0x0;
	[sflag:s3] =	ssyncset.done @!p0 $0x0;
	v26 =	vld [tilespmem:$0x1FE90]  }
0x299: {  	v12 =	vor.u32 v0, v11;
	v3 =	vshrl.u32 v3, $0x3;
	v5 =	vmov s7;
	v21 =	vld [tilespmem:$0x1FEA0];
	[sflag:s3] =	ssyncadd.s32 @!p0 $0xFFFFE000  }
0x29a: {  	s8 =	simm.s32 $0xD;
	v22 =	vor.u32 v23, v32;
	v18 =	vld.idx.msk [tilespmem:v2+s11+$0x0], $0xffff;
	v2 =	vshll.u32 v3, v39;
	v3 =	vshrl.u32 v5, $0x3  }
0x29b: {  	v8 =	vmov s8;
	v25 =	vld [tilespmem:$0x1FEC0];
	v37 =	vbroadcast v2, $0x0;
	v2 =	vshll.u32 v3, v39  }
0x29c: {  	v16 =	vshrl.u32 v8, $0x3;
	v19 =	vld.idx.msk [tilespmem:v10+s11+$0x0], $0xffff;
	v5 =	vbroadcast v2, $0x0;
	v8 =	vor.u32 v1, v11  }
0x29d: {  	v17 =	vshrl.u32 v9, $0x3;
	v4 =	vshll.u32 v13, v39;
	v20 =	vld.idx.msk [tilespmem:v6+s11+$0x0], $0xffff;
	v9 =	vor.u32 v26, v11  }
0x29e: {  	v36 =	vbroadcast v4, $0x0;
	v4 =	vshll.u32 v14, v39;
	v3 =	vld.idx.msk [tilespmem:v12+s11+$0x0], $0xffff;
	v14 =	vor.u32 v21, v5  }
0x29f: {  	s6 =	simm.s32 $0xC;
	v10 =	vor.u32 v21, v11;
	v22 =	vld.idx.msk [tilespmem:v22+s11+$0x0], $0xffff  }
0x2a0: {  	v56 =	vmovc v28;
	v7 =	vmov s6;
	v23 =	vor.u32 v0, v36;
	v27 =	vor.u32 v28, v5;
	v28 =	vld [tilespmem:$0x1FF40]  }
0x2a1: {  	v15 =	vshrl.u32 v7, $0x3;
	v12 =	vor.u32 v35, v37;
	v21 =	vld.idx.msk [tilespmem:v8+s11+$0x0], $0xffff;
	v8 =	vbroadcast v4, $0x0  }
0x2a2: {  	v7 =	vor.u32 v25, v11;
	v4 =	vshll.u32 v15, v39;
	v15 =	vld.idx.msk [tilespmem:v9+s11+$0x0], $0xffff  }
0x2a3: {  	v9 =	vbroadcast v4, $0x0;
	v4 =	vshll.u32 v16, v39;
	v14 =	vld.idx.msk [tilespmem:v14+s11+$0x0], $0xffff;
	v24 =	vor.u32 v61, v8  }
0x2a4: {  	v16 =	vld.idx.msk [tilespmem:v10+s11+$0x0], $0xffff;
	v10 =	vbroadcast v4, $0x0  }
0x2a5: {  	v23 =	vld.idx.msk [tilespmem:v23+s11+$0x0], $0xffff;
	v4 =	vshll.u32 v17, v39;
	v25 =	vor.u32 v25, v9  }
0x2a6: {  	v17 =	vld.idx.msk [tilespmem:v12+s11+$0x0], $0xffff;
	v12 =	vbroadcast v4, $0x0;
	v4 =	vor.u32 v1, v10;
	v1 =	vor.u32 v29, v32  }
0x2a7: {  	s14 =	simm.s32 $0x10BF0;
	v13 =	vld.idx.msk [tilespmem:v7+s11+$0x0], $0xffff  }
0x2a8: {  	[tilespmem:s14+$0xFFFFFF90] =	vst v14;
	v24 =	vld.idx.msk [tilespmem:v24+s11+$0x0], $0xffff  }
0x2a9: {  	[tilespmem:s14+$0xFFFFFC90] =	vst v22;
	v26 =	vor.u32 v26, v12;
	v27 =	vld.idx.msk [tilespmem:v27+s11+$0x0], $0xffff  }
0x2aa: {  	v2 =	vor.u32 v30, v36;
	[tilespmem:s14+$0xFFFFFD10] =	vst v23;
	v25 =	vld.idx.msk [tilespmem:v25+s11+$0x0], $0xffff  }
0x2ab: {  	v0 =	vor.u32 v28, v37;
	[tilespmem:s14+$0xFFFFFC10] =	vst v17;
	v7 =	vld.idx.msk [tilespmem:v1+s11+$0x0], $0xffff  }
0x2ac: {  	v14 =	vor.u32 v52, v8;
	v1 =	vld [tilespmem:$0x1FE40]  }
0x2ad: {  	v17 =	vor.u32 v33, v9;
	v4 =	vld.idx.msk [tilespmem:v4+s11+$0x0], $0xffff;
	[tilespmem:s14+$0xFFFFF810] =	vst v18  }
0x2ae: {  	v22 =	vor.u32 v44, v10;
	[tilespmem:s14+$0xFFFFF890] =	vst v19;
	v26 =	vld.idx.msk [tilespmem:v26+s11+$0x0], $0xffff  }
0x2af: {  	v2 =	vld.idx.msk [tilespmem:v2+s11+$0x0], $0xffff;
	[tilespmem:s14+$0xFFFFFD90] =	vst v24  }
0x2b0: {  	v6 =	vld.idx.msk [tilespmem:v0+s11+$0x0], $0xffff;
	v24 =	vor.u32 v34, v12;
	[tilespmem:s14+$0xFFFFFFA0] =	vst v27  }
0x2b1: {  	[tilespmem:s14+$0xFFFFFE10] =	vst v25;
	v14 =	vld.idx.msk [tilespmem:v14+s11+$0x0], $0xffff;
	v23 =	vor.u32 v1, v5  }
0x2b2: {  	v27 =	vor.u32 v30, v11;
	[tilespmem:s14+$0xFFFFFE90] =	vst v4;
	v17 =	vld.idx.msk [tilespmem:v17+s11+$0x0], $0xffff  }
0x2b3: {  	v18 =	vor.u32 v33, v11;
	v22 =	vld.idx.msk [tilespmem:v22+s11+$0x0], $0xffff;
	[tilespmem:s14+$0xFFFFFF10] =	vst v26  }
0x2b4: {  	v25 =	vor.u32 v28, v11;
	v40 =	vld [tilespmem:$0x1FE50]  }
0x2b5: {  	v4 =	vor.u32 v29, v11;
	v24 =	vld.idx.msk [tilespmem:v24+s11+$0x0], $0xffff  }
0x2b6: {  	v26 =	vor.u32 v52, v11;
	[tilespmem:s14+$0xFFFFF910] =	vst v3;
	v23 =	vld.idx.msk [tilespmem:v23+s11+$0x0], $0xffff  }
0x2b7: {  	[tilespmem:s14+$0xFFFFFA10] =	vst v13;
	v27 =	vld.idx.msk [tilespmem:v27+s11+$0x0], $0xffff  }
0x2b8: {  	v18 =	vld.idx.msk [tilespmem:v18+s11+$0x0], $0xffff  }
0x2b9: {  	v25 =	vld.idx.msk [tilespmem:v25+s11+$0x0], $0xffff;
	v19 =	vor.u32 v40, v5  }
0x2ba: {  	v3 =	vor.u32 v44, v11;
	[tilespmem:s14+$0xFFFFF990] =	vst v20;
	v4 =	vld.idx.msk [tilespmem:v4+s11+$0x0], $0xffff  }
0x2bb: {  	v26 =	vld.idx.msk [tilespmem:v26+s11+$0x0], $0xffff;
	[tilespmem:s14+$0xFFFFFFB0] =	vst v23  }
0x2bc: {  	v20 =	vor.u32 v34, v11;
	v13 =	vor.u32 v56, v11;
	v56 =	vld [tilespmem:$0x1FFF0];
	[tilespmem:s14+$0xFFFFFA90] =	vst v21  }
0x2bd: {  	v0 =	vld [tilespmem:$0x1FFC0]  }
0x2be: {  	v19 =	vld.idx.msk [tilespmem:v19+s11+$0x0], $0xffff;
	[tilespmem:s14+$0xFFFFFB10] =	vst v15  }
0x2bf: {  	v28 =	vor.u32 v62, v8;
	v3 =	vld.idx.msk [tilespmem:v3+s11+$0x0], $0xffff;
	[tilespmem:s14+$0xFFFFFB90] =	vst v16  }
0x2c0: {  	v30 =	vor.u32 v42, v10;
	v44 =	vld [tilespmem:$0x1FE60];
	[tilespmem:s14+$0xFFFFFC20] =	vst v6  }
0x2c1: {  	v15 =	vor.u32 v53, v36;
	v20 =	vld.idx.msk [tilespmem:v20+s11+$0x0], $0xffff;
	[tilespmem:s14+$0xFFFFFCA0] =	vst v7  }
0x2c2: {  	v6 =	vld [tilespmem:$0x1FD10];
	[tilespmem:s14+$0xFFFFFD20] =	vst v2  }
0x2c3: {  	v13 =	vld.idx.msk [tilespmem:v13+s11+$0x0], $0xffff;
	[tilespmem:s14+$0xFFFFFDA0] =	vst v14;
	v23 =	vor.u32 v56, v37  }
0x2c4: {  	[tilespmem:s14+$0xFFFFFEA0] =	vst v22;
	v28 =	vld.idx.msk [tilespmem:v28+s11+$0x0], $0xffff;
	v14 =	vor.u32 v56, v11  }
0x2c5: {  	[tilespmem:s14+$0xFFFFFE20] =	vst v17;
	v30 =	vld.idx.msk [tilespmem:v30+s11+$0x0], $0xffff;
	v21 =	vor.u32 v0, v32  }
0x2c6: {  	v15 =	vld.idx.msk [tilespmem:v15+s11+$0x0], $0xffff;
	[tilespmem:s14+$0xFFFFFFC0] =	vst v19;
	v16 =	vor.u32 v44, v5  }
0x2c7: {  	v19 =	vor.u32 v31, v12;
	v17 =	vor.u32 v0, v11;
	v0 =	vld [tilespmem:$0x1FE70]  }
0x2c8: {  	[tilespmem:s14+$0xFFFFF820] =	vst v25;
	v23 =	vld.idx.msk [tilespmem:v23+s11+$0x0], $0xffff  }
0x2c9: {  	[tilespmem:s14+$0xFFFFFF20] =	vst v24;
	v24 =	vor.u32 v53, v11;
	v14 =	vld.idx.msk [tilespmem:v14+s11+$0x0], $0xffff  }
0x2ca: {  	v25 =	vor.u32 v62, v11;
	v21 =	vld.idx.msk [tilespmem:v21+s11+$0x0], $0xffff  }
0x2cb: {  	v29 =	vor.u32 v6, v9;
	v16 =	vld.idx.msk [tilespmem:v16+s11+$0x0], $0xffff  }
0x2cc: {  	[tilespmem:s14+$0xFFFFF8A0] =	vst v4;
	v19 =	vld.idx.msk [tilespmem:v19+s11+$0x0], $0xffff  }
0x2cd: {  	[tilespmem:s14+$0xFFFFF920] =	vst v27;
	v17 =	vld.idx.msk [tilespmem:v17+s11+$0x0], $0xffff;
	v22 =	vor.u32 v0, v5  }
0x2ce: {  	[tilespmem:s14+$0xFFFFF9A0] =	vst v26;
	v24 =	vld.idx.msk [tilespmem:v24+s11+$0x0], $0xffff  }
0x2cf: {  	[tilespmem:s14+$0xFFFFFA20] =	vst v18;
	v25 =	vld.idx.msk [tilespmem:v25+s11+$0x0], $0xffff  }
0x2d0: {  	v29 =	vld.idx.msk [tilespmem:v29+s11+$0x0], $0xffff;
	[tilespmem:s14+$0xFFFFFFD0] =	vst v16  }
0x2d1: {  	v4 =	vor.u32 v6, v11;
	v52 =	vld [tilespmem:$0x1FE80]  }
0x2d2: {  	v27 =	vor.u32 v31, v11;
	v22 =	vld.idx.msk [tilespmem:v22+s11+$0x0], $0xffff;
	[tilespmem:s14+$0xFFFFFAA0] =	vst v3  }
0x2d3: {  	v56 =	vld [tilespmem:$0x1FFB0];
	[tilespmem:s14+$0xFFFFFB20] =	vst v20  }
0x2d4: {  	v26 =	vor.u32 v1, v11;
	v62 =	vld [tilespmem:$0x1FC50];
	[tilespmem:s14+$0xFFFFFBA0] =	vst v13  }
0x2d5: {  	v1 =	vld [tilespmem:$0x1FF90];
	[tilespmem:s14+$0xFFFFFC30] =	vst v23  }
0x2d6: {  	v4 =	vld.idx.msk [tilespmem:v4+s11+$0x0], $0xffff;
	[tilespmem:s14+$0xFFFFFCB0] =	vst v21;
	v18 =	vor.u32 v52, v5  }
0x2d7: {  	v16 =	vor.u32 v42, v11;
	v27 =	vld.idx.msk [tilespmem:v27+s11+$0x0], $0xffff;
	[tilespmem:s14+$0xFFFFFFE0] =	vst v22  }
0x2d8: {  	v23 =	vor.u32 v60, v9;
	v6 =	vld [tilespmem:$0x1FD70];
	[tilespmem:s14+$0xFFFFFD30] =	vst v15  }
0x2d9: {  	v26 =	vld.idx.msk [tilespmem:v26+s11+$0x0], $0xffff;
	v22 =	vor.u32 v63, v8;
	[tilespmem:s14+$0xFFFFFDB0] =	vst v28  }
0x2da: {  	v3 =	vor.u32 v56, v37;
	v15 =	vor.u32 v46, v5;
	v5 =	vld [tilespmem:$0x1FDE0]  }
0x2db: {  	v20 =	vor.u32 v62, v32;
	v18 =	vld.idx.msk [tilespmem:v18+s11+$0x0], $0xffff  }
0x2dc: {  	v16 =	vld.idx.msk [tilespmem:v16+s11+$0x0], $0xffff;
	[tilespmem:s14+$0xFFFFFE30] =	vst v29  }
0x2dd: {  	[tilespmem:s14+$0xFFFFF830] =	vst v14;
	v14 =	vor.u32 v60, v11;
	v23 =	vld.idx.msk [tilespmem:v23+s11+$0x0], $0xffff  }
0x2de: {  	v13 =	vor.u32 v1, v36;
	v22 =	vld.idx.msk [tilespmem:v22+s11+$0x0], $0xffff  }
0x2df: {  	[tilespmem:s14+$0xFFFFFEB0] =	vst v30;
	v31 =	vld.idx.msk [tilespmem:v3+s11+$0x0], $0xffff;
	v3 =	vor.u32 v6, v10  }
0x2e0: {  	s8 =	simm.s32 $0x10;
	v20 =	vld.idx.msk [tilespmem:v20+s11+$0x0], $0xffff;
	v21 =	vor.u32 v5, v12;
	[tilespmem:s14+$0xFFFFFFF0] =	vst v18  }
0x2e1: {  	v2 =	vmov s8;
	v28 =	vor.u32 v56, v11;
	[tilespmem:s14+$0xFFFFFA30] =	vst v4;
	v15 =	vld.idx.msk [tilespmem:v15+s11+$0x0], $0xffff  }
0x2e2: {  	v2 =	vshrl.u32 v2, $0x3;
	[tilespmem:s14+$0xFFFFFF30] =	vst v19;
	v14 =	vld.idx.msk [tilespmem:v14+s11+$0x0], $0xffff  }
0x2e3: {  	v2 =	vshll.u32 v2, v39;
	v29 =	vor.u32 v62, v11;
	[tilespmem:s14+$0xFFFFF8B0] =	vst v17;
	v13 =	vld.idx.msk [tilespmem:v13+s11+$0x0], $0xffff  }
0x2e4: {  	v2 =	vbroadcast v2, $0x0;
	[tilespmem:s14+$0xFFFFF930] =	vst v24;
	v18 =	vor.u32 v1, v11;
	v30 =	vld.idx.msk [tilespmem:v3+s11+$0x0], $0xffff  }
0x2e5: {  	[tilespmem:s14+$0xFFFFF9B0] =	vst v25;
	v3 =	vor.u32 v63, v11;
	v19 =	vld.idx.msk [tilespmem:v21+s11+$0x0], $0xffff  }
0x2e6: {  	v17 =	vor.u32 v35, v2;
	v21 =	vld.idx.msk [tilespmem:v28+s11+$0x0], $0xffff;
	[tilespmem:s14+$0x0] =	vst v15  }
0x2e7: {  	v4 =	vor.u32 v40, v11;
	v40 =	vld [tilespmem:$0x1FC10];
	[tilespmem:s14+$0xFFFFFAB0] =	vst v16  }
0x2e8: {  	v28 =	vld.idx.msk [tilespmem:v29+s11+$0x0], $0xffff;
	[tilespmem:s14+$0xFFFFFB30] =	vst v27  }
0x2e9: {  	v24 =	vor.u32 v6, v11;
	v18 =	vld.idx.msk [tilespmem:v18+s11+$0x0], $0xffff;
	[tilespmem:s14+$0xFFFFFBB0] =	vst v26  }
0x2ea: {  	v25 =	vor.u32 v5, v11;
	v29 =	vld.idx.msk [tilespmem:v3+s11+$0x0], $0xffff;
	[tilespmem:s14+$0xFFFFFC40] =	vst v31  }
0x2eb: {  	v3 =	vld.idx.msk [tilespmem:v17+s11+$0x0], $0xffff;
	[tilespmem:s14+$0xFFFFFCC0] =	vst v20  }
0x2ec: {  	v16 =	vor.u32 v47, v32;
	v5 =	vld [tilespmem:$0x1FD80];
	[tilespmem:s14+$0xFFFFFD40] =	vst v13  }
0x2ed: {  	v26 =	vor.u32 v45, v8;
	v6 =	vld [tilespmem:$0x1FDF0];
	[tilespmem:s14+$0xFFFFFDC0] =	vst v22  }
0x2ee: {  	v27 =	vor.u32 v38, v9;
	v17 =	vld.idx.msk [tilespmem:v24+s11+$0x0], $0xffff;
	[tilespmem:s14+$0xFFFFFE40] =	vst v23  }
0x2ef: {  	v24 =	vor.u32 v57, v36;
	v25 =	vld.idx.msk [tilespmem:v25+s11+$0x0], $0xffff;
	[tilespmem:s14+$0xFFFFFEC0] =	vst v30  }
0x2f0: {  	v4 =	vld.idx.msk [tilespmem:v4+s11+$0x0], $0xffff;
	v23 =	vor.u32 v47, v11;
	[tilespmem:s14+$0xFFFFFF40] =	vst v19  }
0x2f1: {  	v30 =	vor.u32 v57, v11;
	[tilespmem:s14+$0xFFFFF840] =	vst v21;
	v16 =	vld.idx.msk [tilespmem:v16+s11+$0x0], $0xffff  }
0x2f2: {  	[tilespmem:s14+$0xFFFFF8C0] =	vst v28;
	v15 =	vor.u32 v40, v37;
	v26 =	vld.idx.msk [tilespmem:v26+s11+$0x0], $0xffff  }
0x2f3: {  	[tilespmem:s14+$0xFFFFFA40] =	vst v14;
	v27 =	vld.idx.msk [tilespmem:v27+s11+$0x0], $0xffff  }
0x2f4: {  	[tilespmem:s14+$0xFFFFF940] =	vst v18;
	v24 =	vld.idx.msk [tilespmem:v24+s11+$0x0], $0xffff  }
0x2f5: {  	[tilespmem:s14+$0xFFFFF9C0] =	vst v29;
	v22 =	vor.u32 v40, v11;
	v23 =	vld.idx.msk [tilespmem:v23+s11+$0x0], $0xffff  }
0x2f6: {  	v20 =	vor.u32 v5, v10;
	[tilespmem:s14+$0xFFFFFAC0] =	vst v17;
	v30 =	vld.idx.msk [tilespmem:v30+s11+$0x0], $0xffff  }
0x2f7: {  	[tilespmem:s14+$0xFFFFFB40] =	vst v25;
	v13 =	vor.u32 v6, v12;
	v15 =	vld.idx.msk [tilespmem:v15+s11+$0x0], $0xffff  }
0x2f8: {  	v57 =	vld [tilespmem:$0x1FFD0];
	[tilespmem:s14+$0xFFFFFBC0] =	vst v4  }
0x2f9: {  	v31 =	vld [tilespmem:$0x1FD00]  }
0x2fa: {  	v19 =	vor.u32 v45, v11;
	v22 =	vld.idx.msk [tilespmem:v22+s11+$0x0], $0xffff  }
0x2fb: {  	v21 =	vor.u32 v38, v11;
	[tilespmem:s14+$0xFFFFFCD0] =	vst v16;
	v20 =	vld.idx.msk [tilespmem:v20+s11+$0x0], $0xffff  }
0x2fc: {  	v29 =	vor.u32 v44, v11;
	v13 =	vld.idx.msk [tilespmem:v13+s11+$0x0], $0xffff;
	[tilespmem:s14+$0xFFFFFC50] =	vst v15  }
0x2fd: {  	v28 =	vor.u32 v5, v11;
	v5 =	vld [tilespmem:$0x1FD90];
	[tilespmem:s14+$0xFFFFFD50] =	vst v24  }
0x2fe: {  	v18 =	vor.u32 v6, v11;
	v6 =	vld [tilespmem:$0x1FE00];
	[tilespmem:s14+$0xFFFFFDD0] =	vst v26  }
0x2ff: {  	v17 =	vor.u32 v48, v32;
	v19 =	vld.idx.msk [tilespmem:v19+s11+$0x0], $0xffff;
	[tilespmem:s14+$0xFFFFFE50] =	vst v27  }
0x300: {  	v14 =	vor.u32 v54, v37;
	v21 =	vld.idx.msk [tilespmem:v21+s11+$0x0], $0xffff;
	[tilespmem:s14+$0xFFFFFED0] =	vst v20  }
0x301: {  	v29 =	vld.idx.msk [tilespmem:v29+s11+$0x0], $0xffff;
	v25 =	vor.u32 v57, v36;
	[tilespmem:s14+$0xFFFFFF50] =	vst v13  }
0x302: {  	v28 =	vld.idx.msk [tilespmem:v28+s11+$0x0], $0xffff;
	[tilespmem:s14+$0xFFFFF850] =	vst v22  }
0x303: {  	v18 =	vld.idx.msk [tilespmem:v18+s11+$0x0], $0xffff;
	v4 =	vor.u32 v31, v8;
	[tilespmem:s14+$0xFFFFF8D0] =	vst v23  }
0x304: {  	v17 =	vld.idx.msk [tilespmem:v17+s11+$0x0], $0xffff;
	[tilespmem:s14+$0xFFFFF950] =	vst v30  }
0x305: {  	v15 =	vor.u32 v43, v9;
	v14 =	vld.idx.msk [tilespmem:v14+s11+$0x0], $0xffff;
	[tilespmem:s14+$0xFFFFF9D0] =	vst v19  }
0x306: {  	v26 =	vor.u32 v54, v11;
	v25 =	vld.idx.msk [tilespmem:v25+s11+$0x0], $0xffff;
	[tilespmem:s14+$0xFFFFFA50] =	vst v21  }
0x307: {  	v27 =	vor.u32 v48, v11;
	v42 =	vld [tilespmem:$0x1FC30];
	[tilespmem:s14+$0xFFFFFAD0] =	vst v28  }
0x308: {  	v20 =	vor.u32 v57, v11;
	v4 =	vld.idx.msk [tilespmem:v4+s11+$0x0], $0xffff;
	[tilespmem:s14+$0xFFFFFB50] =	vst v18  }
0x309: {  	v13 =	vor.u32 v31, v11;
	v38 =	vld [tilespmem:$0x1FFE0]  }
0x30a: {  	v22 =	vor.u32 v43, v11;
	v15 =	vld.idx.msk [tilespmem:v15+s11+$0x0], $0xffff  }
0x30b: {  	v26 =	vld.idx.msk [tilespmem:v26+s11+$0x0], $0xffff  }
0x30c: {  	v19 =	vor.u32 v0, v11;
	v27 =	vld.idx.msk [tilespmem:v27+s11+$0x0], $0xffff  }
0x30d: {  	v20 =	vld.idx.msk [tilespmem:v20+s11+$0x0], $0xffff  }
0x30e: {  	v28 =	vor.u32 v49, v32;
	v13 =	vld.idx.msk [tilespmem:v13+s11+$0x0], $0xffff  }
0x30f: {  	[tilespmem:s14+$0xFFFFFBD0] =	vst v29;
	v22 =	vld.idx.msk [tilespmem:v22+s11+$0x0], $0xffff  }
0x310: {  	v16 =	vor.u32 v5, v10;
	v24 =	vor.u32 v6, v12;
	v30 =	vor.u32 v6, v11;
	v6 =	vld [tilespmem:$0x1FF00];
	[tilespmem:s14+$0xFFFFFC60] =	vst v14  }
0x311: {  	v23 =	vor.u32 v5, v11;
	v19 =	vld.idx.msk [tilespmem:v19+s11+$0x0], $0xffff;
	[tilespmem:s14+$0xFFFFFCE0] =	vst v17  }
0x312: {  	v34 =	vmov v1;
	v1 =	vld [tilespmem:$0x1FDA0]  }
0x313: {  	v28 =	vld.idx.msk [tilespmem:v28+s11+$0x0], $0xffff;
	[tilespmem:s14+$0xFFFFFD60] =	vst v25  }
0x314: {  	v14 =	vor.u32 v41, v9;
	v5 =	vld [tilespmem:$0x1FE10]  }
0x315: {  	v21 =	vor.u32 v42, v37;
	v16 =	vld.idx.msk [tilespmem:v16+s11+$0x0], $0xffff  }
0x316: {  	v18 =	vor.u32 v38, v36;
	v23 =	vld.idx.msk [tilespmem:v23+s11+$0x0], $0xffff  }
0x317: {  	[tilespmem:s14+$0xFFFFFDE0] =	vst v4;
	v4 =	vor.u32 v42, v11;
	v24 =	vld.idx.msk [tilespmem:v24+s11+$0x0], $0xffff  }
0x318: {  	[tilespmem:s14+$0xFFFFFE60] =	vst v15;
	v15 =	vor.u32 v49, v11;
	v30 =	vld.idx.msk [tilespmem:v30+s11+$0x0], $0xffff  }
0x319: {  	v29 =	vor.u32 v6, v8;
	v31 =	vld.idx.msk [tilespmem:v14+s11+$0x0], $0xffff;
	[tilespmem:s14+$0xFFFFF860] =	vst v26  }
0x31a: {  	v14 =	vor.u32 v6, v11;
	[tilespmem:s14+$0xFFFFF8E0] =	vst v27;
	v21 =	vld.idx.msk [tilespmem:v21+s11+$0x0], $0xffff  }
0x31b: {  	[tilespmem:s14+$0xFFFFF960] =	vst v20;
	v18 =	vld.idx.msk [tilespmem:v18+s11+$0x0], $0xffff  }
0x31c: {  	[tilespmem:s14+$0xFFFFF9E0] =	vst v13;
	v17 =	vor.u32 v1, v10;
	v26 =	vld.idx.msk [tilespmem:v4+s11+$0x0], $0xffff  }
0x31d: {  	[tilespmem:s14+$0xFFFFFA60] =	vst v22;
	v25 =	vor.u32 v5, v12;
	v15 =	vld.idx.msk [tilespmem:v15+s11+$0x0], $0xffff  }
0x31e: {  	v4 =	vor.u32 v1, v11;
	[tilespmem:s14+$0xFFFFFEE0] =	vst v16;
	v29 =	vld.idx.msk [tilespmem:v29+s11+$0x0], $0xffff  }
0x31f: {  	v20 =	vor.u32 v5, v11;
	[tilespmem:s14+$0xFFFFFF60] =	vst v24;
	v22 =	vld.idx.msk [tilespmem:v14+s11+$0x0], $0xffff  }
0x320: {  	v13 =	vor.u32 v52, v11;
	v43 =	vld [tilespmem:$0x1FC40];
	[tilespmem:s14+$0xFFFFFAE0] =	vst v23  }
0x321: {  	v17 =	vld.idx.msk [tilespmem:v17+s11+$0x0], $0xffff;
	[tilespmem:s14+$0xFFFFFB60] =	vst v30  }
0x322: {  	v6 =	vor.u32 v50, v32;
	[tilespmem:s14+$0xFFFFFBE0] =	vst v19;
	v25 =	vld.idx.msk [tilespmem:v25+s11+$0x0], $0xffff  }
0x323: {  	v16 =	vor.u32 v38, v11;
	[tilespmem:s14+$0xFFFFFC70] =	vst v21;
	v23 =	vld.idx.msk [tilespmem:v4+s11+$0x0], $0xffff  }
0x324: {  	v24 =	vor.u32 v41, v11;
	[tilespmem:s14+$0xFFFFFCF0] =	vst v28;
	v30 =	vld.idx.msk [tilespmem:v20+s11+$0x0], $0xffff  }
0x325: {  	v8 =	vor.u32 v51, v8;
	v4 =	vld.idx.msk [tilespmem:v13+s11+$0x0], $0xffff;
	[tilespmem:s14+$0xFFFFFD70] =	vst v18  }
0x326: {  	v10 =	vor.u32 v58, v10;
	v20 =	vld [tilespmem:$0x1FE20];
	[tilespmem:s14+$0xFFFFFE70] =	vst v31  }
0x327: {  	v13 =	vld.idx.msk [tilespmem:v6+s11+$0x0], $0xffff;
	[tilespmem:s14+$0xFFFFF870] =	vst v26  }
0x328: {  	[tilespmem:s14+$0xFFFFF8F0] =	vst v15;
	v16 =	vld.idx.msk [tilespmem:v16+s11+$0x0], $0xffff  }
0x329: {  	v24 =	vld.idx.msk [tilespmem:v24+s11+$0x0], $0xffff;
	[tilespmem:s14+$0xFFFFFDF0] =	vst v29  }
0x32a: {  	v6 =	vld.idx.msk [tilespmem:v8+s11+$0x0], $0xffff;
	[tilespmem:s14+$0xFFFFFEF0] =	vst v17  }
0x32b: {  	v8 =	vld.idx.msk [tilespmem:v10+s11+$0x0], $0xffff;
	[tilespmem:s14+$0xFFFFFF70] =	vst v25  }
0x32c: {  	v7 =	vor.u32 v59, v36;
	v53 =	vmovc v46;
	v9 =	vor.u32 v55, v9;
	v19 =	vor.u32 v50, v11;
	v52 =	vld [tilespmem:$0x1FCB0]  }
0x32d: {  	v46 =	vmovc v62;
	v28 =	vor.u32 v55, v11;
	v5 =	vor.u32 v43, v37;
	v17 =	vor.u32 v51, v11;
	v55 =	vld [tilespmem:$0x1FCA0]  }
0x32e: {  	v51 =	vmovc v50;
	v50 =	vmovc v49;
	v49 =	vmov v48;
	v48 =	vmov v47;
	v47 =	vmov v46;
	v46 =	vld [tilespmem:$0x1FFC0]  }
0x32f: {  	v18 =	vor.u32 v43, v11;
	v45 =	vld [tilespmem:$0x1FF50]  }
0x330: {  	v44 =	vld [tilespmem:$0x1FFA0]  }
0x331: {  	v37 =	vld [tilespmem:$0x1FF40]  }
0x332: {  	v21 =	vor.u32 v59, v11;
	v14 =	vld.idx.msk [tilespmem:v5+s11+$0x0], $0xffff  }
0x333: {  	v5 =	vld.idx.msk [tilespmem:v7+s11+$0x0], $0xffff  }
0x334: {  	v10 =	vld.idx.msk [tilespmem:v18+s11+$0x0], $0xffff  }
0x335: {  	v18 =	vor.u32 v58, v11;
	v58 =	vmov v38;
	v38 =	vld [tilespmem:$0x1FFF0];
	[tilespmem:s14+$0xFFFFF970] =	vst v16  }
0x336: {  	s6 =	simm.s32 $0x18;
	v12 =	vor.u32 v20, v12;
	v7 =	vld.idx.msk [tilespmem:v9+s11+$0x0], $0xffff;
	[tilespmem:s14+$0xFFFFF9F0] =	vst v22  }
0x337: {  	s7 =	simm.s32 $0x19;
	s8 =	simm.s32 $0x1A;
	v27 =	vmov s6;
	[tilespmem:s14+$0xFFFFFA70] =	vst v24;
	v15 =	vld.idx.msk [tilespmem:v21+s11+$0x0], $0xffff  }
0x338: {  	v32 =	vmov s8;
	s8 =	simm.s32 $0x1C;
	v31 =	vmov s7;
	s7 =	simm.s32 $0x1B;
	[tilespmem:s14+$0xFFFFFAF0] =	vst v23;
	v16 =	vld.idx.msk [tilespmem:v17+s11+$0x0], $0xffff  }
0x339: {  	v60 =	vmov s8;
	s8 =	simm.s32 $0x1E;
	v26 =	vor.u32 v53, v11;
	v33 =	vmov s7;
	[tilespmem:s14+$0xFFFFFB70] =	vst v30;
	v17 =	vld.idx.msk [tilespmem:v28+s11+$0x0], $0xffff  }
0x33a: {  	v62 =	vmovc v61;
	v63 =	vmovc v56;
	v29 =	vshrl.u32 v27, $0x3;
	v25 =	vor.u32 v20, v11;
	v20 =	vmov s8;
	v36 =	vld [tilespmem:$0x1FD10]  }
0x33b: {  	v0 =	vmovc v34;
	v1 =	vmovc v59;
	s7 =	simm.s32 $0x1D;
	v24 =	vshrl.u32 v31, $0x3;
	v23 =	vshrl.u32 v32, $0x3;
	v22 =	vshrl.u32 v33, $0x3;
	v9 =	vld.idx.msk [tilespmem:v12+s11+$0x0], $0xffff  }
0x33c: {  	s0 =	sadd.s32 s0, s5;
	v41 =	vmovc v54;
	v28 =	vor.u32 v61, v2;
	v21 =	vshrl.u32 v60, $0x3;
	v60 =	vmovc v0;
	v12 =	vld.idx.msk [tilespmem:v19+s11+$0x0], $0xffff;
	v19 =	vmov s7  }
0x33d: {  	s3 =	sadd.s32 $0x1, s0;
	s6 =	simm.s32 $0x20;
	v53 =	vmovc v58;
	v11 =	vor.u32 v44, v2;
	v27 =	vor.u32 v55, v2;
	s7 =	simm.s32 $0x1F;
	v19 =	vshrl.u32 v19, $0x3;
	v18 =	vld.idx.msk [tilespmem:v18+s11+$0x0], $0xffff  }
.LBB2_5:
0x33e: {  	v58 =	vld [tilespmem:$0x1FEC0]  }
0x33f: {  	v25 =	vld.idx.msk [tilespmem:v25+s11+$0x0], $0xffff  }
0x340: {  	v34 =	vld [tilespmem:$0x1FEB0]  }
0x341: {  	v33 =	vld [tilespmem:$0x1FE90]  }
0x342: {  	v0 =	vld [tilespmem:$0x1FEA0]  }
0x343: {  	v28 =	vld.idx.msk [tilespmem:v28+s11+$0x0], $0xffff  }
0x344: {  	v55 =	vld [tilespmem:$0x1FCA0]  }
0x345: {  	v56 =	vld [tilespmem:$0x1FCE0]  }
0x346: {  	v61 =	vld [tilespmem:$0x1FD50]  }
0x347: {  	v31 =	vmov s7;
	v24 =	vshll.u32 v24, v39;
	v19 =	vshll.u32 v19, v39;
	v54 =	vld [tilespmem:$0x1FDC0];
	[tilespmem:s14+$0xFFFFFBF0] =	vst v4  }
0x348: {  	v4 =	vshll.u32 v29, v39;
	v29 =	vshrl.u32 v31, $0x3;
	v26 =	vld.idx.msk [tilespmem:v26+s11+$0x0], $0xffff;
	[tilespmem:s14+$0xFFFFFC80] =	vst v14;
	v30 =	vor.u32 v58, v2  }
0x349: {  	v14 =	vld.idx.msk [tilespmem:v11+s11+$0x0], $0xffff;
	v11 =	vshll.u32 v29, v39;
	[tilespmem:s14+$0xFFFFFF80] =	vst v9;
	v9 =	vbroadcast v19, $0x0;
	v32 =	vor.u32 v34, v2  }
0x34a: {  	v4 =	vbroadcast v4, $0x0;
	[tilespmem:s14+$0xFFFFFD00] =	vst v13;
	v13 =	vld.idx.msk [tilespmem:v27+s11+$0x0], $0xffff;
	v31 =	vor.u32 v33, v2;
	v11 =	vbroadcast v11, $0x0  }
0x34b: {  	v23 =	vshll.u32 v23, v39;
	[tilespmem:s14+$0xFFFFF900] =	vst v12;
	v27 =	vor.u32 v0, v2;
	v12 =	vor.u32 v34, v9;
	v34 =	vld [tilespmem:$0x1FD60]  }
0x34c: {  	[tilespmem:s14+$0xFFFFFE00] =	vst v6;
	v6 =	vbroadcast v23, $0x0;
	v29 =	vor.u32 v35, v4;
	v23 =	vor.u32 v0, v11;
	v0 =	vld [tilespmem:$0x1FE40]  }
0x34d: {  	[tilespmem:s14+$0xFFFFFD80] =	vst v5;
	v5 =	vbroadcast v24, $0x0;
	v24 =	vld.idx.msk [tilespmem:v30+s11+$0x0], $0xffff  }
0x34e: {  	v22 =	vshll.u32 v22, v39;
	v30 =	vld.idx.msk [tilespmem:v32+s11+$0x0], $0xffff  }
0x34f: {  	v21 =	vshll.u32 v21, v39;
	[tilespmem:s14+$0xFFFFFE80] =	vst v7;
	v7 =	vbroadcast v22, $0x0;
	v59 =	vor.u32 v44, v5;
	v22 =	vld.idx.msk [tilespmem:v31+s11+$0x0], $0xffff  }
0x350: {  	v20 =	vshrl.u32 v20, $0x3;
	[tilespmem:s14+$0xFFFFFF00] =	vst v8;
	v8 =	vbroadcast v21, $0x0;
	v21 =	vld.idx.msk [tilespmem:v27+s11+$0x0], $0xffff  }
0x351: {  	v19 =	vshll.u32 v20, v39;
	v20 =	vld.idx.msk [tilespmem:v29+s11+$0x0], $0xffff  }
0x352: {  	[tilespmem:s14+$0xFFFFF880] =	vst v10;
	v32 =	vld [tilespmem:$0x1FE30]  }
0x353: {  	[tilespmem:s14+$0xFFFFF980] =	vst v15;
	v29 =	vor.u32 v58, v8;
	v58 =	vld [tilespmem:$0x1FF10]  }
0x354: {  	[tilespmem:s14+$0xFFFFFA00] =	vst v16;
	v31 =	vor.u32 v55, v6;
	v15 =	vld.idx.msk [tilespmem:v59+s11+$0x0], $0xffff  }
0x355: {  	v27 =	vor.u32 v62, v7;
	[tilespmem:s14+$0xFFFFFA80] =	vst v17;
	v12 =	vld.idx.msk [tilespmem:v12+s11+$0x0], $0xffff  }
0x356: {  	v10 =	vbroadcast v19, $0x0;
	[tilespmem:s14+$0xFFFFFB00] =	vst v18;
	v59 =	vld [tilespmem:$0x1FE70]  }
0x357: {  	[tilespmem:s14+$0xFFFFFB80] =	vst v25;
	v19 =	vld.idx.msk [tilespmem:v23+s11+$0x0], $0xffff  }
0x358: {  	v17 =	vor.u32 v37, v4;
	[tilespmem:s14+$0xFFFFFC00] =	vst v26;
	s14 =	sadd.s32 $0x800, s14;
	v23 =	vor.u32 v33, v10;
	v33 =	vld [tilespmem:$0x1FE60]  }
0x359: {  	[tilespmem:s14+$0xFFFFF910] =	vst v13;
	v13 =	vor.u32 v61, v2;
	v16 =	vld.idx.msk [tilespmem:v31+s11+$0x0], $0xffff  }
0x35a: {  	[tilespmem:s14+$0xFFFFF990] =	vst v28;
	v28 =	vor.u32 v54, v2;
	v27 =	vld.idx.msk [tilespmem:v27+s11+$0x0], $0xffff  }
0x35b: {  	v29 =	vld.idx.msk [tilespmem:v29+s11+$0x0], $0xffff;
	[tilespmem:s14+$0xFFFFFC10] =	vst v20  }
0x35c: {  	v31 =	vor.u32 v32, v11;
	[tilespmem:s14+$0xFFFFFA10] =	vst v24;
	v24 =	vor.u32 v32, v2;
	v32 =	vld [tilespmem:$0x1FD70]  }
0x35d: {  	v18 =	vor.u32 v45, v5;
	[tilespmem:s14+$0xFFFFFA90] =	vst v30;
	v17 =	vld.idx.msk [tilespmem:v17+s11+$0x0], $0xffff  }
0x35e: {  	[tilespmem:s14+$0xFFFFFB10] =	vst v22;
	v13 =	vld.idx.msk [tilespmem:v13+s11+$0x0], $0xffff  }
0x35f: {  	[tilespmem:s14+$0xFFFFF810] =	vst v3;
	v28 =	vld.idx.msk [tilespmem:v28+s11+$0x0], $0xffff  }
0x360: {  	v3 =	vor.u32 v58, v2;
	[tilespmem:s14+$0xFFFFFC90] =	vst v15;
	v15 =	vor.u32 v61, v9;
	v61 =	vld [tilespmem:$0x1FDD0]  }
0x361: {  	v23 =	vld.idx.msk [tilespmem:v23+s11+$0x0], $0xffff  }
0x362: {  	v18 =	vld.idx.msk [tilespmem:v18+s11+$0x0], $0xffff  }
0x363: {  	v25 =	vor.u32 v52, v6;
	[tilespmem:s14+$0xFFFFFF90] =	vst v19;
	v19 =	vor.u32 v58, v8;
	v58 =	vld [tilespmem:$0x1FE50]  }
0x364: {  	v26 =	vor.u32 v56, v7;
	[tilespmem:s14+$0xFFFFFB90] =	vst v21;
	v20 =	vld.idx.msk [tilespmem:v31+s11+$0x0], $0xffff  }
0x365: {  	[tilespmem:s14+$0xFFFFFE90] =	vst v12;
	v3 =	vld.idx.msk [tilespmem:v3+s11+$0x0], $0xffff  }
0x366: {  	v12 =	vor.u32 v52, v2;
	[tilespmem:s14+$0xFFFFFD90] =	vst v27;
	v27 =	vor.u32 v54, v10;
	v54 =	vld [tilespmem:$0x1FF80]  }
0x367: {  	[tilespmem:s14+$0xFFFFFD10] =	vst v16;
	v24 =	vld.idx.msk [tilespmem:v24+s11+$0x0], $0xffff  }
0x368: {  	v25 =	vld.idx.msk [tilespmem:v25+s11+$0x0], $0xffff  }
0x369: {  	v31 =	vor.u32 v37, v2;
	v26 =	vld.idx.msk [tilespmem:v26+s11+$0x0], $0xffff  }
0x36a: {  	[tilespmem:s14+$0xFFFFFE10] =	vst v29;
	v29 =	vor.u32 v45, v2;
	v15 =	vld.idx.msk [tilespmem:v15+s11+$0x0], $0xffff  }
0x36b: {  	v12 =	vld.idx.msk [tilespmem:v12+s11+$0x0], $0xffff  }
0x36c: {  	v16 =	vor.u32 v0, v11;
	v19 =	vld.idx.msk [tilespmem:v19+s11+$0x0], $0xffff;
	[tilespmem:s14+$0xFFFFFF10] =	vst v23  }
0x36d: {  	[tilespmem:s14+$0xFFFFF890] =	vst v14;
	v23 =	vld.idx.msk [tilespmem:v27+s11+$0x0], $0xffff  }
0x36e: {  	[tilespmem:s14+$0xFFFFFCA0] =	vst v18;
	v18 =	vor.u32 v36, v8;
	v27 =	vld.idx.msk [tilespmem:v31+s11+$0x0], $0xffff  }
0x36f: {  	[tilespmem:s14+$0xFFFFFFA0] =	vst v20;
	v20 =	vor.u32 v56, v2;
	v29 =	vld.idx.msk [tilespmem:v29+s11+$0x0], $0xffff  }
0x370: {  	v31 =	vor.u32 v38, v4;
	v56 =	vld [tilespmem:$0x1FCF0]  }
0x371: {  	v22 =	vor.u32 v54, v6;
	v16 =	vld.idx.msk [tilespmem:v16+s11+$0x0], $0xffff  }
0x372: {  	[tilespmem:s14+$0xFFFFFE20] =	vst v19;
	v19 =	vor.u32 v54, v2;
	v54 =	vmov v57;
	v57 =	vld [tilespmem:$0x1FF70]  }
0x373: {  	[tilespmem:s14+$0xFFFFFC20] =	vst v17;
	v18 =	vld.idx.msk [tilespmem:v18+s11+$0x0], $0xffff  }
0x374: {  	[tilespmem:s14+$0xFFFFFD20] =	vst v25;
	v25 =	vor.u32 v34, v9;
	v20 =	vld.idx.msk [tilespmem:v20+s11+$0x0], $0xffff  }
0x375: {  	[tilespmem:s14+$0xFFFFFDA0] =	vst v26;
	v26 =	vor.u32 v46, v2;
	v30 =	vld.idx.msk [tilespmem:v31+s11+$0x0], $0xffff  }
0x376: {  	v14 =	vor.u32 v58, v11;
	[tilespmem:s14+$0xFFFFF920] =	vst v12;
	v12 =	vor.u32 v61, v2;
	v22 =	vld.idx.msk [tilespmem:v22+s11+$0x0], $0xffff  }
0x377: {  	v17 =	vor.u32 v56, v7;
	[tilespmem:s14+$0xFFFFFF20] =	vst v23;
	v23 =	vor.u32 v56, v2;
	v56 =	vmov v62;
	v62 =	vld [tilespmem:$0x1FF20]  }
0x378: {  	[tilespmem:s14+$0xFFFFFEA0] =	vst v15;
	v31 =	vor.u32 v61, v10;
	v61 =	vld [tilespmem:$0x1FBF0]  }
0x379: {  	[tilespmem:s14+$0xFFFFF8A0] =	vst v29;
	v25 =	vld.idx.msk [tilespmem:v25+s11+$0x0], $0xffff  }
0x37a: {  	[tilespmem:s14+$0xFFFFFB20] =	vst v28;
	v26 =	vld.idx.msk [tilespmem:v26+s11+$0x0], $0xffff  }
0x37b: {  	[tilespmem:s14+$0xFFFFFFB0] =	vst v16;
	v12 =	vld.idx.msk [tilespmem:v12+s11+$0x0], $0xffff  }
0x37c: {  	[tilespmem:s14+$0xFFFFFAA0] =	vst v13;
	v14 =	vld.idx.msk [tilespmem:v14+s11+$0x0], $0xffff  }
0x37d: {  	[tilespmem:s14+$0xFFFFFBA0] =	vst v24;
	v16 =	vor.u32 v46, v5;
	v19 =	vld.idx.msk [tilespmem:v19+s11+$0x0], $0xffff  }
0x37e: {  	v13 =	vor.u32 v63, v4;
	[tilespmem:s14+$0xFFFFF820] =	vst v27;
	v17 =	vld.idx.msk [tilespmem:v17+s11+$0x0], $0xffff  }
0x37f: {  	v24 =	vor.u32 v60, v6;
	[tilespmem:s14+$0xFFFFFE30] =	vst v18;
	v27 =	vld.idx.msk [tilespmem:v31+s11+$0x0], $0xffff  }
0x380: {  	v21 =	vor.u32 v33, v11;
	[tilespmem:s14+$0xFFFFF9A0] =	vst v20;
	v20 =	vor.u32 v0, v2;
	v0 =	vld [tilespmem:$0x1FE80]  }
0x381: {  	v18 =	vor.u32 v47, v2;
	v31 =	vor.u32 v34, v2;
	[tilespmem:s14+$0xFFFFFC30] =	vst v30;
	v34 =	vld [tilespmem:$0x1FDE0]  }
0x382: {  	[tilespmem:s14+$0xFFFFFD30] =	vst v22;
	v16 =	vld.idx.msk [tilespmem:v16+s11+$0x0], $0xffff  }
0x383: {  	v13 =	vld.idx.msk [tilespmem:v13+s11+$0x0], $0xffff;
	[tilespmem:s14+$0xFFFFFEB0] =	vst v25;
	v25 =	vor.u32 v60, v2  }
0x384: {  	v24 =	vld.idx.msk [tilespmem:v24+s11+$0x0], $0xffff;
	[tilespmem:s14+$0xFFFFFFC0] =	vst v14;
	v14 =	vor.u32 v38, v2  }
0x385: {  	v28 =	vor.u32 v47, v5;
	[tilespmem:s14+$0xFFFFF8B0] =	vst v26;
	v21 =	vld.idx.msk [tilespmem:v21+s11+$0x0], $0xffff  }
0x386: {  	v18 =	vld.idx.msk [tilespmem:v18+s11+$0x0], $0xffff  }
0x387: {  	v29 =	vor.u32 v36, v2;
	[tilespmem:s14+$0xFFFFF930] =	vst v19;
	v20 =	vld.idx.msk [tilespmem:v20+s11+$0x0], $0xffff  }
0x388: {  	[tilespmem:s14+$0xFFFFFA20] =	vst v3;
	v25 =	vld.idx.msk [tilespmem:v25+s11+$0x0], $0xffff  }
0x389: {  	v15 =	vor.u32 v59, v11;
	[tilespmem:s14+$0xFFFFFCB0] =	vst v16;
	v14 =	vld.idx.msk [tilespmem:v14+s11+$0x0], $0xffff  }
0x38a: {  	[tilespmem:s14+$0xFFFFFDB0] =	vst v17;
	v17 =	vor.u32 v34, v10;
	v28 =	vld.idx.msk [tilespmem:v28+s11+$0x0], $0xffff  }
0x38b: {  	v22 =	vor.u32 v61, v11;
	v3 =	vor.u32 v0, v11;
	v11 =	vmov s6;
	[tilespmem:s14+$0xFFFFFFD0] =	vst v21;
	v21 =	vld.idx.msk [tilespmem:v23+s11+$0x0], $0xffff  }
0x38c: {  	v16 =	vor.u32 v32, v9;
	v11 =	vshrl.u32 v11, $0x3;
	v23 =	vld.idx.msk [tilespmem:v29+s11+$0x0], $0xffff  }
0x38d: {  	v11 =	vshll.u32 v11, v39;
	v29 =	vld.idx.msk [tilespmem:v31+s11+$0x0], $0xffff;
	v31 =	vor.u32 v57, v7  }
0x38e: {  	v30 =	vor.u32 v63, v2;
	[tilespmem:s14+$0xFFFFFF30] =	vst v27;
	v11 =	vbroadcast v11, $0x0;
	v15 =	vld.idx.msk [tilespmem:v15+s11+$0x0], $0xffff  }
0x38f: {  	v17 =	vld.idx.msk [tilespmem:v17+s11+$0x0], $0xffff  }
0x390: {  	v19 =	vor.u32 v32, v2;
	v27 =	vor.u32 v35, v11;
	v35 =	vld [tilespmem:$0x1FED0]  }
0x391: {  	v16 =	vld.idx.msk [tilespmem:v16+s11+$0x0], $0xffff  }
0x392: {  	[tilespmem:s14+$0xFFFFF830] =	vst v14;
	v31 =	vld.idx.msk [tilespmem:v31+s11+$0x0], $0xffff  }
0x393: {  	v30 =	vld.idx.msk [tilespmem:v30+s11+$0x0], $0xffff;
	[tilespmem:s14+$0xFFFFFA30] =	vst v23  }
0x394: {  	v14 =	vor.u32 v62, v2;
	v23 =	vor.u32 v58, v2;
	[tilespmem:s14+$0xFFFFFAB0] =	vst v29;
	v58 =	vld [tilespmem:$0x1FDF0]  }
0x395: {  	[tilespmem:s14+$0xFFFFF9B0] =	vst v21;
	v21 =	vor.u32 v34, v2;
	v19 =	vld.idx.msk [tilespmem:v19+s11+$0x0], $0xffff  }
0x396: {  	[tilespmem:s14+$0xFFFFFFE0] =	vst v15;
	v15 =	vor.u32 v62, v8;
	v62 =	vmov v56;
	v56 =	vld [tilespmem:$0x1FF60]  }
0x397: {  	[tilespmem:s14+$0xFFFFFC40] =	vst v13;
	v3 =	vld.idx.msk [tilespmem:v3+s11+$0x0], $0xffff  }
0x398: {  	v13 =	vor.u32 v35, v8;
	[tilespmem:s14+$0xFFFFFF40] =	vst v17;
	v17 =	vor.u32 v35, v2;
	v35 =	vld [tilespmem:$0x1FD00]  }
0x399: {  	[tilespmem:s14+$0xFFFFFB30] =	vst v12;
	v14 =	vld.idx.msk [tilespmem:v14+s11+$0x0], $0xffff  }
0x39a: {  	[tilespmem:s14+$0xFFFFFBB0] =	vst v20;
	v21 =	vld.idx.msk [tilespmem:v21+s11+$0x0], $0xffff  }
0x39b: {  	[tilespmem:s14+$0xFFFFFD40] =	vst v24;
	v23 =	vld.idx.msk [tilespmem:v23+s11+$0x0], $0xffff  }
0x39c: {  	[tilespmem:s14+$0xFFFFF940] =	vst v25;
	v24 =	vor.u32 v58, v10;
	v25 =	vor.u32 v58, v2;
	v58 =	vld [tilespmem:$0x1FE00]  }
0x39d: {  	v15 =	vld.idx.msk [tilespmem:v15+s11+$0x0], $0xffff  }
0x39e: {  	[tilespmem:s14+$0xFFFFFEC0] =	vst v16;
	v20 =	vor.u32 v56, v7;
	v16 =	vor.u32 v56, v2;
	v56 =	vld [tilespmem:$0x1FD90]  }
0x39f: {  	[tilespmem:s14+$0xFFFFFFF0] =	vst v3;
	v3 =	vor.u32 v57, v2;
	v57 =	vmov v54;
	v54 =	vld [tilespmem:$0x1FCC0]  }
0x3a0: {  	v22 =	vld.idx.msk [tilespmem:v22+s11+$0x0], $0xffff  }
0x3a1: {  	[tilespmem:s14+$0xFFFFFA40] =	vst v14;
	v24 =	vld.idx.msk [tilespmem:v24+s11+$0x0], $0xffff  }
0x3a2: {  	v32 =	vor.u32 v40, v4;
	[tilespmem:s14+$0xFFFFFDC0] =	vst v31;
	v17 =	vld.idx.msk [tilespmem:v17+s11+$0x0], $0xffff  }
0x3a3: {  	[tilespmem:s14+$0xFFFFFB40] =	vst v21;
	v20 =	vld.idx.msk [tilespmem:v20+s11+$0x0], $0xffff  }
0x3a4: {  	v25 =	vld.idx.msk [tilespmem:v25+s11+$0x0], $0xffff  }
0x3a5: {  	v31 =	vor.u32 v48, v2;
	v26 =	vld.idx.msk [tilespmem:v3+s11+$0x0], $0xffff  }
0x3a6: {  	v3 =	vld.idx.msk [tilespmem:v27+s11+$0x0], $0xffff  }
0x3a7: {  	[tilespmem:s14+$0xFFFFF8C0] =	vst v18;
	v29 =	vor.u32 v40, v2;
	v27 =	vld.idx.msk [tilespmem:v32+s11+$0x0], $0xffff  }
0x3a8: {  	[tilespmem:s14+$0xFFFFFE40] =	vst v15;
	v12 =	vor.u32 v54, v6;
	v32 =	vld [tilespmem:$0x1FD80]  }
0x3a9: {  	[tilespmem:s14+$0xFFFFFBC0] =	vst v23;
	v15 =	vor.u32 v54, v2;
	v13 =	vld.idx.msk [tilespmem:v13+s11+$0x0], $0xffff  }
0x3aa: {  	v23 =	vor.u32 v35, v7;
	[tilespmem:s14+$0xFFFFF840] =	vst v30;
	v30 =	vld.idx.msk [tilespmem:v31+s11+$0x0], $0xffff  }
0x3ab: {  	v54 =	vld [tilespmem:$0x1FEE0]  }
0x3ac: {  	[tilespmem:s14+$0xFFFFFCC0] =	vst v28;
	v29 =	vld.idx.msk [tilespmem:v29+s11+$0x0], $0xffff  }
0x3ad: {  	[tilespmem:s14+$0x0] =	vst v22;
	v22 =	vor.u32 v48, v5;
	v12 =	vld.idx.msk [tilespmem:v12+s11+$0x0], $0xffff  }
0x3ae: {  	[tilespmem:s14+$0xFFFFFDD0] =	vst v20;
	v15 =	vld.idx.msk [tilespmem:v15+s11+$0x0], $0xffff  }
0x3af: {  	v14 =	vor.u32 v41, v4;
	[tilespmem:s14+$0xFFFFFF50] =	vst v24;
	v23 =	vld.idx.msk [tilespmem:v23+s11+$0x0], $0xffff  }
0x3b0: {  	v31 =	vor.u32 v41, v2;
	[tilespmem:s14+$0xFFFFF9C0] =	vst v26;
	v26 =	vor.u32 v33, v2;
	v33 =	vld [tilespmem:$0x1FD30]  }
0x3b1: {  	v20 =	vor.u32 v49, v2;
	[tilespmem:s14+$0xFFFFFC50] =	vst v27;
	v27 =	vor.u32 v54, v8;
	v24 =	vor.u32 v54, v2;
	v54 =	vld [tilespmem:$0x1FDA0]  }
0x3b2: {  	v28 =	vor.u32 v32, v9;
	v22 =	vld.idx.msk [tilespmem:v22+s11+$0x0], $0xffff  }
0x3b3: {  	v18 =	vor.u32 v32, v2;
	v16 =	vld.idx.msk [tilespmem:v16+s11+$0x0], $0xffff  }
0x3b4: {  	v14 =	vld.idx.msk [tilespmem:v14+s11+$0x0], $0xffff;
	[tilespmem:s14+$0xFFFFF850] =	vst v29  }
0x3b5: {  	[tilespmem:s14+$0xFFFFF8D0] =	vst v30;
	v29 =	vld.idx.msk [tilespmem:v31+s11+$0x0], $0xffff  }
0x3b6: {  	v20 =	vld.idx.msk [tilespmem:v20+s11+$0x0], $0xffff  }
0x3b7: {  	[tilespmem:s14+$0xFFFFFAC0] =	vst v19;
	v28 =	vld.idx.msk [tilespmem:v28+s11+$0x0], $0xffff  }
0x3b8: {  	v21 =	vor.u32 v57, v6;
	v18 =	vld.idx.msk [tilespmem:v18+s11+$0x0], $0xffff  }
0x3b9: {  	[tilespmem:s14+$0xFFFFFE50] =	vst v13;
	v13 =	vor.u32 v57, v2;
	v26 =	vld.idx.msk [tilespmem:v26+s11+$0x0], $0xffff  }
0x3ba: {  	[tilespmem:s14+$0xFFFFFA50] =	vst v17;
	v27 =	vld.idx.msk [tilespmem:v27+s11+$0x0], $0xffff  }
0x3bb: {  	v19 =	vor.u32 v49, v5;
	[tilespmem:s14+$0xFFFFFD50] =	vst v12;
	v24 =	vld.idx.msk [tilespmem:v24+s11+$0x0], $0xffff  }
0x3bc: {  	v17 =	vor.u32 v42, v4;
	v12 =	vor.u32 v58, v10;
	[tilespmem:s14+$0xFFFFF950] =	vst v15;
	v15 =	vor.u32 v58, v2;
	v58 =	vld [tilespmem:$0x1FF00]  }
0x3bd: {  	v21 =	vld.idx.msk [tilespmem:v21+s11+$0x0], $0xffff  }
0x3be: {  	[tilespmem:s14+$0xFFFFFDE0] =	vst v23;
	v13 =	vld.idx.msk [tilespmem:v13+s11+$0x0], $0xffff  }
0x3bf: {  	v30 =	vor.u32 v56, v2;
	v23 =	vor.u32 v50, v2;
	[tilespmem:s14+$0xFFFFFCD0] =	vst v22;
	v22 =	vor.u32 v56, v9;
	v56 =	vld [tilespmem:$0x1FE10]  }
0x3c0: {  	[tilespmem:s14+$0xFFFFFC60] =	vst v14;
	v19 =	vld.idx.msk [tilespmem:v19+s11+$0x0], $0xffff  }
0x3c1: {  	v17 =	vld.idx.msk [tilespmem:v17+s11+$0x0], $0xffff  }
0x3c2: {  	[tilespmem:s14+$0xFFFFFB50] =	vst v25;
	v12 =	vld.idx.msk [tilespmem:v12+s11+$0x0], $0xffff  }
0x3c3: {  	[tilespmem:s14+$0xFFFFF8E0] =	vst v20;
	v15 =	vld.idx.msk [tilespmem:v15+s11+$0x0], $0xffff  }
0x3c4: {  	[tilespmem:s14+$0xFFFFF9D0] =	vst v16;
	v16 =	vor.u32 v59, v2;
	v23 =	vld.idx.msk [tilespmem:v23+s11+$0x0], $0xffff  }
0x3c5: {  	v14 =	vor.u32 v33, v8;
	[tilespmem:s14+$0xFFFFFA60] =	vst v24;
	v24 =	vld [tilespmem:$0x1FE20]  }
0x3c6: {  	v25 =	vor.u32 v53, v6;
	[tilespmem:s14+$0xFFFFFED0] =	vst v28;
	v28 =	vor.u32 v35, v2;
	v35 =	vld [tilespmem:$0x1FD20]  }
0x3c7: {  	[tilespmem:s14+$0xFFFFFAD0] =	vst v18;
	v22 =	vld.idx.msk [tilespmem:v22+s11+$0x0], $0xffff  }
0x3c8: {  	[tilespmem:s14+$0xFFFFFBD0] =	vst v26;
	v30 =	vld.idx.msk [tilespmem:v30+s11+$0x0], $0xffff  }
0x3c9: {  	v18 =	vor.u32 v50, v5;
	[tilespmem:s14+$0xFFFFFE60] =	vst v27;
	v16 =	vld.idx.msk [tilespmem:v16+s11+$0x0], $0xffff  }
0x3ca: {  	v26 =	vor.u32 v58, v7;
	[tilespmem:s14+$0xFFFFFD60] =	vst v21;
	v59 =	vld.idx.msk [tilespmem:v14+s11+$0x0], $0xffff  }
0x3cb: {  	v27 =	vor.u32 v53, v2;
	v25 =	vld.idx.msk [tilespmem:v25+s11+$0x0], $0xffff  }
0x3cc: {  	v20 =	vor.u32 v54, v2;
	v21 =	vor.u32 v56, v10;
	[tilespmem:s14+$0xFFFFFCE0] =	vst v19;
	v19 =	vor.u32 v54, v9;
	v54 =	vld [tilespmem:$0x1FEF0]  }
0x3cd: {  	v31 =	vor.u32 v42, v2;
	v28 =	vld.idx.msk [tilespmem:v28+s11+$0x0], $0xffff  }
0x3ce: {  	[tilespmem:s14+$0xFFFFF960] =	vst v13;
	v13 =	vor.u32 v56, v2;
	v18 =	vld.idx.msk [tilespmem:v18+s11+$0x0], $0xffff  }
0x3cf: {  	[tilespmem:s14+$0xFFFFF860] =	vst v29;
	v26 =	vld.idx.msk [tilespmem:v26+s11+$0x0], $0xffff  }
0x3d0: {  	[tilespmem:s14+$0xFFFFFF60] =	vst v12;
	v27 =	vld.idx.msk [tilespmem:v27+s11+$0x0], $0xffff  }
0x3d1: {  	[tilespmem:s14+$0xFFFFFB60] =	vst v15;
	v21 =	vld.idx.msk [tilespmem:v21+s11+$0x0], $0xffff  }
0x3d2: {  	[tilespmem:s14+$0xFFFFFEE0] =	vst v22;
	v22 =	vld.idx.msk [tilespmem:v31+s11+$0x0], $0xffff  }
0x3d3: {  	v12 =	vor.u32 v33, v2;
	[tilespmem:s14+$0xFFFFFAE0] =	vst v30;
	v33 =	vld.idx.msk [tilespmem:v13+s11+$0x0], $0xffff  }
0x3d4: {  	v14 =	vor.u32 v58, v2;
	v30 =	vld.idx.msk [tilespmem:v20+s11+$0x0], $0xffff  }
0x3d5: {  	v5 =	vor.u32 v51, v5;
	v20 =	vld [tilespmem:$0x1FDB0]  }
0x3d6: {  	v6 =	vor.u32 v1, v6;
	[tilespmem:s14+$0xFFFFF9E0] =	vst v28;
	v28 =	vor.u32 v0, v2;
	v0 =	vld [tilespmem:$0x1FD40]  }
0x3d7: {  	v19 =	vld.idx.msk [tilespmem:v19+s11+$0x0], $0xffff;
	v7 =	vor.u32 v54, v7  }
0x3d8: {  	[tilespmem:s14+$0xFFFFFC70] =	vst v17;
	v31 =	vld.idx.msk [tilespmem:v12+s11+$0x0], $0xffff  }
0x3d9: {  	[tilespmem:s14+$0xFFFFFCF0] =	vst v18;
	v29 =	vld.idx.msk [tilespmem:v14+s11+$0x0], $0xffff;
	v14 =	vor.u32 v43, v4  }
0x3da: {  	[tilespmem:s14+$0xFFFFFD70] =	vst v25;
	v13 =	vld.idx.msk [tilespmem:v5+s11+$0x0], $0xffff;
	v56 =	vor.u32 v20, v2  }
0x3db: {  	[tilespmem:s14+$0xFFFFFDF0] =	vst v26;
	v5 =	vld.idx.msk [tilespmem:v6+s11+$0x0], $0xffff;
	v8 =	vor.u32 v0, v8  }
0x3dc: {  	[tilespmem:s14+$0xFFFFFBE0] =	vst v16;
	v9 =	vor.u32 v20, v9;
	v6 =	vld.idx.msk [tilespmem:v7+s11+$0x0], $0xffff  }
0x3dd: {  	s8 =	sadd.s32 $0x8, s6;
	v10 =	vor.u32 v24, v10;
	[tilespmem:s14+$0xFFFFFE70] =	vst v59;
	v4 =	vld.idx.msk [tilespmem:v28+s11+$0x0], $0xffff  }
0x3de: {  	v12 =	vor.u32 v43, v2;
	v18 =	vmov s8;
	[tilespmem:s14+$0xFFFFFAF0] =	vst v30;
	v14 =	vld.idx.msk [tilespmem:v14+s11+$0x0], $0xffff  }
0x3df: {  	v15 =	vor.u32 v51, v2;
	[tilespmem:s14+$0xFFFFF9F0] =	vst v29;
	v29 =	vshrl.u32 v18, $0x3;
	v18 =	vld.idx.msk [tilespmem:v56+s11+$0x0], $0xffff  }
0x3e0: {  	v16 =	vor.u32 v1, v2;
	[tilespmem:s14+$0xFFFFFEF0] =	vst v19;
	v7 =	vld.idx.msk [tilespmem:v8+s11+$0x0], $0xffff  }
0x3e1: {  	v17 =	vor.u32 v54, v2;
	[tilespmem:s14+$0xFFFFFF70] =	vst v21;
	v8 =	vld.idx.msk [tilespmem:v9+s11+$0x0], $0xffff  }
0x3e2: {  	p2 =	slt.u32 s6, $0x30;
	s7 =	sadd.s32 $0x9, s6;
	v25 =	vor.u32 v24, v2;
	s8 =	sadd.s32 $0xA, s6;
	[tilespmem:s14+$0xFFFFF870] =	vst v22;
	v19 =	vor.u32 v0, v2;
	v9 =	vld.idx.msk [tilespmem:v10+s11+$0x0], $0xffff  }
.Ltmp3:
0x3e3: {  	[tilespmem:s14+$0xFFFFF8F0] =	vst v23;
	v26 =	vor.u32 v61, v2;
	v21 =	vmov s7;
	v22 =	vmov s8;
	s8 =	sadd.s32 $0xC, s6;
	v10 =	vld.idx.msk [tilespmem:v12+s11+$0x0], $0xffff;
	(pc) =	sbr.rel @p2 .LBB2_5-.Ltmp3, $4  }
0x3e4: {  	[tilespmem:s14+$0xFFFFF970] =	vst v27;
	s7 =	sadd.s32 $0xB, s6;
	v58 =	vmov s8;
	s8 =	sadd.s32 $0xE, s6;
	v24 =	vshrl.u32 v21, $0x3;
	v23 =	vshrl.u32 v22, $0x3;
	v12 =	vld.idx.msk [tilespmem:v15+s11+$0x0], $0xffff  }
0x3e5: {  	v20 =	vmov s8;
	v21 =	vshrl.u32 v58, $0x3;
	v28 =	vmov s7;
	s7 =	sadd.s32 $0xD, s6;
	v2 =	vmovc v11;
	v15 =	vld.idx.msk [tilespmem:v16+s11+$0x0], $0xffff  }
0x3e6: {  	[tilespmem:s14+$0xFFFFFA70] =	vst v31;
	v59 =	vmov s7;
	v11 =	vor.u32 v44, v2;
	v27 =	vor.u32 v55, v2;
	v16 =	vld.idx.msk [tilespmem:v17+s11+$0x0], $0xffff  }
0x3e7: {  	[tilespmem:s14+$0xFFFFFB70] =	vst v33;
	v22 =	vshrl.u32 v28, $0x3;
	v28 =	vor.u32 v62, v2;
	s7 =	sadd.s32 $0xF, s6;
	s6 =	sadd.s32 $0x10, s6;
	v17 =	vld.idx.msk [tilespmem:v19+s11+$0x0], $0xffff;
	v19 =	vshrl.u32 v59, $0x3  }
0x3e8: {  	v34 =	vld [tilespmem:$0x1FEC0];
	[tilespmem:s14+$0xFFFFFBF0] =	vst v4  }
0x3e9: {  	v33 =	vld [tilespmem:$0x1FEB0];
	[tilespmem:s14+$0xFFFFFC80] =	vst v14  }
0x3ea: {  	[tilespmem:s14+$0xFFFFFD00] =	vst v13  }
0x3eb: {  	v54 =	vld [tilespmem:$0x1FE90];
	[tilespmem:s14+$0xFFFFFD80] =	vst v5  }
0x3ec: {  	v0 =	vld [tilespmem:$0x1FEA0];
	_ =	sdelay $0x1  }
0x3ed: {  	v14 =	vmov s7;
	[tilespmem:s14+$0xFFFFFE00] =	vst v6  }
0x3ee: {  	v4 =	vshll.u32 v29, v39;
	v29 =	vld.idx.msk [tilespmem:v11+s11+$0x0], $0xffff;
	v11 =	vshrl.u32 v14, $0x3;
	[tilespmem:s14+$0xFFFFFE80] =	vst v7  }
0x3ef: {  	v5 =	vshll.u32 v11, v39;
	[tilespmem:s14+$0xFFFFFF00] =	vst v8  }
0x3f0: {  	v14 =	vld.idx.msk [tilespmem:v27+s11+$0x0], $0xffff;
	[tilespmem:s14+$0xFFFFFF80] =	vst v9;
	v11 =	vbroadcast v5, $0x0;
	v27 =	vor.u32 v0, v2  }
0x3f1: {  	v4 =	vbroadcast v4, $0x0;
	v6 =	vshll.u32 v23, v39;
	[tilespmem:s14+$0xFFFFF880] =	vst v10  }
0x3f2: {  	v5 =	vshll.u32 v24, v39;
	v31 =	vor.u32 v33, v2;
	v23 =	vor.u32 v0, v11;
	v0 =	vld [tilespmem:$0x1FCA0]  }
0x3f3: {  	v32 =	vor.u32 v35, v4;
	v5 =	vbroadcast v5, $0x0  }
0x3f4: {  	v25 =	vld.idx.msk [tilespmem:v25+s11+$0x0], $0xffff  }
0x3f5: {  	v7 =	vshll.u32 v22, v39;
	v6 =	vbroadcast v6, $0x0;
	v22 =	vld.idx.msk [tilespmem:v27+s11+$0x0], $0xffff;
	v27 =	vor.u32 v44, v5  }
0x3f6: {  	v26 =	vld.idx.msk [tilespmem:v26+s11+$0x0], $0xffff  }
0x3f7: {  	[tilespmem:s14+$0xFFFFF900] =	vst v12;
	v24 =	vld.idx.msk [tilespmem:v31+s11+$0x0], $0xffff;
	v31 =	vor.u32 v0, v6  }
0x3f8: {  	v8 =	vshll.u32 v21, v39;
	v21 =	vld.idx.msk [tilespmem:v32+s11+$0x0], $0xffff;
	[tilespmem:s14+$0xFFFFF980] =	vst v15  }
0x3f9: {  	v9 =	vshll.u32 v19, v39;
	v7 =	vbroadcast v7, $0x0;
	[tilespmem:s14+$0xFFFFFA00] =	vst v16;
	v19 =	vld.idx.msk [tilespmem:v23+s11+$0x0], $0xffff  }
0x3fa: {  	v8 =	vbroadcast v8, $0x0;
	[tilespmem:s14+$0xFFFFFA80] =	vst v17;
	v17 =	vld.idx.msk [tilespmem:v27+s11+$0x0], $0xffff  }
0x3fb: {  	v12 =	vor.u32 v62, v7;
	v27 =	vld [tilespmem:$0x1FE30];
	[tilespmem:s14+$0xFFFFFB00] =	vst v18  }
0x3fc: {  	v9 =	vbroadcast v9, $0x0;
	v15 =	vor.u32 v34, v8;
	v23 =	vld.idx.msk [tilespmem:v31+s11+$0x0], $0xffff;
	[tilespmem:s14+$0xFFFFFB80] =	vst v25  }
0x3fd: {  	s6 =	sadd.s32 $0x800, s14;
	[tilespmem:s14+$0xFFFFFC00] =	vst v26  }
0x3fe: {  	v10 =	vshrl.u32 v20, $0x3;
	v16 =	vor.u32 v33, v9;
	[tilespmem:s6+$0xFFFFFF90] =	vst v19  }
0x3ff: {  	v10 =	vshll.u32 v10, v39;
	[tilespmem:s6+$0xFFFFFC10] =	vst v21  }
0x400: {  	v10 =	vbroadcast v10, $0x0;
	v12 =	vld.idx.msk [tilespmem:v12+s11+$0x0], $0xffff;
	[tilespmem:s6+$0xFFFFFC90] =	vst v17  }
0x401: {  	v15 =	vld.idx.msk [tilespmem:v15+s11+$0x0], $0xffff;
	v20 =	vor.u32 v27, v11;
	[tilespmem:s6+$0xFFFFFD10] =	vst v23  }
0x402: {  	v18 =	vor.u32 v54, v10;
	v55 =	vld [tilespmem:$0x1FE40]  }
0x403: {  	v16 =	vld.idx.msk [tilespmem:v16+s11+$0x0], $0xffff;
	_ =	sdelay $0x1  }
0x404: {  	v30 =	vor.u32 v34, v2  }
0x405: {  	v13 =	vor.u32 v54, v2;
	[tilespmem:s6+$0xFFFFFD90] =	vst v12;
	v19 =	vld.idx.msk [tilespmem:v20+s11+$0x0], $0xffff  }
0x406: {  	v17 =	vld.idx.msk [tilespmem:v18+s11+$0x0], $0xffff;
	[tilespmem:s6+$0xFFFFFE10] =	vst v15;
	v18 =	vor.u32 v55, v11  }
0x407: {  	[tilespmem:s6+$0xFFFFFE90] =	vst v16  }
0x408: {  	v28 =	vld.idx.msk [tilespmem:v28+s11+$0x0], $0xffff;
	[tilespmem:s6+$0xFFFFF810] =	vst v3  }
0x409: {  	v30 =	vld.idx.msk [tilespmem:v30+s11+$0x0], $0xffff;
	[tilespmem:s6+$0xFFFFF890] =	vst v29  }
0x40a: {  	v13 =	vld.idx.msk [tilespmem:v13+s11+$0x0], $0xffff;
	[tilespmem:s6+$0xFFFFFFA0] =	vst v19  }
0x40b: {  	v12 =	vor.u32 v37, v4;
	[tilespmem:s6+$0xFFFFFF10] =	vst v17;
	v16 =	vld.idx.msk [tilespmem:v18+s11+$0x0], $0xffff  }
0x40c: {  	v29 =	vld [tilespmem:$0x1FE50];
	[tilespmem:s6+$0xFFFFF910] =	vst v14  }
0x40d: {  	v15 =	vor.u32 v45, v5;
	v31 =	vld [tilespmem:$0x1FCE0];
	[tilespmem:s6+$0xFFFFF990] =	vst v28  }
0x40e: {  	v3 =	vor.u32 v52, v6;
	v32 =	vld [tilespmem:$0x1FF10];
	[tilespmem:s6+$0xFFFFFA10] =	vst v30  }
0x40f: {  	v59 =	vld [tilespmem:$0x1FD50]  }
0x410: {  	v20 =	vor.u32 v37, v2;
	v12 =	vld.idx.msk [tilespmem:v12+s11+$0x0], $0xffff;
	[tilespmem:s6+$0xFFFFFFB0] =	vst v16  }
0x411: {  	v17 =	vor.u32 v29, v11;
	v33 =	vld [tilespmem:$0x1FDC0];
	[tilespmem:s6+$0xFFFFFA90] =	vst v24  }
0x412: {  	v15 =	vld.idx.msk [tilespmem:v15+s11+$0x0], $0xffff;
	v14 =	vor.u32 v31, v7;
	[tilespmem:s6+$0xFFFFFB10] =	vst v13  }
0x413: {  	v3 =	vld.idx.msk [tilespmem:v3+s11+$0x0], $0xffff;
	[tilespmem:s6+$0xFFFFFB90] =	vst v22;
	v18 =	vor.u32 v32, v8  }
0x414: {  	v26 =	vld [tilespmem:$0x1FE60];
	v19 =	vor.u32 v59, v9  }
0x415: {  	v20 =	vld.idx.msk [tilespmem:v20+s11+$0x0], $0xffff;
	[tilespmem:s6+$0xFFFFFC20] =	vst v12;
	v12 =	vor.u32 v52, v2  }
0x416: {  	v17 =	vld.idx.msk [tilespmem:v17+s11+$0x0], $0xffff;
	v16 =	vor.u32 v33, v10  }
0x417: {  	v13 =	vld.idx.msk [tilespmem:v14+s11+$0x0], $0xffff;
	v14 =	vor.u32 v45, v2  }
0x418: {  	[tilespmem:s6+$0xFFFFFCA0] =	vst v15;
	v15 =	vor.u32 v31, v2;
	v18 =	vld.idx.msk [tilespmem:v18+s11+$0x0], $0xffff  }
0x419: {  	v21 =	vor.u32 v26, v11;
	v19 =	vld.idx.msk [tilespmem:v19+s11+$0x0], $0xffff  }
0x41a: {  	[tilespmem:s6+$0xFFFFFD20] =	vst v3;
	v12 =	vld.idx.msk [tilespmem:v12+s11+$0x0], $0xffff  }
0x41b: {  	v3 =	vor.u32 v32, v2;
	[tilespmem:s6+$0xFFFFFFC0] =	vst v17;
	v16 =	vld.idx.msk [tilespmem:v16+s11+$0x0], $0xffff  }
0x41c: {  	v17 =	vor.u32 v59, v2;
	v14 =	vld.idx.msk [tilespmem:v14+s11+$0x0], $0xffff;
	[tilespmem:s6+$0xFFFFFDA0] =	vst v13  }
0x41d: {  	v15 =	vld.idx.msk [tilespmem:v15+s11+$0x0], $0xffff;
	[tilespmem:s6+$0xFFFFFE20] =	vst v18  }
0x41e: {  	v13 =	vor.u32 v33, v2;
	v21 =	vld.idx.msk [tilespmem:v21+s11+$0x0], $0xffff;
	[tilespmem:s6+$0xFFFFFEA0] =	vst v19  }
0x41f: {  	v25 =	vld [tilespmem:$0x1FE70];
	[tilespmem:s6+$0xFFFFF820] =	vst v20  }
0x420: {  	v3 =	vld.idx.msk [tilespmem:v3+s11+$0x0], $0xffff;
	v18 =	vor.u32 v27, v2;
	[tilespmem:s6+$0xFFFFFF20] =	vst v16  }
0x421: {  	v17 =	vld.idx.msk [tilespmem:v17+s11+$0x0], $0xffff;
	[tilespmem:s6+$0xFFFFF8A0] =	vst v14  }
0x422: {  	v54 =	vld [tilespmem:$0x1FF80]  }
0x423: {  	v13 =	vld.idx.msk [tilespmem:v13+s11+$0x0], $0xffff;
	[tilespmem:s6+$0xFFFFFFD0] =	vst v21  }
0x424: {  	v20 =	vor.u32 v46, v5;
	v56 =	vld [tilespmem:$0x1FCF0];
	[tilespmem:s6+$0xFFFFF920] =	vst v12  }
0x425: {  	v16 =	vor.u32 v38, v4;
	v18 =	vld.idx.msk [tilespmem:v18+s11+$0x0], $0xffff;
	[tilespmem:s6+$0xFFFFF9A0] =	vst v15  }
0x426: {  	v19 =	vor.u32 v25, v11;
	v58 =	vld [tilespmem:$0x1FD60];
	[tilespmem:s6+$0xFFFFFA20] =	vst v3  }
0x427: {  	v12 =	vor.u32 v36, v8;
	v24 =	vld [tilespmem:$0x1FE80];
	[tilespmem:s6+$0xFFFFFAA0] =	vst v17  }
0x428: {  	v34 =	vld [tilespmem:$0x1FDD0];
	v14 =	vor.u32 v54, v6  }
0x429: {  	v3 =	vld.idx.msk [tilespmem:v20+s11+$0x0], $0xffff;
	v21 =	vor.u32 v56, v7  }
0x42a: {  	v15 =	vld.idx.msk [tilespmem:v16+s11+$0x0], $0xffff;
	[tilespmem:s6+$0xFFFFFB20] =	vst v13;
	v13 =	vor.u32 v38, v2  }
0x42b: {  	v19 =	vld.idx.msk [tilespmem:v19+s11+$0x0], $0xffff;
	v16 =	vor.u32 v58, v9  }
0x42c: {  	v12 =	vld.idx.msk [tilespmem:v12+s11+$0x0], $0xffff;
	v20 =	vor.u32 v24, v11  }
0x42d: {  	v17 =	vor.u32 v34, v10;
	v14 =	vld.idx.msk [tilespmem:v14+s11+$0x0], $0xffff  }
0x42e: {  	[tilespmem:s6+$0xFFFFFBA0] =	vst v18;
	v21 =	vld.idx.msk [tilespmem:v21+s11+$0x0], $0xffff  }
0x42f: {  	v18 =	vor.u32 v46, v2;
	[tilespmem:s6+$0xFFFFFCB0] =	vst v3;
	v13 =	vld.idx.msk [tilespmem:v13+s11+$0x0], $0xffff  }
0x430: {  	[tilespmem:s6+$0xFFFFFFE0] =	vst v19;
	v19 =	vor.u32 v54, v2;
	v16 =	vld.idx.msk [tilespmem:v16+s11+$0x0], $0xffff  }
0x431: {  	[tilespmem:s6+$0xFFFFFC30] =	vst v15;
	v15 =	vor.u32 v56, v2;
	v20 =	vld.idx.msk [tilespmem:v20+s11+$0x0], $0xffff  }
0x432: {  	v3 =	vld.idx.msk [tilespmem:v17+s11+$0x0], $0xffff;
	v17 =	vor.u32 v36, v2;
	[tilespmem:s6+$0xFFFFFD30] =	vst v14  }
0x433: {  	v23 =	vld [tilespmem:$0x1FBF0];
	[tilespmem:s6+$0xFFFFFDB0] =	vst v21  }
0x434: {  	v14 =	vld.idx.msk [tilespmem:v18+s11+$0x0], $0xffff;
	v18 =	vor.u32 v58, v2;
	[tilespmem:s6+$0xFFFFFE30] =	vst v12  }
0x435: {  	[tilespmem:s6+$0xFFFFF830] =	vst v13;
	v19 =	vld.idx.msk [tilespmem:v19+s11+$0x0], $0xffff  }
0x436: {  	v15 =	vld.idx.msk [tilespmem:v15+s11+$0x0], $0xffff;
	[tilespmem:s6+$0xFFFFFEB0] =	vst v16  }
0x437: {  	[tilespmem:s6+$0xFFFFFFF0] =	vst v20;
	v17 =	vld.idx.msk [tilespmem:v17+s11+$0x0], $0xffff  }
0x438: {  	[tilespmem:s6+$0xFFFFFF30] =	vst v3  }
0x439: {  	v13 =	vld.idx.msk [tilespmem:v18+s11+$0x0], $0xffff;
	[tilespmem:s6+$0xFFFFF8B0] =	vst v14;
	v11 =	vor.u32 v23, v11  }
0x43a: {  	v12 =	vor.u32 v34, v2;
	v61 =	vld [tilespmem:$0x1FF70];
	[tilespmem:s6+$0xFFFFF930] =	vst v19  }
0x43b: {  	v16 =	vor.u32 v55, v2;
	v0 =	vld [tilespmem:$0x1FF20];
	[tilespmem:s6+$0xFFFFF9B0] =	vst v15  }
0x43c: {  	v20 =	vor.u32 v63, v4;
	v22 =	vld [tilespmem:$0x1FD70];
	[tilespmem:s6+$0xFFFFFA30] =	vst v17  }
0x43d: {  	v3 =	vor.u32 v47, v5;
	v21 =	vld [tilespmem:$0x1FDE0]  }
0x43e: {  	v18 =	vor.u32 v60, v6;
	v11 =	vld.idx.msk [tilespmem:v11+s11+$0x0], $0xffff  }
0x43f: {  	v12 =	vld.idx.msk [tilespmem:v12+s11+$0x0], $0xffff;
	v14 =	vor.u32 v61, v7  }
0x440: {  	v16 =	vld.idx.msk [tilespmem:v16+s11+$0x0], $0xffff;
	v19 =	vor.u32 v0, v8  }
0x441: {  	v15 =	vld.idx.msk [tilespmem:v20+s11+$0x0], $0xffff;
	v20 =	vor.u32 v22, v9  }
0x442: {  	v3 =	vld.idx.msk [tilespmem:v3+s11+$0x0], $0xffff;
	[tilespmem:s6+$0xFFFFFAB0] =	vst v13;
	v17 =	vor.u32 v21, v10  }
0x443: {  	[tilespmem:s6+$0x0] =	vst v11;
	v11 =	vld.idx.msk [tilespmem:v18+s11+$0x0], $0xffff;
	v18 =	vor.u32 v63, v2  }
0x444: {  	[tilespmem:s6+$0xFFFFFB30] =	vst v12;
	v13 =	vld.idx.msk [tilespmem:v14+s11+$0x0], $0xffff;
	v14 =	vor.u32 v47, v2  }
0x445: {  	[tilespmem:s6+$0xFFFFFBB0] =	vst v16;
	v12 =	vld.idx.msk [tilespmem:v19+s11+$0x0], $0xffff;
	v19 =	vor.u32 v60, v2  }
0x446: {  	[tilespmem:s6+$0xFFFFFC40] =	vst v15;
	v15 =	vor.u32 v0, v2;
	v16 =	vld.idx.msk [tilespmem:v20+s11+$0x0], $0xffff  }
0x447: {  	[tilespmem:s6+$0xFFFFFCC0] =	vst v3;
	v20 =	vor.u32 v61, v2;
	v17 =	vld.idx.msk [tilespmem:v17+s11+$0x0], $0xffff  }
0x448: {  	v3 =	vld.idx.msk [tilespmem:v18+s11+$0x0], $0xffff;
	[tilespmem:s6+$0xFFFFFD40] =	vst v11  }
0x449: {  	v11 =	vld.idx.msk [tilespmem:v14+s11+$0x0], $0xffff;
	[tilespmem:s6+$0xFFFFFDC0] =	vst v13  }
0x44a: {  	v13 =	vld.idx.msk [tilespmem:v19+s11+$0x0], $0xffff;
	[tilespmem:s6+$0xFFFFFE40] =	vst v12  }
0x44b: {  	v15 =	vld.idx.msk [tilespmem:v15+s11+$0x0], $0xffff;
	[tilespmem:s6+$0xFFFFFEC0] =	vst v16  }
0x44c: {  	v12 =	vld.idx.msk [tilespmem:v20+s11+$0x0], $0xffff;
	v16 =	vor.u32 v48, v5;
	[tilespmem:s6+$0xFFFFFF40] =	vst v17  }
0x44d: {  	v28 =	vld [tilespmem:$0x1FCC0];
	[tilespmem:s6+$0xFFFFF840] =	vst v3  }
0x44e: {  	v30 =	vmov v27;
	v18 =	vor.u32 v22, v2;
	v27 =	vld [tilespmem:$0x1FF60];
	[tilespmem:s6+$0xFFFFF8C0] =	vst v11  }
0x44f: {  	v14 =	vor.u32 v21, v2;
	v0 =	vld [tilespmem:$0x1FED0];
	[tilespmem:s6+$0xFFFFF940] =	vst v13  }
0x450: {  	v19 =	vor.u32 v29, v2;
	v22 =	vld [tilespmem:$0x1FD80]  }
0x451: {  	v20 =	vor.u32 v40, v4;
	[tilespmem:s6+$0xFFFFF9C0] =	vst v12;
	v12 =	vld.idx.msk [tilespmem:v16+s11+$0x0], $0xffff  }
0x452: {  	v21 =	vld [tilespmem:$0x1FDF0];
	[tilespmem:s6+$0xFFFFFA40] =	vst v15;
	v15 =	vor.u32 v40, v2  }
0x453: {  	v17 =	vld.idx.msk [tilespmem:v18+s11+$0x0], $0xffff;
	v18 =	vor.u32 v28, v6  }
0x454: {  	v3 =	vld.idx.msk [tilespmem:v14+s11+$0x0], $0xffff;
	v14 =	vor.u32 v27, v7  }
0x455: {  	v11 =	vld.idx.msk [tilespmem:v19+s11+$0x0], $0xffff;
	v19 =	vor.u32 v0, v8  }
0x456: {  	v13 =	vld.idx.msk [tilespmem:v20+s11+$0x0], $0xffff;
	v20 =	vor.u32 v22, v9  }
0x457: {  	[tilespmem:s6+$0xFFFFFCD0] =	vst v12;
	v16 =	vor.u32 v21, v10;
	v12 =	vld.idx.msk [tilespmem:v15+s11+$0x0], $0xffff  }
0x458: {  	[tilespmem:s6+$0xFFFFFAC0] =	vst v17;
	v17 =	vor.u32 v48, v2;
	v18 =	vld.idx.msk [tilespmem:v18+s11+$0x0], $0xffff  }
0x459: {  	[tilespmem:s6+$0xFFFFFB40] =	vst v3;
	v3 =	vor.u32 v28, v2;
	v14 =	vld.idx.msk [tilespmem:v14+s11+$0x0], $0xffff  }
0x45a: {  	[tilespmem:s6+$0xFFFFFBC0] =	vst v11;
	v11 =	vor.u32 v27, v2;
	v19 =	vld.idx.msk [tilespmem:v19+s11+$0x0], $0xffff  }
0x45b: {  	[tilespmem:s6+$0xFFFFFC50] =	vst v13;
	v13 =	vor.u32 v0, v2;
	v20 =	vld.idx.msk [tilespmem:v20+s11+$0x0], $0xffff  }
0x45c: {  	v15 =	vor.u32 v22, v2;
	v16 =	vld.idx.msk [tilespmem:v16+s11+$0x0], $0xffff;
	[tilespmem:s6+$0xFFFFF850] =	vst v12  }
0x45d: {  	v17 =	vld.idx.msk [tilespmem:v17+s11+$0x0], $0xffff;
	[tilespmem:s6+$0xFFFFFD50] =	vst v18  }
0x45e: {  	v3 =	vld.idx.msk [tilespmem:v3+s11+$0x0], $0xffff;
	[tilespmem:s6+$0xFFFFFDD0] =	vst v14  }
0x45f: {  	v11 =	vld.idx.msk [tilespmem:v11+s11+$0x0], $0xffff;
	[tilespmem:s6+$0xFFFFFE50] =	vst v19  }
0x460: {  	v13 =	vld.idx.msk [tilespmem:v13+s11+$0x0], $0xffff;
	[tilespmem:s6+$0xFFFFFED0] =	vst v20;
	v20 =	vor.u32 v49, v5  }
0x461: {  	v15 =	vld.idx.msk [tilespmem:v15+s11+$0x0], $0xffff;
	[tilespmem:s6+$0xFFFFFF50] =	vst v16  }
0x462: {  	v18 =	vor.u32 v21, v2;
	v14 =	vor.u32 v26, v2;
	v26 =	vld [tilespmem:$0x1FD00];
	[tilespmem:s6+$0xFFFFF8D0] =	vst v17  }
0x463: {  	v0 =	vld [tilespmem:$0x1FEE0];
	[tilespmem:s6+$0xFFFFF950] =	vst v3  }
0x464: {  	v19 =	vor.u32 v41, v4;
	v22 =	vld [tilespmem:$0x1FD90]  }
0x465: {  	v16 =	vor.u32 v57, v6;
	[tilespmem:s6+$0xFFFFF9D0] =	vst v11;
	v11 =	vld.idx.msk [tilespmem:v20+s11+$0x0], $0xffff  }
0x466: {  	v21 =	vld [tilespmem:$0x1FE00];
	[tilespmem:s6+$0xFFFFFA50] =	vst v13;
	v13 =	vor.u32 v41, v2  }
0x467: {  	v12 =	vld.idx.msk [tilespmem:v18+s11+$0x0], $0xffff;
	[tilespmem:s6+$0xFFFFFAD0] =	vst v15;
	v15 =	vor.u32 v49, v2  }
0x468: {  	v14 =	vld.idx.msk [tilespmem:v14+s11+$0x0], $0xffff;
	v18 =	vor.u32 v26, v7  }
0x469: {  	v3 =	vld.idx.msk [tilespmem:v19+s11+$0x0], $0xffff;
	v17 =	vor.u32 v0, v8  }
0x46a: {  	v16 =	vld.idx.msk [tilespmem:v16+s11+$0x0], $0xffff;
	v19 =	vor.u32 v22, v9  }
0x46b: {  	v20 =	vor.u32 v21, v10;
	[tilespmem:s6+$0xFFFFFCE0] =	vst v11;
	v11 =	vld.idx.msk [tilespmem:v13+s11+$0x0], $0xffff  }
0x46c: {  	[tilespmem:s6+$0xFFFFFB50] =	vst v12;
	v12 =	vor.u32 v57, v2;
	v15 =	vld.idx.msk [tilespmem:v15+s11+$0x0], $0xffff  }
0x46d: {  	[tilespmem:s6+$0xFFFFFBD0] =	vst v14;
	v14 =	vor.u32 v26, v2;
	v18 =	vld.idx.msk [tilespmem:v18+s11+$0x0], $0xffff  }
0x46e: {  	[tilespmem:s6+$0xFFFFFC60] =	vst v3;
	v3 =	vor.u32 v0, v2;
	v17 =	vld.idx.msk [tilespmem:v17+s11+$0x0], $0xffff  }
0x46f: {  	v13 =	vor.u32 v22, v2;
	v19 =	vld.idx.msk [tilespmem:v19+s11+$0x0], $0xffff  }
0x470: {  	[tilespmem:s6+$0xFFFFFD60] =	vst v16;
	v16 =	vor.u32 v21, v2;
	v20 =	vld.idx.msk [tilespmem:v20+s11+$0x0], $0xffff  }
0x471: {  	v12 =	vld.idx.msk [tilespmem:v12+s11+$0x0], $0xffff;
	[tilespmem:s6+$0xFFFFF860] =	vst v11  }
0x472: {  	v14 =	vld.idx.msk [tilespmem:v14+s11+$0x0], $0xffff;
	[tilespmem:s6+$0xFFFFFDE0] =	vst v18  }
0x473: {  	v3 =	vld.idx.msk [tilespmem:v3+s11+$0x0], $0xffff;
	[tilespmem:s6+$0xFFFFFE60] =	vst v17  }
0x474: {  	v13 =	vld.idx.msk [tilespmem:v13+s11+$0x0], $0xffff;
	[tilespmem:s6+$0xFFFFFEE0] =	vst v19  }
0x475: {  	v11 =	vld.idx.msk [tilespmem:v16+s11+$0x0], $0xffff;
	v18 =	vor.u32 v25, v2;
	[tilespmem:s6+$0xFFFFFF60] =	vst v20  }
0x476: {  	v17 =	vor.u32 v42, v4;
	v25 =	vld [tilespmem:$0x1FF00];
	[tilespmem:s6+$0xFFFFF8E0] =	vst v15  }
0x477: {  	v19 =	vor.u32 v50, v5;
	v0 =	vld [tilespmem:$0x1FD30];
	[tilespmem:s6+$0xFFFFF960] =	vst v12  }
0x478: {  	v20 =	vor.u32 v53, v6;
	v22 =	vld [tilespmem:$0x1FDA0];
	[tilespmem:s6+$0xFFFFF9E0] =	vst v14  }
0x479: {  	v21 =	vld [tilespmem:$0x1FE10];
	[tilespmem:s6+$0xFFFFFA60] =	vst v3;
	v3 =	vor.u32 v42, v2  }
0x47a: {  	v15 =	vld.idx.msk [tilespmem:v18+s11+$0x0], $0xffff;
	[tilespmem:s6+$0xFFFFFAE0] =	vst v13;
	v13 =	vor.u32 v50, v2  }
0x47b: {  	v12 =	vld.idx.msk [tilespmem:v17+s11+$0x0], $0xffff;
	[tilespmem:s6+$0xFFFFFB60] =	vst v11;
	v11 =	vor.u32 v53, v2  }
0x47c: {  	v4 =	vor.u32 v43, v4;
	v14 =	vld.idx.msk [tilespmem:v19+s11+$0x0], $0xffff  }
0x47d: {  	v20 =	vld.idx.msk [tilespmem:v20+s11+$0x0], $0xffff;
	v16 =	vor.u32 v25, v7  }
0x47e: {  	v18 =	vor.u32 v0, v8;
	v3 =	vld.idx.msk [tilespmem:v3+s11+$0x0], $0xffff  }
0x47f: {  	v17 =	vor.u32 v22, v9;
	v13 =	vld.idx.msk [tilespmem:v13+s11+$0x0], $0xffff  }
0x480: {  	[tilespmem:s6+$0xFFFFFC70] =	vst v12;
	v19 =	vor.u32 v21, v10;
	v11 =	vld.idx.msk [tilespmem:v11+s11+$0x0], $0xffff  }
0x481: {  	v5 =	vor.u32 v51, v5;
	v4 =	vld.idx.msk [tilespmem:v4+s11+$0x0], $0xffff  }
0x482: {  	v6 =	vor.u32 v1, v6;
	v16 =	vld.idx.msk [tilespmem:v16+s11+$0x0], $0xffff  }
0x483: {  	[tilespmem:s6+$0xFFFFFBE0] =	vst v15;
	v15 =	vor.u32 v25, v2;
	v18 =	vld.idx.msk [tilespmem:v18+s11+$0x0], $0xffff  }
0x484: {  	v12 =	vor.u32 v0, v2;
	[tilespmem:s6+$0xFFFFFCF0] =	vst v14;
	v17 =	vld.idx.msk [tilespmem:v17+s11+$0x0], $0xffff  }
0x485: {  	[tilespmem:s6+$0xFFFFFD70] =	vst v20;
	v20 =	vor.u32 v21, v2;
	v19 =	vld.idx.msk [tilespmem:v19+s11+$0x0], $0xffff  }
0x486: {  	v5 =	vld.idx.msk [tilespmem:v5+s11+$0x0], $0xffff;
	[tilespmem:s6+$0xFFFFF870] =	vst v3  }
0x487: {  	v6 =	vld.idx.msk [tilespmem:v6+s11+$0x0], $0xffff;
	[tilespmem:s6+$0xFFFFFDF0] =	vst v16;
	v16 =	vor.u32 v24, v2  }
0x488: {  	v15 =	vld.idx.msk [tilespmem:v15+s11+$0x0], $0xffff;
	[tilespmem:s6+$0xFFFFFE70] =	vst v18  }
0x489: {  	v12 =	vld.idx.msk [tilespmem:v12+s11+$0x0], $0xffff;
	[tilespmem:s6+$0xFFFFFEF0] =	vst v17  }
0x48a: {  	v3 =	vld.idx.msk [tilespmem:v20+s11+$0x0], $0xffff;
	[tilespmem:s6+$0xFFFFFF70] =	vst v19  }
0x48b: {  	v14 =	vor.u32 v22, v2;
	v17 =	vld [tilespmem:$0x1FEF0]  }
0x48c: {  	[tilespmem:s6+$0xFFFFF8F0] =	vst v13;
	v13 =	vld.idx.msk [tilespmem:v16+s11+$0x0], $0xffff  }
0x48d: {  	v0 =	vld [tilespmem:$0x1FD40];
	[tilespmem:s6+$0xFFFFF970] =	vst v11  }
0x48e: {  	v11 =	vor.u32 v43, v2;
	v16 =	vld [tilespmem:$0x1FDB0];
	[tilespmem:s6+$0xFFFFF9F0] =	vst v15  }
0x48f: {  	v15 =	vld [tilespmem:$0x1FE20];
	[tilespmem:s6+$0xFFFFFA70] =	vst v12;
	v12 =	vor.u32 v51, v2  }
0x490: {  	v14 =	vld.idx.msk [tilespmem:v14+s11+$0x0], $0xffff;
	[tilespmem:s6+$0xFFFFFB70] =	vst v3;
	v3 =	vor.u32 v1, v2  }
0x491: {  	v7 =	vor.u32 v17, v7  }
0x492: {  	[tilespmem:s6+$0xFFFFFC80] =	vst v4;
	v8 =	vor.u32 v0, v8  }
0x493: {  	[tilespmem:s6+$0xFFFFFD00] =	vst v5;
	v4 =	vor.u32 v0, v2;
	v5 =	vld.idx.msk [tilespmem:v11+s11+$0x0], $0xffff  }
0x494: {  	[tilespmem:s6+$0xFFFFFD80] =	vst v6;
	v9 =	vor.u32 v16, v9;
	v6 =	vld.idx.msk [tilespmem:v12+s11+$0x0], $0xffff  }
0x495: {  	[tilespmem:s6+$0xFFFFFAF0] =	vst v14;
	v10 =	vor.u32 v15, v10;
	v3 =	vld.idx.msk [tilespmem:v3+s11+$0x0], $0xffff  }
0x496: {  	[tilespmem:s6+$0xFFFFFBF0] =	vst v13;
	v12 =	vor.u32 v15, v2;
	v7 =	vld.idx.msk [tilespmem:v7+s11+$0x0], $0xffff  }
0x497: {  	v13 =	vor.u32 v17, v2;
	v11 =	vor.u32 v16, v2;
	v2 =	vor.u32 v23, v2;
	v8 =	vld.idx.msk [tilespmem:v8+s11+$0x0], $0xffff  }
0x498: {  	v4 =	vld.idx.msk [tilespmem:v4+s11+$0x0], $0xffff;
	[tilespmem:s6+$0xFFFFF880] =	vst v5  }
0x499: {  	v9 =	vld.idx.msk [tilespmem:v9+s11+$0x0], $0xffff;
	[tilespmem:s6+$0xFFFFF900] =	vst v6  }
0x49a: {  	v10 =	vld.idx.msk [tilespmem:v10+s11+$0x0], $0xffff;
	[tilespmem:s6+$0xFFFFF980] =	vst v3  }
0x49b: {  	v5 =	vld.idx.msk [tilespmem:v12+s11+$0x0], $0xffff;
	[tilespmem:s6+$0xFFFFFE00] =	vst v7  }
0x49c: {  	v2 =	vld.idx.msk [tilespmem:v2+s11+$0x0], $0xffff;
	[tilespmem:s6+$0xFFFFFE80] =	vst v8  }
0x49d: {  	v7 =	vld.idx.msk [tilespmem:v13+s11+$0x0], $0xffff;
	[tilespmem:s6+$0xFFFFFA80] =	vst v4  }
0x49e: {  	v8 =	vld.idx.msk [tilespmem:v11+s11+$0x0], $0xffff;
	[tilespmem:s6+$0xFFFFFF00] =	vst v9  }
0x49f: {  	[tilespmem:s6+$0xFFFFFF80] =	vst v10  }
0x4a0: {  	s8 =	sshll.u32 s3, $0x7;
	[tilespmem:s6+$0xFFFFFB80] =	vst v5  }
0x4a1: {  	s7 =	sand.u32 $0x3E80, s8;
	s14 =	sshll.u32 s3, $0xA;
	[tilespmem:s6+$0xFFFFFC00] =	vst v2  }
0x4a2: {  	s7 =	sadd.s32 s2, s7;
	s3 =	sand.u32 $0xFFE0000, s14;
	[tilespmem:s6+$0xFFFFFA00] =	vst v7  }
0x4a3: {  	s8 =	simm.s32 $0x0;
	s3 =	sadd.s32 s3, s7;
	[tilespmem:s6+$0xFFFFFB00] =	vst v8  }
0x4a4: {  	v2 =	vmov s8;
	[hbm4b:s3+s17] =	stream.strided.scatter [tilespmem:s21], [sflag:$0x6], $0x2000, s18, s17, $0x38;
	[tilespmem:$0x16400] =	vst v63  }
0x4a5: {  	s7 =	simm.s32 @!p1 $0x8400;
	v2 =	vshrl.u32 v2, $0x3;
	s6 =	simm.s32 @!p1 $0x80;
	s3 =	sadd.s32 @!p1 $0x280, s12  }
0x4a6: {  	v2 =	vshll.u32 v2, v39;
	[tilespmem:s7], [sflag:$0x2] =	stream.indirect.gather @!p1 [hbm4b:s4+s6], $0x40, s3, s6, $0xb8;
	[tilespmem:$0x16400] =	vst v63  }
0x4a7: {  	s14 =	simm.s32 $0xB;
	v17 =	vbroadcast v2, $0x0;
	_ =	swait.ge [sflag:s22], $0x2000  }
0x4a8: {  	v6 =	vmov s14;
	[sflag:s22] =	ssyncset.done $0x0  }
0x4a9: {  	v13 =	vshrl.u32 v6, $0x3;
	v6 =	vor.u32 v62, v17;
	s3 =	simm.s32 @!p0 $0x7;
	[sflag:s22] =	ssyncadd.s32 $0xFFFFE000  }
0x4aa: {  	s7 =	simm.s32 $0x9;
	_ =	swait.ge @!p0 [sflag:s3], $0x2000  }
0x4ab: {  	s14 =	simm.s32 $0xE;
	v4 =	vmov s7;
	v0 =	vld [tilespmem:$0x1FCA0]  }
0x4ac: {  	v9 =	vmov s14;
	v4 =	vshrl.u32 v4, $0x3;
	[sflag:s3] =	ssyncset.done @!p0 $0x0;
	v25 =	vld [tilespmem:$0x1FEC0]  }
0x4ad: {  	s8 =	simm.s32 $0xA;
	v16 =	vshrl.u32 v9, $0x3;
	v4 =	vshll.u32 v4, v39;
	v26 =	vld [tilespmem:$0x1FEB0];
	[sflag:s3] =	ssyncadd.s32 @!p0 $0xFFFFE000  }
0x4ae: {  	v5 =	vmov s8;
	s8 =	simm.s32 $0xD;
	v2 =	vor.u32 v35, v17;
	v20 =	vld.idx.msk [tilespmem:v6+s13+$0x0], $0xffff;
	v6 =	vbroadcast v4, $0x0  }
0x4af: {  	v12 =	vshrl.u32 v5, $0x3;
	v8 =	vmov s8;
	v10 =	vor.u32 v44, v17;
	s6 =	simm.s32 $0x8;
	v27 =	vld [tilespmem:$0x1FE90]  }
0x4b0: {  	v15 =	vshrl.u32 v8, $0x3;
	v3 =	vmov s6;
	s6 =	simm.s32 $0xC;
	v21 =	vld [tilespmem:$0x1FEA0];
	v22 =	vor.u32 v44, v6  }
0x4b1: {  	s7 =	simm.s32 $0xF;
	v7 =	vmov s6;
	v3 =	vshrl.u32 v3, $0x3;
	v11 =	vor.u32 v0, v17  }
0x4b2: {  	v5 =	vmov s7;
	v14 =	vshrl.u32 v7, $0x3;
	v7 =	vor.u32 v25, v17  }
0x4b3: {  	v18 =	vld.idx.msk [tilespmem:v2+s13+$0x0], $0xffff;
	v2 =	vshll.u32 v3, v39;
	v3 =	vshrl.u32 v5, $0x3;
	v8 =	vor.u32 v26, v17  }
0x4b4: {  	v19 =	vld.idx.msk [tilespmem:v10+s13+$0x0], $0xffff;
	v55 =	vbroadcast v2, $0x0;
	v2 =	vshll.u32 v3, v39;
	v9 =	vor.u32 v27, v17  }
0x4b5: {  	v2 =	vbroadcast v2, $0x0;
	v10 =	vor.u32 v21, v17;
	v22 =	vld.idx.msk [tilespmem:v22+s13+$0x0], $0xffff  }
0x4b6: {  	v4 =	vshll.u32 v12, v39;
	v3 =	vld.idx.msk [tilespmem:v11+s13+$0x0], $0xffff;
	v11 =	vor.u32 v35, v55  }
0x4b7: {  	v12 =	vld.idx.msk [tilespmem:v7+s13+$0x0], $0xffff;
	v7 =	vbroadcast v4, $0x0;
	v4 =	vshll.u32 v13, v39;
	v13 =	vor.u32 v21, v2  }
0x4b8: {  	v21 =	vld.idx.msk [tilespmem:v8+s13+$0x0], $0xffff;
	v8 =	vbroadcast v4, $0x0  }
0x4b9: {  	v4 =	vshll.u32 v14, v39;
	v14 =	vld.idx.msk [tilespmem:v9+s13+$0x0], $0xffff;
	v23 =	vor.u32 v0, v7  }
0x4ba: {  	v9 =	vbroadcast v4, $0x0;
	v4 =	vshll.u32 v15, v39;
	v15 =	vld.idx.msk [tilespmem:v10+s13+$0x0], $0xffff;
	v24 =	vor.u32 v62, v8  }
0x4bb: {  	v10 =	vbroadcast v4, $0x0;
	v4 =	vshll.u32 v16, v39;
	v16 =	vld.idx.msk [tilespmem:v11+s13+$0x0], $0xffff  }
0x4bc: {  	v25 =	vor.u32 v25, v9;
	v11 =	vbroadcast v4, $0x0;
	v13 =	vld.idx.msk [tilespmem:v13+s13+$0x0], $0xffff  }
0x4bd: {  	v4 =	vor.u32 v26, v10  }
0x4be: {  	v26 =	vor.u32 v27, v11;
	v23 =	vld.idx.msk [tilespmem:v23+s13+$0x0], $0xffff;
	v27 =	vor.u32 v30, v2  }
0x4bf: {  	s14 =	simm.s32 $0x12BF0;
	v24 =	vld.idx.msk [tilespmem:v24+s13+$0x0], $0xffff  }
0x4c0: {  	[tilespmem:s14+$0xFFFFFC90] =	vst v22  }
0x4c1: {  	v25 =	vld.idx.msk [tilespmem:v25+s13+$0x0], $0xffff;
	[tilespmem:s14+$0xFFFFFF90] =	vst v13  }
0x4c2: {  	v29 =	vor.u32 v45, v6;
	v4 =	vld.idx.msk [tilespmem:v4+s13+$0x0], $0xffff;
	[tilespmem:s14+$0xFFFFFC10] =	vst v16  }
0x4c3: {  	v28 =	vor.u32 v37, v55;
	v27 =	vld.idx.msk [tilespmem:v27+s13+$0x0], $0xffff;
	[tilespmem:s14+$0xFFFFFD10] =	vst v23  }
0x4c4: {  	v0 =	vmov v30;
	v30 =	vor.u32 v52, v7;
	v5 =	vld [tilespmem:$0x1FE40];
	[tilespmem:s14+$0xFFFFFD90] =	vst v24  }
0x4c5: {  	v13 =	vor.u32 v31, v8;
	v26 =	vld.idx.msk [tilespmem:v26+s13+$0x0], $0xffff;
	[tilespmem:s14+$0xFFFFF810] =	vst v18  }
0x4c6: {  	[tilespmem:s14+$0xFFFFF890] =	vst v19  }
0x4c7: {  	v29 =	vld.idx.msk [tilespmem:v29+s13+$0x0], $0xffff;
	v16 =	vor.u32 v32, v9;
	[tilespmem:s14+$0xFFFFFE10] =	vst v25  }
0x4c8: {  	v22 =	vor.u32 v59, v10;
	v28 =	vld.idx.msk [tilespmem:v28+s13+$0x0], $0xffff;
	[tilespmem:s14+$0xFFFFFE90] =	vst v4  }
0x4c9: {  	v30 =	vld.idx.msk [tilespmem:v30+s13+$0x0], $0xffff;
	[tilespmem:s14+$0xFFFFFFA0] =	vst v27;
	v23 =	vor.u32 v5, v2  }
0x4ca: {  	v24 =	vor.u32 v33, v11;
	v13 =	vld.idx.msk [tilespmem:v13+s13+$0x0], $0xffff;
	[tilespmem:s14+$0xFFFFFF10] =	vst v26  }
0x4cb: {  	v25 =	vor.u32 v37, v17;
	v27 =	vor.u32 v52, v17;
	v52 =	vld [tilespmem:$0x1FE50]  }
0x4cc: {  	v18 =	vor.u32 v32, v17;
	v16 =	vld.idx.msk [tilespmem:v16+s13+$0x0], $0xffff  }
0x4cd: {  	v4 =	vor.u32 v45, v17;
	v22 =	vld.idx.msk [tilespmem:v22+s13+$0x0], $0xffff;
	[tilespmem:s14+$0xFFFFF910] =	vst v3  }
0x4ce: {  	[tilespmem:s14+$0xFFFFF990] =	vst v20;
	v23 =	vld.idx.msk [tilespmem:v23+s13+$0x0], $0xffff  }
0x4cf: {  	v24 =	vld.idx.msk [tilespmem:v24+s13+$0x0], $0xffff;
	[tilespmem:s14+$0xFFFFFA10] =	vst v12  }
0x4d0: {  	[tilespmem:s14+$0xFFFFFA90] =	vst v21;
	v25 =	vld.idx.msk [tilespmem:v25+s13+$0x0], $0xffff;
	v19 =	vor.u32 v52, v2  }
0x4d1: {  	v26 =	vor.u32 v31, v17;
	[tilespmem:s14+$0xFFFFFB10] =	vst v14;
	v18 =	vld.idx.msk [tilespmem:v18+s13+$0x0], $0xffff  }
0x4d2: {  	v3 =	vor.u32 v59, v17;
	[tilespmem:s14+$0xFFFFFB90] =	vst v15;
	v4 =	vld.idx.msk [tilespmem:v4+s13+$0x0], $0xffff  }
0x4d3: {  	v20 =	vor.u32 v33, v17;
	v27 =	vld.idx.msk [tilespmem:v27+s13+$0x0], $0xffff;
	[tilespmem:s14+$0xFFFFFFB0] =	vst v23  }
0x4d4: {  	v12 =	vor.u32 v0, v17;
	v33 =	vld [tilespmem:$0x1FE60];
	[tilespmem:s14+$0xFFFFFC20] =	vst v28  }
0x4d5: {  	v21 =	vor.u32 v46, v6;
	v19 =	vld.idx.msk [tilespmem:v19+s13+$0x0], $0xffff;
	[tilespmem:s14+$0xFFFFFCA0] =	vst v29  }
0x4d6: {  	v26 =	vld.idx.msk [tilespmem:v26+s13+$0x0], $0xffff;
	[tilespmem:s14+$0xFFFFFD20] =	vst v30  }
0x4d7: {  	v14 =	vor.u32 v54, v7;
	v3 =	vld.idx.msk [tilespmem:v3+s13+$0x0], $0xffff;
	[tilespmem:s14+$0xFFFFFDA0] =	vst v13  }
0x4d8: {  	v20 =	vld.idx.msk [tilespmem:v20+s13+$0x0], $0xffff;
	v23 =	vor.u32 v38, v55;
	[tilespmem:s14+$0xFFFFFE20] =	vst v16  }
0x4d9: {  	v12 =	vld.idx.msk [tilespmem:v12+s13+$0x0], $0xffff;
	v28 =	vor.u32 v56, v8;
	[tilespmem:s14+$0xFFFFFEA0] =	vst v22  }
0x4da: {  	v21 =	vld.idx.msk [tilespmem:v21+s13+$0x0], $0xffff;
	v15 =	vor.u32 v33, v2;
	[tilespmem:s14+$0xFFFFFFC0] =	vst v19  }
0x4db: {  	v29 =	vor.u32 v36, v9;
	v32 =	vld [tilespmem:$0x1FE70]  }
0x4dc: {  	v30 =	vor.u32 v58, v10;
	v14 =	vld.idx.msk [tilespmem:v14+s13+$0x0], $0xffff  }
0x4dd: {  	v13 =	vor.u32 v38, v17;
	v23 =	vld.idx.msk [tilespmem:v23+s13+$0x0], $0xffff  }
0x4de: {  	v16 =	vor.u32 v46, v17;
	v28 =	vld.idx.msk [tilespmem:v28+s13+$0x0], $0xffff  }
0x4df: {  	v19 =	vor.u32 v34, v11;
	[tilespmem:s14+$0xFFFFFF20] =	vst v24;
	v15 =	vld.idx.msk [tilespmem:v15+s13+$0x0], $0xffff  }
0x4e0: {  	v29 =	vld.idx.msk [tilespmem:v29+s13+$0x0], $0xffff;
	[tilespmem:s14+$0xFFFFF820] =	vst v25;
	v22 =	vor.u32 v32, v2  }
0x4e1: {  	v30 =	vld.idx.msk [tilespmem:v30+s13+$0x0], $0xffff;
	[tilespmem:s14+$0xFFFFF8A0] =	vst v4  }
0x4e2: {  	v24 =	vor.u32 v54, v17;
	[tilespmem:s14+$0xFFFFF920] =	vst v27;
	v13 =	vld.idx.msk [tilespmem:v13+s13+$0x0], $0xffff  }
0x4e3: {  	v25 =	vor.u32 v56, v17;
	[tilespmem:s14+$0xFFFFF9A0] =	vst v26;
	v16 =	vld.idx.msk [tilespmem:v16+s13+$0x0], $0xffff  }
0x4e4: {  	v4 =	vor.u32 v36, v17;
	v19 =	vld.idx.msk [tilespmem:v19+s13+$0x0], $0xffff;
	[tilespmem:s14+$0xFFFFFFD0] =	vst v15  }
0x4e5: {  	v27 =	vor.u32 v34, v17;
	[tilespmem:s14+$0xFFFFFA20] =	vst v18;
	v22 =	vld.idx.msk [tilespmem:v22+s13+$0x0], $0xffff  }
0x4e6: {  	v0 =	vld [tilespmem:$0x1FE80];
	[tilespmem:s14+$0xFFFFFAA0] =	vst v3  }
0x4e7: {  	v24 =	vld.idx.msk [tilespmem:v24+s13+$0x0], $0xffff;
	[tilespmem:s14+$0xFFFFFB20] =	vst v20  }
0x4e8: {  	v25 =	vld.idx.msk [tilespmem:v25+s13+$0x0], $0xffff;
	[tilespmem:s14+$0xFFFFFBA0] =	vst v12  }
0x4e9: {  	v26 =	vor.u32 v5, v17;
	v4 =	vld.idx.msk [tilespmem:v4+s13+$0x0], $0xffff;
	[tilespmem:s14+$0xFFFFFC30] =	vst v23  }
0x4ea: {  	v15 =	vor.u32 v58, v17;
	v27 =	vld.idx.msk [tilespmem:v27+s13+$0x0], $0xffff;
	[tilespmem:s14+$0xFFFFFFE0] =	vst v22  }
0x4eb: {  	v56 =	vld [tilespmem:$0x1FF20];
	[tilespmem:s14+$0xFFFFFCB0] =	vst v21  }
0x4ec: {  	v18 =	vor.u32 v0, v2;
	v36 =	vld [tilespmem:$0x1FD70];
	[tilespmem:s14+$0xFFFFFD30] =	vst v14  }
0x4ed: {  	v3 =	vor.u32 v63, v55;
	v58 =	vld [tilespmem:$0x1FBF0]  }
0x4ee: {  	v20 =	vor.u32 v47, v6;
	v26 =	vld.idx.msk [tilespmem:v26+s13+$0x0], $0xffff  }
0x4ef: {  	v12 =	vor.u32 v60, v7;
	v15 =	vld.idx.msk [tilespmem:v15+s13+$0x0], $0xffff;
	[tilespmem:s14+$0xFFFFFDB0] =	vst v28  }
0x4f0: {  	v22 =	vor.u32 v61, v8;
	v59 =	vld [tilespmem:$0x1FDE0]  }
0x4f1: {  	[tilespmem:s14+$0xFFFFFE30] =	vst v29;
	v18 =	vld.idx.msk [tilespmem:v18+s13+$0x0], $0xffff;
	v23 =	vor.u32 v56, v9  }
0x4f2: {  	v31 =	vld.idx.msk [tilespmem:v3+s13+$0x0], $0xffff;
	[tilespmem:s14+$0xFFFFFEB0] =	vst v30;
	v14 =	vor.u32 v58, v2  }
0x4f3: {  	v20 =	vld.idx.msk [tilespmem:v20+s13+$0x0], $0xffff;
	[tilespmem:s14+$0xFFFFF830] =	vst v13;
	v13 =	vor.u32 v56, v17  }
0x4f4: {  	v12 =	vld.idx.msk [tilespmem:v12+s13+$0x0], $0xffff;
	[tilespmem:s14+$0xFFFFFF30] =	vst v19;
	v3 =	vor.u32 v36, v10  }
0x4f5: {  	[tilespmem:s14+$0xFFFFF8B0] =	vst v16;
	v22 =	vld.idx.msk [tilespmem:v22+s13+$0x0], $0xffff;
	v21 =	vor.u32 v59, v11  }
0x4f6: {  	v28 =	vor.u32 v63, v17;
	[tilespmem:s14+$0xFFFFFFF0] =	vst v18;
	v23 =	vld.idx.msk [tilespmem:v23+s13+$0x0], $0xffff  }
0x4f7: {  	v29 =	vor.u32 v47, v17;
	[tilespmem:s14+$0xFFFFFA30] =	vst v4;
	v14 =	vld.idx.msk [tilespmem:v14+s13+$0x0], $0xffff  }
0x4f8: {  	[tilespmem:s14+$0xFFFFF930] =	vst v24;
	v13 =	vld.idx.msk [tilespmem:v13+s13+$0x0], $0xffff  }
0x4f9: {  	s8 =	simm.s32 $0x10;
	[tilespmem:s14+$0xFFFFF9B0] =	vst v25;
	v30 =	vld.idx.msk [tilespmem:v3+s13+$0x0], $0xffff  }
0x4fa: {  	[tilespmem:s14+$0xFFFFFAB0] =	vst v15;
	v2 =	vmov s8;
	v19 =	vld.idx.msk [tilespmem:v21+s13+$0x0], $0xffff  }
0x4fb: {  	[tilespmem:s14+$0xFFFFFB30] =	vst v27;
	v2 =	vshrl.u32 v2, $0x3;
	v21 =	vld.idx.msk [tilespmem:v28+s13+$0x0], $0xffff  }
0x4fc: {  	v2 =	vshll.u32 v2, v39;
	v28 =	vld.idx.msk [tilespmem:v29+s13+$0x0], $0xffff;
	[tilespmem:s14+$0x0] =	vst v14  }
0x4fd: {  	v18 =	vor.u32 v60, v17;
	v2 =	vbroadcast v2, $0x0;
	v56 =	vld [tilespmem:$0x1FCC0];
	[tilespmem:s14+$0xFFFFFBB0] =	vst v26  }
0x4fe: {  	v3 =	vor.u32 v61, v17;
	v61 =	vld [tilespmem:$0x1FF60];
	[tilespmem:s14+$0xFFFFFC40] =	vst v31  }
0x4ff: {  	v24 =	vor.u32 v36, v17;
	v16 =	vor.u32 v35, v2;
	v36 =	vld [tilespmem:$0x1FED0];
	[tilespmem:s14+$0xFFFFFCC0] =	vst v20  }
0x500: {  	v31 =	vld [tilespmem:$0x1FD80];
	[tilespmem:s14+$0xFFFFFD40] =	vst v12  }
0x501: {  	v25 =	vor.u32 v59, v17;
	v59 =	vld [tilespmem:$0x1FDF0];
	[tilespmem:s14+$0xFFFFFDC0] =	vst v22  }
0x502: {  	v4 =	vor.u32 v52, v17;
	v18 =	vld.idx.msk [tilespmem:v18+s13+$0x0], $0xffff;
	[tilespmem:s14+$0xFFFFFE40] =	vst v23  }
0x503: {  	v29 =	vld.idx.msk [tilespmem:v3+s13+$0x0], $0xffff;
	[tilespmem:s14+$0xFFFFFEC0] =	vst v30  }
0x504: {  	v3 =	vld.idx.msk [tilespmem:v16+s13+$0x0], $0xffff;
	[tilespmem:s14+$0xFFFFFF40] =	vst v19  }
0x505: {  	v16 =	vld.idx.msk [tilespmem:v24+s13+$0x0], $0xffff;
	[tilespmem:s14+$0xFFFFF840] =	vst v21  }
0x506: {  	v15 =	vor.u32 v48, v6;
	v25 =	vld.idx.msk [tilespmem:v25+s13+$0x0], $0xffff;
	[tilespmem:s14+$0xFFFFF8C0] =	vst v28  }
0x507: {  	v14 =	vor.u32 v40, v55;
	v4 =	vld.idx.msk [tilespmem:v4+s13+$0x0], $0xffff;
	[tilespmem:s14+$0xFFFFF940] =	vst v18  }
0x508: {  	[tilespmem:s14+$0xFFFFF9C0] =	vst v29  }
0x509: {  	v22 =	vor.u32 v40, v17;
	[tilespmem:s14+$0xFFFFFA40] =	vst v13  }
0x50a: {  	v23 =	vor.u32 v48, v17;
	[tilespmem:s14+$0xFFFFFAC0] =	vst v16  }
0x50b: {  	v15 =	vld.idx.msk [tilespmem:v15+s13+$0x0], $0xffff;
	v29 =	vor.u32 v33, v17;
	[tilespmem:s14+$0xFFFFFB40] =	vst v25  }
0x50c: {  	v14 =	vld.idx.msk [tilespmem:v14+s13+$0x0], $0xffff;
	v24 =	vor.u32 v56, v7;
	[tilespmem:s14+$0xFFFFFBC0] =	vst v4  }
0x50d: {  	v26 =	vor.u32 v61, v8;
	v19 =	vor.u32 v61, v17;
	v61 =	vld [tilespmem:$0x1FD00]  }
0x50e: {  	v30 =	vor.u32 v56, v17;
	v22 =	vld.idx.msk [tilespmem:v22+s13+$0x0], $0xffff  }
0x50f: {  	v23 =	vld.idx.msk [tilespmem:v23+s13+$0x0], $0xffff  }
0x510: {  	v29 =	vld.idx.msk [tilespmem:v29+s13+$0x0], $0xffff  }
0x511: {  	v24 =	vld.idx.msk [tilespmem:v24+s13+$0x0], $0xffff  }
0x512: {  	v26 =	vld.idx.msk [tilespmem:v26+s13+$0x0], $0xffff  }
0x513: {  	v27 =	vor.u32 v36, v9;
	[tilespmem:s14+$0xFFFFFC50] =	vst v14;
	v30 =	vld.idx.msk [tilespmem:v30+s13+$0x0], $0xffff  }
0x514: {  	v21 =	vor.u32 v36, v17;
	v36 =	vld [tilespmem:$0x1FEE0]  }
0x515: {  	v20 =	vor.u32 v31, v10;
	[tilespmem:s14+$0xFFFFFCD0] =	vst v15;
	v19 =	vld.idx.msk [tilespmem:v19+s13+$0x0], $0xffff  }
0x516: {  	v28 =	vor.u32 v31, v17;
	v31 =	vld [tilespmem:$0x1FD90];
	[tilespmem:s14+$0xFFFFFD50] =	vst v24  }
0x517: {  	v12 =	vor.u32 v59, v11;
	v54 =	vld [tilespmem:$0x1FE00];
	[tilespmem:s14+$0xFFFFFDD0] =	vst v26  }
0x518: {  	v18 =	vor.u32 v59, v17;
	v27 =	vld.idx.msk [tilespmem:v27+s13+$0x0], $0xffff;
	[tilespmem:s14+$0xFFFFF850] =	vst v22  }
0x519: {  	v13 =	vor.u32 v41, v55;
	v21 =	vld.idx.msk [tilespmem:v21+s13+$0x0], $0xffff;
	[tilespmem:s14+$0xFFFFF8D0] =	vst v23  }
0x51a: {  	v16 =	vor.u32 v49, v6;
	v20 =	vld.idx.msk [tilespmem:v20+s13+$0x0], $0xffff;
	[tilespmem:s14+$0xFFFFF950] =	vst v30  }
0x51b: {  	v25 =	vor.u32 v57, v7;
	v28 =	vld.idx.msk [tilespmem:v28+s13+$0x0], $0xffff;
	[tilespmem:s14+$0xFFFFF9D0] =	vst v19  }
0x51c: {  	v4 =	vor.u32 v61, v8;
	v12 =	vld.idx.msk [tilespmem:v12+s13+$0x0], $0xffff;
	[tilespmem:s14+$0xFFFFFBD0] =	vst v29  }
0x51d: {  	v18 =	vld.idx.msk [tilespmem:v18+s13+$0x0], $0xffff;
	v14 =	vor.u32 v36, v9;
	[tilespmem:s14+$0xFFFFFE50] =	vst v27  }
0x51e: {  	v13 =	vld.idx.msk [tilespmem:v13+s13+$0x0], $0xffff;
	[tilespmem:s14+$0xFFFFFA50] =	vst v21  }
0x51f: {  	v16 =	vld.idx.msk [tilespmem:v16+s13+$0x0], $0xffff;
	v15 =	vor.u32 v31, v10;
	[tilespmem:s14+$0xFFFFFED0] =	vst v20  }
0x520: {  	v26 =	vor.u32 v41, v17;
	v25 =	vld.idx.msk [tilespmem:v25+s13+$0x0], $0xffff;
	[tilespmem:s14+$0xFFFFFAD0] =	vst v28  }
0x521: {  	v22 =	vor.u32 v36, v17;
	v4 =	vld.idx.msk [tilespmem:v4+s13+$0x0], $0xffff;
	[tilespmem:s14+$0xFFFFFF50] =	vst v12  }
0x522: {  	v23 =	vor.u32 v31, v17;
	[tilespmem:s14+$0xFFFFFB50] =	vst v18;
	v14 =	vld.idx.msk [tilespmem:v14+s13+$0x0], $0xffff  }
0x523: {  	v19 =	vor.u32 v32, v17;
	v56 =	vld [tilespmem:$0x1FF00]  }
0x524: {  	v15 =	vld.idx.msk [tilespmem:v15+s13+$0x0], $0xffff  }
0x525: {  	v27 =	vor.u32 v49, v17;
	v26 =	vld.idx.msk [tilespmem:v26+s13+$0x0], $0xffff  }
0x526: {  	v21 =	vor.u32 v42, v55;
	v22 =	vld.idx.msk [tilespmem:v22+s13+$0x0], $0xffff  }
0x527: {  	v23 =	vld.idx.msk [tilespmem:v23+s13+$0x0], $0xffff  }
0x528: {  	v20 =	vor.u32 v57, v17;
	[tilespmem:s14+$0xFFFFFC60] =	vst v13;
	v19 =	vld.idx.msk [tilespmem:v19+s13+$0x0], $0xffff  }
0x529: {  	v28 =	vor.u32 v50, v6;
	v59 =	vld [tilespmem:$0x1FD30]  }
0x52a: {  	v27 =	vld.idx.msk [tilespmem:v27+s13+$0x0], $0xffff  }
0x52b: {  	v12 =	vor.u32 v61, v17;
	[tilespmem:s14+$0xFFFFFCE0] =	vst v16;
	v21 =	vld.idx.msk [tilespmem:v21+s13+$0x0], $0xffff  }
0x52c: {  	v18 =	vor.u32 v53, v7;
	v61 =	vld [tilespmem:$0x1FDA0]  }
0x52d: {  	v24 =	vor.u32 v54, v11;
	v20 =	vld.idx.msk [tilespmem:v20+s13+$0x0], $0xffff  }
0x52e: {  	v30 =	vor.u32 v54, v17;
	[tilespmem:s14+$0xFFFFFD60] =	vst v25;
	v28 =	vld.idx.msk [tilespmem:v28+s13+$0x0], $0xffff  }
0x52f: {  	v36 =	vld [tilespmem:$0x1FE10];
	[tilespmem:s14+$0xFFFFFDE0] =	vst v4;
	v4 =	vor.u32 v42, v17  }
0x530: {  	v12 =	vld.idx.msk [tilespmem:v12+s13+$0x0], $0xffff;
	v29 =	vor.u32 v56, v8;
	[tilespmem:s14+$0xFFFFFE60] =	vst v14  }
0x531: {  	v18 =	vld.idx.msk [tilespmem:v18+s13+$0x0], $0xffff;
	v14 =	vor.u32 v50, v17;
	[tilespmem:s14+$0xFFFFFEE0] =	vst v15  }
0x532: {  	v24 =	vld.idx.msk [tilespmem:v24+s13+$0x0], $0xffff;
	v13 =	vor.u32 v59, v9;
	[tilespmem:s14+$0xFFFFF860] =	vst v26  }
0x533: {  	v30 =	vld.idx.msk [tilespmem:v30+s13+$0x0], $0xffff;
	v15 =	vor.u32 v53, v17;
	[tilespmem:s14+$0xFFFFFA60] =	vst v22  }
0x534: {  	[tilespmem:s14+$0xFFFFFAE0] =	vst v23;
	v16 =	vor.u32 v61, v10;
	v4 =	vld.idx.msk [tilespmem:v4+s13+$0x0], $0xffff  }
0x535: {  	[tilespmem:s14+$0xFFFFF8E0] =	vst v27;
	v26 =	vor.u32 v61, v17;
	v29 =	vld.idx.msk [tilespmem:v29+s13+$0x0], $0xffff  }
0x536: {  	[tilespmem:s14+$0xFFFFFBE0] =	vst v19;
	v27 =	vld.idx.msk [tilespmem:v14+s13+$0x0], $0xffff  }
0x537: {  	v25 =	vor.u32 v36, v11;
	[tilespmem:s14+$0xFFFFF960] =	vst v20;
	v31 =	vld.idx.msk [tilespmem:v13+s13+$0x0], $0xffff  }
0x538: {  	[tilespmem:s14+$0xFFFFF9E0] =	vst v12;
	v15 =	vld.idx.msk [tilespmem:v15+s13+$0x0], $0xffff  }
0x539: {  	[tilespmem:s14+$0xFFFFFF60] =	vst v24;
	v24 =	vld.idx.msk [tilespmem:v16+s13+$0x0], $0xffff  }
0x53a: {  	v14 =	vor.u32 v36, v17;
	[tilespmem:s14+$0xFFFFFB60] =	vst v30;
	v23 =	vld.idx.msk [tilespmem:v26+s13+$0x0], $0xffff  }
0x53b: {  	v12 =	vor.u32 v0, v17;
	v0 =	vld [tilespmem:$0x1FEF0]  }
0x53c: {  	v5 =	vor.u32 v43, v55;
	[tilespmem:s14+$0xFFFFFC70] =	vst v21;
	v25 =	vld.idx.msk [tilespmem:v25+s13+$0x0], $0xffff  }
0x53d: {  	v7 =	vor.u32 v1, v7;
	v26 =	vld [tilespmem:$0x1FD40];
	[tilespmem:s14+$0xFFFFFCF0] =	vst v28  }
0x53e: {  	v13 =	vor.u32 v56, v17;
	v54 =	vld [tilespmem:$0x1FDB0]  }
0x53f: {  	v6 =	vor.u32 v51, v6;
	[tilespmem:s14+$0xFFFFFD70] =	vst v18;
	v30 =	vld.idx.msk [tilespmem:v14+s13+$0x0], $0xffff  }
0x540: {  	v16 =	vor.u32 v59, v17;
	v55 =	vld [tilespmem:$0x1FE20];
	[tilespmem:s14+$0xFFFFFDF0] =	vst v29  }
0x541: {  	v14 =	vld.idx.msk [tilespmem:v5+s13+$0x0], $0xffff;
	[tilespmem:s14+$0xFFFFF870] =	vst v4  }
0x542: {  	v19 =	vor.u32 v1, v17;
	v5 =	vld.idx.msk [tilespmem:v7+s13+$0x0], $0xffff;
	[tilespmem:s14+$0xFFFFF8F0] =	vst v27  }
0x543: {  	v20 =	vld.idx.msk [tilespmem:v13+s13+$0x0], $0xffff;
	[tilespmem:s14+$0xFFFFFE70] =	vst v31;
	v8 =	vor.u32 v0, v8  }
0x544: {  	v13 =	vld.idx.msk [tilespmem:v6+s13+$0x0], $0xffff;
	[tilespmem:s14+$0xFFFFF970] =	vst v15;
	v21 =	vor.u32 v0, v17  }
0x545: {  	v22 =	vld.idx.msk [tilespmem:v16+s13+$0x0], $0xffff;
	[tilespmem:s14+$0xFFFFFEF0] =	vst v24;
	v9 =	vor.u32 v26, v9  }
0x546: {  	v16 =	vld.idx.msk [tilespmem:v12+s13+$0x0], $0xffff;
	[tilespmem:s14+$0xFFFFFAF0] =	vst v23  }
0x547: {  	v18 =	vor.u32 v51, v17;
	v15 =	vld.idx.msk [tilespmem:v19+s13+$0x0], $0xffff;
	[tilespmem:s14+$0xFFFFFF70] =	vst v25;
	v10 =	vor.u32 v54, v10  }
0x548: {  	v27 =	vor.u32 v58, v17;
	v12 =	vor.u32 v43, v17;
	[tilespmem:s14+$0xFFFFF9F0] =	vst v20;
	v6 =	vld.idx.msk [tilespmem:v8+s13+$0x0], $0xffff  }
0x549: {  	v28 =	vor.u32 v26, v17;
	v32 =	vor.u32 v54, v17;
	v25 =	vor.u32 v55, v17;
	v17 =	vld.idx.msk [tilespmem:v21+s13+$0x0], $0xffff  }
0x54a: {  	[tilespmem:s14+$0xFFFFFA70] =	vst v22;
	v7 =	vld.idx.msk [tilespmem:v9+s13+$0x0], $0xffff  }
0x54b: {  	s8 =	simm.s32 $0x1A;
	v0 =	vld [tilespmem:$0x1FCA0]  }
0x54c: {  	s6 =	simm.s32 $0x18;
	s7 =	simm.s32 $0x19;
	v31 =	vmov s8;
	s8 =	simm.s32 $0x1C;
	v11 =	vor.u32 v55, v11;
	v8 =	vld.idx.msk [tilespmem:v10+s13+$0x0], $0xffff  }
0x54d: {  	v24 =	vmov s6;
	v59 =	vmov s8;
	s8 =	simm.s32 $0x1E;
	v26 =	vmov s7;
	s7 =	simm.s32 $0x1B;
	v10 =	vld.idx.msk [tilespmem:v12+s13+$0x0], $0xffff  }
0x54e: {  	v23 =	vshrl.u32 v31, $0x3;
	v4 =	vmov s8;
	v56 =	vmov s7;
	s7 =	simm.s32 $0x1D;
	v12 =	vld.idx.msk [tilespmem:v18+s13+$0x0], $0xffff  }
0x54f: {  	v29 =	vshrl.u32 v24, $0x3;
	v24 =	vshrl.u32 v26, $0x3;
	v61 =	vmov s7;
	v18 =	vld.idx.msk [tilespmem:v28+s13+$0x0], $0xffff  }
0x550: {  	v52 =	vmovc v35;
	v20 =	vshrl.u32 v61, $0x3;
	v22 =	vshrl.u32 v56, $0x3;
	v21 =	vshrl.u32 v59, $0x3;
	[tilespmem:s14+$0xFFFFFB70] =	vst v30;
	v19 =	vld.idx.msk [tilespmem:v32+s13+$0x0], $0xffff  }
0x551: {  	s3 =	sadd.s32 $0x2, s0;
	s6 =	simm.s32 $0x20;
	s7 =	simm.s32 $0x1F;
	v28 =	vor.u32 v62, v2;
	v9 =	vld.idx.msk [tilespmem:v11+s13+$0x0], $0xffff;
	v11 =	vor.u32 v44, v2;
	v26 =	vor.u32 v0, v2  }
.LBB2_7:
0x552: {  	_ = 	snop  }
0x553: {  	v58 =	vld [tilespmem:$0x1FEC0]  }
0x554: {  	v25 =	vld.idx.msk [tilespmem:v25+s13+$0x0], $0xffff  }
0x555: {  	v35 =	vld [tilespmem:$0x1FEB0]  }
0x556: {  	[tilespmem:s14+$0xFFFFFC80] =	vst v14;
	v14 =	vld.idx.msk [tilespmem:v11+s13+$0x0], $0xffff  }
0x557: {  	v34 =	vld [tilespmem:$0x1FE90]  }
0x558: {  	v0 =	vld [tilespmem:$0x1FEA0]  }
0x559: {  	v28 =	vld.idx.msk [tilespmem:v28+s13+$0x0], $0xffff  }
0x55a: {  	v50 =	vld [tilespmem:$0x1FCA0]  }
0x55b: {  	v54 =	vld [tilespmem:$0x1FCB0]  }
0x55c: {  	v36 =	vld [tilespmem:$0x1FCE0]  }
0x55d: {  	v59 =	vld [tilespmem:$0x1FD50]  }
0x55e: {  	v31 =	vshrl.u32 v4, $0x3;
	v4 =	vmov s7;
	v29 =	vshll.u32 v29, v39;
	v61 =	vld [tilespmem:$0x1FDC0];
	[tilespmem:s14+$0xFFFFFBF0] =	vst v16  }
0x55f: {  	v23 =	vshll.u32 v23, v39;
	v55 =	vld [tilespmem:$0x1FD60];
	v32 =	vshrl.u32 v4, $0x3;
	v4 =	vbroadcast v29, $0x0;
	[tilespmem:s14+$0xFFFFFD00] =	vst v13  }
0x560: {  	v21 =	vshll.u32 v21, v39;
	v20 =	vshll.u32 v20, v39;
	v11 =	vshll.u32 v32, v39;
	v32 =	vld [tilespmem:$0x1FE30];
	[tilespmem:s14+$0xFFFFFE00] =	vst v6  }
0x561: {  	v27 =	vld.idx.msk [tilespmem:v27+s13+$0x0], $0xffff;
	v11 =	vbroadcast v11, $0x0;
	v29 =	vor.u32 v52, v4;
	v6 =	vbroadcast v23, $0x0;
	[tilespmem:s14+$0xFFFFFF00] =	vst v8  }
0x562: {  	v13 =	vld.idx.msk [tilespmem:v26+s13+$0x0], $0xffff;
	v8 =	vbroadcast v21, $0x0;
	[tilespmem:s14+$0xFFFFFF80] =	vst v9;
	v9 =	vbroadcast v20, $0x0;
	v30 =	vor.u32 v58, v2  }
0x563: {  	v16 =	vor.u32 v35, v2;
	v26 =	vor.u32 v0, v2;
	v23 =	vor.u32 v0, v11;
	v0 =	vld [tilespmem:$0x1FE40]  }
0x564: {  	v20 =	vshll.u32 v31, v39;
	v33 =	vor.u32 v34, v2;
	v31 =	vor.u32 v58, v8;
	v58 =	vld [tilespmem:$0x1FF10]  }
0x565: {  	[tilespmem:s14+$0xFFFFF900] =	vst v12;
	v12 =	vor.u32 v35, v9;
	v35 =	vld [tilespmem:$0x1FE50]  }
0x566: {  	v24 =	vshll.u32 v24, v39;
	v29 =	vld.idx.msk [tilespmem:v29+s13+$0x0], $0xffff  }
0x567: {  	[tilespmem:s14+$0xFFFFFD80] =	vst v5;
	v5 =	vbroadcast v24, $0x0;
	v24 =	vld.idx.msk [tilespmem:v30+s13+$0x0], $0xffff  }
0x568: {  	v22 =	vshll.u32 v22, v39;
	[tilespmem:s14+$0xFFFFFE80] =	vst v7;
	v56 =	vor.u32 v50, v6;
	v16 =	vld.idx.msk [tilespmem:v16+s13+$0x0], $0xffff  }
0x569: {  	v7 =	vbroadcast v22, $0x0;
	[tilespmem:s14+$0xFFFFF880] =	vst v10;
	v22 =	vld.idx.msk [tilespmem:v33+s13+$0x0], $0xffff  }
0x56a: {  	[tilespmem:s14+$0xFFFFF980] =	vst v15;
	v21 =	vld.idx.msk [tilespmem:v26+s13+$0x0], $0xffff  }
0x56b: {  	[tilespmem:s14+$0xFFFFFA00] =	vst v17;
	v10 =	vbroadcast v20, $0x0;
	v20 =	vld.idx.msk [tilespmem:v23+s13+$0x0], $0xffff  }
0x56c: {  	v30 =	vor.u32 v44, v5;
	[tilespmem:s14+$0xFFFFFA80] =	vst v18;
	v33 =	vld [tilespmem:$0x1FE60]  }
0x56d: {  	v26 =	vor.u32 v62, v7;
	[tilespmem:s14+$0xFFFFFB00] =	vst v19;
	v17 =	vld.idx.msk [tilespmem:v56+s13+$0x0], $0xffff  }
0x56e: {  	v23 =	vor.u32 v34, v10;
	[tilespmem:s14+$0xFFFFFB80] =	vst v25;
	v31 =	vld.idx.msk [tilespmem:v31+s13+$0x0], $0xffff  }
0x56f: {  	v18 =	vor.u32 v37, v4;
	[tilespmem:s14+$0xFFFFFC00] =	vst v27;
	s14 =	sadd.s32 $0x800, s14;
	v12 =	vld.idx.msk [tilespmem:v12+s13+$0x0], $0xffff  }
0x570: {  	[tilespmem:s14+$0xFFFFF810] =	vst v3;
	v56 =	vld [tilespmem:$0x1FD10]  }
0x571: {  	v3 =	vor.u32 v58, v2;
	[tilespmem:s14+$0xFFFFF910] =	vst v13;
	v15 =	vld.idx.msk [tilespmem:v30+s13+$0x0], $0xffff  }
0x572: {  	v13 =	vor.u32 v59, v2;
	[tilespmem:s14+$0xFFFFF990] =	vst v28;
	v26 =	vld.idx.msk [tilespmem:v26+s13+$0x0], $0xffff  }
0x573: {  	[tilespmem:s14+$0xFFFFFC10] =	vst v29;
	v23 =	vld.idx.msk [tilespmem:v23+s13+$0x0], $0xffff  }
0x574: {  	v28 =	vor.u32 v61, v2;
	[tilespmem:s14+$0xFFFFFF90] =	vst v20;
	v18 =	vld.idx.msk [tilespmem:v18+s13+$0x0], $0xffff  }
0x575: {  	v25 =	vor.u32 v54, v6;
	v20 =	vor.u32 v58, v8;
	[tilespmem:s14+$0xFFFFFA10] =	vst v24;
	v58 =	vld [tilespmem:$0x1FE70]  }
0x576: {  	v30 =	vor.u32 v32, v11;
	[tilespmem:s14+$0xFFFFFA90] =	vst v16;
	v3 =	vld.idx.msk [tilespmem:v3+s13+$0x0], $0xffff  }
0x577: {  	[tilespmem:s14+$0xFFFFFB10] =	vst v22;
	v13 =	vld.idx.msk [tilespmem:v13+s13+$0x0], $0xffff  }
0x578: {  	v24 =	vor.u32 v32, v2;
	[tilespmem:s14+$0xFFFFFE90] =	vst v12;
	v12 =	vor.u32 v54, v2;
	v54 =	vld [tilespmem:$0x1FF80]  }
0x579: {  	[tilespmem:s14+$0xFFFFFD10] =	vst v17;
	v22 =	vld.idx.msk [tilespmem:v28+s13+$0x0], $0xffff  }
0x57a: {  	v25 =	vld.idx.msk [tilespmem:v25+s13+$0x0], $0xffff  }
0x57b: {  	v19 =	vor.u32 v45, v5;
	[tilespmem:s14+$0xFFFFFE10] =	vst v31;
	v29 =	vld.idx.msk [tilespmem:v30+s13+$0x0], $0xffff  }
0x57c: {  	v27 =	vor.u32 v36, v7;
	[tilespmem:s14+$0xFFFFFB90] =	vst v21;
	v20 =	vld.idx.msk [tilespmem:v20+s13+$0x0], $0xffff  }
0x57d: {  	[tilespmem:s14+$0xFFFFFC90] =	vst v15;
	v24 =	vld.idx.msk [tilespmem:v24+s13+$0x0], $0xffff  }
0x57e: {  	v15 =	vor.u32 v59, v9;
	[tilespmem:s14+$0xFFFFFD90] =	vst v26;
	v26 =	vor.u32 v61, v10;
	v61 =	vld [tilespmem:$0x1FDD0]  }
0x57f: {  	v59 =	vld [tilespmem:$0x1FBF0]  }
0x580: {  	v30 =	vor.u32 v37, v2;
	v19 =	vld.idx.msk [tilespmem:v19+s13+$0x0], $0xffff  }
0x581: {  	v31 =	vor.u32 v45, v2;
	v27 =	vld.idx.msk [tilespmem:v27+s13+$0x0], $0xffff  }
0x582: {  	v12 =	vld.idx.msk [tilespmem:v12+s13+$0x0], $0xffff  }
0x583: {  	v17 =	vor.u32 v0, v11;
	[tilespmem:s14+$0xFFFFFF10] =	vst v23;
	v15 =	vld.idx.msk [tilespmem:v15+s13+$0x0], $0xffff  }
0x584: {  	[tilespmem:s14+$0xFFFFF890] =	vst v14;
	v16 =	vor.u32 v46, v5;
	v23 =	vld.idx.msk [tilespmem:v26+s13+$0x0], $0xffff  }
0x585: {  	[tilespmem:s14+$0xFFFFFFA0] =	vst v29;
	v29 =	vor.u32 v36, v2;
	v26 =	vld.idx.msk [tilespmem:v30+s13+$0x0], $0xffff  }
0x586: {  	v30 =	vld.idx.msk [tilespmem:v31+s13+$0x0], $0xffff;
	v31 =	vor.u32 v38, v4  }
0x587: {  	v36 =	vld [tilespmem:$0x1FCF0];
	[tilespmem:s14+$0xFFFFFE20] =	vst v20;
	v20 =	vor.u32 v54, v2  }
0x588: {  	v17 =	vld.idx.msk [tilespmem:v17+s13+$0x0], $0xffff;
	[tilespmem:s14+$0xFFFFFCA0] =	vst v19  }
0x589: {  	v16 =	vld.idx.msk [tilespmem:v16+s13+$0x0], $0xffff  }
0x58a: {  	[tilespmem:s14+$0xFFFFFC20] =	vst v18;
	v29 =	vld.idx.msk [tilespmem:v29+s13+$0x0], $0xffff  }
0x58b: {  	v19 =	vor.u32 v56, v8;
	[tilespmem:s14+$0xFFFFF920] =	vst v12;
	v28 =	vld.idx.msk [tilespmem:v31+s13+$0x0], $0xffff  }
0x58c: {  	[tilespmem:s14+$0xFFFFFD20] =	vst v25;
	v25 =	vor.u32 v55, v9;
	v20 =	vld.idx.msk [tilespmem:v20+s13+$0x0], $0xffff  }
0x58d: {  	[tilespmem:s14+$0xFFFFFDA0] =	vst v27;
	v27 =	vor.u32 v46, v2;
	v12 =	vor.u32 v61, v2;
	v31 =	vor.u32 v61, v10;
	v61 =	vld [tilespmem:$0x1FF20]  }
0x58e: {  	[tilespmem:s14+$0xFFFFF8A0] =	vst v30;
	v30 =	vor.u32 v56, v2;
	v56 =	vld [tilespmem:$0x1FDE0]  }
0x58f: {  	v18 =	vor.u32 v36, v7;
	[tilespmem:s14+$0xFFFFFF20] =	vst v23;
	v23 =	vor.u32 v36, v2;
	v36 =	vld [tilespmem:$0x1FF60]  }
0x590: {  	v14 =	vor.u32 v35, v11;
	[tilespmem:s14+$0xFFFFFEA0] =	vst v15;
	v19 =	vld.idx.msk [tilespmem:v19+s13+$0x0], $0xffff  }
0x591: {  	[tilespmem:s14+$0xFFFFFB20] =	vst v22;
	v22 =	vor.u32 v47, v5;
	v25 =	vld.idx.msk [tilespmem:v25+s13+$0x0], $0xffff  }
0x592: {  	v27 =	vld.idx.msk [tilespmem:v27+s13+$0x0], $0xffff  }
0x593: {  	v12 =	vld.idx.msk [tilespmem:v12+s13+$0x0], $0xffff  }
0x594: {  	[tilespmem:s14+$0xFFFFFFB0] =	vst v17;
	v17 =	vor.u32 v54, v6;
	v54 =	vld [tilespmem:$0x1FF70]  }
0x595: {  	v14 =	vld.idx.msk [tilespmem:v14+s13+$0x0], $0xffff;
	[tilespmem:s14+$0xFFFFFCB0] =	vst v16  }
0x596: {  	[tilespmem:s14+$0xFFFFFA20] =	vst v3;
	v22 =	vld.idx.msk [tilespmem:v22+s13+$0x0], $0xffff  }
0x597: {  	[tilespmem:s14+$0xFFFFFAA0] =	vst v13;
	v18 =	vld.idx.msk [tilespmem:v18+s13+$0x0], $0xffff  }
0x598: {  	v13 =	vor.u32 v63, v4;
	[tilespmem:s14+$0xFFFFF820] =	vst v26;
	v26 =	vld.idx.msk [tilespmem:v31+s13+$0x0], $0xffff  }
0x599: {  	v21 =	vor.u32 v33, v11;
	[tilespmem:s14+$0xFFFFF9A0] =	vst v29;
	v29 =	vld.idx.msk [tilespmem:v30+s13+$0x0], $0xffff  }
0x59a: {  	v31 =	vor.u32 v55, v2;
	[tilespmem:s14+$0xFFFFFC30] =	vst v28;
	v55 =	vld [tilespmem:$0x1FD70]  }
0x59b: {  	v17 =	vld.idx.msk [tilespmem:v17+s13+$0x0], $0xffff;
	[tilespmem:s14+$0xFFFFFE30] =	vst v19  }
0x59c: {  	v23 =	vld.idx.msk [tilespmem:v23+s13+$0x0], $0xffff;
	v19 =	vor.u32 v47, v2;
	[tilespmem:s14+$0xFFFFFEB0] =	vst v25  }
0x59d: {  	v13 =	vld.idx.msk [tilespmem:v13+s13+$0x0], $0xffff;
	v25 =	vor.u32 v60, v2;
	[tilespmem:s14+$0xFFFFFFC0] =	vst v14  }
0x59e: {  	[tilespmem:s14+$0xFFFFFBA0] =	vst v24;
	v21 =	vld.idx.msk [tilespmem:v21+s13+$0x0], $0xffff  }
0x59f: {  	[tilespmem:s14+$0xFFFFF930] =	vst v20;
	v14 =	vor.u32 v38, v2;
	v30 =	vld.idx.msk [tilespmem:v31+s13+$0x0], $0xffff  }
0x5a0: {  	v24 =	vor.u32 v60, v6;
	[tilespmem:s14+$0xFFFFF8B0] =	vst v27;
	v16 =	vor.u32 v55, v9;
	v20 =	vor.u32 v55, v2;
	v55 =	vld [tilespmem:$0x1FED0]  }
0x5a1: {  	v19 =	vld.idx.msk [tilespmem:v19+s13+$0x0], $0xffff  }
0x5a2: {  	v15 =	vor.u32 v58, v11;
	[tilespmem:s14+$0xFFFFFDB0] =	vst v18;
	v25 =	vld.idx.msk [tilespmem:v25+s13+$0x0], $0xffff  }
0x5a3: {  	v31 =	vor.u32 v54, v7;
	v18 =	vor.u32 v56, v10;
	[tilespmem:s14+$0xFFFFF9B0] =	vst v23;
	v23 =	vor.u32 v56, v2;
	v56 =	vld [tilespmem:$0x1FD80]  }
0x5a4: {  	[tilespmem:s14+$0xFFFFFD30] =	vst v17;
	v14 =	vld.idx.msk [tilespmem:v14+s13+$0x0], $0xffff  }
0x5a5: {  	v24 =	vld.idx.msk [tilespmem:v24+s13+$0x0], $0xffff  }
0x5a6: {  	[tilespmem:s14+$0xFFFFFFD0] =	vst v21;
	v21 =	vor.u32 v0, v2;
	v0 =	vld [tilespmem:$0x1FE80]  }
0x5a7: {  	[tilespmem:s14+$0xFFFFFB30] =	vst v12;
	v15 =	vld.idx.msk [tilespmem:v15+s13+$0x0], $0xffff  }
0x5a8: {  	[tilespmem:s14+$0xFFFFFCC0] =	vst v22;
	v31 =	vld.idx.msk [tilespmem:v31+s13+$0x0], $0xffff  }
0x5a9: {  	[tilespmem:s14+$0xFFFFFF30] =	vst v26;
	v16 =	vld.idx.msk [tilespmem:v16+s13+$0x0], $0xffff  }
0x5aa: {  	v28 =	vor.u32 v63, v2;
	v18 =	vld.idx.msk [tilespmem:v18+s13+$0x0], $0xffff;
	[tilespmem:s14+$0xFFFFFAB0] =	vst v30  }
0x5ab: {  	[tilespmem:s14+$0xFFFFFC40] =	vst v13;
	v20 =	vld.idx.msk [tilespmem:v20+s13+$0x0], $0xffff  }
0x5ac: {  	v23 =	vld.idx.msk [tilespmem:v23+s13+$0x0], $0xffff;
	v22 =	vor.u32 v56, v9;
	[tilespmem:s14+$0xFFFFF8C0] =	vst v19  }
0x5ad: {  	v19 =	vor.u32 v56, v2;
	v56 =	vld [tilespmem:$0x1FD90];
	[tilespmem:s14+$0xFFFFF830] =	vst v14;
	v3 =	vor.u32 v0, v11  }
0x5ae: {  	v14 =	vor.u32 v61, v2;
	v21 =	vld.idx.msk [tilespmem:v21+s13+$0x0], $0xffff;
	[tilespmem:s14+$0xFFFFFFE0] =	vst v15  }
0x5af: {  	v28 =	vld.idx.msk [tilespmem:v28+s13+$0x0], $0xffff;
	[tilespmem:s14+$0xFFFFFEC0] =	vst v16  }
0x5b0: {  	v13 =	vor.u32 v55, v8;
	v15 =	vor.u32 v61, v8;
	[tilespmem:s14+$0xFFFFFF40] =	vst v18;
	v18 =	vor.u32 v55, v2;
	v55 =	vld [tilespmem:$0x1FEE0]  }
0x5b1: {  	[tilespmem:s14+$0xFFFFFA30] =	vst v29;
	v22 =	vld.idx.msk [tilespmem:v22+s13+$0x0], $0xffff  }
0x5b2: {  	[tilespmem:s14+$0xFFFFFAC0] =	vst v20;
	v3 =	vld.idx.msk [tilespmem:v3+s13+$0x0], $0xffff  }
0x5b3: {  	v17 =	vor.u32 v59, v11;
	v11 =	vmov s6;
	v14 =	vld.idx.msk [tilespmem:v14+s13+$0x0], $0xffff;
	[tilespmem:s14+$0xFFFFFBB0] =	vst v21;
	v21 =	vor.u32 v36, v7  }
0x5b4: {  	v11 =	vshrl.u32 v11, $0x3;
	v19 =	vld.idx.msk [tilespmem:v19+s13+$0x0], $0xffff  }
0x5b5: {  	v11 =	vshll.u32 v11, v39;
	v15 =	vld.idx.msk [tilespmem:v15+s13+$0x0], $0xffff  }
0x5b6: {  	[tilespmem:s14+$0xFFFFFDC0] =	vst v31;
	v16 =	vor.u32 v36, v2;
	v11 =	vbroadcast v11, $0x0;
	v36 =	vld [tilespmem:$0x1FC80]  }
0x5b7: {  	[tilespmem:s14+$0xFFFFFFF0] =	vst v3;
	v3 =	vor.u32 v54, v2;
	v54 =	vld [tilespmem:$0x1FCC0]  }
0x5b8: {  	v26 =	vor.u32 v52, v11;
	[tilespmem:s14+$0xFFFFFA40] =	vst v14;
	v21 =	vld.idx.msk [tilespmem:v21+s13+$0x0], $0xffff  }
0x5b9: {  	v29 =	vor.u32 v35, v2;
	v18 =	vld.idx.msk [tilespmem:v18+s13+$0x0], $0xffff  }
0x5ba: {  	v61 =	vor.u32 v40, v4;
	v17 =	vld.idx.msk [tilespmem:v17+s13+$0x0], $0xffff;
	[tilespmem:s14+$0xFFFFFE40] =	vst v15  }
0x5bb: {  	v13 =	vld.idx.msk [tilespmem:v13+s13+$0x0], $0xffff  }
0x5bc: {  	v27 =	vld.idx.msk [tilespmem:v3+s13+$0x0], $0xffff  }
0x5bd: {  	v30 =	vor.u32 v40, v2;
	v3 =	vld.idx.msk [tilespmem:v26+s13+$0x0], $0xffff  }
0x5be: {  	v31 =	vor.u32 v48, v2;
	v26 =	vld.idx.msk [tilespmem:v29+s13+$0x0], $0xffff  }
0x5bf: {  	v12 =	vor.u32 v54, v6;
	v29 =	vld.idx.msk [tilespmem:v61+s13+$0x0], $0xffff  }
0x5c0: {  	v61 =	vld [tilespmem:$0x1FDF0];
	v15 =	vor.u32 v54, v2  }
0x5c1: {  	[tilespmem:s14+$0xFFFFF840] =	vst v28;
	v54 =	vld [tilespmem:$0x1FD00]  }
0x5c2: {  	[tilespmem:s14+$0xFFFFFD40] =	vst v24;
	v28 =	vld.idx.msk [tilespmem:v30+s13+$0x0], $0xffff  }
0x5c3: {  	[tilespmem:s14+$0x0] =	vst v17;
	v17 =	vor.u32 v48, v5;
	v30 =	vld.idx.msk [tilespmem:v31+s13+$0x0], $0xffff  }
0x5c4: {  	[tilespmem:s14+$0xFFFFF940] =	vst v25;
	v12 =	vld.idx.msk [tilespmem:v12+s13+$0x0], $0xffff  }
0x5c5: {  	[tilespmem:s14+$0xFFFFFED0] =	vst v22;
	v14 =	vor.u32 v41, v4;
	v15 =	vld.idx.msk [tilespmem:v15+s13+$0x0], $0xffff  }
0x5c6: {  	[tilespmem:s14+$0xFFFFFDD0] =	vst v21;
	v31 =	vor.u32 v41, v2;
	v24 =	vor.u32 v61, v10;
	v25 =	vor.u32 v61, v2;
	v61 =	vld [tilespmem:$0x1FE00]  }
0x5c7: {  	v21 =	vor.u32 v49, v2;
	[tilespmem:s14+$0xFFFFFBC0] =	vst v26;
	v26 =	vor.u32 v54, v7;
	v22 =	vor.u32 v54, v2;
	v54 =	vld [tilespmem:$0x1FF00]  }
0x5c8: {  	[tilespmem:s14+$0xFFFFF9C0] =	vst v27;
	v17 =	vld.idx.msk [tilespmem:v17+s13+$0x0], $0xffff  }
0x5c9: {  	[tilespmem:s14+$0xFFFFFC50] =	vst v29;
	v16 =	vld.idx.msk [tilespmem:v16+s13+$0x0], $0xffff  }
0x5ca: {  	v27 =	vor.u32 v33, v2;
	v14 =	vld.idx.msk [tilespmem:v14+s13+$0x0], $0xffff;
	[tilespmem:s14+$0xFFFFF850] =	vst v28  }
0x5cb: {  	[tilespmem:s14+$0xFFFFF8D0] =	vst v30;
	v28 =	vld.idx.msk [tilespmem:v31+s13+$0x0], $0xffff  }
0x5cc: {  	v29 =	vor.u32 v55, v8;
	v21 =	vld.idx.msk [tilespmem:v21+s13+$0x0], $0xffff  }
0x5cd: {  	[tilespmem:s14+$0xFFFFFB40] =	vst v23;
	v24 =	vld.idx.msk [tilespmem:v24+s13+$0x0], $0xffff  }
0x5ce: {  	v23 =	vor.u32 v57, v6;
	v25 =	vld.idx.msk [tilespmem:v25+s13+$0x0], $0xffff  }
0x5cf: {  	[tilespmem:s14+$0xFFFFFE50] =	vst v13;
	v13 =	vor.u32 v57, v2;
	v27 =	vld.idx.msk [tilespmem:v27+s13+$0x0], $0xffff  }
0x5d0: {  	v30 =	vor.u32 v56, v2;
	v26 =	vld.idx.msk [tilespmem:v26+s13+$0x0], $0xffff  }
0x5d1: {  	[tilespmem:s14+$0xFFFFFD50] =	vst v12;
	v29 =	vld.idx.msk [tilespmem:v29+s13+$0x0], $0xffff  }
0x5d2: {  	v20 =	vor.u32 v49, v5;
	v12 =	vor.u32 v61, v10;
	[tilespmem:s14+$0xFFFFF950] =	vst v15;
	v15 =	vor.u32 v61, v2;
	v61 =	vld [tilespmem:$0x1FE10]  }
0x5d3: {  	[tilespmem:s14+$0xFFFFFAD0] =	vst v19;
	v23 =	vld.idx.msk [tilespmem:v23+s13+$0x0], $0xffff  }
0x5d4: {  	[tilespmem:s14+$0xFFFFFA50] =	vst v18;
	v18 =	vor.u32 v42, v4;
	v13 =	vld.idx.msk [tilespmem:v13+s13+$0x0], $0xffff  }
0x5d5: {  	v30 =	vld.idx.msk [tilespmem:v30+s13+$0x0], $0xffff  }
0x5d6: {  	[tilespmem:s14+$0xFFFFFCD0] =	vst v17;
	v17 =	vor.u32 v56, v9;
	v56 =	vld [tilespmem:$0x1FDA0]  }
0x5d7: {  	[tilespmem:s14+$0xFFFFF9D0] =	vst v16;
	v20 =	vld.idx.msk [tilespmem:v20+s13+$0x0], $0xffff  }
0x5d8: {  	[tilespmem:s14+$0xFFFFFC60] =	vst v14;
	v22 =	vld.idx.msk [tilespmem:v22+s13+$0x0], $0xffff  }
0x5d9: {  	v16 =	vor.u32 v58, v2;
	v18 =	vld.idx.msk [tilespmem:v18+s13+$0x0], $0xffff;
	[tilespmem:s14+$0xFFFFF8E0] =	vst v21  }
0x5da: {  	[tilespmem:s14+$0xFFFFFF50] =	vst v24;
	v24 =	vor.u32 v55, v2;
	v55 =	vld [tilespmem:$0x1FD30]  }
0x5db: {  	v19 =	vor.u32 v36, v5;
	[tilespmem:s14+$0xFFFFFB50] =	vst v25;
	v17 =	vld.idx.msk [tilespmem:v17+s13+$0x0], $0xffff  }
0x5dc: {  	[tilespmem:s14+$0xFFFFFBD0] =	vst v27;
	v12 =	vld.idx.msk [tilespmem:v12+s13+$0x0], $0xffff  }
0x5dd: {  	v25 =	vor.u32 v53, v6;
	[tilespmem:s14+$0xFFFFFDE0] =	vst v26;
	v15 =	vld.idx.msk [tilespmem:v15+s13+$0x0], $0xffff  }
0x5de: {  	v27 =	vor.u32 v54, v7;
	v16 =	vld.idx.msk [tilespmem:v16+s13+$0x0], $0xffff;
	[tilespmem:s14+$0xFFFFFCE0] =	vst v20  }
0x5df: {  	v26 =	vor.u32 v36, v2;
	[tilespmem:s14+$0xFFFFF9E0] =	vst v22;
	v22 =	vor.u32 v0, v2;
	v0 =	vld [tilespmem:$0x1FD40]  }
0x5e0: {  	[tilespmem:s14+$0xFFFFFE60] =	vst v29;
	v29 =	vor.u32 v53, v2;
	v19 =	vld.idx.msk [tilespmem:v19+s13+$0x0], $0xffff  }
0x5e1: {  	[tilespmem:s14+$0xFFFFFD60] =	vst v23;
	v21 =	vor.u32 v56, v2;
	v24 =	vld.idx.msk [tilespmem:v24+s13+$0x0], $0xffff  }
0x5e2: {  	v20 =	vor.u32 v56, v9;
	v25 =	vld.idx.msk [tilespmem:v25+s13+$0x0], $0xffff  }
0x5e3: {  	[tilespmem:s14+$0xFFFFF860] =	vst v28;
	v23 =	vor.u32 v61, v10;
	v27 =	vld.idx.msk [tilespmem:v27+s13+$0x0], $0xffff  }
0x5e4: {  	v31 =	vor.u32 v42, v2;
	[tilespmem:s14+$0xFFFFF960] =	vst v13;
	v26 =	vld.idx.msk [tilespmem:v26+s13+$0x0], $0xffff  }
0x5e5: {  	v13 =	vor.u32 v61, v2;
	[tilespmem:s14+$0xFFFFFAE0] =	vst v30;
	v28 =	vld.idx.msk [tilespmem:v29+s13+$0x0], $0xffff  }
0x5e6: {  	[tilespmem:s14+$0xFFFFFEE0] =	vst v17;
	v21 =	vld.idx.msk [tilespmem:v21+s13+$0x0], $0xffff  }
0x5e7: {  	v14 =	vor.u32 v55, v8;
	[tilespmem:s14+$0xFFFFFF60] =	vst v12;
	v17 =	vld.idx.msk [tilespmem:v20+s13+$0x0], $0xffff  }
0x5e8: {  	v20 =	vld.idx.msk [tilespmem:v23+s13+$0x0], $0xffff  }
0x5e9: {  	v5 =	vor.u32 v51, v5;
	[tilespmem:s14+$0xFFFFFB60] =	vst v15;
	v23 =	vld.idx.msk [tilespmem:v31+s13+$0x0], $0xffff  }
0x5ea: {  	[tilespmem:s14+$0xFFFFFBE0] =	vst v16;
	v30 =	vld.idx.msk [tilespmem:v13+s13+$0x0], $0xffff  }
0x5eb: {  	v16 =	vld.idx.msk [tilespmem:v22+s13+$0x0], $0xffff  }
0x5ec: {  	v12 =	vor.u32 v55, v2;
	v36 =	vld.idx.msk [tilespmem:v14+s13+$0x0], $0xffff  }
0x5ed: {  	v6 =	vor.u32 v1, v6;
	[tilespmem:s14+$0xFFFFFCF0] =	vst v19;
	v14 =	vor.u32 v54, v2;
	v54 =	vld [tilespmem:$0x1FEF0]  }
0x5ee: {  	v13 =	vld.idx.msk [tilespmem:v5+s13+$0x0], $0xffff  }
0x5ef: {  	v4 =	vor.u32 v43, v4;
	[tilespmem:s14+$0xFFFFFA60] =	vst v24;
	v24 =	vld [tilespmem:$0x1FDB0]  }
0x5f0: {  	v15 =	vor.u32 v1, v2;
	[tilespmem:s14+$0xFFFFFD70] =	vst v25;
	v25 =	vld [tilespmem:$0x1FE20]  }
0x5f1: {  	v31 =	vld.idx.msk [tilespmem:v12+s13+$0x0], $0xffff;
	v12 =	vor.u32 v51, v2  }
0x5f2: {  	[tilespmem:s14+$0xFFFFFC70] =	vst v18;
	v5 =	vld.idx.msk [tilespmem:v6+s13+$0x0], $0xffff;
	v7 =	vor.u32 v54, v7  }
0x5f3: {  	v8 =	vor.u32 v0, v8;
	[tilespmem:s14+$0xFFFFFDF0] =	vst v27;
	v29 =	vld.idx.msk [tilespmem:v14+s13+$0x0], $0xffff  }
0x5f4: {  	[tilespmem:s14+$0xFFFFF970] =	vst v28;
	v14 =	vld.idx.msk [tilespmem:v4+s13+$0x0], $0xffff;
	v4 =	vor.u32 v24, v9  }
0x5f5: {  	[tilespmem:s14+$0xFFFFF8F0] =	vst v26;
	v15 =	vld.idx.msk [tilespmem:v15+s13+$0x0], $0xffff;
	v9 =	vor.u32 v25, v10  }
0x5f6: {  	[tilespmem:s14+$0xFFFFFAF0] =	vst v21;
	v10 =	vor.u32 v43, v2;
	v12 =	vld.idx.msk [tilespmem:v12+s13+$0x0], $0xffff  }
0x5f7: {  	s8 =	sadd.s32 $0x8, s6;
	v19 =	vor.u32 v0, v2;
	[tilespmem:s14+$0xFFFFFE70] =	vst v36;
	v6 =	vld.idx.msk [tilespmem:v7+s13+$0x0], $0xffff  }
0x5f8: {  	s7 =	sadd.s32 $0x9, s6;
	v18 =	vmov s8;
	s8 =	sadd.s32 $0xA, s6;
	[tilespmem:s14+$0xFFFFFEF0] =	vst v17;
	v55 =	vor.u32 v24, v2;
	v7 =	vld.idx.msk [tilespmem:v8+s13+$0x0], $0xffff  }
0x5f9: {  	p2 =	slt.u32 s6, $0x30;
	v22 =	vmov s8;
	s8 =	sadd.s32 $0xC, s6;
	[tilespmem:s14+$0xFFFFFF70] =	vst v20;
	v20 =	vmov s7;
	s7 =	sadd.s32 $0xB, s6;
	v17 =	vor.u32 v54, v2;
	v8 =	vld.idx.msk [tilespmem:v4+s13+$0x0], $0xffff  }
.Ltmp4:
0x5fa: {  	v58 =	vmov s8;
	v27 =	vor.u32 v59, v2;
	[tilespmem:s14+$0xFFFFF870] =	vst v23;
	v56 =	vmov s7;
	s7 =	sadd.s32 $0xD, s6;
	v9 =	vld.idx.msk [tilespmem:v9+s13+$0x0], $0xffff;
	(pc) =	sbr.rel @p2 .LBB2_7-.Ltmp4, $4  }
0x5fb: {  	v21 =	vshrl.u32 v58, $0x3;
	v23 =	vshrl.u32 v22, $0x3;
	v61 =	vmov s7;
	[tilespmem:s14+$0xFFFFFA70] =	vst v31;
	v10 =	vld.idx.msk [tilespmem:v10+s13+$0x0], $0xffff  }
0x5fc: {  	v22 =	vshrl.u32 v56, $0x3;
	v25 =	vor.u32 v25, v2;
	v2 =	vmovc v11;
	[tilespmem:s14+$0xFFFFF9F0] =	vst v29;
	v29 =	vshrl.u32 v18, $0x3;
	v18 =	vld.idx.msk [tilespmem:v19+s13+$0x0], $0xffff  }
0x5fd: {  	s8 =	sadd.s32 $0xE, s6;
	v24 =	vshrl.u32 v20, $0x3;
	v20 =	vshrl.u32 v61, $0x3;
	v11 =	vor.u32 v44, v2;
	v19 =	vld.idx.msk [tilespmem:v55+s13+$0x0], $0xffff  }
0x5fe: {  	[tilespmem:s14+$0xFFFFFB70] =	vst v30;
	s7 =	sadd.s32 $0xF, s6;
	s6 =	sadd.s32 $0x10, s6;
	v26 =	vor.u32 v50, v2;
	v28 =	vor.u32 v62, v2;
	v4 =	vmov s8;
	v17 =	vld.idx.msk [tilespmem:v17+s13+$0x0], $0xffff  }
0x5ff: {  	v34 =	vld [tilespmem:$0x1FEC0];
	[tilespmem:s14+$0xFFFFFBF0] =	vst v16  }
0x600: {  	v33 =	vld [tilespmem:$0x1FEB0];
	[tilespmem:s14+$0xFFFFFC80] =	vst v14  }
0x601: {  	[tilespmem:s14+$0xFFFFFD00] =	vst v13  }
0x602: {  	v35 =	vld [tilespmem:$0x1FE90];
	[tilespmem:s14+$0xFFFFFD80] =	vst v5  }
0x603: {  	v0 =	vld [tilespmem:$0x1FEA0]  }
0x604: {  	v29 =	vshll.u32 v29, v39;
	v14 =	vmov s7;
	[tilespmem:s14+$0xFFFFFE00] =	vst v6  }
0x605: {  	v31 =	vld.idx.msk [tilespmem:v11+s13+$0x0], $0xffff;
	v13 =	vbroadcast v29, $0x0;
	v11 =	vshrl.u32 v14, $0x3;
	[tilespmem:s14+$0xFFFFFE80] =	vst v7  }
0x606: {  	v5 =	vshll.u32 v11, v39;
	[tilespmem:s14+$0xFFFFFF00] =	vst v8  }
0x607: {  	v29 =	vor.u32 v52, v13;
	[tilespmem:s14+$0xFFFFFF80] =	vst v9;
	v11 =	vbroadcast v5, $0x0  }
0x608: {  	v14 =	vld.idx.msk [tilespmem:v26+s13+$0x0], $0xffff;
	[tilespmem:s14+$0xFFFFF880] =	vst v10;
	v26 =	vor.u32 v0, v2  }
0x609: {  	v6 =	vshll.u32 v23, v39;
	v23 =	vor.u32 v0, v11;
	v0 =	vld [tilespmem:$0x1FCA0]  }
0x60a: {  	v5 =	vshll.u32 v24, v39;
	[tilespmem:s14+$0xFFFFF900] =	vst v12  }
0x60b: {  	v25 =	vld.idx.msk [tilespmem:v25+s13+$0x0], $0xffff;
	v5 =	vbroadcast v5, $0x0;
	[tilespmem:s14+$0xFFFFF980] =	vst v15  }
0x60c: {  	v8 =	vshll.u32 v21, v39;
	v6 =	vbroadcast v6, $0x0;
	v21 =	vld.idx.msk [tilespmem:v29+s13+$0x0], $0xffff;
	[tilespmem:s14+$0xFFFFFA00] =	vst v17  }
0x60d: {  	v7 =	vshll.u32 v22, v39;
	[tilespmem:s14+$0xFFFFFA80] =	vst v18;
	v22 =	vld.idx.msk [tilespmem:v26+s13+$0x0], $0xffff;
	v26 =	vor.u32 v44, v5  }
0x60e: {  	v7 =	vbroadcast v7, $0x0;
	v36 =	vld [tilespmem:$0x1FE30];
	v29 =	vor.u32 v0, v6  }
0x60f: {  	v27 =	vld.idx.msk [tilespmem:v27+s13+$0x0], $0xffff;
	v9 =	vshll.u32 v20, v39;
	v8 =	vbroadcast v8, $0x0  }
0x610: {  	v4 =	vshrl.u32 v4, $0x3;
	v9 =	vbroadcast v9, $0x0;
	v12 =	vor.u32 v62, v7  }
0x611: {  	v4 =	vshll.u32 v4, v39;
	v15 =	vor.u32 v34, v8;
	v20 =	vld.idx.msk [tilespmem:v23+s13+$0x0], $0xffff  }
0x612: {  	v10 =	vbroadcast v4, $0x0;
	v4 =	vor.u32 v33, v9;
	[tilespmem:s14+$0xFFFFFB00] =	vst v19;
	v17 =	vld.idx.msk [tilespmem:v26+s13+$0x0], $0xffff  }
0x613: {  	[tilespmem:s14+$0xFFFFFB80] =	vst v25;
	v18 =	vor.u32 v36, v11;
	v23 =	vld.idx.msk [tilespmem:v29+s13+$0x0], $0xffff  }
0x614: {  	s6 =	sadd.s32 $0x800, s14;
	[tilespmem:s14+$0xFFFFFC00] =	vst v27  }
0x615: {  	v19 =	vor.u32 v35, v10;
	v12 =	vld.idx.msk [tilespmem:v12+s13+$0x0], $0xffff;
	[tilespmem:s6+$0xFFFFFC10] =	vst v21  }
0x616: {  	v15 =	vld.idx.msk [tilespmem:v15+s13+$0x0], $0xffff;
	[tilespmem:s6+$0xFFFFFF90] =	vst v20  }
0x617: {  	v4 =	vld.idx.msk [tilespmem:v4+s13+$0x0], $0xffff;
	[tilespmem:s6+$0xFFFFFC90] =	vst v17  }
0x618: {  	v30 =	vor.u32 v34, v2;
	v18 =	vld.idx.msk [tilespmem:v18+s13+$0x0], $0xffff;
	[tilespmem:s6+$0xFFFFFD10] =	vst v23  }
0x619: {  	v16 =	vor.u32 v33, v2;
	v25 =	vld [tilespmem:$0x1FE40]  }
0x61a: {  	v32 =	vor.u32 v35, v2;
	v17 =	vld.idx.msk [tilespmem:v19+s13+$0x0], $0xffff;
	[tilespmem:s6+$0xFFFFFD90] =	vst v12  }
0x61b: {  	[tilespmem:s6+$0xFFFFFE10] =	vst v15  }
0x61c: {  	v28 =	vld.idx.msk [tilespmem:v28+s13+$0x0], $0xffff;
	[tilespmem:s6+$0xFFFFFE90] =	vst v4  }
0x61d: {  	v30 =	vld.idx.msk [tilespmem:v30+s13+$0x0], $0xffff;
	[tilespmem:s6+$0xFFFFFFA0] =	vst v18  }
0x61e: {  	v16 =	vld.idx.msk [tilespmem:v16+s13+$0x0], $0xffff;
	[tilespmem:s6+$0xFFFFF810] =	vst v3;
	v19 =	vor.u32 v25, v11  }
0x61f: {  	v24 =	vld.idx.msk [tilespmem:v32+s13+$0x0], $0xffff;
	[tilespmem:s6+$0xFFFFFF10] =	vst v17  }
0x620: {  	v23 =	vld [tilespmem:$0x1FCB0];
	[tilespmem:s6+$0xFFFFF890] =	vst v31  }
0x621: {  	v27 =	vld [tilespmem:$0x1FE50];
	[tilespmem:s6+$0xFFFFF910] =	vst v14  }
0x622: {  	v4 =	vor.u32 v37, v13;
	v29 =	vld [tilespmem:$0x1FCE0]  }
0x623: {  	v12 =	vor.u32 v45, v5;
	[tilespmem:s6+$0xFFFFF990] =	vst v28;
	v15 =	vld.idx.msk [tilespmem:v19+s13+$0x0], $0xffff  }
0x624: {  	v34 =	vld [tilespmem:$0x1FF10];
	[tilespmem:s6+$0xFFFFFA10] =	vst v30  }
0x625: {  	v50 =	vld [tilespmem:$0x1FD50];
	v3 =	vor.u32 v23, v6  }
0x626: {  	v17 =	vor.u32 v27, v11  }
0x627: {  	v4 =	vld.idx.msk [tilespmem:v4+s13+$0x0], $0xffff  }
0x628: {  	v12 =	vld.idx.msk [tilespmem:v12+s13+$0x0], $0xffff;
	v14 =	vor.u32 v29, v7;
	[tilespmem:s6+$0xFFFFFFB0] =	vst v15  }
0x629: {  	v32 =	vmov v35;
	v18 =	vor.u32 v34, v8;
	v35 =	vld [tilespmem:$0x1FDC0];
	[tilespmem:s6+$0xFFFFFA90] =	vst v16  }
0x62a: {  	v19 =	vor.u32 v50, v9;
	v3 =	vld.idx.msk [tilespmem:v3+s13+$0x0], $0xffff;
	[tilespmem:s6+$0xFFFFFB10] =	vst v24  }
0x62b: {  	v16 =	vor.u32 v37, v2;
	v17 =	vld.idx.msk [tilespmem:v17+s13+$0x0], $0xffff;
	[tilespmem:s6+$0xFFFFFB90] =	vst v22  }
0x62c: {  	v20 =	vor.u32 v45, v2;
	v24 =	vld [tilespmem:$0x1FE60]  }
0x62d: {  	v14 =	vld.idx.msk [tilespmem:v14+s13+$0x0], $0xffff;
	[tilespmem:s6+$0xFFFFFC20] =	vst v4;
	v4 =	vor.u32 v23, v2  }
0x62e: {  	[tilespmem:s6+$0xFFFFFCA0] =	vst v12;
	v12 =	vor.u32 v29, v2;
	v18 =	vld.idx.msk [tilespmem:v18+s13+$0x0], $0xffff  }
0x62f: {  	v19 =	vld.idx.msk [tilespmem:v19+s13+$0x0], $0xffff;
	v15 =	vor.u32 v35, v10  }
0x630: {  	[tilespmem:s6+$0xFFFFFD20] =	vst v3;
	v16 =	vld.idx.msk [tilespmem:v16+s13+$0x0], $0xffff  }
0x631: {  	[tilespmem:s6+$0xFFFFFFC0] =	vst v17;
	v17 =	vld.idx.msk [tilespmem:v20+s13+$0x0], $0xffff;
	v21 =	vor.u32 v24, v11  }
0x632: {  	v3 =	vor.u32 v34, v2;
	[tilespmem:s6+$0xFFFFFDA0] =	vst v14;
	v4 =	vld.idx.msk [tilespmem:v4+s13+$0x0], $0xffff  }
0x633: {  	v20 =	vor.u32 v50, v2;
	v12 =	vld.idx.msk [tilespmem:v12+s13+$0x0], $0xffff;
	[tilespmem:s6+$0xFFFFFE20] =	vst v18  }
0x634: {  	v14 =	vor.u32 v35, v2;
	[tilespmem:s6+$0xFFFFFEA0] =	vst v19;
	v15 =	vld.idx.msk [tilespmem:v15+s13+$0x0], $0xffff  }
0x635: {  	v30 =	vmov v23;
	v23 =	vld [tilespmem:$0x1FE70]  }
0x636: {  	v18 =	vor.u32 v36, v2;
	v21 =	vld.idx.msk [tilespmem:v21+s13+$0x0], $0xffff  }
0x637: {  	v3 =	vld.idx.msk [tilespmem:v3+s13+$0x0], $0xffff;
	[tilespmem:s6+$0xFFFFF820] =	vst v16  }
0x638: {  	v20 =	vld.idx.msk [tilespmem:v20+s13+$0x0], $0xffff;
	[tilespmem:s6+$0xFFFFF8A0] =	vst v17  }
0x639: {  	v14 =	vld.idx.msk [tilespmem:v14+s13+$0x0], $0xffff;
	[tilespmem:s6+$0xFFFFFF20] =	vst v15  }
0x63a: {  	v28 =	vld [tilespmem:$0x1FF80]  }
0x63b: {  	v18 =	vld.idx.msk [tilespmem:v18+s13+$0x0], $0xffff;
	[tilespmem:s6+$0xFFFFFFD0] =	vst v21  }
0x63c: {  	v19 =	vor.u32 v23, v11;
	v22 =	vld [tilespmem:$0x1FCF0];
	[tilespmem:s6+$0xFFFFF920] =	vst v4  }
0x63d: {  	v16 =	vor.u32 v46, v5;
	v55 =	vld [tilespmem:$0x1FD10];
	[tilespmem:s6+$0xFFFFF9A0] =	vst v12  }
0x63e: {  	v15 =	vor.u32 v38, v13;
	v54 =	vld [tilespmem:$0x1FD60];
	[tilespmem:s6+$0xFFFFFA20] =	vst v3  }
0x63f: {  	v26 =	vld [tilespmem:$0x1FE80];
	[tilespmem:s6+$0xFFFFFAA0] =	vst v20;
	v17 =	vor.u32 v28, v6  }
0x640: {  	v31 =	vld [tilespmem:$0x1FDD0];
	[tilespmem:s6+$0xFFFFFB20] =	vst v14;
	v14 =	vor.u32 v38, v2  }
0x641: {  	v19 =	vld.idx.msk [tilespmem:v19+s13+$0x0], $0xffff;
	v21 =	vor.u32 v22, v7  }
0x642: {  	v3 =	vld.idx.msk [tilespmem:v16+s13+$0x0], $0xffff;
	v4 =	vor.u32 v55, v8  }
0x643: {  	v12 =	vld.idx.msk [tilespmem:v15+s13+$0x0], $0xffff;
	v15 =	vor.u32 v54, v9  }
0x644: {  	v16 =	vor.u32 v26, v11;
	v17 =	vld.idx.msk [tilespmem:v17+s13+$0x0], $0xffff  }
0x645: {  	v20 =	vor.u32 v31, v10;
	v14 =	vld.idx.msk [tilespmem:v14+s13+$0x0], $0xffff  }
0x646: {  	[tilespmem:s6+$0xFFFFFBA0] =	vst v18;
	v21 =	vld.idx.msk [tilespmem:v21+s13+$0x0], $0xffff  }
0x647: {  	v18 =	vor.u32 v46, v2;
	[tilespmem:s6+$0xFFFFFFE0] =	vst v19;
	v4 =	vld.idx.msk [tilespmem:v4+s13+$0x0], $0xffff  }
0x648: {  	v19 =	vor.u32 v28, v2;
	[tilespmem:s6+$0xFFFFFCB0] =	vst v3;
	v15 =	vld.idx.msk [tilespmem:v15+s13+$0x0], $0xffff  }
0x649: {  	[tilespmem:s6+$0xFFFFFC30] =	vst v12;
	v12 =	vor.u32 v22, v2;
	v16 =	vld.idx.msk [tilespmem:v16+s13+$0x0], $0xffff  }
0x64a: {  	v3 =	vld.idx.msk [tilespmem:v20+s13+$0x0], $0xffff;
	v20 =	vor.u32 v55, v2;
	[tilespmem:s6+$0xFFFFFD30] =	vst v17  }
0x64b: {  	v22 =	vld [tilespmem:$0x1FBF0];
	[tilespmem:s6+$0xFFFFFDB0] =	vst v21  }
0x64c: {  	v17 =	vld.idx.msk [tilespmem:v18+s13+$0x0], $0xffff;
	v18 =	vor.u32 v54, v2;
	[tilespmem:s6+$0xFFFFF830] =	vst v14  }
0x64d: {  	v19 =	vld.idx.msk [tilespmem:v19+s13+$0x0], $0xffff;
	[tilespmem:s6+$0xFFFFFE30] =	vst v4  }
0x64e: {  	v12 =	vld.idx.msk [tilespmem:v12+s13+$0x0], $0xffff;
	[tilespmem:s6+$0xFFFFFEB0] =	vst v15  }
0x64f: {  	[tilespmem:s6+$0xFFFFFFF0] =	vst v16;
	v16 =	vld.idx.msk [tilespmem:v20+s13+$0x0], $0xffff  }
0x650: {  	[tilespmem:s6+$0xFFFFFF30] =	vst v3  }
0x651: {  	v14 =	vld.idx.msk [tilespmem:v18+s13+$0x0], $0xffff;
	[tilespmem:s6+$0xFFFFF8B0] =	vst v17;
	v11 =	vor.u32 v22, v11  }
0x652: {  	v4 =	vor.u32 v31, v2;
	v15 =	vor.u32 v25, v2;
	v25 =	vld [tilespmem:$0x1FF70];
	[tilespmem:s6+$0xFFFFF930] =	vst v19  }
0x653: {  	v56 =	vld [tilespmem:$0x1FF20];
	[tilespmem:s6+$0xFFFFF9B0] =	vst v12  }
0x654: {  	v20 =	vor.u32 v63, v13;
	v21 =	vld [tilespmem:$0x1FD70];
	[tilespmem:s6+$0xFFFFFA30] =	vst v16  }
0x655: {  	v3 =	vor.u32 v47, v5;
	v0 =	vld [tilespmem:$0x1FDE0]  }
0x656: {  	v18 =	vor.u32 v60, v6;
	v11 =	vld.idx.msk [tilespmem:v11+s13+$0x0], $0xffff  }
0x657: {  	v4 =	vld.idx.msk [tilespmem:v4+s13+$0x0], $0xffff;
	v17 =	vor.u32 v25, v7  }
0x658: {  	v15 =	vld.idx.msk [tilespmem:v15+s13+$0x0], $0xffff;
	v19 =	vor.u32 v56, v8  }
0x659: {  	v12 =	vld.idx.msk [tilespmem:v20+s13+$0x0], $0xffff;
	v20 =	vor.u32 v21, v9  }
0x65a: {  	v3 =	vld.idx.msk [tilespmem:v3+s13+$0x0], $0xffff;
	[tilespmem:s6+$0xFFFFFAB0] =	vst v14;
	v16 =	vor.u32 v0, v10  }
0x65b: {  	[tilespmem:s6+$0x0] =	vst v11;
	v11 =	vld.idx.msk [tilespmem:v18+s13+$0x0], $0xffff;
	v18 =	vor.u32 v63, v2  }
0x65c: {  	[tilespmem:s6+$0xFFFFFB30] =	vst v4;
	v14 =	vld.idx.msk [tilespmem:v17+s13+$0x0], $0xffff;
	v17 =	vor.u32 v47, v2  }
0x65d: {  	[tilespmem:s6+$0xFFFFFBB0] =	vst v15;
	v4 =	vld.idx.msk [tilespmem:v19+s13+$0x0], $0xffff;
	v19 =	vor.u32 v60, v2  }
0x65e: {  	[tilespmem:s6+$0xFFFFFC40] =	vst v12;
	v12 =	vor.u32 v56, v2;
	v15 =	vld.idx.msk [tilespmem:v20+s13+$0x0], $0xffff  }
0x65f: {  	[tilespmem:s6+$0xFFFFFCC0] =	vst v3;
	v20 =	vor.u32 v25, v2;
	v16 =	vld.idx.msk [tilespmem:v16+s13+$0x0], $0xffff  }
0x660: {  	v3 =	vld.idx.msk [tilespmem:v18+s13+$0x0], $0xffff;
	[tilespmem:s6+$0xFFFFFD40] =	vst v11  }
0x661: {  	v11 =	vld.idx.msk [tilespmem:v17+s13+$0x0], $0xffff;
	[tilespmem:s6+$0xFFFFFDC0] =	vst v14  }
0x662: {  	v14 =	vld.idx.msk [tilespmem:v19+s13+$0x0], $0xffff;
	[tilespmem:s6+$0xFFFFFE40] =	vst v4  }
0x663: {  	v12 =	vld.idx.msk [tilespmem:v12+s13+$0x0], $0xffff;
	[tilespmem:s6+$0xFFFFFEC0] =	vst v15  }
0x664: {  	v4 =	vld.idx.msk [tilespmem:v20+s13+$0x0], $0xffff;
	v15 =	vor.u32 v48, v5;
	[tilespmem:s6+$0xFFFFFF40] =	vst v16  }
0x665: {  	v28 =	vld [tilespmem:$0x1FCC0];
	[tilespmem:s6+$0xFFFFF840] =	vst v3  }
0x666: {  	v18 =	vor.u32 v21, v2;
	v19 =	vor.u32 v27, v2;
	v27 =	vld [tilespmem:$0x1FF60];
	[tilespmem:s6+$0xFFFFF8C0] =	vst v11  }
0x667: {  	v17 =	vor.u32 v0, v2;
	v25 =	vld [tilespmem:$0x1FED0];
	[tilespmem:s6+$0xFFFFF940] =	vst v14  }
0x668: {  	v21 =	vld [tilespmem:$0x1FD80]  }
0x669: {  	v20 =	vor.u32 v40, v13;
	[tilespmem:s6+$0xFFFFF9C0] =	vst v4;
	v4 =	vld.idx.msk [tilespmem:v15+s13+$0x0], $0xffff  }
0x66a: {  	v0 =	vld [tilespmem:$0x1FDF0];
	[tilespmem:s6+$0xFFFFFA40] =	vst v12;
	v12 =	vor.u32 v40, v2  }
0x66b: {  	v16 =	vld.idx.msk [tilespmem:v18+s13+$0x0], $0xffff;
	v18 =	vor.u32 v28, v6  }
0x66c: {  	v3 =	vld.idx.msk [tilespmem:v17+s13+$0x0], $0xffff;
	v17 =	vor.u32 v27, v7  }
0x66d: {  	v11 =	vld.idx.msk [tilespmem:v19+s13+$0x0], $0xffff;
	v19 =	vor.u32 v25, v8  }
0x66e: {  	v14 =	vld.idx.msk [tilespmem:v20+s13+$0x0], $0xffff;
	v20 =	vor.u32 v21, v9  }
0x66f: {  	[tilespmem:s6+$0xFFFFFCD0] =	vst v4;
	v15 =	vor.u32 v0, v10;
	v4 =	vld.idx.msk [tilespmem:v12+s13+$0x0], $0xffff  }
0x670: {  	[tilespmem:s6+$0xFFFFFAC0] =	vst v16;
	v16 =	vor.u32 v48, v2;
	v18 =	vld.idx.msk [tilespmem:v18+s13+$0x0], $0xffff  }
0x671: {  	[tilespmem:s6+$0xFFFFFB40] =	vst v3;
	v3 =	vor.u32 v28, v2;
	v17 =	vld.idx.msk [tilespmem:v17+s13+$0x0], $0xffff  }
0x672: {  	[tilespmem:s6+$0xFFFFFBC0] =	vst v11;
	v11 =	vor.u32 v27, v2;
	v19 =	vld.idx.msk [tilespmem:v19+s13+$0x0], $0xffff  }
0x673: {  	[tilespmem:s6+$0xFFFFFC50] =	vst v14;
	v14 =	vor.u32 v25, v2;
	v20 =	vld.idx.msk [tilespmem:v20+s13+$0x0], $0xffff  }
0x674: {  	v12 =	vor.u32 v21, v2;
	v15 =	vld.idx.msk [tilespmem:v15+s13+$0x0], $0xffff;
	[tilespmem:s6+$0xFFFFF850] =	vst v4  }
0x675: {  	v16 =	vld.idx.msk [tilespmem:v16+s13+$0x0], $0xffff;
	[tilespmem:s6+$0xFFFFFD50] =	vst v18  }
0x676: {  	v3 =	vld.idx.msk [tilespmem:v3+s13+$0x0], $0xffff;
	[tilespmem:s6+$0xFFFFFDD0] =	vst v17  }
0x677: {  	v11 =	vld.idx.msk [tilespmem:v11+s13+$0x0], $0xffff;
	[tilespmem:s6+$0xFFFFFE50] =	vst v19  }
0x678: {  	v14 =	vld.idx.msk [tilespmem:v14+s13+$0x0], $0xffff;
	[tilespmem:s6+$0xFFFFFED0] =	vst v20;
	v20 =	vor.u32 v49, v5  }
0x679: {  	v12 =	vld.idx.msk [tilespmem:v12+s13+$0x0], $0xffff;
	[tilespmem:s6+$0xFFFFFF50] =	vst v15  }
0x67a: {  	v18 =	vor.u32 v0, v2;
	v61 =	vld [tilespmem:$0x1FD00];
	[tilespmem:s6+$0xFFFFF8D0] =	vst v16  }
0x67b: {  	v17 =	vor.u32 v24, v2;
	v58 =	vld [tilespmem:$0x1FEE0];
	[tilespmem:s6+$0xFFFFF950] =	vst v3  }
0x67c: {  	v19 =	vor.u32 v41, v13;
	v21 =	vld [tilespmem:$0x1FD90]  }
0x67d: {  	v15 =	vor.u32 v57, v6;
	[tilespmem:s6+$0xFFFFF9D0] =	vst v11;
	v11 =	vld.idx.msk [tilespmem:v20+s13+$0x0], $0xffff  }
0x67e: {  	v0 =	vld [tilespmem:$0x1FE00];
	[tilespmem:s6+$0xFFFFFA50] =	vst v14;
	v14 =	vor.u32 v41, v2  }
0x67f: {  	v4 =	vld.idx.msk [tilespmem:v18+s13+$0x0], $0xffff;
	[tilespmem:s6+$0xFFFFFAD0] =	vst v12;
	v12 =	vor.u32 v49, v2  }
0x680: {  	v16 =	vld.idx.msk [tilespmem:v17+s13+$0x0], $0xffff;
	v18 =	vor.u32 v61, v7  }
0x681: {  	v3 =	vld.idx.msk [tilespmem:v19+s13+$0x0], $0xffff;
	v17 =	vor.u32 v58, v8  }
0x682: {  	v15 =	vld.idx.msk [tilespmem:v15+s13+$0x0], $0xffff;
	v19 =	vor.u32 v21, v9  }
0x683: {  	v20 =	vor.u32 v0, v10;
	[tilespmem:s6+$0xFFFFFCE0] =	vst v11;
	v11 =	vld.idx.msk [tilespmem:v14+s13+$0x0], $0xffff  }
0x684: {  	[tilespmem:s6+$0xFFFFFB50] =	vst v4;
	v4 =	vor.u32 v57, v2;
	v12 =	vld.idx.msk [tilespmem:v12+s13+$0x0], $0xffff  }
0x685: {  	[tilespmem:s6+$0xFFFFFBD0] =	vst v16;
	v16 =	vor.u32 v61, v2;
	v18 =	vld.idx.msk [tilespmem:v18+s13+$0x0], $0xffff  }
0x686: {  	[tilespmem:s6+$0xFFFFFC60] =	vst v3;
	v3 =	vor.u32 v58, v2;
	v17 =	vld.idx.msk [tilespmem:v17+s13+$0x0], $0xffff  }
0x687: {  	v14 =	vor.u32 v21, v2;
	v19 =	vld.idx.msk [tilespmem:v19+s13+$0x0], $0xffff  }
0x688: {  	v20 =	vld.idx.msk [tilespmem:v20+s13+$0x0], $0xffff  }
0x689: {  	[tilespmem:s6+$0xFFFFFD60] =	vst v15;
	v15 =	vor.u32 v0, v2;
	v4 =	vld.idx.msk [tilespmem:v4+s13+$0x0], $0xffff  }
0x68a: {  	v16 =	vld.idx.msk [tilespmem:v16+s13+$0x0], $0xffff;
	[tilespmem:s6+$0xFFFFFDE0] =	vst v18  }
0x68b: {  	v3 =	vld.idx.msk [tilespmem:v3+s13+$0x0], $0xffff;
	[tilespmem:s6+$0xFFFFFE60] =	vst v17  }
0x68c: {  	v14 =	vld.idx.msk [tilespmem:v14+s13+$0x0], $0xffff;
	[tilespmem:s6+$0xFFFFFEE0] =	vst v19  }
0x68d: {  	v25 =	vld [tilespmem:$0x1FC80];
	[tilespmem:s6+$0xFFFFFF60] =	vst v20  }
0x68e: {  	[tilespmem:s6+$0xFFFFF860] =	vst v11;
	v11 =	vld.idx.msk [tilespmem:v15+s13+$0x0], $0xffff  }
0x68f: {  	v18 =	vor.u32 v23, v2;
	v23 =	vld [tilespmem:$0x1FF00];
	[tilespmem:s6+$0xFFFFF8E0] =	vst v12  }
0x690: {  	v17 =	vor.u32 v42, v13;
	v24 =	vld [tilespmem:$0x1FD30];
	[tilespmem:s6+$0xFFFFF960] =	vst v4  }
0x691: {  	v20 =	vor.u32 v53, v6;
	v21 =	vld [tilespmem:$0x1FDA0];
	[tilespmem:s6+$0xFFFFF9E0] =	vst v16  }
0x692: {  	v0 =	vld [tilespmem:$0x1FE10];
	[tilespmem:s6+$0xFFFFFA60] =	vst v3;
	v3 =	vor.u32 v42, v2  }
0x693: {  	v19 =	vor.u32 v25, v5  }
0x694: {  	v12 =	vld.idx.msk [tilespmem:v18+s13+$0x0], $0xffff;
	[tilespmem:s6+$0xFFFFFAE0] =	vst v14;
	v14 =	vor.u32 v25, v2  }
0x695: {  	v4 =	vld.idx.msk [tilespmem:v17+s13+$0x0], $0xffff;
	[tilespmem:s6+$0xFFFFFB60] =	vst v11;
	v11 =	vor.u32 v53, v2  }
0x696: {  	v20 =	vld.idx.msk [tilespmem:v20+s13+$0x0], $0xffff;
	v15 =	vor.u32 v23, v7  }
0x697: {  	v18 =	vor.u32 v24, v8;
	v3 =	vld.idx.msk [tilespmem:v3+s13+$0x0], $0xffff  }
0x698: {  	v17 =	vor.u32 v21, v9;
	v16 =	vld.idx.msk [tilespmem:v19+s13+$0x0], $0xffff  }
0x699: {  	v19 =	vor.u32 v0, v10;
	v14 =	vld.idx.msk [tilespmem:v14+s13+$0x0], $0xffff  }
0x69a: {  	v6 =	vor.u32 v1, v6;
	v11 =	vld.idx.msk [tilespmem:v11+s13+$0x0], $0xffff  }
0x69b: {  	[tilespmem:s6+$0xFFFFFBE0] =	vst v12;
	v12 =	vor.u32 v23, v2;
	v15 =	vld.idx.msk [tilespmem:v15+s13+$0x0], $0xffff  }
0x69c: {  	[tilespmem:s6+$0xFFFFFC70] =	vst v4;
	v4 =	vor.u32 v24, v2;
	v18 =	vld.idx.msk [tilespmem:v18+s13+$0x0], $0xffff  }
0x69d: {  	[tilespmem:s6+$0xFFFFFD70] =	vst v20;
	v20 =	vor.u32 v0, v2;
	v17 =	vld.idx.msk [tilespmem:v17+s13+$0x0], $0xffff  }
0x69e: {  	v5 =	vor.u32 v51, v5;
	[tilespmem:s6+$0xFFFFF870] =	vst v3;
	v19 =	vld.idx.msk [tilespmem:v19+s13+$0x0], $0xffff  }
0x69f: {  	v6 =	vld.idx.msk [tilespmem:v6+s13+$0x0], $0xffff;
	[tilespmem:s6+$0xFFFFFCF0] =	vst v16  }
0x6a0: {  	v12 =	vld.idx.msk [tilespmem:v12+s13+$0x0], $0xffff;
	[tilespmem:s6+$0xFFFFFDF0] =	vst v15;
	v15 =	vor.u32 v26, v2  }
0x6a1: {  	v4 =	vld.idx.msk [tilespmem:v4+s13+$0x0], $0xffff;
	[tilespmem:s6+$0xFFFFFE70] =	vst v18  }
0x6a2: {  	v3 =	vld.idx.msk [tilespmem:v20+s13+$0x0], $0xffff;
	[tilespmem:s6+$0xFFFFFEF0] =	vst v17  }
0x6a3: {  	v5 =	vld.idx.msk [tilespmem:v5+s13+$0x0], $0xffff;
	[tilespmem:s6+$0xFFFFFF70] =	vst v19  }
0x6a4: {  	v16 =	vor.u32 v21, v2;
	v59 =	vld [tilespmem:$0x1FEF0]  }
0x6a5: {  	[tilespmem:s6+$0xFFFFF8F0] =	vst v14;
	v14 =	vld.idx.msk [tilespmem:v15+s13+$0x0], $0xffff  }
0x6a6: {  	v13 =	vor.u32 v43, v13;
	v17 =	vld [tilespmem:$0x1FD40];
	[tilespmem:s6+$0xFFFFF970] =	vst v11  }
0x6a7: {  	v15 =	vld [tilespmem:$0x1FDB0];
	[tilespmem:s6+$0xFFFFF9F0] =	vst v12;
	v12 =	vor.u32 v51, v2  }
0x6a8: {  	v0 =	vld [tilespmem:$0x1FE20];
	[tilespmem:s6+$0xFFFFFA70] =	vst v4;
	v4 =	vor.u32 v43, v2  }
0x6a9: {  	v16 =	vld.idx.msk [tilespmem:v16+s13+$0x0], $0xffff;
	[tilespmem:s6+$0xFFFFFB70] =	vst v3;
	v3 =	vor.u32 v1, v2  }
0x6aa: {  	v7 =	vor.u32 v59, v7  }
0x6ab: {  	v11 =	vld.idx.msk [tilespmem:v13+s13+$0x0], $0xffff;
	v8 =	vor.u32 v17, v8  }
0x6ac: {  	[tilespmem:s6+$0xFFFFFD80] =	vst v6;
	v9 =	vor.u32 v15, v9;
	v6 =	vld.idx.msk [tilespmem:v12+s13+$0x0], $0xffff  }
0x6ad: {  	[tilespmem:s6+$0xFFFFFD00] =	vst v5;
	v5 =	vor.u32 v15, v2;
	v4 =	vld.idx.msk [tilespmem:v4+s13+$0x0], $0xffff  }
0x6ae: {  	[tilespmem:s6+$0xFFFFFAF0] =	vst v16;
	v10 =	vor.u32 v0, v10;
	v3 =	vld.idx.msk [tilespmem:v3+s13+$0x0], $0xffff  }
0x6af: {  	[tilespmem:s6+$0xFFFFFBF0] =	vst v14;
	v13 =	vor.u32 v59, v2;
	v12 =	vor.u32 v0, v2;
	v7 =	vld.idx.msk [tilespmem:v7+s13+$0x0], $0xffff  }
0x6b0: {  	[tilespmem:s6+$0xFFFFFC80] =	vst v11;
	v11 =	vor.u32 v17, v2;
	v2 =	vor.u32 v22, v2;
	v8 =	vld.idx.msk [tilespmem:v8+s13+$0x0], $0xffff  }
0x6b1: {  	v9 =	vld.idx.msk [tilespmem:v9+s13+$0x0], $0xffff;
	[tilespmem:s6+$0xFFFFF900] =	vst v6  }
0x6b2: {  	v5 =	vld.idx.msk [tilespmem:v5+s13+$0x0], $0xffff;
	[tilespmem:s6+$0xFFFFF880] =	vst v4  }
0x6b3: {  	v10 =	vld.idx.msk [tilespmem:v10+s13+$0x0], $0xffff;
	[tilespmem:s6+$0xFFFFF980] =	vst v3  }
0x6b4: {  	v4 =	vld.idx.msk [tilespmem:v12+s13+$0x0], $0xffff;
	[tilespmem:s6+$0xFFFFFE00] =	vst v7  }
0x6b5: {  	v2 =	vld.idx.msk [tilespmem:v2+s13+$0x0], $0xffff;
	[tilespmem:s6+$0xFFFFFE80] =	vst v8  }
0x6b6: {  	v7 =	vld.idx.msk [tilespmem:v13+s13+$0x0], $0xffff;
	[tilespmem:s6+$0xFFFFFF00] =	vst v9  }
0x6b7: {  	v8 =	vld.idx.msk [tilespmem:v11+s13+$0x0], $0xffff;
	[tilespmem:s6+$0xFFFFFB00] =	vst v5  }
0x6b8: {  	[tilespmem:s6+$0xFFFFFF80] =	vst v10  }
0x6b9: {  	s8 =	sshll.u32 s3, $0x7;
	[tilespmem:s6+$0xFFFFFB80] =	vst v4  }
0x6ba: {  	s7 =	sand.u32 $0x3F00, s8;
	s14 =	sshll.u32 s3, $0xA;
	[tilespmem:s6+$0xFFFFFC00] =	vst v2  }
0x6bb: {  	s7 =	sadd.s32 s2, s7;
	s3 =	sand.u32 $0xFFE0000, s14;
	[tilespmem:s6+$0xFFFFFA00] =	vst v7  }
0x6bc: {  	s8 =	simm.s32 $0x0;
	s3 =	sadd.s32 s3, s7;
	[tilespmem:s6+$0xFFFFFA80] =	vst v8  }
0x6bd: {  	[hbm4b:s3+s17] =	stream.strided.scatter [tilespmem:s23], [sflag:$0x7], $0x2000, s18, s17, $0x38;
	[tilespmem:$0x16400] =	vst v63  }
0x6be: {  	s7 =	simm.s32 @!p1 $0xA400;
	s6 =	simm.s32 @!p1 $0x80;
	s3 =	sadd.s32 @!p1 $0x300, s12  }
0x6bf: {  	[tilespmem:s7], [sflag:$0x3] =	stream.indirect.gather @!p1 [hbm4b:s4+s6], $0x40, s3, s6, $0xb8;
	[tilespmem:$0x16400] =	vst v63  }
0x6c0: {  	v2 =	vmov s8;
	_ =	swait.ge [sflag:s24], $0x2000  }
0x6c1: {  	v2 =	vshrl.u32 v2, $0x3;
	[sflag:s24] =	ssyncset.done $0x0  }
0x6c2: {  	s8 =	simm.s32 $0x9;
	v2 =	vshll.u32 v2, v39;
	s3 =	simm.s32 @!p0 $0x8;
	[sflag:s24] =	ssyncadd.s32 $0xFFFFE000  }
0x6c3: {  	s14 =	simm.s32 $0xB;
	v5 =	vmov s8;
	s8 =	simm.s32 $0xD;
	v4 =	vbroadcast v2, $0x0;
	_ =	swait.ge @!p0 [sflag:s3], $0x2000  }
0x6c4: {  	v7 =	vmov s14;
	v9 =	vmov s8;
	v12 =	vshrl.u32 v5, $0x3;
	v0 =	vld [tilespmem:$0x1FEC0]  }
0x6c5: {  	s14 =	simm.s32 $0xF;
	v15 =	vshrl.u32 v7, $0x3;
	v17 =	vshrl.u32 v9, $0x3;
	s12 =	simm.s32 $0xA;
	v2 =	vor.u32 v52, v4;
	v23 =	vld [tilespmem:$0x1FCA0]  }
0x6c6: {  	v5 =	vmov s14;
	v6 =	vmov s12;
	s12 =	simm.s32 $0xE;
	v11 =	vor.u32 v44, v4  }
0x6c7: {  	v9 =	vor.u32 v32, v4;
	s7 =	simm.s32 $0x8;
	s6 =	simm.s32 $0xC;
	v10 =	vmov s12;
	v14 =	vshrl.u32 v6, $0x3  }
0x6c8: {  	v6 =	vor.u32 v62, v4;
	v3 =	vmov s7;
	v8 =	vmov s6;
	[sflag:s3] =	ssyncset.done @!p0 $0x0;
	v21 =	vld [tilespmem:$0x1FEA0]  }
0x6c9: {  	v3 =	vshrl.u32 v3, $0x3;
	v16 =	vshrl.u32 v8, $0x3;
	[sflag:s3] =	ssyncadd.s32 @!p0 $0xFFFFE000;
	v7 =	vor.u32 v0, v4  }
0x6ca: {  	v19 =	vld.idx.msk [tilespmem:v2+s15+$0x0], $0xffff;
	v2 =	vshll.u32 v3, v39;
	v3 =	vshrl.u32 v5, $0x3;
	v13 =	vor.u32 v23, v4  }
0x6cb: {  	v25 =	vmovc v33;
	v8 =	vor.u32 v33, v4;
	v33 =	vbroadcast v2, $0x0;
	v2 =	vshll.u32 v3, v39  }
0x6cc: {  	v18 =	vshrl.u32 v10, $0x3;
	v20 =	vld.idx.msk [tilespmem:v11+s15+$0x0], $0xffff;
	v11 =	vshll.u32 v12, v39;
	v5 =	vbroadcast v2, $0x0  }
0x6cd: {  	v26 =	vmovc v32;
	v12 =	vld.idx.msk [tilespmem:v6+s15+$0x0], $0xffff;
	v32 =	vbroadcast v11, $0x0;
	v11 =	vshll.u32 v14, v39;
	v10 =	vor.u32 v21, v4  }
0x6ce: {  	v14 =	vld.idx.msk [tilespmem:v7+s15+$0x0], $0xffff;
	v7 =	vbroadcast v11, $0x0;
	v11 =	vshll.u32 v15, v39;
	v15 =	vor.u32 v21, v5  }
0x6cf: {  	v3 =	vld.idx.msk [tilespmem:v13+s15+$0x0], $0xffff;
	v13 =	vor.u32 v52, v33  }
0x6d0: {  	v22 =	vor.u32 v44, v32;
	v21 =	vld.idx.msk [tilespmem:v8+s15+$0x0], $0xffff;
	v8 =	vbroadcast v11, $0x0;
	v11 =	vshll.u32 v16, v39  }
0x6d1: {  	v16 =	vld.idx.msk [tilespmem:v9+s15+$0x0], $0xffff;
	v23 =	vor.u32 v23, v7;
	v9 =	vbroadcast v11, $0x0  }
0x6d2: {  	v11 =	vshll.u32 v17, v39;
	v17 =	vld.idx.msk [tilespmem:v10+s15+$0x0], $0xffff;
	v24 =	vor.u32 v62, v8  }
0x6d3: {  	v10 =	vbroadcast v11, $0x0;
	v11 =	vshll.u32 v18, v39;
	v18 =	vor.u32 v0, v9;
	v15 =	vld.idx.msk [tilespmem:v15+s15+$0x0], $0xffff  }
0x6d4: {  	v13 =	vld.idx.msk [tilespmem:v13+s15+$0x0], $0xffff  }
0x6d5: {  	v22 =	vld.idx.msk [tilespmem:v22+s15+$0x0], $0xffff;
	v25 =	vor.u32 v25, v10  }
0x6d6: {  	v27 =	vor.u32 v36, v5;
	v11 =	vbroadcast v11, $0x0;
	v23 =	vld.idx.msk [tilespmem:v23+s15+$0x0], $0xffff  }
0x6d7: {  	s3 =	simm.s32 $0x14BF0;
	v24 =	vld.idx.msk [tilespmem:v24+s15+$0x0], $0xffff  }
0x6d8: {  	v26 =	vor.u32 v26, v11;
	v18 =	vld.idx.msk [tilespmem:v18+s15+$0x0], $0xffff;
	[tilespmem:s3+$0xFFFFFF90] =	vst v15  }
0x6d9: {  	v0 =	vld [tilespmem:$0x1FCE0];
	[tilespmem:s3+$0xFFFFFC10] =	vst v13  }
0x6da: {  	v25 =	vld.idx.msk [tilespmem:v25+s15+$0x0], $0xffff;
	[tilespmem:s3+$0xFFFFFC90] =	vst v22  }
0x6db: {  	v27 =	vld.idx.msk [tilespmem:v27+s15+$0x0], $0xffff;
	[tilespmem:s3+$0xFFFFFD10] =	vst v23  }
0x6dc: {  	v6 =	vld [tilespmem:$0x1FE40];
	[tilespmem:s3+$0xFFFFFD90] =	vst v24  }
0x6dd: {  	v28 =	vor.u32 v37, v33;
	v26 =	vld.idx.msk [tilespmem:v26+s15+$0x0], $0xffff;
	[tilespmem:s3+$0xFFFFF810] =	vst v19  }
0x6de: {  	[tilespmem:s3+$0xFFFFF890] =	vst v20  }
0x6df: {  	v29 =	vor.u32 v45, v32;
	[tilespmem:s3+$0xFFFFFE10] =	vst v18  }
0x6e0: {  	v2 =	vmov v30;
	v30 =	vor.u32 v30, v7;
	[tilespmem:s3+$0xFFFFFE90] =	vst v25  }
0x6e1: {  	v13 =	vor.u32 v34, v9;
	[tilespmem:s3+$0xFFFFFFA0] =	vst v27  }
0x6e2: {  	v28 =	vld.idx.msk [tilespmem:v28+s15+$0x0], $0xffff;
	[tilespmem:s3+$0xFFFFFF10] =	vst v26;
	v23 =	vor.u32 v6, v5  }
0x6e3: {  	v22 =	vor.u32 v50, v10;
	v15 =	vor.u32 v0, v8;
	v26 =	vor.u32 v0, v4;
	v0 =	vld [tilespmem:$0x1FE50]  }
0x6e4: {  	v29 =	vld.idx.msk [tilespmem:v29+s15+$0x0], $0xffff;
	v24 =	vor.u32 v35, v11  }
0x6e5: {  	v30 =	vld.idx.msk [tilespmem:v30+s15+$0x0], $0xffff;
	v19 =	vor.u32 v34, v4  }
0x6e6: {  	v18 =	vor.u32 v37, v4;
	v13 =	vld.idx.msk [tilespmem:v13+s15+$0x0], $0xffff  }
0x6e7: {  	v23 =	vld.idx.msk [tilespmem:v23+s15+$0x0], $0xffff  }
0x6e8: {  	v22 =	vld.idx.msk [tilespmem:v22+s15+$0x0], $0xffff;
	[tilespmem:s3+$0xFFFFF910] =	vst v3;
	v20 =	vor.u32 v0, v5  }
0x6e9: {  	[tilespmem:s3+$0xFFFFFA10] =	vst v14;
	v24 =	vld.idx.msk [tilespmem:v24+s15+$0x0], $0xffff  }
0x6ea: {  	[tilespmem:s3+$0xFFFFF990] =	vst v12;
	v19 =	vld.idx.msk [tilespmem:v19+s15+$0x0], $0xffff  }
0x6eb: {  	[tilespmem:s3+$0xFFFFFA90] =	vst v21;
	v18 =	vld.idx.msk [tilespmem:v18+s15+$0x0], $0xffff  }
0x6ec: {  	v25 =	vor.u32 v45, v4;
	v15 =	vld.idx.msk [tilespmem:v15+s15+$0x0], $0xffff;
	[tilespmem:s3+$0xFFFFFFB0] =	vst v23  }
0x6ed: {  	v27 =	vor.u32 v2, v4;
	[tilespmem:s3+$0xFFFFFB10] =	vst v16;
	v20 =	vld.idx.msk [tilespmem:v20+s15+$0x0], $0xffff  }
0x6ee: {  	v3 =	vor.u32 v50, v4;
	v50 =	vld [tilespmem:$0x1FF80];
	[tilespmem:s3+$0xFFFFFB90] =	vst v17  }
0x6ef: {  	v34 =	vld [tilespmem:$0x1FE60];
	[tilespmem:s3+$0xFFFFFC20] =	vst v28  }
0x6f0: {  	v12 =	vor.u32 v35, v4;
	v2 =	vld [tilespmem:$0x1FCF0];
	[tilespmem:s3+$0xFFFFFCA0] =	vst v29  }
0x6f1: {  	v25 =	vld.idx.msk [tilespmem:v25+s15+$0x0], $0xffff;
	[tilespmem:s3+$0xFFFFFD20] =	vst v30  }
0x6f2: {  	v14 =	vor.u32 v36, v4;
	v27 =	vld.idx.msk [tilespmem:v27+s15+$0x0], $0xffff;
	[tilespmem:s3+$0xFFFFFDA0] =	vst v15  }
0x6f3: {  	v21 =	vor.u32 v46, v32;
	v26 =	vld.idx.msk [tilespmem:v26+s15+$0x0], $0xffff;
	[tilespmem:s3+$0xFFFFFE20] =	vst v13  }
0x6f4: {  	v3 =	vld.idx.msk [tilespmem:v3+s15+$0x0], $0xffff;
	v23 =	vor.u32 v38, v33;
	[tilespmem:s3+$0xFFFFFEA0] =	vst v22  }
0x6f5: {  	v12 =	vld.idx.msk [tilespmem:v12+s15+$0x0], $0xffff;
	[tilespmem:s3+$0xFFFFFFC0] =	vst v20;
	v17 =	vor.u32 v34, v5  }
0x6f6: {  	v29 =	vor.u32 v55, v9;
	v36 =	vld [tilespmem:$0x1FE70]  }
0x6f7: {  	v14 =	vld.idx.msk [tilespmem:v14+s15+$0x0], $0xffff;
	v30 =	vor.u32 v54, v10  }
0x6f8: {  	v15 =	vor.u32 v38, v4;
	v21 =	vld.idx.msk [tilespmem:v21+s15+$0x0], $0xffff  }
0x6f9: {  	v13 =	vor.u32 v46, v4;
	v23 =	vld.idx.msk [tilespmem:v23+s15+$0x0], $0xffff  }
0x6fa: {  	v16 =	vor.u32 v50, v7;
	v17 =	vld.idx.msk [tilespmem:v17+s15+$0x0], $0xffff  }
0x6fb: {  	[tilespmem:s3+$0xFFFFFF20] =	vst v24;
	v29 =	vld.idx.msk [tilespmem:v29+s15+$0x0], $0xffff;
	v22 =	vor.u32 v36, v5  }
0x6fc: {  	v20 =	vor.u32 v31, v11;
	[tilespmem:s3+$0xFFFFF820] =	vst v18;
	v30 =	vld.idx.msk [tilespmem:v30+s15+$0x0], $0xffff  }
0x6fd: {  	[tilespmem:s3+$0xFFFFF8A0] =	vst v25;
	v15 =	vld.idx.msk [tilespmem:v15+s15+$0x0], $0xffff  }
0x6fe: {  	v24 =	vor.u32 v50, v4;
	[tilespmem:s3+$0xFFFFF920] =	vst v27;
	v13 =	vld.idx.msk [tilespmem:v13+s15+$0x0], $0xffff  }
0x6ff: {  	v25 =	vor.u32 v55, v4;
	v16 =	vld.idx.msk [tilespmem:v16+s15+$0x0], $0xffff;
	[tilespmem:s3+$0xFFFFFFD0] =	vst v17  }
0x700: {  	[tilespmem:s3+$0xFFFFF9A0] =	vst v26;
	v28 =	vor.u32 v2, v8;
	v22 =	vld.idx.msk [tilespmem:v22+s15+$0x0], $0xffff  }
0x701: {  	[tilespmem:s3+$0xFFFFFA20] =	vst v19;
	v20 =	vld.idx.msk [tilespmem:v20+s15+$0x0], $0xffff  }
0x702: {  	v26 =	vor.u32 v6, v4;
	v18 =	vor.u32 v2, v4;
	v6 =	vld [tilespmem:$0x1FE80];
	[tilespmem:s3+$0xFFFFFAA0] =	vst v3  }
0x703: {  	v24 =	vld.idx.msk [tilespmem:v24+s15+$0x0], $0xffff;
	[tilespmem:s3+$0xFFFFFB20] =	vst v12  }
0x704: {  	v25 =	vld.idx.msk [tilespmem:v25+s15+$0x0], $0xffff;
	[tilespmem:s3+$0xFFFFFBA0] =	vst v14  }
0x705: {  	v27 =	vor.u32 v31, v4;
	v28 =	vld.idx.msk [tilespmem:v28+s15+$0x0], $0xffff;
	[tilespmem:s3+$0xFFFFFFE0] =	vst v22  }
0x706: {  	v35 =	vld [tilespmem:$0x1FF70];
	[tilespmem:s3+$0xFFFFFC30] =	vst v23  }
0x707: {  	v18 =	vld.idx.msk [tilespmem:v18+s15+$0x0], $0xffff;
	v17 =	vor.u32 v54, v4;
	[tilespmem:s3+$0xFFFFFCB0] =	vst v21  }
0x708: {  	v3 =	vor.u32 v63, v33;
	v54 =	vld [tilespmem:$0x1FD70];
	[tilespmem:s3+$0xFFFFFD30] =	vst v16  }
0x709: {  	v50 =	vld [tilespmem:$0x1FBF0]  }
0x70a: {  	v27 =	vld.idx.msk [tilespmem:v27+s15+$0x0], $0xffff;
	v19 =	vor.u32 v6, v5  }
0x70b: {  	v12 =	vor.u32 v47, v32;
	v26 =	vld.idx.msk [tilespmem:v26+s15+$0x0], $0xffff  }
0x70c: {  	v14 =	vor.u32 v60, v7;
	v17 =	vld.idx.msk [tilespmem:v17+s15+$0x0], $0xffff  }
0x70d: {  	v23 =	vor.u32 v56, v9;
	v31 =	vld.idx.msk [tilespmem:v3+s15+$0x0], $0xffff;
	[tilespmem:s3+$0xFFFFFDB0] =	vst v28  }
0x70e: {  	v22 =	vor.u32 v35, v8;
	v16 =	vor.u32 v50, v5;
	v5 =	vld [tilespmem:$0x1FDE0]  }
0x70f: {  	v19 =	vld.idx.msk [tilespmem:v19+s15+$0x0], $0xffff;
	v3 =	vor.u32 v54, v10  }
0x710: {  	v12 =	vld.idx.msk [tilespmem:v12+s15+$0x0], $0xffff;
	[tilespmem:s3+$0xFFFFFE30] =	vst v29  }
0x711: {  	v14 =	vld.idx.msk [tilespmem:v14+s15+$0x0], $0xffff;
	[tilespmem:s3+$0xFFFFF830] =	vst v15;
	v15 =	vor.u32 v56, v4  }
0x712: {  	[tilespmem:s3+$0xFFFFF930] =	vst v24;
	v24 =	vor.u32 v54, v4;
	v23 =	vld.idx.msk [tilespmem:v23+s15+$0x0], $0xffff  }
0x713: {  	[tilespmem:s3+$0xFFFFFEB0] =	vst v30;
	v22 =	vld.idx.msk [tilespmem:v22+s15+$0x0], $0xffff;
	v21 =	vor.u32 v5, v11  }
0x714: {  	v28 =	vor.u32 v63, v4;
	[tilespmem:s3+$0xFFFFFFF0] =	vst v19;
	v30 =	vld.idx.msk [tilespmem:v3+s15+$0x0], $0xffff  }
0x715: {  	v29 =	vor.u32 v47, v4;
	[tilespmem:s3+$0xFFFFFA30] =	vst v25;
	v16 =	vld.idx.msk [tilespmem:v16+s15+$0x0], $0xffff  }
0x716: {  	s7 =	simm.s32 $0x10;
	[tilespmem:s3+$0xFFFFFAB0] =	vst v17;
	v3 =	vor.u32 v35, v4;
	v15 =	vld.idx.msk [tilespmem:v15+s15+$0x0], $0xffff  }
0x717: {  	v2 =	vmov s7;
	[tilespmem:s3+$0xFFFFFF30] =	vst v20;
	v17 =	vld.idx.msk [tilespmem:v24+s15+$0x0], $0xffff  }
0x718: {  	v2 =	vshrl.u32 v2, $0x3;
	[tilespmem:s3+$0xFFFFF8B0] =	vst v13;
	v20 =	vld.idx.msk [tilespmem:v21+s15+$0x0], $0xffff  }
0x719: {  	v2 =	vshll.u32 v2, v39;
	[tilespmem:s3+$0xFFFFF9B0] =	vst v18;
	v21 =	vld.idx.msk [tilespmem:v28+s15+$0x0], $0xffff  }
0x71a: {  	v2 =	vbroadcast v2, $0x0;
	[tilespmem:s3+$0xFFFFFB30] =	vst v27;
	v28 =	vld.idx.msk [tilespmem:v29+s15+$0x0], $0xffff  }
0x71b: {  	v29 =	vld.idx.msk [tilespmem:v3+s15+$0x0], $0xffff;
	[tilespmem:s3+$0x0] =	vst v16  }
0x71c: {  	v13 =	vor.u32 v52, v2;
	v35 =	vld [tilespmem:$0x1FCC0];
	[tilespmem:s3+$0xFFFFFBB0] =	vst v26  }
0x71d: {  	v25 =	vor.u32 v0, v4;
	v19 =	vor.u32 v60, v4;
	v0 =	vld [tilespmem:$0x1FF60];
	[tilespmem:s3+$0xFFFFFC40] =	vst v31  }
0x71e: {  	v54 =	vld [tilespmem:$0x1FED0];
	[tilespmem:s3+$0xFFFFFCC0] =	vst v12  }
0x71f: {  	v18 =	vor.u32 v5, v4;
	v5 =	vld [tilespmem:$0x1FD80];
	[tilespmem:s3+$0xFFFFFD40] =	vst v14  }
0x720: {  	v16 =	vor.u32 v40, v33;
	v31 =	vld [tilespmem:$0x1FDF0];
	[tilespmem:s3+$0xFFFFFDC0] =	vst v22  }
0x721: {  	v3 =	vld.idx.msk [tilespmem:v13+s15+$0x0], $0xffff;
	v13 =	vor.u32 v48, v32;
	[tilespmem:s3+$0xFFFFFE40] =	vst v23  }
0x722: {  	v19 =	vld.idx.msk [tilespmem:v19+s15+$0x0], $0xffff;
	v22 =	vor.u32 v40, v4;
	[tilespmem:s3+$0xFFFFFEC0] =	vst v30  }
0x723: {  	v25 =	vld.idx.msk [tilespmem:v25+s15+$0x0], $0xffff;
	v23 =	vor.u32 v48, v4;
	[tilespmem:s3+$0xFFFFFF40] =	vst v20  }
0x724: {  	v18 =	vld.idx.msk [tilespmem:v18+s15+$0x0], $0xffff;
	[tilespmem:s3+$0xFFFFF9C0] =	vst v29;
	v29 =	vor.u32 v34, v4  }
0x725: {  	v16 =	vld.idx.msk [tilespmem:v16+s15+$0x0], $0xffff;
	[tilespmem:s3+$0xFFFFF840] =	vst v21;
	v24 =	vor.u32 v35, v7  }
0x726: {  	v13 =	vld.idx.msk [tilespmem:v13+s15+$0x0], $0xffff;
	[tilespmem:s3+$0xFFFFF8C0] =	vst v28;
	v30 =	vor.u32 v35, v4  }
0x727: {  	[tilespmem:s3+$0xFFFFFA40] =	vst v15;
	v15 =	vor.u32 v41, v33;
	v22 =	vld.idx.msk [tilespmem:v22+s15+$0x0], $0xffff  }
0x728: {  	v26 =	vor.u32 v0, v8;
	[tilespmem:s3+$0xFFFFFBC0] =	vst v25;
	v23 =	vld.idx.msk [tilespmem:v23+s15+$0x0], $0xffff  }
0x729: {  	[tilespmem:s3+$0xFFFFF940] =	vst v19;
	v29 =	vld.idx.msk [tilespmem:v29+s15+$0x0], $0xffff  }
0x72a: {  	[tilespmem:s3+$0xFFFFFAC0] =	vst v17;
	v17 =	vor.u32 v49, v32;
	v24 =	vld.idx.msk [tilespmem:v24+s15+$0x0], $0xffff  }
0x72b: {  	v20 =	vor.u32 v0, v4;
	[tilespmem:s3+$0xFFFFFC50] =	vst v16;
	v30 =	vld.idx.msk [tilespmem:v30+s15+$0x0], $0xffff  }
0x72c: {  	[tilespmem:s3+$0xFFFFFB40] =	vst v18;
	v27 =	vor.u32 v54, v9;
	v15 =	vld.idx.msk [tilespmem:v15+s15+$0x0], $0xffff  }
0x72d: {  	[tilespmem:s3+$0xFFFFFCD0] =	vst v13;
	v26 =	vld.idx.msk [tilespmem:v26+s15+$0x0], $0xffff  }
0x72e: {  	v21 =	vor.u32 v54, v4;
	v0 =	vld [tilespmem:$0x1FD90]  }
0x72f: {  	v12 =	vor.u32 v5, v10;
	v17 =	vld.idx.msk [tilespmem:v17+s15+$0x0], $0xffff  }
0x730: {  	v28 =	vor.u32 v5, v4;
	v20 =	vld.idx.msk [tilespmem:v20+s15+$0x0], $0xffff  }
0x731: {  	v14 =	vor.u32 v31, v11;
	v27 =	vld.idx.msk [tilespmem:v27+s15+$0x0], $0xffff;
	[tilespmem:s3+$0xFFFFFD50] =	vst v24  }
0x732: {  	v19 =	vor.u32 v31, v4;
	v5 =	vld [tilespmem:$0x1FE00];
	[tilespmem:s3+$0xFFFFFDD0] =	vst v26  }
0x733: {  	v18 =	vor.u32 v57, v7;
	v21 =	vld.idx.msk [tilespmem:v21+s15+$0x0], $0xffff;
	[tilespmem:s3+$0xFFFFF850] =	vst v22  }
0x734: {  	v25 =	vor.u32 v61, v8;
	v12 =	vld.idx.msk [tilespmem:v12+s15+$0x0], $0xffff;
	[tilespmem:s3+$0xFFFFF8D0] =	vst v23  }
0x735: {  	v16 =	vor.u32 v58, v9;
	v28 =	vld.idx.msk [tilespmem:v28+s15+$0x0], $0xffff;
	[tilespmem:s3+$0xFFFFF950] =	vst v30  }
0x736: {  	v14 =	vld.idx.msk [tilespmem:v14+s15+$0x0], $0xffff;
	v13 =	vor.u32 v0, v10;
	[tilespmem:s3+$0xFFFFF9D0] =	vst v20  }
0x737: {  	v19 =	vld.idx.msk [tilespmem:v19+s15+$0x0], $0xffff;
	[tilespmem:s3+$0xFFFFFE50] =	vst v27  }
0x738: {  	v26 =	vor.u32 v41, v4;
	v18 =	vld.idx.msk [tilespmem:v18+s15+$0x0], $0xffff;
	[tilespmem:s3+$0xFFFFFA50] =	vst v21  }
0x739: {  	v22 =	vor.u32 v58, v4;
	v25 =	vld.idx.msk [tilespmem:v25+s15+$0x0], $0xffff;
	[tilespmem:s3+$0xFFFFFED0] =	vst v12  }
0x73a: {  	v23 =	vor.u32 v0, v4;
	v16 =	vld.idx.msk [tilespmem:v16+s15+$0x0], $0xffff;
	[tilespmem:s3+$0xFFFFFAD0] =	vst v28  }
0x73b: {  	[tilespmem:s3+$0xFFFFFF50] =	vst v14;
	v13 =	vld.idx.msk [tilespmem:v13+s15+$0x0], $0xffff  }
0x73c: {  	v20 =	vor.u32 v36, v4;
	v54 =	vld [tilespmem:$0x1FC80]  }
0x73d: {  	v27 =	vor.u32 v49, v4;
	v26 =	vld.idx.msk [tilespmem:v26+s15+$0x0], $0xffff  }
0x73e: {  	[tilespmem:s3+$0xFFFFFB50] =	vst v19;
	v22 =	vld.idx.msk [tilespmem:v22+s15+$0x0], $0xffff  }
0x73f: {  	v21 =	vor.u32 v42, v33;
	[tilespmem:s3+$0xFFFFFBD0] =	vst v29;
	v23 =	vld.idx.msk [tilespmem:v23+s15+$0x0], $0xffff  }
0x740: {  	v12 =	vor.u32 v57, v4;
	v31 =	vld [tilespmem:$0x1FF00]  }
0x741: {  	v20 =	vld.idx.msk [tilespmem:v20+s15+$0x0], $0xffff  }
0x742: {  	[tilespmem:s3+$0xFFFFFC60] =	vst v15;
	v27 =	vld.idx.msk [tilespmem:v27+s15+$0x0], $0xffff  }
0x743: {  	v14 =	vor.u32 v61, v4;
	v56 =	vld [tilespmem:$0x1FD30]  }
0x744: {  	v19 =	vor.u32 v53, v7;
	v21 =	vld.idx.msk [tilespmem:v21+s15+$0x0], $0xffff  }
0x745: {  	v24 =	vor.u32 v5, v11;
	[tilespmem:s3+$0xFFFFFCE0] =	vst v17;
	v12 =	vld.idx.msk [tilespmem:v12+s15+$0x0], $0xffff  }
0x746: {  	v30 =	vor.u32 v5, v4;
	v0 =	vld [tilespmem:$0x1FDA0];
	[tilespmem:s3+$0xFFFFFD60] =	vst v18  }
0x747: {  	v5 =	vld [tilespmem:$0x1FE10];
	[tilespmem:s3+$0xFFFFFDE0] =	vst v25;
	v25 =	vor.u32 v42, v4  }
0x748: {  	v14 =	vld.idx.msk [tilespmem:v14+s15+$0x0], $0xffff;
	v28 =	vor.u32 v54, v32  }
0x749: {  	[tilespmem:s3+$0xFFFFFE60] =	vst v16;
	v19 =	vld.idx.msk [tilespmem:v19+s15+$0x0], $0xffff;
	v16 =	vor.u32 v54, v4  }
0x74a: {  	[tilespmem:s3+$0xFFFFFEE0] =	vst v13;
	v24 =	vld.idx.msk [tilespmem:v24+s15+$0x0], $0xffff;
	v29 =	vor.u32 v31, v8  }
0x74b: {  	v13 =	vor.u32 v53, v4;
	v30 =	vld.idx.msk [tilespmem:v30+s15+$0x0], $0xffff;
	[tilespmem:s3+$0xFFFFF860] =	vst v26  }
0x74c: {  	v15 =	vor.u32 v56, v9;
	v25 =	vld.idx.msk [tilespmem:v25+s15+$0x0], $0xffff  }
0x74d: {  	v26 =	vor.u32 v56, v4;
	[tilespmem:s3+$0xFFFFF8E0] =	vst v27;
	v28 =	vld.idx.msk [tilespmem:v28+s15+$0x0], $0xffff  }
0x74e: {  	v17 =	vor.u32 v0, v10;
	v16 =	vld.idx.msk [tilespmem:v16+s15+$0x0], $0xffff  }
0x74f: {  	v27 =	vor.u32 v0, v4;
	[tilespmem:s3+$0xFFFFF960] =	vst v12;
	v29 =	vld.idx.msk [tilespmem:v29+s15+$0x0], $0xffff  }
0x750: {  	v18 =	vor.u32 v5, v11;
	[tilespmem:s3+$0xFFFFFF60] =	vst v24;
	v24 =	vor.u32 v31, v4;
	v31 =	vld.idx.msk [tilespmem:v13+s15+$0x0], $0xffff  }
0x751: {  	[tilespmem:s3+$0xFFFFFA60] =	vst v22;
	v12 =	vor.u32 v5, v4;
	v15 =	vld.idx.msk [tilespmem:v15+s15+$0x0], $0xffff  }
0x752: {  	v26 =	vld.idx.msk [tilespmem:v26+s15+$0x0], $0xffff  }
0x753: {  	[tilespmem:s3+$0xFFFFFAE0] =	vst v23;
	v13 =	vor.u32 v6, v4;
	v17 =	vld.idx.msk [tilespmem:v17+s15+$0x0], $0xffff  }
0x754: {  	v58 =	vld.idx.msk [tilespmem:v27+s15+$0x0], $0xffff  }
0x755: {  	[tilespmem:s3+$0xFFFFFB60] =	vst v30;
	v18 =	vld.idx.msk [tilespmem:v18+s15+$0x0], $0xffff  }
0x756: {  	[tilespmem:s3+$0xFFFFF9E0] =	vst v14;
	v30 =	vld.idx.msk [tilespmem:v12+s15+$0x0], $0xffff  }
0x757: {  	[tilespmem:s3+$0xFFFFFBE0] =	vst v20;
	v5 =	vor.u32 v43, v33;
	v22 =	vld.idx.msk [tilespmem:v24+s15+$0x0], $0xffff  }
0x758: {  	[tilespmem:s3+$0xFFFFFC70] =	vst v21;
	v6 =	vor.u32 v51, v32;
	v12 =	vld.idx.msk [tilespmem:v13+s15+$0x0], $0xffff  }
0x759: {  	v8 =	vor.u32 v59, v8;
	v24 =	vld [tilespmem:$0x1FD40];
	[tilespmem:s3+$0xFFFFFCF0] =	vst v28  }
0x75a: {  	v20 =	vor.u32 v51, v4;
	v23 =	vld [tilespmem:$0x1FDB0];
	[tilespmem:s3+$0xFFFFFD70] =	vst v19  }
0x75b: {  	v21 =	vor.u32 v1, v4;
	v0 =	vld [tilespmem:$0x1FE20];
	[tilespmem:s3+$0xFFFFFDF0] =	vst v29  }
0x75c: {  	v7 =	vor.u32 v1, v7;
	v13 =	vld.idx.msk [tilespmem:v5+s15+$0x0], $0xffff;
	[tilespmem:s3+$0xFFFFFE70] =	vst v15  }
0x75d: {  	v5 =	vld.idx.msk [tilespmem:v6+s15+$0x0], $0xffff;
	[tilespmem:s3+$0xFFFFFEF0] =	vst v17;
	v17 =	vor.u32 v59, v4  }
0x75e: {  	[tilespmem:s3+$0xFFFFF8F0] =	vst v16;
	v6 =	vld.idx.msk [tilespmem:v8+s15+$0x0], $0xffff;
	v14 =	vor.u32 v24, v9  }
0x75f: {  	v19 =	vor.u32 v43, v4;
	[tilespmem:s3+$0xFFFFF970] =	vst v31;
	v15 =	vld.idx.msk [tilespmem:v20+s15+$0x0], $0xffff  }
0x760: {  	[tilespmem:s3+$0xFFFFF870] =	vst v25;
	v16 =	vld.idx.msk [tilespmem:v21+s15+$0x0], $0xffff  }
0x761: {  	v9 =	vld.idx.msk [tilespmem:v7+s15+$0x0], $0xffff;
	v25 =	vor.u32 v24, v4;
	[tilespmem:s3+$0xFFFFF9F0] =	vst v22  }
0x762: {  	[tilespmem:s3+$0xFFFFFA70] =	vst v26;
	v10 =	vor.u32 v23, v10;
	v17 =	vld.idx.msk [tilespmem:v17+s15+$0x0], $0xffff  }
0x763: {  	s8 =	simm.s32 $0x18;
	[tilespmem:s3+$0xFFFFFAF0] =	vst v58;
	v7 =	vld.idx.msk [tilespmem:v14+s15+$0x0], $0xffff  }
0x764: {  	[tilespmem:s3+$0xFFFFFF70] =	vst v18;
	v18 =	vmov s8;
	v14 =	vld.idx.msk [tilespmem:v19+s15+$0x0], $0xffff  }
0x765: {  	v11 =	vor.u32 v0, v11;
	v19 =	vor.u32 v23, v4;
	v23 =	vor.u32 v0, v4;
	v0 =	vld [tilespmem:$0x1FCA0]  }
0x766: {  	v29 =	vshrl.u32 v18, $0x3;
	v18 =	vld.idx.msk [tilespmem:v25+s15+$0x0], $0xffff  }
0x767: {  	[tilespmem:s3+$0xFFFFFB70] =	vst v30;
	v8 =	vld.idx.msk [tilespmem:v10+s15+$0x0], $0xffff  }
0x768: {  	v42 =	vmovc v47;
	v47 =	vmov v48;
	v48 =	vmov v49;
	v49 =	vmov v54;
	v54 =	vld [tilespmem:$0x1FF80]  }
0x769: {  	v55 =	vmov v60;
	v60 =	vmov v62;
	s8 =	simm.s32 $0x1C;
	v20 =	vor.u32 v62, v2;
	v62 =	vld [tilespmem:$0x1FCE0]  }
0x76a: {  	s7 =	simm.s32 $0x1B;
	v36 =	vmov v63;
	v61 =	vmov s8;
	v63 =	vld [tilespmem:$0x1FCF0]  }
0x76b: {  	s14 =	simm.s32 $0x1A;
	v59 =	vmov s7;
	v22 =	vor.u32 v50, v4;
	v50 =	vmov v35;
	v35 =	vld [tilespmem:$0x1FF70]  }
0x76c: {  	s12 =	simm.s32 $0x19;
	v34 =	vmovc v44;
	v56 =	vmov v57;
	v28 =	vmov s14;
	v26 =	vshrl.u32 v59, $0x3;
	v59 =	vld [tilespmem:$0x1FF60]  }
0x76d: {  	v28 =	vshrl.u32 v28, $0x3;
	v58 =	vmovc v1;
	v25 =	vshrl.u32 v61, $0x3;
	v61 =	vmovc v52;
	v10 =	vld.idx.msk [tilespmem:v11+s15+$0x0], $0xffff;
	v11 =	vmov s12;
	s12 =	simm.s32 $0x1D  }
0x76e: {  	s14 =	simm.s32 $0x1E;
	v31 =	vmov s12;
	v27 =	vshrl.u32 v11, $0x3;
	v11 =	vor.u32 v0, v2;
	v19 =	vld.idx.msk [tilespmem:v19+s15+$0x0], $0xffff;
	v52 =	vmovc v0;
	v0 =	vmovc v53  }
0x76f: {  	s0 =	sadd.s32 $0x3, s0;
	s6 =	simm.s32 $0x20;
	s7 =	simm.s32 $0x1F;
	v1 =	vmovc v37;
	v24 =	vmov s14;
	v4 =	vor.u32 v44, v2;
	v21 =	vshrl.u32 v31, $0x3;
	v53 =	vld [tilespmem:$0x1FCB0];
	v57 =	vmovc v0  }
.LBB2_9:
0x770: {  	_ = 	snop  }
0x771: {  	v37 =	vld [tilespmem:$0x1FEC0]  }
0x772: {  	v23 =	vld.idx.msk [tilespmem:v23+s15+$0x0], $0xffff  }
0x773: {  	v51 =	vld [tilespmem:$0x1FEB0]  }
0x774: {  	v29 =	vshll.u32 v29, v39;
	[tilespmem:s3+$0xFFFFFC80] =	vst v13;
	v13 =	vld.idx.msk [tilespmem:v4+s15+$0x0], $0xffff  }
0x775: {  	v0 =	vld [tilespmem:$0x1FE90];
	v4 =	vbroadcast v29, $0x0;
	[tilespmem:s3+$0xFFFFFBF0] =	vst v12  }
0x776: {  	v43 =	vld [tilespmem:$0x1FEA0];
	[tilespmem:s3+$0xFFFFFD00] =	vst v5  }
0x777: {  	v31 =	vmov s7;
	v20 =	vld.idx.msk [tilespmem:v20+s15+$0x0], $0xffff;
	v5 =	vshll.u32 v27, v39;
	[tilespmem:s3+$0xFFFFFD80] =	vst v9;
	v27 =	vor.u32 v61, v4  }
0x778: {  	v24 =	vshrl.u32 v24, $0x3;
	v40 =	vld [tilespmem:$0x1FD10];
	v31 =	vshrl.u32 v31, $0x3;
	v9 =	vshll.u32 v28, v39;
	[tilespmem:s3+$0xFFFFFE00] =	vst v6  }
0x779: {  	v44 =	vmovc v34;
	v34 =	vld [tilespmem:$0x1FD60];
	v29 =	vshll.u32 v31, v39;
	[tilespmem:s3+$0xFFFFFE80] =	vst v7;
	v6 =	vbroadcast v9, $0x0;
	v9 =	vshll.u32 v26, v39  }
0x77a: {  	v31 =	vld.idx.msk [tilespmem:v11+s15+$0x0], $0xffff;
	[tilespmem:s3+$0xFFFFFF00] =	vst v8;
	v30 =	vor.u32 v37, v2;
	v7 =	vbroadcast v9, $0x0;
	v9 =	vshll.u32 v25, v39  }
0x77b: {  	v22 =	vld.idx.msk [tilespmem:v22+s15+$0x0], $0xffff;
	[tilespmem:s3+$0xFFFFFF80] =	vst v10;
	v10 =	vshll.u32 v24, v39;
	v12 =	vor.u32 v51, v2;
	v8 =	vbroadcast v9, $0x0  }
0x77c: {  	v11 =	vbroadcast v29, $0x0;
	[tilespmem:s3+$0xFFFFF880] =	vst v14;
	v32 =	vor.u32 v0, v2;
	v10 =	vbroadcast v10, $0x0;
	v14 =	vld.idx.msk [tilespmem:v27+s15+$0x0], $0xffff  }
0x77d: {  	v33 =	vor.u32 v43, v2;
	v24 =	vor.u32 v37, v8;
	v37 =	vld [tilespmem:$0x1FF10]  }
0x77e: {  	v26 =	vor.u32 v43, v11;
	v27 =	vor.u32 v0, v10;
	v0 =	vld [tilespmem:$0x1FE40]  }
0x77f: {  	v28 =	vld.idx.msk [tilespmem:v30+s15+$0x0], $0xffff  }
0x780: {  	v5 =	vbroadcast v5, $0x0;
	v12 =	vld.idx.msk [tilespmem:v12+s15+$0x0], $0xffff  }
0x781: {  	v25 =	vld.idx.msk [tilespmem:v32+s15+$0x0], $0xffff  }
0x782: {  	[tilespmem:s3+$0xFFFFF900] =	vst v15;
	v29 =	vor.u32 v44, v5;
	v9 =	vshll.u32 v21, v39;
	v21 =	vld.idx.msk [tilespmem:v33+s15+$0x0], $0xffff  }
0x783: {  	[tilespmem:s3+$0xFFFFF980] =	vst v16;
	v26 =	vld.idx.msk [tilespmem:v26+s15+$0x0], $0xffff  }
0x784: {  	[tilespmem:s3+$0xFFFFFA00] =	vst v17;
	v9 =	vbroadcast v9, $0x0;
	v33 =	vld [tilespmem:$0x1FE30]  }
0x785: {  	[tilespmem:s3+$0xFFFFFA80] =	vst v18;
	v32 =	vld [tilespmem:$0x1FD50]  }
0x786: {  	v30 =	vor.u32 v52, v6;
	v15 =	vor.u32 v51, v9;
	[tilespmem:s3+$0xFFFFFB00] =	vst v19;
	v51 =	vld [tilespmem:$0x1FDC0]  }
0x787: {  	v43 =	vor.u32 v60, v7;
	[tilespmem:s3+$0xFFFFFB80] =	vst v23;
	v16 =	vld.idx.msk [tilespmem:v29+s15+$0x0], $0xffff  }
0x788: {  	[tilespmem:s3+$0xFFFFFC00] =	vst v22;
	s3 =	sadd.s32 $0x800, s3;
	v24 =	vld.idx.msk [tilespmem:v24+s15+$0x0], $0xffff  }
0x789: {  	v18 =	vor.u32 v1, v4;
	[tilespmem:s3+$0xFFFFF810] =	vst v3;
	v27 =	vld.idx.msk [tilespmem:v27+s15+$0x0], $0xffff  }
0x78a: {  	[tilespmem:s3+$0xFFFFFC10] =	vst v14;
	v14 =	vor.u32 v37, v8;
	v3 =	vor.u32 v37, v2;
	v37 =	vld [tilespmem:$0x1FE70]  }
0x78b: {  	v17 =	vld.idx.msk [tilespmem:v30+s15+$0x0], $0xffff  }
0x78c: {  	v19 =	vor.u32 v45, v5;
	v30 =	vld.idx.msk [tilespmem:v43+s15+$0x0], $0xffff  }
0x78d: {  	v15 =	vld.idx.msk [tilespmem:v15+s15+$0x0], $0xffff  }
0x78e: {  	[tilespmem:s3+$0xFFFFF990] =	vst v20;
	v29 =	vor.u32 v33, v11;
	v18 =	vld.idx.msk [tilespmem:v18+s15+$0x0], $0xffff  }
0x78f: {  	v43 =	vld [tilespmem:$0x1FE50];
	[tilespmem:s3+$0xFFFFFA10] =	vst v28  }
0x790: {  	v20 =	vor.u32 v51, v2;
	v28 =	vor.u32 v33, v2;
	v33 =	vld [tilespmem:$0x1FE60];
	[tilespmem:s3+$0xFFFFFC90] =	vst v16  }
0x791: {  	v19 =	vld.idx.msk [tilespmem:v19+s15+$0x0], $0xffff  }
0x792: {  	[tilespmem:s3+$0xFFFFFF90] =	vst v26;
	v3 =	vld.idx.msk [tilespmem:v3+s15+$0x0], $0xffff  }
0x793: {  	v23 =	vor.u32 v53, v6;
	[tilespmem:s3+$0xFFFFFE10] =	vst v24;
	v26 =	vld.idx.msk [tilespmem:v29+s15+$0x0], $0xffff  }
0x794: {  	v22 =	vor.u32 v62, v7;
	[tilespmem:s3+$0xFFFFFB10] =	vst v25;
	v14 =	vld.idx.msk [tilespmem:v14+s15+$0x0], $0xffff  }
0x795: {  	[tilespmem:s3+$0xFFFFFB90] =	vst v21;
	v16 =	vor.u32 v32, v9;
	v20 =	vld.idx.msk [tilespmem:v20+s15+$0x0], $0xffff  }
0x796: {  	[tilespmem:s3+$0xFFFFFA90] =	vst v12;
	v24 =	vor.u32 v45, v2;
	v28 =	vld.idx.msk [tilespmem:v28+s15+$0x0], $0xffff  }
0x797: {  	v12 =	vor.u32 v46, v5;
	[tilespmem:s3+$0xFFFFFD10] =	vst v17;
	v29 =	vor.u32 v51, v10;
	v51 =	vld [tilespmem:$0x1FDD0]  }
0x798: {  	[tilespmem:s3+$0xFFFFFD90] =	vst v30;
	v23 =	vld.idx.msk [tilespmem:v23+s15+$0x0], $0xffff  }
0x799: {  	v30 =	vor.u32 v1, v2;
	[tilespmem:s3+$0xFFFFFE90] =	vst v15;
	v22 =	vld.idx.msk [tilespmem:v22+s15+$0x0], $0xffff  }
0x79a: {  	[tilespmem:s3+$0xFFFFF890] =	vst v13;
	v15 =	vor.u32 v53, v2;
	v16 =	vld.idx.msk [tilespmem:v16+s15+$0x0], $0xffff  }
0x79b: {  	[tilespmem:s3+$0xFFFFFCA0] =	vst v19;
	v24 =	vld.idx.msk [tilespmem:v24+s15+$0x0], $0xffff  }
0x79c: {  	[tilespmem:s3+$0xFFFFFF10] =	vst v27;
	v17 =	vor.u32 v0, v11;
	v12 =	vld.idx.msk [tilespmem:v12+s15+$0x0], $0xffff  }
0x79d: {  	[tilespmem:s3+$0xFFFFF910] =	vst v31;
	v25 =	vor.u32 v54, v6;
	v27 =	vld.idx.msk [tilespmem:v29+s15+$0x0], $0xffff  }
0x79e: {  	[tilespmem:s3+$0xFFFFFC20] =	vst v18;
	v18 =	vor.u32 v63, v7;
	v29 =	vld.idx.msk [tilespmem:v30+s15+$0x0], $0xffff  }
0x79f: {  	v19 =	vor.u32 v40, v8;
	[tilespmem:s3+$0xFFFFFFA0] =	vst v26;
	v15 =	vld.idx.msk [tilespmem:v15+s15+$0x0], $0xffff  }
0x7a0: {  	v26 =	vor.u32 v62, v2;
	v30 =	vor.u32 v32, v2;
	[tilespmem:s3+$0xFFFFFB20] =	vst v20;
	v32 =	vld [tilespmem:$0x1FD70]  }
0x7a1: {  	v20 =	vor.u32 v42, v5;
	v17 =	vld.idx.msk [tilespmem:v17+s15+$0x0], $0xffff;
	[tilespmem:s3+$0xFFFFFD20] =	vst v23  }
0x7a2: {  	[tilespmem:s3+$0xFFFFFDA0] =	vst v22;
	v25 =	vld.idx.msk [tilespmem:v25+s15+$0x0], $0xffff  }
0x7a3: {  	v31 =	vor.u32 v38, v4;
	[tilespmem:s3+$0xFFFFFE20] =	vst v14;
	v18 =	vld.idx.msk [tilespmem:v18+s15+$0x0], $0xffff  }
0x7a4: {  	v23 =	vor.u32 v34, v9;
	v14 =	vld.idx.msk [tilespmem:v19+s15+$0x0], $0xffff  }
0x7a5: {  	v22 =	vor.u32 v46, v2;
	[tilespmem:s3+$0xFFFFFCB0] =	vst v12;
	v26 =	vld.idx.msk [tilespmem:v26+s15+$0x0], $0xffff  }
0x7a6: {  	[tilespmem:s3+$0xFFFFFBA0] =	vst v28;
	v20 =	vld.idx.msk [tilespmem:v20+s15+$0x0], $0xffff  }
0x7a7: {  	v13 =	vor.u32 v43, v11;
	[tilespmem:s3+$0xFFFFFFB0] =	vst v17;
	v17 =	vld.idx.msk [tilespmem:v30+s15+$0x0], $0xffff  }
0x7a8: {  	[tilespmem:s3+$0xFFFFFEA0] =	vst v16;
	v19 =	vor.u32 v54, v2;
	v30 =	vld.idx.msk [tilespmem:v31+s15+$0x0], $0xffff  }
0x7a9: {  	v28 =	vor.u32 v55, v6;
	[tilespmem:s3+$0xFFFFF8A0] =	vst v24;
	v23 =	vld.idx.msk [tilespmem:v23+s15+$0x0], $0xffff  }
0x7aa: {  	v24 =	vor.u32 v40, v2;
	v22 =	vld.idx.msk [tilespmem:v22+s15+$0x0], $0xffff  }
0x7ab: {  	[tilespmem:s3+$0xFFFFF920] =	vst v15;
	v15 =	vor.u32 v51, v2;
	v31 =	vor.u32 v51, v10;
	v51 =	vld [tilespmem:$0x1FF20]  }
0x7ac: {  	[tilespmem:s3+$0xFFFFFF20] =	vst v27;
	v13 =	vld.idx.msk [tilespmem:v13+s15+$0x0], $0xffff  }
0x7ad: {  	v27 =	vor.u32 v63, v2;
	[tilespmem:s3+$0xFFFFFD30] =	vst v25;
	v19 =	vld.idx.msk [tilespmem:v19+s15+$0x0], $0xffff  }
0x7ae: {  	[tilespmem:s3+$0xFFFFFA20] =	vst v3;
	v28 =	vld.idx.msk [tilespmem:v28+s15+$0x0], $0xffff  }
0x7af: {  	v24 =	vld.idx.msk [tilespmem:v24+s15+$0x0], $0xffff  }
0x7b0: {  	[tilespmem:s3+$0xFFFFF820] =	vst v29;
	v12 =	vor.u32 v32, v9;
	v15 =	vld.idx.msk [tilespmem:v15+s15+$0x0], $0xffff  }
0x7b1: {  	v21 =	vor.u32 v33, v11;
	[tilespmem:s3+$0xFFFFF9A0] =	vst v26;
	v29 =	vld.idx.msk [tilespmem:v31+s15+$0x0], $0xffff  }
0x7b2: {  	[tilespmem:s3+$0xFFFFFE30] =	vst v14;
	v14 =	vor.u32 v42, v2;
	v26 =	vld.idx.msk [tilespmem:v27+s15+$0x0], $0xffff  }
0x7b3: {  	v31 =	vor.u32 v34, v2;
	v34 =	vld [tilespmem:$0x1FDE0];
	[tilespmem:s3+$0xFFFFFEB0] =	vst v23  }
0x7b4: {  	v40 =	vmov v38;
	[tilespmem:s3+$0xFFFFFFC0] =	vst v13;
	v13 =	vor.u32 v38, v2;
	v38 =	vld [tilespmem:$0x1FBF0]  }
0x7b5: {  	[tilespmem:s3+$0xFFFFFAA0] =	vst v17;
	v17 =	vor.u32 v36, v4;
	v12 =	vld.idx.msk [tilespmem:v12+s15+$0x0], $0xffff  }
0x7b6: {  	v23 =	vor.u32 v55, v2;
	[tilespmem:s3+$0xFFFFF8B0] =	vst v22;
	v21 =	vld.idx.msk [tilespmem:v21+s15+$0x0], $0xffff  }
0x7b7: {  	v14 =	vld.idx.msk [tilespmem:v14+s15+$0x0], $0xffff  }
0x7b8: {  	[tilespmem:s3+$0xFFFFFA30] =	vst v24;
	v24 =	vor.u32 v43, v2;
	v43 =	vld [tilespmem:$0x1FED0]  }
0x7b9: {  	[tilespmem:s3+$0xFFFFFC30] =	vst v30;
	v27 =	vld.idx.msk [tilespmem:v31+s15+$0x0], $0xffff  }
0x7ba: {  	v16 =	vor.u32 v37, v11;
	[tilespmem:s3+$0xFFFFF930] =	vst v19;
	v17 =	vld.idx.msk [tilespmem:v17+s15+$0x0], $0xffff  }
0x7bb: {  	[tilespmem:s3+$0xFFFFFB30] =	vst v15;
	v15 =	vor.u32 v50, v6;
	v22 =	vld.idx.msk [tilespmem:v23+s15+$0x0], $0xffff  }
0x7bc: {  	[tilespmem:s3+$0xFFFFFDB0] =	vst v18;
	v31 =	vor.u32 v35, v7;
	v18 =	vor.u32 v34, v10;
	v23 =	vor.u32 v34, v2;
	v34 =	vld [tilespmem:$0x1FDF0]  }
0x7bd: {  	v13 =	vld.idx.msk [tilespmem:v13+s15+$0x0], $0xffff  }
0x7be: {  	[tilespmem:s3+$0xFFFFFFD0] =	vst v21;
	v21 =	vor.u32 v0, v2;
	v0 =	vld [tilespmem:$0x1FE80]  }
0x7bf: {  	[tilespmem:s3+$0xFFFFFD40] =	vst v28;
	v16 =	vld.idx.msk [tilespmem:v16+s15+$0x0], $0xffff  }
0x7c0: {  	v19 =	vor.u32 v32, v2;
	v15 =	vld.idx.msk [tilespmem:v15+s15+$0x0], $0xffff  }
0x7c1: {  	[tilespmem:s3+$0xFFFFFF30] =	vst v29;
	v31 =	vld.idx.msk [tilespmem:v31+s15+$0x0], $0xffff  }
0x7c2: {  	v30 =	vor.u32 v36, v2;
	v18 =	vld.idx.msk [tilespmem:v18+s15+$0x0], $0xffff  }
0x7c3: {  	[tilespmem:s3+$0xFFFFFAB0] =	vst v27;
	v23 =	vld.idx.msk [tilespmem:v23+s15+$0x0], $0xffff  }
0x7c4: {  	v28 =	vor.u32 v34, v10;
	[tilespmem:s3+$0xFFFFF940] =	vst v22;
	v22 =	vor.u32 v34, v2;
	v34 =	vld [tilespmem:$0x1FEE0]  }
0x7c5: {  	[tilespmem:s3+$0xFFFFF830] =	vst v13;
	v13 =	vor.u32 v51, v2;
	v19 =	vld.idx.msk [tilespmem:v19+s15+$0x0], $0xffff  }
0x7c6: {  	v21 =	vld.idx.msk [tilespmem:v21+s15+$0x0], $0xffff  }
0x7c7: {  	[tilespmem:s3+$0xFFFFFC40] =	vst v17;
	v30 =	vld.idx.msk [tilespmem:v30+s15+$0x0], $0xffff  }
0x7c8: {  	v3 =	vor.u32 v0, v11;
	[tilespmem:s3+$0xFFFFFFE0] =	vst v16;
	v16 =	vor.u32 v51, v8;
	v51 =	vld [tilespmem:$0x1FC10]  }
0x7c9: {  	v17 =	vor.u32 v43, v8;
	[tilespmem:s3+$0xFFFFFF40] =	vst v18;
	v18 =	vor.u32 v43, v2;
	v43 =	vld [tilespmem:$0x1FD00]  }
0x7ca: {  	v13 =	vld.idx.msk [tilespmem:v13+s15+$0x0], $0xffff  }
0x7cb: {  	[tilespmem:s3+$0xFFFFFB40] =	vst v23;
	v23 =	vor.u32 v56, v6;
	v28 =	vld.idx.msk [tilespmem:v28+s15+$0x0], $0xffff  }
0x7cc: {  	v22 =	vld.idx.msk [tilespmem:v22+s15+$0x0], $0xffff;
	[tilespmem:s3+$0xFFFFFBB0] =	vst v21;
	v21 =	vor.u32 v59, v7  }
0x7cd: {  	v3 =	vld.idx.msk [tilespmem:v3+s15+$0x0], $0xffff  }
0x7ce: {  	v25 =	vor.u32 v38, v11;
	[tilespmem:s3+$0xFFFFFD50] =	vst v15;
	v16 =	vld.idx.msk [tilespmem:v16+s15+$0x0], $0xffff  }
0x7cf: {  	v11 =	vmov s6;
	[tilespmem:s3+$0xFFFFFDC0] =	vst v31;
	v32 =	vor.u32 v51, v4;
	v24 =	vld.idx.msk [tilespmem:v24+s15+$0x0], $0xffff  }
0x7d0: {  	v11 =	vshrl.u32 v11, $0x3;
	v23 =	vld.idx.msk [tilespmem:v23+s15+$0x0], $0xffff;
	[tilespmem:s3+$0xFFFFFA40] =	vst v13  }
0x7d1: {  	v11 =	vshll.u32 v11, v39;
	[tilespmem:s3+$0xFFFFFB50] =	vst v22;
	v21 =	vld.idx.msk [tilespmem:v21+s15+$0x0], $0xffff  }
0x7d2: {  	v11 =	vbroadcast v11, $0x0;
	v22 =	vor.u32 v57, v6;
	[tilespmem:s3+$0xFFFFFFF0] =	vst v3;
	v18 =	vld.idx.msk [tilespmem:v18+s15+$0x0], $0xffff  }
0x7d3: {  	v3 =	vor.u32 v35, v2;
	v25 =	vld.idx.msk [tilespmem:v25+s15+$0x0], $0xffff  }
0x7d4: {  	[tilespmem:s3+$0xFFFFF9B0] =	vst v26;
	v29 =	vor.u32 v61, v11;
	v27 =	vld.idx.msk [tilespmem:v32+s15+$0x0], $0xffff  }
0x7d5: {  	v31 =	vor.u32 v47, v2;
	v32 =	vld [tilespmem:$0x1FD80];
	[tilespmem:s3+$0xFFFFFE40] =	vst v16  }
0x7d6: {  	v17 =	vld.idx.msk [tilespmem:v17+s15+$0x0], $0xffff;
	[tilespmem:s3+$0xFFFFFD60] =	vst v23  }
0x7d7: {  	[tilespmem:s3+$0xFFFFF8C0] =	vst v14;
	v16 =	vor.u32 v50, v2;
	v22 =	vld.idx.msk [tilespmem:v22+s15+$0x0], $0xffff  }
0x7d8: {  	[tilespmem:s3+$0xFFFFFF50] =	vst v28;
	v26 =	vld.idx.msk [tilespmem:v3+s15+$0x0], $0xffff  }
0x7d9: {  	[tilespmem:s3+$0xFFFFFBC0] =	vst v24;
	v24 =	vor.u32 v43, v7;
	v3 =	vld.idx.msk [tilespmem:v29+s15+$0x0], $0xffff  }
0x7da: {  	v28 =	vor.u32 v34, v2;
	[tilespmem:s3+$0xFFFFF840] =	vst v30;
	v30 =	vld.idx.msk [tilespmem:v31+s15+$0x0], $0xffff  }
0x7db: {  	v29 =	vor.u32 v51, v2;
	v51 =	vld [tilespmem:$0x1FE00]  }
0x7dc: {  	[tilespmem:s3+$0xFFFFFCC0] =	vst v20;
	v13 =	vor.u32 v41, v4;
	v16 =	vld.idx.msk [tilespmem:v16+s15+$0x0], $0xffff  }
0x7dd: {  	[tilespmem:s3+$0xFFFFFDD0] =	vst v21;
	v20 =	vor.u32 v32, v9;
	v14 =	vor.u32 v32, v2;
	v32 =	vld [tilespmem:$0x1FD90]  }
0x7de: {  	[tilespmem:s3+$0xFFFFFA50] =	vst v18;
	v24 =	vld.idx.msk [tilespmem:v24+s15+$0x0], $0xffff  }
0x7df: {  	[tilespmem:s3+$0x0] =	vst v25;
	v28 =	vld.idx.msk [tilespmem:v28+s15+$0x0], $0xffff  }
0x7e0: {  	v25 =	vor.u32 v47, v5;
	[tilespmem:s3+$0xFFFFFC50] =	vst v27;
	v27 =	vor.u32 v34, v8;
	v34 =	vld [tilespmem:$0x1FDA0]  }
0x7e1: {  	[tilespmem:s3+$0xFFFFFEC0] =	vst v12;
	v13 =	vld.idx.msk [tilespmem:v13+s15+$0x0], $0xffff  }
0x7e2: {  	v12 =	vor.u32 v59, v2;
	[tilespmem:s3+$0xFFFFFD70] =	vst v22;
	v22 =	vld [tilespmem:$0x1FE20]  }
0x7e3: {  	v29 =	vld.idx.msk [tilespmem:v29+s15+$0x0], $0xffff  }
0x7e4: {  	[tilespmem:s3+$0xFFFFF9C0] =	vst v26;
	v26 =	vor.u32 v33, v2;
	v33 =	vld [tilespmem:$0x1FD30]  }
0x7e5: {  	v21 =	vor.u32 v48, v2;
	v25 =	vld.idx.msk [tilespmem:v25+s15+$0x0], $0xffff  }
0x7e6: {  	[tilespmem:s3+$0xFFFFFE50] =	vst v17;
	v17 =	vor.u32 v56, v2;
	v20 =	vld.idx.msk [tilespmem:v20+s15+$0x0], $0xffff  }
0x7e7: {  	[tilespmem:s3+$0xFFFFFAC0] =	vst v19;
	v12 =	vld.idx.msk [tilespmem:v12+s15+$0x0], $0xffff  }
0x7e8: {  	v15 =	vor.u32 v51, v10;
	v14 =	vld.idx.msk [tilespmem:v14+s15+$0x0], $0xffff  }
0x7e9: {  	v31 =	vor.u32 v41, v2;
	[tilespmem:s3+$0xFFFFF8D0] =	vst v30;
	v27 =	vld.idx.msk [tilespmem:v27+s15+$0x0], $0xffff  }
0x7ea: {  	v21 =	vld.idx.msk [tilespmem:v21+s15+$0x0], $0xffff;
	[tilespmem:s3+$0xFFFFF950] =	vst v16  }
0x7eb: {  	v16 =	vor.u32 v51, v2;
	v17 =	vld.idx.msk [tilespmem:v17+s15+$0x0], $0xffff  }
0x7ec: {  	v26 =	vld.idx.msk [tilespmem:v26+s15+$0x0], $0xffff  }
0x7ed: {  	[tilespmem:s3+$0xFFFFF850] =	vst v29;
	v15 =	vld.idx.msk [tilespmem:v15+s15+$0x0], $0xffff  }
0x7ee: {  	v19 =	vor.u32 v48, v5;
	[tilespmem:s3+$0xFFFFFDE0] =	vst v24;
	v29 =	vld.idx.msk [tilespmem:v31+s15+$0x0], $0xffff  }
0x7ef: {  	v30 =	vor.u32 v32, v2;
	[tilespmem:s3+$0xFFFFFC60] =	vst v13;
	v31 =	vld [tilespmem:$0x1FC30]  }
0x7f0: {  	v24 =	vor.u32 v49, v2;
	[tilespmem:s3+$0xFFFFFCD0] =	vst v25;
	v16 =	vld.idx.msk [tilespmem:v16+s15+$0x0], $0xffff  }
0x7f1: {  	v13 =	vor.u32 v33, v8;
	[tilespmem:s3+$0xFFFFFED0] =	vst v20;
	v20 =	vor.u32 v43, v2;
	v43 =	vld [tilespmem:$0x1FF00]  }
0x7f2: {  	v25 =	vor.u32 v32, v9;
	[tilespmem:s3+$0xFFFFF9D0] =	vst v12;
	v12 =	vor.u32 v37, v2;
	v37 =	vld [tilespmem:$0x1FE10]  }
0x7f3: {  	[tilespmem:s3+$0xFFFFFAD0] =	vst v14;
	v19 =	vld.idx.msk [tilespmem:v19+s15+$0x0], $0xffff  }
0x7f4: {  	[tilespmem:s3+$0xFFFFF8E0] =	vst v21;
	v30 =	vld.idx.msk [tilespmem:v30+s15+$0x0], $0xffff  }
0x7f5: {  	[tilespmem:s3+$0xFFFFFE60] =	vst v27;
	v27 =	vor.u32 v57, v2;
	v24 =	vld.idx.msk [tilespmem:v24+s15+$0x0], $0xffff  }
0x7f6: {  	v51 =	vld.idx.msk [tilespmem:v13+s15+$0x0], $0xffff  }
0x7f7: {  	v14 =	vor.u32 v49, v5;
	[tilespmem:s3+$0xFFFFF960] =	vst v17;
	v25 =	vld.idx.msk [tilespmem:v25+s15+$0x0], $0xffff  }
0x7f8: {  	v21 =	vor.u32 v34, v2;
	[tilespmem:s3+$0xFFFFFBD0] =	vst v26;
	v20 =	vld.idx.msk [tilespmem:v20+s15+$0x0], $0xffff  }
0x7f9: {  	[tilespmem:s3+$0xFFFFFF60] =	vst v15;
	v15 =	vor.u32 v33, v2;
	v12 =	vld.idx.msk [tilespmem:v12+s15+$0x0], $0xffff  }
0x7fa: {  	v27 =	vld.idx.msk [tilespmem:v27+s15+$0x0], $0xffff  }
0x7fb: {  	v18 =	vor.u32 v31, v4;
	v23 =	vor.u32 v37, v10;
	v17 =	vor.u32 v37, v2;
	v37 =	vld [tilespmem:$0x1FC40];
	[tilespmem:s3+$0xFFFFFCE0] =	vst v19  }
0x7fc: {  	v26 =	vor.u32 v43, v7;
	[tilespmem:s3+$0xFFFFFAE0] =	vst v30;
	v14 =	vld.idx.msk [tilespmem:v14+s15+$0x0], $0xffff  }
0x7fd: {  	[tilespmem:s3+$0xFFFFFA60] =	vst v28;
	v21 =	vld.idx.msk [tilespmem:v21+s15+$0x0], $0xffff  }
0x7fe: {  	v31 =	vor.u32 v31, v2;
	v28 =	vld.idx.msk [tilespmem:v15+s15+$0x0], $0xffff  }
0x7ff: {  	v15 =	vld [tilespmem:$0x1FC90]  }
0x800: {  	v18 =	vld.idx.msk [tilespmem:v18+s15+$0x0], $0xffff  }
0x801: {  	[tilespmem:s3+$0xFFFFF860] =	vst v29;
	v26 =	vld.idx.msk [tilespmem:v26+s15+$0x0], $0xffff  }
0x802: {  	[tilespmem:s3+$0xFFFFFB60] =	vst v16;
	v23 =	vld.idx.msk [tilespmem:v23+s15+$0x0], $0xffff  }
0x803: {  	v19 =	vor.u32 v34, v9;
	[tilespmem:s3+$0xFFFFFEE0] =	vst v25;
	v25 =	vld.idx.msk [tilespmem:v31+s15+$0x0], $0xffff  }
0x804: {  	v13 =	vor.u32 v43, v2;
	v30 =	vld.idx.msk [tilespmem:v17+s15+$0x0], $0xffff  }
0x805: {  	v16 =	vor.u32 v58, v2;
	v17 =	vld [tilespmem:$0x1FEF0]  }
0x806: {  	[tilespmem:s3+$0xFFFFF9E0] =	vst v20;
	v20 =	vor.u32 v0, v2;
	v0 =	vld [tilespmem:$0x1FD40]  }
0x807: {  	v4 =	vor.u32 v37, v4;
	v31 =	vld [tilespmem:$0x1FDB0]  }
0x808: {  	v6 =	vor.u32 v58, v6;
	[tilespmem:s3+$0xFFFFFBE0] =	vst v12;
	v19 =	vld.idx.msk [tilespmem:v19+s15+$0x0], $0xffff  }
0x809: {  	v10 =	vor.u32 v22, v10;
	[tilespmem:s3+$0xFFFFF970] =	vst v27;
	v29 =	vld.idx.msk [tilespmem:v13+s15+$0x0], $0xffff  }
0x80a: {  	v16 =	vld.idx.msk [tilespmem:v16+s15+$0x0], $0xffff;
	[tilespmem:s3+$0xFFFFFCF0] =	vst v14;
	v14 =	vor.u32 v37, v2  }
0x80b: {  	v5 =	vor.u32 v15, v5;
	v12 =	vld.idx.msk [tilespmem:v20+s15+$0x0], $0xffff;
	[tilespmem:s3+$0xFFFFFC70] =	vst v18  }
0x80c: {  	v15 =	vor.u32 v15, v2;
	v13 =	vld.idx.msk [tilespmem:v4+s15+$0x0], $0xffff  }
0x80d: {  	v7 =	vor.u32 v17, v7;
	[tilespmem:s3+$0xFFFFFF70] =	vst v23;
	v4 =	vor.u32 v31, v9;
	v9 =	vld.idx.msk [tilespmem:v6+s15+$0x0], $0xffff  }
0x80e: {  	v8 =	vor.u32 v0, v8;
	[tilespmem:s3+$0xFFFFF870] =	vst v25;
	v10 =	vld.idx.msk [tilespmem:v10+s15+$0x0], $0xffff  }
0x80f: {  	[tilespmem:s3+$0xFFFFF8F0] =	vst v24;
	v17 =	vor.u32 v17, v2;
	v14 =	vld.idx.msk [tilespmem:v14+s15+$0x0], $0xffff  }
0x810: {  	s12 =	sadd.s32 $0x8, s6;
	[tilespmem:s3+$0xFFFFFDF0] =	vst v26;
	v5 =	vld.idx.msk [tilespmem:v5+s15+$0x0], $0xffff  }
0x811: {  	s14 =	sadd.s32 $0x9, s6;
	s8 =	sadd.s32 $0xA, s6;
	v18 =	vmov s12;
	[tilespmem:s3+$0xFFFFFEF0] =	vst v19;
	v19 =	vor.u32 v0, v2;
	v15 =	vld.idx.msk [tilespmem:v15+s15+$0x0], $0xffff  }
0x812: {  	p0 =	slt.u32 s6, $0x30;
	[tilespmem:s3+$0xFFFFFE70] =	vst v51;
	v20 =	vmov s14;
	v25 =	vmov s8;
	s12 =	sadd.s32 $0xB, s6;
	v31 =	vor.u32 v31, v2;
	v6 =	vld.idx.msk [tilespmem:v7+s15+$0x0], $0xffff  }
.Ltmp5:
0x813: {  	s14 =	sadd.s32 $0xC, s6;
	v23 =	vor.u32 v22, v2;
	v22 =	vor.u32 v38, v2;
	v26 =	vmov s12;
	[tilespmem:s3+$0xFFFFF9F0] =	vst v29;
	v7 =	vld.idx.msk [tilespmem:v8+s15+$0x0], $0xffff;
	(pc) =	sbr.rel @p0 .LBB2_9-.Ltmp5, $4  }
0x814: {  	v43 =	vmov s14;
	s12 =	sadd.s32 $0xD, s6;
	s14 =	sadd.s32 $0xE, s6;
	v29 =	vshrl.u32 v18, $0x3;
	v27 =	vshrl.u32 v20, $0x3;
	v17 =	vld.idx.msk [tilespmem:v17+s15+$0x0], $0xffff  }
0x815: {  	v34 =	vmovc v44;
	[tilespmem:s3+$0xFFFFFA70] =	vst v28;
	v2 =	vmovc v11;
	v28 =	vshrl.u32 v25, $0x3;
	v51 =	vmov s12;
	v24 =	vmov s14;
	v8 =	vld.idx.msk [tilespmem:v4+s15+$0x0], $0xffff  }
0x816: {  	[tilespmem:s3+$0xFFFFFAF0] =	vst v21;
	v11 =	vor.u32 v52, v2;
	v26 =	vshrl.u32 v26, $0x3;
	v20 =	vor.u32 v60, v2;
	v18 =	vld.idx.msk [tilespmem:v19+s15+$0x0], $0xffff  }
0x817: {  	s7 =	sadd.s32 $0xF, s6;
	v38 =	vmovc v40;
	[tilespmem:s3+$0xFFFFFB70] =	vst v30;
	s6 =	sadd.s32 $0x10, s6;
	v25 =	vshrl.u32 v43, $0x3;
	v21 =	vshrl.u32 v51, $0x3;
	v4 =	vor.u32 v44, v2;
	v19 =	vld.idx.msk [tilespmem:v31+s15+$0x0], $0xffff  }
0x818: {  	[tilespmem:s3+$0xFFFFFBF0] =	vst v12  }
0x819: {  	[tilespmem:s3+$0xFFFFFC80] =	vst v13  }
0x81a: {  	[tilespmem:s3+$0xFFFFFD00] =	vst v5  }
0x81b: {  	[tilespmem:s3+$0xFFFFFD80] =	vst v9  }
0x81c: {  	[tilespmem:s3+$0xFFFFFE00] =	vst v6  }
0x81d: {  	[tilespmem:s3+$0xFFFFFE80] =	vst v7  }
0x81e: {  	v32 =	vmov s7;
	[tilespmem:s3+$0xFFFFFF00] =	vst v8  }
0x81f: {  	v37 =	vshll.u32 v29, v39;
	v33 =	vshrl.u32 v32, $0x3;
	v29 =	vld [tilespmem:$0x1FEA0]  }
0x820: {  	v5 =	vshll.u32 v33, v39  }
0x821: {  	v13 =	vbroadcast v5, $0x0;
	v5 =	vbroadcast v37, $0x0  }
0x822: {  	[tilespmem:s3+$0xFFFFFF80] =	vst v10  }
0x823: {  	[tilespmem:s3+$0xFFFFF880] =	vst v14;
	v30 =	vor.u32 v61, v5  }
0x824: {  	v43 =	vshll.u32 v27, v39;
	[tilespmem:s3+$0xFFFFF900] =	vst v15;
	v27 =	vor.u32 v29, v13  }
0x825: {  	v23 =	vld.idx.msk [tilespmem:v23+s15+$0x0], $0xffff;
	[tilespmem:s3+$0xFFFFF980] =	vst v16  }
0x826: {  	v22 =	vld.idx.msk [tilespmem:v22+s15+$0x0], $0xffff;
	[tilespmem:s3+$0xFFFFFA00] =	vst v17  }
0x827: {  	v51 =	vshll.u32 v28, v39;
	v31 =	vshll.u32 v26, v39;
	v12 =	vbroadcast v43, $0x0;
	v26 =	vld [tilespmem:$0x1FEC0]  }
0x828: {  	v6 =	vbroadcast v51, $0x0;
	v7 =	vbroadcast v31, $0x0;
	v33 =	vshll.u32 v25, v39;
	v25 =	vld.idx.msk [tilespmem:v30+s15+$0x0], $0xffff  }
0x829: {  	v32 =	vor.u32 v34, v12;
	v37 =	vshll.u32 v21, v39;
	v21 =	vshrl.u32 v24, $0x3;
	[tilespmem:s3+$0xFFFFFA80] =	vst v18;
	v24 =	vld.idx.msk [tilespmem:v27+s15+$0x0], $0xffff  }
0x82a: {  	v34 =	vor.u32 v52, v6;
	v27 =	vld [tilespmem:$0x1FEB0];
	[tilespmem:s3+$0xFFFFFB00] =	vst v19  }
0x82b: {  	v43 =	vor.u32 v60, v7;
	v30 =	vld [tilespmem:$0x1FE30];
	[tilespmem:s3+$0xFFFFFB80] =	vst v23  }
0x82c: {  	v23 =	vld [tilespmem:$0x1FE90];
	_ =	sdelay $0x1  }
0x82d: {  	v8 =	vbroadcast v33, $0x0;
	v21 =	vshll.u32 v21, v39;
	v14 =	vld.idx.msk [tilespmem:v32+s15+$0x0], $0xffff  }
0x82e: {  	v10 =	vbroadcast v21, $0x0;
	v15 =	vld.idx.msk [tilespmem:v34+s15+$0x0], $0xffff  }
0x82f: {  	v16 =	vld.idx.msk [tilespmem:v43+s15+$0x0], $0xffff;
	v51 =	vor.u32 v26, v8  }
0x830: {  	s12 =	sadd.s32 $0x800, s3;
	[tilespmem:s3+$0xFFFFFC00] =	vst v22;
	v21 =	vor.u32 v23, v10  }
0x831: {  	[tilespmem:s12+$0xFFFFFC10] =	vst v25  }
0x832: {  	v9 =	vbroadcast v37, $0x0;
	[tilespmem:s12+$0xFFFFFC90] =	vst v14  }
0x833: {  	[tilespmem:s12+$0xFFFFFD10] =	vst v15  }
0x834: {  	v17 =	vld.idx.msk [tilespmem:v51+s15+$0x0], $0xffff;
	[tilespmem:s12+$0xFFFFFD90] =	vst v16;
	v52 =	vor.u32 v27, v9  }
0x835: {  	v28 =	vmov v63;
	[tilespmem:s12+$0xFFFFFF90] =	vst v24;
	v60 =	vor.u32 v30, v13;
	v63 =	vld.idx.msk [tilespmem:v21+s15+$0x0], $0xffff  }
0x836: {  	v21 =	vld [tilespmem:$0x1FE40]  }
0x837: {  	v4 =	vld.idx.msk [tilespmem:v4+s15+$0x0], $0xffff  }
0x838: {  	v0 =	vmov v62;
	v11 =	vld.idx.msk [tilespmem:v11+s15+$0x0], $0xffff;
	v62 =	vor.u32 v26, v2  }
0x839: {  	v34 =	vor.u32 v29, v2;
	v18 =	vld.idx.msk [tilespmem:v52+s15+$0x0], $0xffff  }
0x83a: {  	v32 =	vor.u32 v27, v2;
	v61 =	vld.idx.msk [tilespmem:v60+s15+$0x0], $0xffff;
	[tilespmem:s12+$0xFFFFFE10] =	vst v17  }
0x83b: {  	[tilespmem:s12+$0xFFFFF810] =	vst v3;
	v31 =	vor.u32 v21, v13  }
0x83c: {  	v20 =	vld.idx.msk [tilespmem:v20+s15+$0x0], $0xffff;
	[tilespmem:s12+$0xFFFFF890] =	vst v4  }
0x83d: {  	v15 =	vld.idx.msk [tilespmem:v62+s15+$0x0], $0xffff;
	v33 =	vor.u32 v23, v2;
	[tilespmem:s12+$0xFFFFF910] =	vst v11  }
0x83e: {  	v14 =	vld.idx.msk [tilespmem:v34+s15+$0x0], $0xffff;
	[tilespmem:s12+$0xFFFFFE90] =	vst v18  }
0x83f: {  	v37 =	vor.u32 v1, v5;
	v17 =	vld.idx.msk [tilespmem:v32+s15+$0x0], $0xffff;
	[tilespmem:s12+$0xFFFFFFA0] =	vst v61  }
0x840: {  	[tilespmem:s12+$0xFFFFFF10] =	vst v63;
	v16 =	vld.idx.msk [tilespmem:v31+s15+$0x0], $0xffff  }
0x841: {  	v62 =	vld [tilespmem:$0x1FE50];
	[tilespmem:s12+$0xFFFFF990] =	vst v20  }
0x842: {  	v18 =	vld.idx.msk [tilespmem:v33+s15+$0x0], $0xffff;
	[tilespmem:s12+$0xFFFFFA10] =	vst v15  }
0x843: {  	v39 =	vor.u32 v45, v12;
	v33 =	vld [tilespmem:$0x1FF10]  }
0x844: {  	v43 =	vor.u32 v53, v6;
	v19 =	vld.idx.msk [tilespmem:v37+s15+$0x0], $0xffff  }
0x845: {  	[tilespmem:s12+$0xFFFFFFB0] =	vst v16  }
0x846: {  	v20 =	vor.u32 v0, v7;
	v63 =	vld [tilespmem:$0x1FD50];
	[tilespmem:s12+$0xFFFFFA90] =	vst v17  }
0x847: {  	v51 =	vor.u32 v62, v13;
	v32 =	vld [tilespmem:$0x1FDC0];
	[tilespmem:s12+$0xFFFFFB10] =	vst v18  }
0x848: {  	v3 =	vld.idx.msk [tilespmem:v39+s15+$0x0], $0xffff;
	v52 =	vor.u32 v33, v8;
	[tilespmem:s12+$0xFFFFFB90] =	vst v14  }
0x849: {  	v4 =	vld.idx.msk [tilespmem:v43+s15+$0x0], $0xffff;
	v43 =	vor.u32 v1, v2;
	[tilespmem:s12+$0xFFFFFC20] =	vst v19  }
0x84a: {  	v45 =	vor.u32 v45, v2;
	v39 =	vld [tilespmem:$0x1FE60]  }
0x84b: {  	v20 =	vld.idx.msk [tilespmem:v20+s15+$0x0], $0xffff;
	v31 =	vor.u32 v63, v9  }
0x84c: {  	v11 =	vld.idx.msk [tilespmem:v51+s15+$0x0], $0xffff;
	v34 =	vor.u32 v32, v10  }
0x84d: {  	v60 =	vor.u32 v33, v2;
	v15 =	vld.idx.msk [tilespmem:v52+s15+$0x0], $0xffff  }
0x84e: {  	v52 =	vor.u32 v53, v2;
	v18 =	vld.idx.msk [tilespmem:v43+s15+$0x0], $0xffff  }
0x84f: {  	v14 =	vld.idx.msk [tilespmem:v45+s15+$0x0], $0xffff;
	v51 =	vor.u32 v39, v13  }
0x850: {  	v53 =	vor.u32 v0, v2;
	[tilespmem:s12+$0xFFFFFCA0] =	vst v3;
	v16 =	vld.idx.msk [tilespmem:v31+s15+$0x0], $0xffff  }
0x851: {  	[tilespmem:s12+$0xFFFFFDA0] =	vst v20;
	v20 =	vor.u32 v63, v2;
	v17 =	vld.idx.msk [tilespmem:v34+s15+$0x0], $0xffff  }
0x852: {  	[tilespmem:s12+$0xFFFFFFC0] =	vst v11;
	v11 =	vld.idx.msk [tilespmem:v60+s15+$0x0], $0xffff  }
0x853: {  	v37 =	vor.u32 v30, v2;
	[tilespmem:s12+$0xFFFFFD20] =	vst v4;
	v3 =	vld.idx.msk [tilespmem:v52+s15+$0x0], $0xffff  }
0x854: {  	[tilespmem:s12+$0xFFFFFE20] =	vst v15;
	v34 =	vor.u32 v32, v2;
	v19 =	vld.idx.msk [tilespmem:v51+s15+$0x0], $0xffff  }
0x855: {  	v45 =	vor.u32 v38, v5;
	v4 =	vld.idx.msk [tilespmem:v53+s15+$0x0], $0xffff;
	[tilespmem:s12+$0xFFFFFEA0] =	vst v16  }
0x856: {  	v20 =	vld.idx.msk [tilespmem:v20+s15+$0x0], $0xffff;
	v51 =	vor.u32 v46, v12;
	[tilespmem:s12+$0xFFFFFF20] =	vst v17  }
0x857: {  	v30 =	vld [tilespmem:$0x1FE70];
	[tilespmem:s12+$0xFFFFF820] =	vst v18  }
0x858: {  	v52 =	vor.u32 v54, v6;
	v16 =	vld.idx.msk [tilespmem:v37+s15+$0x0], $0xffff;
	[tilespmem:s12+$0xFFFFF8A0] =	vst v14  }
0x859: {  	v53 =	vor.u32 v28, v7;
	v15 =	vld.idx.msk [tilespmem:v34+s15+$0x0], $0xffff;
	[tilespmem:s12+$0xFFFFFFD0] =	vst v19  }
0x85a: {  	[tilespmem:s12+$0xFFFFF920] =	vst v3;
	v18 =	vld.idx.msk [tilespmem:v45+s15+$0x0], $0xffff  }
0x85b: {  	[tilespmem:s12+$0xFFFFF9A0] =	vst v4;
	v14 =	vld.idx.msk [tilespmem:v51+s15+$0x0], $0xffff  }
0x85c: {  	v60 =	vld [tilespmem:$0x1FD10];
	v43 =	vor.u32 v30, v13  }
0x85d: {  	v19 =	vld.idx.msk [tilespmem:v52+s15+$0x0], $0xffff  }
0x85e: {  	v3 =	vld.idx.msk [tilespmem:v53+s15+$0x0], $0xffff;
	[tilespmem:s12+$0xFFFFFA20] =	vst v11  }
0x85f: {  	v29 =	vld [tilespmem:$0x1FD60];
	[tilespmem:s12+$0xFFFFFAA0] =	vst v20  }
0x860: {  	v32 =	vor.u32 v38, v2;
	v37 =	vld [tilespmem:$0x1FE80]  }
0x861: {  	[tilespmem:s12+$0xFFFFFB20] =	vst v15;
	v61 =	vor.u32 v60, v8;
	v17 =	vld.idx.msk [tilespmem:v43+s15+$0x0], $0xffff  }
0x862: {  	v34 =	vor.u32 v46, v2;
	v43 =	vld [tilespmem:$0x1FDD0];
	[tilespmem:s12+$0xFFFFFBA0] =	vst v16  }
0x863: {  	[tilespmem:s12+$0xFFFFFC30] =	vst v18  }
0x864: {  	v45 =	vmov v46;
	v46 =	vor.u32 v28, v2;
	[tilespmem:s12+$0xFFFFFCB0] =	vst v14  }
0x865: {  	v53 =	vld.idx.msk [tilespmem:v32+s15+$0x0], $0xffff;
	v63 =	vor.u32 v29, v9;
	[tilespmem:s12+$0xFFFFFD30] =	vst v19  }
0x866: {  	v38 =	vor.u32 v54, v2;
	[tilespmem:s12+$0xFFFFFDB0] =	vst v3;
	v4 =	vld.idx.msk [tilespmem:v61+s15+$0x0], $0xffff  }
0x867: {  	v52 =	vmov v54;
	v54 =	vld.idx.msk [tilespmem:v34+s15+$0x0], $0xffff;
	v20 =	vor.u32 v37, v13;
	[tilespmem:s12+$0xFFFFFFE0] =	vst v17  }
0x868: {  	v31 =	vor.u32 v43, v10;
	v0 =	vld [tilespmem:$0x1FBF0]  }
0x869: {  	v51 =	vor.u32 v60, v2;
	v14 =	vld.idx.msk [tilespmem:v46+s15+$0x0], $0xffff  }
0x86a: {  	v11 =	vld.idx.msk [tilespmem:v63+s15+$0x0], $0xffff  }
0x86b: {  	v63 =	vld.idx.msk [tilespmem:v38+s15+$0x0], $0xffff;
	[tilespmem:s12+$0xFFFFFE30] =	vst v4  }
0x86c: {  	v60 =	vor.u32 v29, v2;
	v20 =	vld.idx.msk [tilespmem:v20+s15+$0x0], $0xffff;
	[tilespmem:s12+$0xFFFFF830] =	vst v53  }
0x86d: {  	[tilespmem:s12+$0xFFFFF8B0] =	vst v54;
	v15 =	vld.idx.msk [tilespmem:v31+s15+$0x0], $0xffff;
	v13 =	vor.u32 v0, v13  }
0x86e: {  	v19 =	vld.idx.msk [tilespmem:v51+s15+$0x0], $0xffff;
	[tilespmem:s12+$0xFFFFF9B0] =	vst v14  }
0x86f: {  	[tilespmem:s12+$0xFFFFFEB0] =	vst v11  }
0x870: {  	v34 =	vor.u32 v42, v12;
	[tilespmem:s12+$0xFFFFF930] =	vst v63  }
0x871: {  	v61 =	vor.u32 v43, v2;
	v4 =	vld.idx.msk [tilespmem:v60+s15+$0x0], $0xffff;
	[tilespmem:s12+$0xFFFFFFF0] =	vst v20  }
0x872: {  	v31 =	vor.u32 v21, v2;
	[tilespmem:s12+$0xFFFFFF30] =	vst v15;
	v13 =	vld.idx.msk [tilespmem:v13+s15+$0x0], $0xffff  }
0x873: {  	v60 =	vld [tilespmem:$0x1FF20];
	[tilespmem:s12+$0xFFFFFA30] =	vst v19  }
0x874: {  	v32 =	vor.u32 v36, v5;
	v28 =	vld [tilespmem:$0x1FD70]  }
0x875: {  	v3 =	vld.idx.msk [tilespmem:v34+s15+$0x0], $0xffff;
	v38 =	vor.u32 v55, v6  }
0x876: {  	v43 =	vor.u32 v35, v7;
	v11 =	vld.idx.msk [tilespmem:v61+s15+$0x0], $0xffff  }
0x877: {  	v63 =	vor.u32 v36, v2;
	v18 =	vld.idx.msk [tilespmem:v31+s15+$0x0], $0xffff;
	[tilespmem:s12+$0x0] =	vst v13  }
0x878: {  	v46 =	vor.u32 v60, v8;
	v51 =	vld [tilespmem:$0x1FDE0]  }
0x879: {  	v15 =	vld.idx.msk [tilespmem:v32+s15+$0x0], $0xffff;
	v54 =	vor.u32 v28, v9  }
0x87a: {  	v16 =	vld.idx.msk [tilespmem:v38+s15+$0x0], $0xffff;
	v31 =	vor.u32 v42, v2  }
0x87b: {  	v17 =	vld.idx.msk [tilespmem:v43+s15+$0x0], $0xffff;
	v32 =	vor.u32 v55, v2;
	[tilespmem:s12+$0xFFFFFAB0] =	vst v4  }
0x87c: {  	v20 =	vmov v47;
	v47 =	vmov v35;
	v35 =	vor.u32 v35, v2;
	[tilespmem:s12+$0xFFFFFB30] =	vst v11;
	v4 =	vld.idx.msk [tilespmem:v63+s15+$0x0], $0xffff  }
0x87d: {  	[tilespmem:s12+$0xFFFFFBB0] =	vst v18;
	v14 =	vld.idx.msk [tilespmem:v46+s15+$0x0], $0xffff;
	v61 =	vor.u32 v51, v10  }
0x87e: {  	v34 =	vmov v36;
	v36 =	vor.u32 v60, v2;
	[tilespmem:s12+$0xFFFFFC40] =	vst v15;
	v19 =	vld.idx.msk [tilespmem:v54+s15+$0x0], $0xffff  }
0x87f: {  	[tilespmem:s12+$0xFFFFFCC0] =	vst v3;
	v11 =	vld.idx.msk [tilespmem:v31+s15+$0x0], $0xffff  }
0x880: {  	[tilespmem:s12+$0xFFFFFD40] =	vst v16;
	v38 =	vor.u32 v28, v2;
	v18 =	vld.idx.msk [tilespmem:v32+s15+$0x0], $0xffff  }
0x881: {  	[tilespmem:s12+$0xFFFFFDC0] =	vst v17;
	v15 =	vld.idx.msk [tilespmem:v35+s15+$0x0], $0xffff;
	v46 =	vor.u32 v62, v2  }
0x882: {  	v43 =	vor.u32 v51, v2;
	[tilespmem:s12+$0xFFFFFE40] =	vst v14;
	v13 =	vld.idx.msk [tilespmem:v61+s15+$0x0], $0xffff  }
0x883: {  	v3 =	vld.idx.msk [tilespmem:v36+s15+$0x0], $0xffff;
	[tilespmem:s12+$0xFFFFFEC0] =	vst v19  }
0x884: {  	v21 =	vld [tilespmem:$0x1FC10];
	[tilespmem:s12+$0xFFFFF840] =	vst v4  }
0x885: {  	v16 =	vld.idx.msk [tilespmem:v38+s15+$0x0], $0xffff;
	[tilespmem:s12+$0xFFFFF8C0] =	vst v11  }
0x886: {  	v54 =	vor.u32 v50, v6;
	v14 =	vld.idx.msk [tilespmem:v46+s15+$0x0], $0xffff;
	[tilespmem:s12+$0xFFFFF940] =	vst v18  }
0x887: {  	v42 =	vmov v55;
	v55 =	vor.u32 v59, v7;
	v17 =	vld.idx.msk [tilespmem:v43+s15+$0x0], $0xffff;
	[tilespmem:s12+$0xFFFFFF40] =	vst v13  }
0x888: {  	v53 =	vor.u32 v20, v12;
	v25 =	vld [tilespmem:$0x1FED0];
	[tilespmem:s12+$0xFFFFF9C0] =	vst v15  }
0x889: {  	v36 =	vor.u32 v20, v2;
	v62 =	vld [tilespmem:$0x1FD80];
	[tilespmem:s12+$0xFFFFFA40] =	vst v3  }
0x88a: {  	v43 =	vor.u32 v50, v2;
	v31 =	vld [tilespmem:$0x1FDF0]  }
0x88b: {  	v4 =	vld.idx.msk [tilespmem:v54+s15+$0x0], $0xffff;
	v51 =	vor.u32 v21, v5  }
0x88c: {  	v11 =	vld.idx.msk [tilespmem:v55+s15+$0x0], $0xffff;
	v35 =	vor.u32 v21, v2  }
0x88d: {  	v13 =	vld.idx.msk [tilespmem:v53+s15+$0x0], $0xffff;
	v61 =	vor.u32 v25, v8  }
0x88e: {  	[tilespmem:s12+$0xFFFFFB40] =	vst v17;
	v17 =	vld.idx.msk [tilespmem:v36+s15+$0x0], $0xffff;
	v63 =	vor.u32 v62, v9  }
0x88f: {  	[tilespmem:s12+$0xFFFFFBC0] =	vst v14;
	v14 =	vld.idx.msk [tilespmem:v43+s15+$0x0], $0xffff;
	v32 =	vor.u32 v31, v10  }
0x890: {  	v46 =	vor.u32 v59, v2;
	[tilespmem:s12+$0xFFFFFAC0] =	vst v16;
	v19 =	vld.idx.msk [tilespmem:v51+s15+$0x0], $0xffff  }
0x891: {  	[tilespmem:s12+$0xFFFFFD50] =	vst v4;
	v50 =	vor.u32 v25, v2;
	v16 =	vld.idx.msk [tilespmem:v35+s15+$0x0], $0xffff  }
0x892: {  	[tilespmem:s12+$0xFFFFFDD0] =	vst v11;
	v51 =	vor.u32 v62, v2;
	v18 =	vld.idx.msk [tilespmem:v61+s15+$0x0], $0xffff  }
0x893: {  	[tilespmem:s12+$0xFFFFFCD0] =	vst v13;
	v53 =	vor.u32 v31, v2;
	v15 =	vld.idx.msk [tilespmem:v63+s15+$0x0], $0xffff  }
0x894: {  	v54 =	vor.u32 v39, v2;
	[tilespmem:s12+$0xFFFFF8D0] =	vst v17;
	v3 =	vld.idx.msk [tilespmem:v32+s15+$0x0], $0xffff  }
0x895: {  	[tilespmem:s12+$0xFFFFFC50] =	vst v19;
	v19 =	vld.idx.msk [tilespmem:v46+s15+$0x0], $0xffff  }
0x896: {  	v13 =	vld.idx.msk [tilespmem:v50+s15+$0x0], $0xffff;
	[tilespmem:s12+$0xFFFFF850] =	vst v16;
	v61 =	vor.u32 v56, v6  }
0x897: {  	v4 =	vld.idx.msk [tilespmem:v51+s15+$0x0], $0xffff;
	[tilespmem:s12+$0xFFFFFE50] =	vst v18  }
0x898: {  	v11 =	vld.idx.msk [tilespmem:v53+s15+$0x0], $0xffff;
	[tilespmem:s12+$0xFFFFFED0] =	vst v15  }
0x899: {  	v18 =	vld.idx.msk [tilespmem:v54+s15+$0x0], $0xffff;
	[tilespmem:s12+$0xFFFFFF50] =	vst v3  }
0x89a: {  	v55 =	vor.u32 v41, v5;
	v21 =	vmov v48;
	v20 =	vld [tilespmem:$0x1FD00]  }
0x89b: {  	v48 =	vmov v59;
	v59 =	vor.u32 v21, v12;
	v16 =	vld.idx.msk [tilespmem:v61+s15+$0x0], $0xffff;
	[tilespmem:s12+$0xFFFFF950] =	vst v14  }
0x89c: {  	v39 =	vor.u32 v41, v2;
	v24 =	vld [tilespmem:$0x1FEE0];
	[tilespmem:s12+$0xFFFFF9D0] =	vst v19  }
0x89d: {  	v41 =	vor.u32 v21, v2;
	v32 =	vld [tilespmem:$0x1FD90];
	[tilespmem:s12+$0xFFFFFA50] =	vst v13  }
0x89e: {  	v43 =	vor.u32 v56, v2;
	v23 =	vld [tilespmem:$0x1FE00]  }
0x89f: {  	v15 =	vld.idx.msk [tilespmem:v55+s15+$0x0], $0xffff;
	v62 =	vor.u32 v20, v7  }
0x8a0: {  	v3 =	vld.idx.msk [tilespmem:v59+s15+$0x0], $0xffff;
	v46 =	vor.u32 v20, v2  }
0x8a1: {  	[tilespmem:s12+$0xFFFFFAD0] =	vst v4;
	v4 =	vld.idx.msk [tilespmem:v39+s15+$0x0], $0xffff;
	v63 =	vor.u32 v24, v8  }
0x8a2: {  	[tilespmem:s12+$0xFFFFFB50] =	vst v11;
	v11 =	vld.idx.msk [tilespmem:v41+s15+$0x0], $0xffff;
	v36 =	vor.u32 v32, v9  }
0x8a3: {  	[tilespmem:s12+$0xFFFFFBD0] =	vst v18;
	v18 =	vld.idx.msk [tilespmem:v43+s15+$0x0], $0xffff;
	v38 =	vor.u32 v23, v10  }
0x8a4: {  	v50 =	vor.u32 v24, v2;
	v17 =	vld.idx.msk [tilespmem:v62+s15+$0x0], $0xffff  }
0x8a5: {  	[tilespmem:s12+$0xFFFFFC60] =	vst v15;
	v51 =	vor.u32 v32, v2;
	v15 =	vld.idx.msk [tilespmem:v46+s15+$0x0], $0xffff  }
0x8a6: {  	v53 =	vor.u32 v23, v2;
	v14 =	vld.idx.msk [tilespmem:v63+s15+$0x0], $0xffff  }
0x8a7: {  	v54 =	vor.u32 v30, v2;
	v19 =	vld.idx.msk [tilespmem:v36+s15+$0x0], $0xffff  }
0x8a8: {  	[tilespmem:s12+$0xFFFFFD60] =	vst v16;
	v13 =	vld.idx.msk [tilespmem:v38+s15+$0x0], $0xffff  }
0x8a9: {  	v61 =	vor.u32 v49, v12;
	[tilespmem:s12+$0xFFFFFCE0] =	vst v3;
	v3 =	vld.idx.msk [tilespmem:v50+s15+$0x0], $0xffff  }
0x8aa: {  	v62 =	vor.u32 v57, v6;
	v16 =	vld.idx.msk [tilespmem:v51+s15+$0x0], $0xffff;
	[tilespmem:s12+$0xFFFFFDE0] =	vst v17  }
0x8ab: {  	v17 =	vld.idx.msk [tilespmem:v53+s15+$0x0], $0xffff;
	[tilespmem:s12+$0xFFFFFE60] =	vst v14  }
0x8ac: {  	v14 =	vld.idx.msk [tilespmem:v54+s15+$0x0], $0xffff;
	[tilespmem:s12+$0xFFFFFEE0] =	vst v19  }
0x8ad: {  	v55 =	vld [tilespmem:$0x1FC30];
	[tilespmem:s12+$0xFFFFFF60] =	vst v13  }
0x8ae: {  	[tilespmem:s12+$0xFFFFF860] =	vst v4;
	v13 =	vld.idx.msk [tilespmem:v61+s15+$0x0], $0xffff  }
0x8af: {  	[tilespmem:s12+$0xFFFFF8E0] =	vst v11;
	v4 =	vld.idx.msk [tilespmem:v62+s15+$0x0], $0xffff  }
0x8b0: {  	v50 =	vld [tilespmem:$0x1FF00];
	[tilespmem:s12+$0xFFFFF960] =	vst v18  }
0x8b1: {  	v62 =	vor.u32 v57, v2;
	v20 =	vld [tilespmem:$0x1FD30];
	[tilespmem:s12+$0xFFFFF9E0] =	vst v15  }
0x8b2: {  	v35 =	vor.u32 v37, v2;
	v21 =	vld [tilespmem:$0x1FDA0];
	[tilespmem:s12+$0xFFFFFA60] =	vst v3  }
0x8b3: {  	v22 =	vld [tilespmem:$0x1FE10];
	[tilespmem:s12+$0xFFFFFAE0] =	vst v16;
	v59 =	vor.u32 v55, v5  }
0x8b4: {  	v51 =	vld [tilespmem:$0x1FC40];
	v53 =	vor.u32 v55, v2;
	[tilespmem:s12+$0xFFFFFB60] =	vst v17  }
0x8b5: {  	v55 =	vor.u32 v49, v2;
	v54 =	vld [tilespmem:$0x1FC90]  }
0x8b6: {  	v63 =	vor.u32 v50, v7;
	[tilespmem:s12+$0xFFFFFBE0] =	vst v14;
	v14 =	vld.idx.msk [tilespmem:v62+s15+$0x0], $0xffff  }
0x8b7: {  	v30 =	vor.u32 v20, v8;
	v39 =	vld.idx.msk [tilespmem:v35+s15+$0x0], $0xffff  }
0x8b8: {  	v31 =	vor.u32 v21, v9;
	v19 =	vld.idx.msk [tilespmem:v59+s15+$0x0], $0xffff  }
0x8b9: {  	v61 =	vmov v58;
	v32 =	vor.u32 v22, v10;
	v16 =	vld.idx.msk [tilespmem:v53+s15+$0x0], $0xffff  }
0x8ba: {  	v6 =	vor.u32 v61, v6;
	v17 =	vld.idx.msk [tilespmem:v55+s15+$0x0], $0xffff  }
0x8bb: {  	[tilespmem:s12+$0xFFFFFCF0] =	vst v13;
	v11 =	vld.idx.msk [tilespmem:v63+s15+$0x0], $0xffff;
	v63 =	vor.u32 v50, v2  }
0x8bc: {  	[tilespmem:s12+$0xFFFFFD70] =	vst v4;
	v5 =	vor.u32 v51, v5;
	v18 =	vld.idx.msk [tilespmem:v30+s15+$0x0], $0xffff  }
0x8bd: {  	v30 =	vor.u32 v20, v2;
	v15 =	vld.idx.msk [tilespmem:v31+s15+$0x0], $0xffff;
	[tilespmem:s12+$0xFFFFFC70] =	vst v19  }
0x8be: {  	v31 =	vor.u32 v21, v2;
	v3 =	vld.idx.msk [tilespmem:v32+s15+$0x0], $0xffff;
	[tilespmem:s12+$0xFFFFF870] =	vst v16  }
0x8bf: {  	v6 =	vld.idx.msk [tilespmem:v6+s15+$0x0], $0xffff;
	[tilespmem:s12+$0xFFFFF8F0] =	vst v17  }
0x8c0: {  	v12 =	vor.u32 v54, v12;
	[tilespmem:s12+$0xFFFFFDF0] =	vst v11;
	v37 =	vld.idx.msk [tilespmem:v63+s15+$0x0], $0xffff  }
0x8c1: {  	v5 =	vld.idx.msk [tilespmem:v5+s15+$0x0], $0xffff;
	[tilespmem:s12+$0xFFFFFE70] =	vst v18  }
0x8c2: {  	v32 =	vor.u32 v22, v2;
	v38 =	vld.idx.msk [tilespmem:v30+s15+$0x0], $0xffff;
	[tilespmem:s12+$0xFFFFFEF0] =	vst v15  }
0x8c3: {  	v4 =	vld.idx.msk [tilespmem:v31+s15+$0x0], $0xffff;
	[tilespmem:s12+$0xFFFFFF70] =	vst v3  }
0x8c4: {  	v17 =	vld [tilespmem:$0x1FEF0]  }
0x8c5: {  	v53 =	vor.u32 v61, v2;
	v43 =	vld.idx.msk [tilespmem:v12+s15+$0x0], $0xffff;
	[tilespmem:s12+$0xFFFFF970] =	vst v14  }
0x8c6: {  	v49 =	vor.u32 v51, v2;
	v14 =	vld [tilespmem:$0x1FD40]  }
0x8c7: {  	v51 =	vor.u32 v54, v2;
	v11 =	vld.idx.msk [tilespmem:v32+s15+$0x0], $0xffff;
	[tilespmem:s12+$0xFFFFF9F0] =	vst v37  }
0x8c8: {  	v0 =	vor.u32 v0, v2;
	v15 =	vld [tilespmem:$0x1FDB0];
	[tilespmem:s12+$0xFFFFFA70] =	vst v38  }
0x8c9: {  	v16 =	vld [tilespmem:$0x1FE20];
	[tilespmem:s12+$0xFFFFFAF0] =	vst v4;
	v7 =	vor.u32 v17, v7  }
0x8ca: {  	v36 =	vmov v61;
	v61 =	vld.idx.msk [tilespmem:v53+s15+$0x0], $0xffff;
	[tilespmem:s12+$0xFFFFFBF0] =	vst v39;
	v54 =	vor.u32 v17, v2  }
0x8cb: {  	[tilespmem:s12+$0xFFFFFC80] =	vst v5;
	v4 =	vld.idx.msk [tilespmem:v49+s15+$0x0], $0xffff;
	v8 =	vor.u32 v14, v8  }
0x8cc: {  	[tilespmem:s12+$0xFFFFFB70] =	vst v11;
	v11 =	vld.idx.msk [tilespmem:v51+s15+$0x0], $0xffff;
	v55 =	vor.u32 v14, v2  }
0x8cd: {  	[tilespmem:s12+$0xFFFFFD00] =	vst v43;
	v0 =	vld.idx.msk [tilespmem:v0+s15+$0x0], $0xffff;
	v9 =	vor.u32 v15, v9  }
0x8ce: {  	v58 =	vmov v57;
	[tilespmem:s12+$0xFFFFFD80] =	vst v6;
	v57 =	vor.u32 v15, v2;
	v7 =	vld.idx.msk [tilespmem:v7+s15+$0x0], $0xffff  }
0x8cf: {  	[tilespmem:s12+$0xFFFFF980] =	vst v61;
	v10 =	vor.u32 v16, v10;
	v5 =	vld.idx.msk [tilespmem:v54+s15+$0x0], $0xffff  }
0x8d0: {  	v59 =	vor.u32 v16, v2;
	[tilespmem:s12+$0xFFFFF880] =	vst v4;
	v8 =	vld.idx.msk [tilespmem:v8+s15+$0x0], $0xffff  }
0x8d1: {  	[tilespmem:s12+$0xFFFFF900] =	vst v11;
	v3 =	vld.idx.msk [tilespmem:v55+s15+$0x0], $0xffff  }
0x8d2: {  	[tilespmem:s12+$0xFFFFFC00] =	vst v0;
	v9 =	vld.idx.msk [tilespmem:v9+s15+$0x0], $0xffff  }
0x8d3: {  	v62 =	vld.idx.msk [tilespmem:v57+s15+$0x0], $0xffff;
	[tilespmem:s12+$0xFFFFFE00] =	vst v7  }
0x8d4: {  	v10 =	vld.idx.msk [tilespmem:v10+s15+$0x0], $0xffff;
	[tilespmem:s12+$0xFFFFFA00] =	vst v5  }
0x8d5: {  	v63 =	vld.idx.msk [tilespmem:v59+s15+$0x0], $0xffff;
	[tilespmem:s12+$0xFFFFFE80] =	vst v8  }
0x8d6: {  	[tilespmem:s12+$0xFFFFFA80] =	vst v3  }
0x8d7: {  	[tilespmem:s12+$0xFFFFFF00] =	vst v9  }
.Ltmp6:
0x8d8: {  	s6 =	sshll.u32 s0, $0x7;
	[tilespmem:s12+$0xFFFFFB00] =	vst v62;
	(pc) =	sbr.rel @p1 .LBB2_12-.Ltmp6, $4  }
0x8d9: {  	s14 =	sshll.u32 s0, $0xA;
	s6 =	sand.u32 $0x3F80, s6;
	[tilespmem:s12+$0xFFFFFF80] =	vst v10  }
0x8da: {  	s0 =	sand.u32 $0xFFE0000, s14;
	s6 =	sadd.s32 s2, s6;
	[tilespmem:s12+$0xFFFFFB80] =	vst v63  }
0x8db: {  	s0 =	sadd.s32 s0, s6;
	v49 =	vmov v25;
	v25 =	vld [tilespmem:$0x1FE90]  }
0x8dc: {  	v57 =	vmov v24;
	[hbm4b:s0+s17] =	stream.strided.scatter [tilespmem:s25], [sflag:$0x8], $0x2000, s18, s17, $0x38;
	v23 =	vld [tilespmem:$0x1FEA0]  }
.Ltmp7:
0x8dd: {  	(pc) =	sbr.rel .LBB2_2-.Ltmp7, $4  }
0x8de: {  	s0 =	sshll.u32 s1, $0x9  }
0x8df: {  	v1 =	vld [tilespmem:$0x1FF40];
	s0 =	sand.u32 $0x3FFFFE00, s0  }
0x8e0: {  	s1 =	sadd.s32 $0x1, s1;
	v39 =	vld [tilespmem:$0x1FF30];
	s0 =	sadd.s32 $0x380, s0  }
0x8e1: {  	v31 =	vmov v34;
	v30 =	vld [tilespmem:$0x1FF50];
	v41 =	vmov v45;
	v54 =	vmov v52;
	[tilespmem:s15], [sflag:$0x4] =	stream.indirect.gather [hbm4b:s4+s9], $0x40, s0, s9, $0xb8  }
.LBB2_13:
0x8e2: {  	_ =	sfence.sel $0x180000  }
0x8e3: {  	[bflag:$0x0] =	sbarrier.arrive $0xFFFF  }
0x8e4: {  	_ =	strace $0x90000047  }
0x8e5: {  	s0 =	stileid.u32;
	[bflag:$0x2] =	sbarrier.arrive $0xFFFF  }
0x8e6: {  	p0 =	sne.s32 s0, $0x0;
	s0 =	rddreg [dreg:$0x2]  }
0x8e7: {  	s0 =	sadd.s32 @!p0 $0x100000, s0  }
0x8e8: {  	[sflag:s0] =	ssyncadd.tile.s32 @!p0 $0x1;
	_ =	shalt  }
.Lfunc_end2:
_tile_overlayer_lowered:
.L_overlay_start_2:
0x8e9: {  	(tag) =	ssettag $0x2  }
0x8ea: {  	s0 =	rddreg [dreg:$0x0];
	s2 =	stileid.u32  }
0x8eb: {  	s1 =	rddreg [dreg:$0x1];
	p0 =	sne.s32 s2, $0x0  }
0x8ec: {  	s3 =	rddreg [dreg:$0x2];
	[bflag:$0x3] =	sbarrier.arrive $0xFFFF;
	s2 =	simm.s32 @!p0 $0x1C09  }
0x8ed: {  	[timem:s3], [sflag:s2] =	dma.local @!p0 [hbm:s0], s1  }
0x8ee: {  	s0 =	simm.s32 @!p0 $0x9  }
0x8ef: {  	_ =	swait.ge @!p0 [sflag:s0], s1  }
0x8f0: {  	s1 =	ssub.s32 @!p0 $0x0, s1;
	[sflag:s0] =	ssyncset.done @!p0 $0x0  }
0x8f1: {  	[sflag:s0] =	ssyncadd.s32 @!p0 s1  }
0x8f2: {  	[bflag:$0x3] =	sbarrier.arrive $0xFFFF  }
0x8f3: {  	_ =	shalt  }

</sc_bundles>
